<compile_context>
chip_gen: v7x
topology: tpu7x:2x2x1
jax: 0.10.2.dev20260603
libtpu: 0.0.44.dev20260713+nightly
codegen_flags: <defaults>
</compile_context>

<pallas_src>
import dataclasses
import functools

import jax
import jax.numpy as jnp
from jax import lax
from jax.experimental import pallas as pl
from jax.experimental.pallas import tpu as pltpu
from jax.experimental.pallas import tpu_sc as plsc

_N = 10000
_E = 320000
_D = 128
_C = 16
_BLK = 1000

_NC = 2
_NS = 16
_NW = _NC * _NS
_EPT = _E // _NW
_CH = 125
_NCH = _EPT // _CH
_STRIPE = 632
_STRIPE_LAST = _N - _STRIPE * (_NS - 1)


def _seg_sum_body(width, with_deg, table_hbm, src_hbm, dst_hbm, zeros_hbm,
                  out_hbm, deg_hbm, src_v, dst_v, rows_v, ones_v, zdeg_v,
                  acc_sh, deg_sh):
    cid = lax.axis_index("c")
    sid = lax.axis_index("s")
    wid = sid * _NC + cid

    base = sid * _STRIPE

    @pl.when(sid < _NS - 1)
    def _():
        pltpu.sync_copy(zeros_hbm.at[pl.ds(base, _STRIPE)],
                        acc_sh.at[pl.ds(base, _STRIPE)])

    @pl.when(sid == _NS - 1)
    def _():
        pltpu.sync_copy(zeros_hbm.at[pl.ds(base, _STRIPE_LAST)],
                        acc_sh.at[pl.ds(base, _STRIPE_LAST)])

    if with_deg:
        @pl.when(sid == 0)
        def _():
            @pl.loop(0, _N // 16)
            def _(i):
                zdeg_v[pl.ds(i * 16, 16)] = jnp.zeros((16,), jnp.float32)
            pltpu.sync_copy(zdeg_v, deg_sh)
        for k in range(8):
            ones_v[pl.ds(k * 16, 16)] = jnp.ones((16,), jnp.float32)

    plsc.subcore_barrier()

    pltpu.sync_copy(src_hbm.at[wid], src_v)
    pltpu.sync_copy(dst_hbm.at[wid], dst_v)

    @pl.loop(0, _NCH)
    def _(j):
        pltpu.sync_copy(table_hbm.at[src_v.at[j]], rows_v)
        pltpu.sync_copy(rows_v, acc_sh.at[dst_v.at[j]], add=True)
        if with_deg:
            pltpu.sync_copy(ones_v.at[pl.ds(0, _CH)],
                            deg_sh.at[dst_v.at[j]], add=True)

    plsc.subcore_barrier()

    @pl.when(sid < _NS - 1)
    def _():
        pltpu.sync_copy(acc_sh.at[pl.ds(base, _STRIPE)],
                        out_hbm.at[cid, pl.ds(base, _STRIPE)])

    @pl.when(sid == _NS - 1)
    def _():
        pltpu.sync_copy(acc_sh.at[pl.ds(base, _STRIPE_LAST)],
                        out_hbm.at[cid, pl.ds(base, _STRIPE_LAST)])
    if with_deg:
        @pl.when(sid == 0)
        def _():
            pltpu.sync_copy(deg_sh, deg_hbm.at[cid])


def _seg_sum_sc(table, src3d, dst3d, width, with_deg):
    mesh = plsc.VectorSubcoreMesh(core_axis_name="c", subcore_axis_name="s")
    out_type = [jax.ShapeDtypeStruct((_NC, _N, width), jnp.float32)]
    if with_deg:
        out_type.append(jax.ShapeDtypeStruct((_NC, _N), jnp.float32))
    scratch = [
        pltpu.VMEM((_NCH, _CH), jnp.int32),
        pltpu.VMEM((_NCH, _CH), jnp.int32),
        pltpu.VMEM((_CH, width), jnp.float32),
        pltpu.VMEM((_CH + 3,), jnp.float32),
        pltpu.VMEM((_N,), jnp.float32),
        pltpu.VMEM_SHARED((_N, width), jnp.float32),
        pltpu.VMEM_SHARED((_N,), jnp.float32),
    ]
    zeros = jnp.zeros((_N, width), jnp.float32)
    body = functools.partial(_seg_sum_body, width, with_deg)
    if not with_deg:
        def body2(table_hbm, src_hbm, dst_hbm, zeros_hbm, out_hbm, *rest):
            return functools.partial(_seg_sum_body, width, False)(
                table_hbm, src_hbm, dst_hbm, zeros_hbm, out_hbm, None, *rest)
        fn = pl.kernel(body2, out_type=out_type, mesh=mesh,
                       scratch_types=scratch)
        return fn(table, src3d, dst3d, zeros)[0], None
    fn = pl.kernel(body, out_type=out_type, mesh=mesh, scratch_types=scratch)
    outs = fn(table, src3d, dst3d, zeros)
    return outs[0], outs[1]



_MROWS = 632
_MROWS_LAST = _N - _MROWS * (_NS - 1)
_EH = _E // _NC
_SCH = 2000
_NSCH = _EH // _SCH
_GCH = 128
_MCAP = _SCH + 2 * _GCH
_DUMP = _MROWS


def _seg_max_body(hp_hbm, src_hbm, dst_hbm, zeros_hbm, out_hbm,
                  sbuf, dbuf, msrc, mdst, gidx, rows_v, acc_v):
    cid = lax.axis_index("c")
    sid = lax.axis_index("s")
    base = sid * _MROWS
    size = jnp.where(sid < _NS - 1, _MROWS, _MROWS_LAST)

    @pl.when(sid < _NS - 1)
    def _():
        pltpu.sync_copy(zeros_hbm.at[pl.ds(base, _MROWS)],
                        acc_v.at[pl.ds(0, _MROWS)])

    @pl.when(sid == _NS - 1)
    def _():
        pltpu.sync_copy(zeros_hbm.at[pl.ds(base, _MROWS_LAST)],
                        acc_v.at[pl.ds(0, _MROWS_LAST)])

    ebase = cid * _EH
    zeros16i = jnp.zeros((16,), jnp.int32)
    dump16i = jnp.full((16,), _DUMP, jnp.int32)
    full_mask = jnp.ones((16,), jnp.bool_)

    @pl.loop(0, _NSCH)
    def _(ci):
        off = ebase + ci * _SCH
        pltpu.sync_copy(src_hbm.at[pl.ds(off, _SCH)], sbuf.at[pl.ds(0, _SCH)])
        pltpu.sync_copy(dst_hbm.at[pl.ds(off, _SCH)], dbuf.at[pl.ds(0, _SCH)])

        def scan_g(g, ptr):
            d16 = dbuf[pl.ds(g * 16, 16)]
            t16 = d16 - base
            mask = (d16 >= base) & (t16 < size)
            s16 = sbuf[pl.ds(g * 16, 16)]
            plsc.store_compressed(msrc.at[pl.ds(ptr, 16)], s16, mask=mask)
            plsc.store_compressed(mdst.at[pl.ds(ptr, 16)], t16, mask=mask)
            pc = plsc.all_reduce_population_count(mask)
            pc = pc if pc.ndim == 0 else pc[0]
            return ptr + pc

        nm = lax.fori_loop(0, _SCH // 16, scan_g, jnp.int32(0))

        iota16 = lax.iota(jnp.int32, 16)
        for k in range(_GCH // 16):
            plsc.store_compressed(msrc.at[pl.ds(nm + k * 16, 16)],
                                  iota16 + (k * 16), mask=full_mask)
            plsc.store_compressed(mdst.at[pl.ds(nm + k * 16, 16)],
                                  dump16i, mask=full_mask)

        @pl.loop(0, _SCH // _GCH)
        def _(g):
            @pl.when(g * _GCH < nm)
            def _():
                goff = pl.multiple_of(g * _GCH, _GCH)
                for k in range(_GCH // 16):
                    gidx[0, pl.ds(k * 16, 16)] = msrc[pl.ds(goff + k * 16, 16)]
                pltpu.sync_copy(hp_hbm.at[gidx.at[0]], rows_v)

                def accum_grp(gg, _):
                    joff = pl.multiple_of(g * _GCH + gg * 16, 16)
                    ld16 = mdst[pl.ds(joff, 16)]
                    for l in range(16):
                        ld = ld16[l]
                        j = gg * 16 + l
                        for k in range(8):
                            sl = pl.ds(k * 16, 16)
                            acc_v[ld, sl] = jnp.maximum(acc_v[ld, sl],
                                                        rows_v[j, sl])
                    return 0

                lax.fori_loop(0, _GCH // 16, accum_grp, 0)

    @pl.when(sid < _NS - 1)
    def _():
        pltpu.sync_copy(acc_v.at[pl.ds(0, _MROWS)],
                        out_hbm.at[cid, pl.ds(base, _MROWS)])

    @pl.when(sid == _NS - 1)
    def _():
        pltpu.sync_copy(acc_v.at[pl.ds(0, _MROWS_LAST)],
                        out_hbm.at[cid, pl.ds(base, _MROWS_LAST)])


def _seg_max_sc(hp, src, dst):
    mesh = plsc.VectorSubcoreMesh(core_axis_name="c", subcore_axis_name="s")
    scratch = [
        pltpu.VMEM((_SCH,), jnp.int32),
        pltpu.VMEM((_SCH,), jnp.int32),
        pltpu.VMEM((_MCAP,), jnp.int32),
        pltpu.VMEM((_MCAP,), jnp.int32),
        pltpu.VMEM((1, _GCH), jnp.int32),
        pltpu.VMEM((_GCH, _D), jnp.float32),
        pltpu.VMEM((_MROWS + 8, _D), jnp.float32),
    ]
    zeros = jnp.zeros((_N, _D), jnp.float32)
    cp = pltpu.CompilerParams()
    if "needs_layout_passes" in pltpu.CompilerParams.__dataclass_fields__:
        cp = dataclasses.replace(cp, needs_layout_passes=False)
    fn = pl.kernel(_seg_max_body,
                   out_type=jax.ShapeDtypeStruct((_NC, _N, _D), jnp.float32),
                   mesh=mesh, scratch_types=scratch, compiler_params=cp)
    return fn(hp, src, dst, zeros)


def _dense_a_body(x_ref, wp_ref, bp_ref, wm_ref, wq_ref, hp_ref, xm_ref, xp_ref):
    xb = x_ref[...]
    hp_ref[...] = jnp.maximum(
        jnp.dot(xb, wp_ref[...], preferred_element_type=jnp.float32)
        + bp_ref[...], 0.0)
    xm_ref[...] = jnp.dot(xb, wm_ref[...], preferred_element_type=jnp.float32)
    xp_ref[...] = jnp.dot(xb, wq_ref[...], preferred_element_type=jnp.float32)


def _dense_a(x, W_pool, b_pool, W_self_m, W_self_p):
    n = x.shape[0]
    grid = (n // _BLK,)
    blk = pl.BlockSpec((_BLK, _D), lambda i: (i, 0))
    wspec = pl.BlockSpec((_D, _D), lambda i: (0, 0))
    bspec = pl.BlockSpec((1, _D), lambda i: (0, 0))
    out_sd = jax.ShapeDtypeStruct((n, _D), jnp.float32)
    return pl.pallas_call(
        _dense_a_body,
        grid=grid,
        in_specs=[blk, wspec, bspec, wspec, wspec],
        out_specs=[blk, blk, blk],
        out_shape=[out_sd, out_sd, out_sd],
    )(x, W_pool, b_pool.reshape(1, _D), W_self_m, W_self_p)


def _dense_b_body(xm_ref, xp_ref, s0_ref, s1_ref, mx0_ref, mx1_ref, dg_ref,
                  wnm_ref, wnp_ref, bm_ref, bp_ref,
                  m_ref, p_ref, stats_ref, acc_ref):
    i = pl.program_id(0)
    nb = pl.num_programs(0)
    deg = jnp.maximum(dg_ref[:, 0:1] + dg_ref[:, 1:2], 1.0)
    sx = s0_ref[0] + s1_ref[0]
    m = xm_ref[...] + jnp.dot(sx, wnm_ref[...],
                              preferred_element_type=jnp.float32) / deg
    m = jnp.maximum(m + bm_ref[...], 0.0)
    mx = jnp.maximum(mx0_ref[0], mx1_ref[0])
    p = xp_ref[...] + jnp.dot(mx, wnp_ref[...],
                              preferred_element_type=jnp.float32)
    p = jnp.maximum(p + bp_ref[...], 0.0)
    m_ref[...] = m
    p_ref[...] = p

    @pl.when(i == 0)
    def _():
        acc_ref[...] = jnp.zeros_like(acc_ref)

    acc_ref[0:1, :] += jnp.sum(m, axis=0, keepdims=True)
    acc_ref[1:2, :] += jnp.sum(m * m, axis=0, keepdims=True)
    acc_ref[2:3, :] += jnp.sum(p, axis=0, keepdims=True)
    acc_ref[3:4, :] += jnp.sum(p * p, axis=0, keepdims=True)

    @pl.when(i == nb - 1)
    def _():
        stats_ref[...] = acc_ref[...]


def _dense_b(xm, xp, sumx_p, mx_p, deg_p, W_neigh_m, W_neigh_p, b_m, b_p):
    nb = _N // _BLK
    blk = pl.BlockSpec((_BLK, _D), lambda i: (i, 0))
    wspec = pl.BlockSpec((_D, _D), lambda i: (0, 0))
    bspec = pl.BlockSpec((1, _D), lambda i: (0, 0))
    dspec = pl.BlockSpec((_BLK, _NC), lambda i: (i, 0))
    sspec = pl.BlockSpec((8, _D), lambda i: (0, 0))
    out_sd = jax.ShapeDtypeStruct((_N, _D), jnp.float32)
    return pl.pallas_call(
        _dense_b_body,
        grid=(nb,),
        in_specs=[blk, blk,
                  pl.BlockSpec((1, _BLK, _D), lambda i: (0, i, 0)),
                  pl.BlockSpec((1, _BLK, _D), lambda i: (1, i, 0)),
                  pl.BlockSpec((1, _BLK, _D), lambda i: (0, i, 0)),
                  pl.BlockSpec((1, _BLK, _D), lambda i: (1, i, 0)),
                  dspec, wspec, wspec, bspec, bspec],
        out_specs=[blk, blk, sspec],
        out_shape=[out_sd, out_sd,
                   jax.ShapeDtypeStruct((8, _D), jnp.float32)],
        scratch_shapes=[pltpu.VMEM((8, _D), jnp.float32)],
    )(xm, xp, sumx_p, sumx_p, mx_p, mx_p, deg_p,
      W_neigh_m, W_neigh_p, b_m.reshape(1, _D), b_p.reshape(1, _D))


def _dense_c_body(m_ref, p_ref, stats_ref, gm_ref, bm_ref, gp_ref, bp_ref,
                  h1_ref):
    inv_n = jnp.float32(1.0 / _N)
    mu_m = stats_ref[0:1, :] * inv_n
    var_m = stats_ref[1:2, :] * inv_n - mu_m * mu_m
    mu_p = stats_ref[2:3, :] * inv_n
    var_p = stats_ref[3:4, :] * inv_n - mu_p * mu_p
    bn_m = (m_ref[...] - mu_m) * jax.lax.rsqrt(var_m + 1e-5) * gm_ref[...] \
        + bm_ref[...]
    bn_p = (p_ref[...] - mu_p) * jax.lax.rsqrt(var_p + 1e-5) * gp_ref[...] \
        + bp_ref[...]
    h1_ref[...] = jnp.maximum(bn_m + bn_p, 0.0)


def _dense_c(m, p, stats, gamma_m, beta_m, gamma_p, beta_p):
    nb = _N // _BLK
    blk = pl.BlockSpec((_BLK, _D), lambda i: (i, 0))
    bspec = pl.BlockSpec((1, _D), lambda i: (0, 0))
    return pl.pallas_call(
        _dense_c_body,
        grid=(nb,),
        in_specs=[blk, blk, pl.BlockSpec((8, _D), lambda i: (0, 0)),
                  bspec, bspec, bspec, bspec],
        out_specs=blk,
        out_shape=jax.ShapeDtypeStruct((_N, _D), jnp.float32),
    )(m, p, stats, gamma_m.reshape(1, _D), beta_m.reshape(1, _D),
      gamma_p.reshape(1, _D), beta_p.reshape(1, _D))


def _dense_d_body(h1_ref, s0_ref, s1_ref, dg_ref, wso_ref, wno_ref, bo_ref,
                  out_ref):
    deg = jnp.maximum(dg_ref[:, 0:1] + dg_ref[:, 1:2], 1.0)
    sh = s0_ref[0] + s1_ref[0]
    out = jnp.dot(h1_ref[...], wso_ref[...],
                  preferred_element_type=jnp.float32)
    out += jnp.dot(sh, wno_ref[...],
                   preferred_element_type=jnp.float32) / deg
    out_ref[...] = out + bo_ref[...]


def _dense_d(h1, sumh_p, deg_p, W_self_o, W_neigh_o, b_o):
    nb = _N // _BLK
    blk = pl.BlockSpec((_BLK, _D), lambda i: (i, 0))
    return pl.pallas_call(
        _dense_d_body,
        grid=(nb,),
        in_specs=[blk,
                  pl.BlockSpec((1, _BLK, _D), lambda i: (0, i, 0)),
                  pl.BlockSpec((1, _BLK, _D), lambda i: (1, i, 0)),
                  pl.BlockSpec((_BLK, _NC), lambda i: (i, 0)),
                  pl.BlockSpec((_D, _C), lambda i: (0, 0)),
                  pl.BlockSpec((_D, _C), lambda i: (0, 0)),
                  pl.BlockSpec((1, _C), lambda i: (0, 0))],
        out_specs=pl.BlockSpec((_BLK, _C), lambda i: (i, 0)),
        out_shape=jax.ShapeDtypeStruct((_N, _C), jnp.float32),
    )(h1, sumh_p, sumh_p, deg_p, W_self_o, W_neigh_o, b_o.reshape(1, _C))


def kernel(x, edge_index, W_self_m, W_neigh_m, b_m, W_pool, b_pool,
           W_self_p, W_neigh_p, b_p, gamma_m, beta_m, gamma_p, beta_p,
           W_self_o, W_neigh_o, b_o):
    src3d = edge_index[0].reshape(_NW, _NCH, _CH)
    dst3d = edge_index[1].reshape(_NW, _NCH, _CH)

    hp, xm, xp = _dense_a(x, W_pool, b_pool, W_self_m, W_self_p)

    sumx_p, deg_p = _seg_sum_sc(x, src3d, dst3d, _D, True)
    mx_p = _seg_max_sc(hp, edge_index[0], edge_index[1])

    deg_pT = deg_p.T
    m, p, stats = _dense_b(xm, xp, sumx_p, mx_p, deg_pT,
                           W_neigh_m, W_neigh_p, b_m, b_p)
    h1 = _dense_c(m, p, stats, gamma_m, beta_m, gamma_p, beta_p)

    sumh_p, _ = _seg_sum_sc(h1, src3d, dst3d, _D, False)
    return _dense_d(h1, sumh_p, deg_pT, W_self_o, W_neigh_o, b_o)

# --- scband reference (transcript-rebuilt; emitter-appended) ---
"""Pipeline reference for scband-gnnsage-46437186404819 (READ-ONLY COPY).

The authoritative reference and input builder live on the scoring server;
editing this copy changes nothing except your own understanding.
"""

import jax, jax.numpy as jnp
import numpy as np

N = 10000
E = 320000
D = 128
H = 128
C = 16


def setup_inputs(seed: int = 0) -> dict:
    key = jax.random.key(seed)
    ks = jax.random.split(key, 18)
    x = jax.random.normal(ks[0], (N, D), dtype=jnp.float32)
    edge_index = jax.random.randint(ks[1], (2, E), 0, N, dtype=jnp.int32)
    s_d = 1.0 / np.sqrt(D)
    s_h = 1.0 / np.sqrt(H)
    return {
        'x': x,
        'edge_index': edge_index,
        'W_self_m': jax.random.normal(ks[2], (D, H), dtype=jnp.float32) * s_d,
        'W_neigh_m': jax.random.normal(ks[3], (D, H), dtype=jnp.float32) * s_d,
        'b_m': jnp.zeros((H,), dtype=jnp.float32),
        'W_pool': jax.random.normal(ks[4], (D, D), dtype=jnp.float32) * s_d,
        'b_pool': jnp.zeros((D,), dtype=jnp.float32),
        'W_self_p': jax.random.normal(ks[5], (D, H), dtype=jnp.float32) * s_d,
        'W_neigh_p': jax.random.normal(ks[6], (D, H), dtype=jnp.float32) * s_d,
        'b_p': jnp.zeros((H,), dtype=jnp.float32),
        'gamma_m': jnp.ones((H,), dtype=jnp.float32),
        'beta_m': jnp.zeros((H,), dtype=jnp.float32),
        'gamma_p': jnp.ones((H,), dtype=jnp.float32),
        'beta_p': jnp.zeros((H,), dtype=jnp.float32),
        'W_self_o': jax.random.normal(ks[7], (H, C), dtype=jnp.float32) * s_h,
        'W_neigh_o': jax.random.normal(ks[8], (H, C), dtype=jnp.float32) * s_h,
        'b_o': jnp.zeros((C,), dtype=jnp.float32),
    }


def reference(x, edge_index, W_self_m, W_neigh_m, b_m, W_pool, b_pool, W_self_p, W_neigh_p, b_p, gamma_m, beta_m, gamma_p, beta_p, W_self_o, W_neigh_o, b_o):
    src = edge_index[0]
    dst = edge_index[1]
    deg = jax.ops.segment_sum(jnp.ones((E,), dtype=jnp.float32), dst, num_segments=N)
    deg = jnp.maximum(deg, 1.0)

    def mean_agg(h):
        return jax.ops.segment_sum(h[src], dst, num_segments=N) / deg[:, None]

    def bn(h, gamma, beta):
        mu = h.mean(axis=0)
        var = h.var(axis=0)
        return (h - mu) / jnp.sqrt(var + 1e-5) * gamma + beta

    # SAGEConv 'mean' branch with relu activation
    m = x @ W_self_m + mean_agg(x) @ W_neigh_m + b_m
    m = jax.nn.relu(m)
    # SAGEConv 'pool' branch: fc_pool + relu, max aggregation, relu activation
    hp = jax.nn.relu(x @ W_pool + b_pool)
    mx = jax.ops.segment_max(hp[src], dst, num_segments=N)
    mx = jnp.where(jnp.isfinite(mx), mx, 0.0)
    p = x @ W_self_p + mx @ W_neigh_p + b_p
    p = jax.nn.relu(p)
    # batchnorm (batch stats), add, relu; dropout treated as identity (eval)
    h1 = jax.nn.relu(bn(m, gamma_m, beta_m) + bn(p, gamma_p, beta_p))
    # output SAGEConv 'mean', no activation
    out = h1 @ W_self_o + mean_agg(h1) @ W_neigh_o + b_o
    return out

if __name__ == "__main__":
    import jax
    _d = setup_inputs()
    print(jax.jit(kernel)(*tuple(_d.values())))

</pallas_src>

<mosaic_0001>
#map = affine_map<(d0, d1) -> (0, 0)>
#map1 = affine_map<(d0, d1) -> (0, 0, 0)>
module attributes {stable_mosaic.version = 14 : i64} {
  func.func @body2(%arg0: i32, %arg1: i32, %arg2: memref<10000x128xf32, #tpu.memory_space<hbm>>, %arg3: memref<32x80x125xi32, #tpu.memory_space<hbm>>, %arg4: memref<32x80x125xi32, #tpu.memory_space<hbm>>, %arg5: memref<10000x128xf32, #tpu.memory_space<hbm>>, %arg6: memref<2x10000x128xf32, #tpu.memory_space<hbm>>, %arg7: memref<80x125xi32, #tpu.memory_space<vmem>>, %arg8: memref<80x125xi32, #tpu.memory_space<vmem>>, %arg9: memref<125x128xf32, #tpu.memory_space<vmem>>, %arg10: memref<128xf32, #tpu.memory_space<vmem>>, %arg11: memref<10000xf32, #tpu.memory_space<vmem>>, %arg12: memref<10000x128xf32, #tpu.memory_space<vmem_shared>>, %arg13: memref<10000xf32, #tpu.memory_space<vmem_shared>>) attributes {dimension_semantics = [#tpu.dimension_semantics<core_parallel>, #tpu.dimension_semantics<subcore_parallel>], iteration_bounds = array<i64: 2, 16>, scalar_prefetch = 0 : i64, scratch_operands = 7 : i64, tpu.core_type = #tpu.core_type<sc_vector_subcore>, window_params = [{transform_indices = #map}, {transform_indices = #map1}, {transform_indices = #map1}, {transform_indices = #map}, {transform_indices = #map1}]} {
    %mul3A = arith.constant 2 : i32
    %mul3A_0 = arith.muli %arg1, %mul3A : i32
    %add3A = arith.addi %mul3A_0, %arg0 : i32
    %mul3A_1 = arith.constant 632 : i32
    %mul3A_2 = arith.muli %arg1, %mul3A_1 : i32
    %lt3A = arith.constant 15 : i32
    %lt3A_3 = arith.cmpi slt, %arg1, %lt3A : i32
    %convert_element_type3A = arith.extui %lt3A_3 : i1 to i32
    %cond3A = arith.constant 0 : i32
    %cond3A_4 = arith.cmpi ne, %convert_element_type3A, %cond3A : i32
    scf.if %cond3A_4 {
      "tpu.region"() ({
        %run_scoped3A = tpu.sem_alloc : memref<!tpu.dma_semaphore, #tpu.memory_space<semaphore_mem>>
        %dma_start3A = arith.constant 0 : i32
        %dma_start3A_24 = tpu.memref_slice %arg12[%mul3A_2, %dma_start3A] : memref<10000x128xf32, #tpu.memory_space<vmem_shared>> -> memref<632x128xf32, #tpu.memory_space<vmem_shared>>
        %dma_start3A_25 = arith.constant 0 : i32
        %dma_start3A_26 = tpu.memref_slice %arg5[%mul3A_2, %dma_start3A_25] : memref<10000x128xf32, #tpu.memory_space<hbm>> -> memref<632x128xf32, #tpu.memory_space<hbm>>
        tpu.enqueue_dma source(%dma_start3A_26 : memref<632x128xf32, #tpu.memory_space<hbm>>) target(%dma_start3A_24 : memref<632x128xf32, #tpu.memory_space<vmem_shared>>) target_semaphore(%run_scoped3A : memref<!tpu.dma_semaphore, #tpu.memory_space<semaphore_mem>>)
        %dma_wait3A = arith.constant 0 : i32
        %dma_wait3A_27 = tpu.memref_slice %arg12[%mul3A_2, %dma_wait3A] : memref<10000x128xf32, #tpu.memory_space<vmem_shared>> -> memref<632x128xf32, #tpu.memory_space<vmem_shared>>
        %dma_wait3A_28 = arith.constant 0 : i32
        %dma_wait3A_29 = tpu.memref_slice %arg5[%mul3A_2, %dma_wait3A_28] : memref<10000x128xf32, #tpu.memory_space<hbm>> -> memref<632x128xf32, #tpu.memory_space<hbm>>
        tpu.wait_dma2 semaphore(%run_scoped3A : memref<!tpu.dma_semaphore, #tpu.memory_space<semaphore_mem>>) src(%dma_wait3A_29 : memref<632x128xf32, #tpu.memory_space<hbm>>) dst(%dma_wait3A_27 : memref<632x128xf32, #tpu.memory_space<vmem_shared>>)
        tpu.yield
      }) : () -> ()
    } else {
    }
    %eq3A = arith.constant 15 : i32
    %eq3A_5 = arith.cmpi eq, %arg1, %eq3A : i32
    %convert_element_type3A_6 = arith.extui %eq3A_5 : i1 to i32
    %cond3A_7 = arith.constant 0 : i32
    %cond3A_8 = arith.cmpi ne, %convert_element_type3A_6, %cond3A_7 : i32
    scf.if %cond3A_8 {
      "tpu.region"() ({
        %run_scoped3A = tpu.sem_alloc : memref<!tpu.dma_semaphore, #tpu.memory_space<semaphore_mem>>
        %dma_start3A = arith.constant 0 : i32
        %dma_start3A_24 = tpu.memref_slice %arg12[%mul3A_2, %dma_start3A] : memref<10000x128xf32, #tpu.memory_space<vmem_shared>> -> memref<520x128xf32, #tpu.memory_space<vmem_shared>>
        %dma_start3A_25 = arith.constant 0 : i32
        %dma_start3A_26 = tpu.memref_slice %arg5[%mul3A_2, %dma_start3A_25] : memref<10000x128xf32, #tpu.memory_space<hbm>> -> memref<520x128xf32, #tpu.memory_space<hbm>>
        tpu.enqueue_dma source(%dma_start3A_26 : memref<520x128xf32, #tpu.memory_space<hbm>>) target(%dma_start3A_24 : memref<520x128xf32, #tpu.memory_space<vmem_shared>>) target_semaphore(%run_scoped3A : memref<!tpu.dma_semaphore, #tpu.memory_space<semaphore_mem>>)
        %dma_wait3A = arith.constant 0 : i32
        %dma_wait3A_27 = tpu.memref_slice %arg12[%mul3A_2, %dma_wait3A] : memref<10000x128xf32, #tpu.memory_space<vmem_shared>> -> memref<520x128xf32, #tpu.memory_space<vmem_shared>>
        %dma_wait3A_28 = arith.constant 0 : i32
        %dma_wait3A_29 = tpu.memref_slice %arg5[%mul3A_2, %dma_wait3A_28] : memref<10000x128xf32, #tpu.memory_space<hbm>> -> memref<520x128xf32, #tpu.memory_space<hbm>>
        tpu.wait_dma2 semaphore(%run_scoped3A : memref<!tpu.dma_semaphore, #tpu.memory_space<semaphore_mem>>) src(%dma_wait3A_29 : memref<520x128xf32, #tpu.memory_space<hbm>>) dst(%dma_wait3A_27 : memref<520x128xf32, #tpu.memory_space<vmem_shared>>)
        tpu.yield
      }) : () -> ()
    } else {
    }
    %barrier3A = arith.constant 0 : index
    tpu.barrier barrier_id(%barrier3A)
    "tpu.region"() ({
      %run_scoped3A = tpu.sem_alloc : memref<!tpu.dma_semaphore, #tpu.memory_space<semaphore_mem>>
      %dma_start3A = arith.constant 0 : i32
      %dma_start3A_24 = arith.constant 0 : i32
      %dma_start3A_25 = tpu.memref_slice %arg3[%add3A, %dma_start3A, %dma_start3A_24] : memref<32x80x125xi32, #tpu.memory_space<hbm>> -> memref<1x80x125xi32, #tpu.memory_space<hbm>>
      %dma_start3A_26 = tpu.memref_squeeze %dma_start3A_25 : memref<1x80x125xi32, #tpu.memory_space<hbm>> -> memref<80x125xi32, #tpu.memory_space<hbm>>
      %dma_start3A_27 = arith.constant 0 : i32
      %dma_start3A_28 = arith.constant 0 : i32
      %dma_start3A_29 = tpu.memref_slice %arg3[%add3A, %dma_start3A_27, %dma_start3A_28] : memref<32x80x125xi32, #tpu.memory_space<hbm>> -> memref<1x80x125xi32, #tpu.memory_space<hbm>>
      %dma_start3A_30 = tpu.memref_squeeze %dma_start3A_29 : memref<1x80x125xi32, #tpu.memory_space<hbm>> -> memref<80x125xi32, #tpu.memory_space<hbm>>
      tpu.enqueue_dma source(%dma_start3A_30 : memref<80x125xi32, #tpu.memory_space<hbm>>) target(%arg7 : memref<80x125xi32, #tpu.memory_space<vmem>>) target_semaphore(%run_scoped3A : memref<!tpu.dma_semaphore, #tpu.memory_space<semaphore_mem>>)
      %dma_wait3A = arith.constant 0 : i32
      %dma_wait3A_31 = arith.constant 0 : i32
      %dma_wait3A_32 = tpu.memref_slice %arg3[%add3A, %dma_wait3A, %dma_wait3A_31] : memref<32x80x125xi32, #tpu.memory_space<hbm>> -> memref<1x80x125xi32, #tpu.memory_space<hbm>>
      %dma_wait3A_33 = tpu.memref_squeeze %dma_wait3A_32 : memref<1x80x125xi32, #tpu.memory_space<hbm>> -> memref<80x125xi32, #tpu.memory_space<hbm>>
      %dma_wait3A_34 = arith.constant 0 : i32
      %dma_wait3A_35 = arith.constant 0 : i32
      %dma_wait3A_36 = tpu.memref_slice %arg3[%add3A, %dma_wait3A_34, %dma_wait3A_35] : memref<32x80x125xi32, #tpu.memory_space<hbm>> -> memref<1x80x125xi32, #tpu.memory_space<hbm>>
      %dma_wait3A_37 = tpu.memref_squeeze %dma_wait3A_36 : memref<1x80x125xi32, #tpu.memory_space<hbm>> -> memref<80x125xi32, #tpu.memory_space<hbm>>
      tpu.wait_dma2 semaphore(%run_scoped3A : memref<!tpu.dma_semaphore, #tpu.memory_space<semaphore_mem>>) src(%dma_wait3A_37 : memref<80x125xi32, #tpu.memory_space<hbm>>) dst(%arg7 : memref<80x125xi32, #tpu.memory_space<vmem>>)
      tpu.yield
    }) : () -> ()
    "tpu.region"() ({
      %run_scoped3A = tpu.sem_alloc : memref<!tpu.dma_semaphore, #tpu.memory_space<semaphore_mem>>
      %dma_start3A = arith.constant 0 : i32
      %dma_start3A_24 = arith.constant 0 : i32
      %dma_start3A_25 = tpu.memref_slice %arg4[%add3A, %dma_start3A, %dma_start3A_24] : memref<32x80x125xi32, #tpu.memory_space<hbm>> -> memref<1x80x125xi32, #tpu.memory_space<hbm>>
      %dma_start3A_26 = tpu.memref_squeeze %dma_start3A_25 : memref<1x80x125xi32, #tpu.memory_space<hbm>> -> memref<80x125xi32, #tpu.memory_space<hbm>>
      %dma_start3A_27 = arith.constant 0 : i32
      %dma_start3A_28 = arith.constant 0 : i32
      %dma_start3A_29 = tpu.memref_slice %arg4[%add3A, %dma_start3A_27, %dma_start3A_28] : memref<32x80x125xi32, #tpu.memory_space<hbm>> -> memref<1x80x125xi32, #tpu.memory_space<hbm>>
      %dma_start3A_30 = tpu.memref_squeeze %dma_start3A_29 : memref<1x80x125xi32, #tpu.memory_space<hbm>> -> memref<80x125xi32, #tpu.memory_space<hbm>>
      tpu.enqueue_dma source(%dma_start3A_30 : memref<80x125xi32, #tpu.memory_space<hbm>>) target(%arg8 : memref<80x125xi32, #tpu.memory_space<vmem>>) target_semaphore(%run_scoped3A : memref<!tpu.dma_semaphore, #tpu.memory_space<semaphore_mem>>)
      %dma_wait3A = arith.constant 0 : i32
      %dma_wait3A_31 = arith.constant 0 : i32
      %dma_wait3A_32 = tpu.memref_slice %arg4[%add3A, %dma_wait3A, %dma_wait3A_31] : memref<32x80x125xi32, #tpu.memory_space<hbm>> -> memref<1x80x125xi32, #tpu.memory_space<hbm>>
      %dma_wait3A_33 = tpu.memref_squeeze %dma_wait3A_32 : memref<1x80x125xi32, #tpu.memory_space<hbm>> -> memref<80x125xi32, #tpu.memory_space<hbm>>
      %dma_wait3A_34 = arith.constant 0 : i32
      %dma_wait3A_35 = arith.constant 0 : i32
      %dma_wait3A_36 = tpu.memref_slice %arg4[%add3A, %dma_wait3A_34, %dma_wait3A_35] : memref<32x80x125xi32, #tpu.memory_space<hbm>> -> memref<1x80x125xi32, #tpu.memory_space<hbm>>
      %dma_wait3A_37 = tpu.memref_squeeze %dma_wait3A_36 : memref<1x80x125xi32, #tpu.memory_space<hbm>> -> memref<80x125xi32, #tpu.memory_space<hbm>>
      tpu.wait_dma2 semaphore(%run_scoped3A : memref<!tpu.dma_semaphore, #tpu.memory_space<semaphore_mem>>) src(%dma_wait3A_37 : memref<80x125xi32, #tpu.memory_space<hbm>>) dst(%arg8 : memref<80x125xi32, #tpu.memory_space<vmem>>)
      tpu.yield
    }) : () -> ()
    %scan3A = arith.constant 0 : i32
    %scan3A_9 = arith.constant 80 : i32
    %scan3A_10 = arith.addi %scan3A, %scan3A_9 : i32
    %scan3A_11 = arith.constant 1 : i32
    scf.for %scan3A_24 = %scan3A to %scan3A_10 step %scan3A_11  : i32 {
      %mul3A_25 = arith.constant 1 : i32
      %mul3A_26 = arith.muli %scan3A_24, %mul3A_25 : i32
      %add3A_27 = arith.constant 0 : i32
      %add3A_28 = arith.addi %add3A_27, %mul3A_26 : i32
      "tpu.region"() ({
        %run_scoped3A = tpu.sem_alloc : memref<!tpu.dma_semaphore, #tpu.memory_space<semaphore_mem>>
        %dma_start3A = arith.constant 0 : i32
        %dma_start3A_29 = tpu.memref_slice %arg7[%add3A_28, %dma_start3A] : memref<80x125xi32, #tpu.memory_space<vmem>> -> memref<1x125xi32, #tpu.memory_space<vmem>>
        %dma_start3A_30 = tpu.memref_squeeze %dma_start3A_29 : memref<1x125xi32, #tpu.memory_space<vmem>> -> memref<125xi32, #tpu.memory_space<vmem>>
        %dma_start3A_31 = arith.constant 0 : i32
        %dma_start3A_32 = arith.constant 0 : i32
        %dma_start3A_33 = tpu.memref_slice %arg2[%dma_start3A_31, %dma_start3A_32] : memref<10000x128xf32, #tpu.memory_space<hbm>> -> memref<10000x128xf32, #tpu.memory_space<hbm>>
        tpu.enqueue_indirect_dma source(%dma_start3A_33 : memref<10000x128xf32, #tpu.memory_space<hbm>>) target(%arg9 : memref<125x128xf32, #tpu.memory_space<vmem>>) offsets(%dma_start3A_30 : memref<125xi32, #tpu.memory_space<vmem>>) semaphore(%run_scoped3A : memref<!tpu.dma_semaphore, #tpu.memory_space<semaphore_mem>>)
        %dma_wait3A = arith.constant 0 : i32
        %dma_wait3A_34 = tpu.memref_slice %arg7[%add3A_28, %dma_wait3A] : memref<80x125xi32, #tpu.memory_space<vmem>> -> memref<1x125xi32, #tpu.memory_space<vmem>>
        %dma_wait3A_35 = tpu.memref_squeeze %dma_wait3A_34 : memref<1x125xi32, #tpu.memory_space<vmem>> -> memref<125xi32, #tpu.memory_space<vmem>>
        %dma_wait3A_36 = arith.constant 0 : i32
        %dma_wait3A_37 = arith.constant 0 : i32
        %dma_wait3A_38 = tpu.memref_slice %arg2[%dma_wait3A_36, %dma_wait3A_37] : memref<10000x128xf32, #tpu.memory_space<hbm>> -> memref<10000x128xf32, #tpu.memory_space<hbm>>
        tpu.wait_indirect_dma semaphore(%run_scoped3A : memref<!tpu.dma_semaphore, #tpu.memory_space<semaphore_mem>>) src(%dma_wait3A_38 : memref<10000x128xf32, #tpu.memory_space<hbm>>) dst(%arg9 : memref<125x128xf32, #tpu.memory_space<vmem>>)
        tpu.yield
      }) : () -> ()
      "tpu.region"() ({
        %run_scoped3A = tpu.sem_alloc : memref<!tpu.dma_semaphore, #tpu.memory_space<semaphore_mem>>
        %dma_start3A = arith.constant 0 : i32
        %dma_start3A_29 = tpu.memref_slice %arg8[%add3A_28, %dma_start3A] : memref<80x125xi32, #tpu.memory_space<vmem>> -> memref<1x125xi32, #tpu.memory_space<vmem>>
        %dma_start3A_30 = tpu.memref_squeeze %dma_start3A_29 : memref<1x125xi32, #tpu.memory_space<vmem>> -> memref<125xi32, #tpu.memory_space<vmem>>
        %dma_start3A_31 = arith.constant 0 : i32
        %dma_start3A_32 = arith.constant 0 : i32
        %dma_start3A_33 = tpu.memref_slice %arg12[%dma_start3A_31, %dma_start3A_32] : memref<10000x128xf32, #tpu.memory_space<vmem_shared>> -> memref<10000x128xf32, #tpu.memory_space<vmem_shared>>
        tpu.enqueue_indirect_dma source(%arg9 : memref<125x128xf32, #tpu.memory_space<vmem>>) target(%dma_start3A_33 : memref<10000x128xf32, #tpu.memory_space<vmem_shared>>) offsets(%dma_start3A_30 : memref<125xi32, #tpu.memory_space<vmem>>) semaphore(%run_scoped3A : memref<!tpu.dma_semaphore, #tpu.memory_space<semaphore_mem>>) {add = true}
        %dma_wait3A = arith.constant 0 : i32
        %dma_wait3A_34 = tpu.memref_slice %arg8[%add3A_28, %dma_wait3A] : memref<80x125xi32, #tpu.memory_space<vmem>> -> memref<1x125xi32, #tpu.memory_space<vmem>>
        %dma_wait3A_35 = tpu.memref_squeeze %dma_wait3A_34 : memref<1x125xi32, #tpu.memory_space<vmem>> -> memref<125xi32, #tpu.memory_space<vmem>>
        %dma_wait3A_36 = arith.constant 0 : i32
        %dma_wait3A_37 = arith.constant 0 : i32
        %dma_wait3A_38 = tpu.memref_slice %arg12[%dma_wait3A_36, %dma_wait3A_37] : memref<10000x128xf32, #tpu.memory_space<vmem_shared>> -> memref<10000x128xf32, #tpu.memory_space<vmem_shared>>
        tpu.wait_indirect_dma semaphore(%run_scoped3A : memref<!tpu.dma_semaphore, #tpu.memory_space<semaphore_mem>>) src(%arg9 : memref<125x128xf32, #tpu.memory_space<vmem>>) dst(%dma_wait3A_38 : memref<10000x128xf32, #tpu.memory_space<vmem_shared>>)
        tpu.yield
      }) : () -> ()
    }
    %scan3A_12 = arith.constant 80 : i32
    %barrier3A_13 = arith.constant 0 : index
    tpu.barrier barrier_id(%barrier3A_13)
    %lt3A_14 = arith.constant 15 : i32
    %lt3A_15 = arith.cmpi slt, %arg1, %lt3A_14 : i32
    %convert_element_type3A_16 = arith.extui %lt3A_15 : i1 to i32
    %cond3A_17 = arith.constant 0 : i32
    %cond3A_18 = arith.cmpi ne, %convert_element_type3A_16, %cond3A_17 : i32
    scf.if %cond3A_18 {
      "tpu.region"() ({
        %run_scoped3A = tpu.sem_alloc : memref<!tpu.dma_semaphore, #tpu.memory_space<semaphore_mem>>
        %dma_start3A = arith.constant 0 : i32
        %dma_start3A_24 = tpu.memref_slice %arg6[%arg0, %mul3A_2, %dma_start3A] : memref<2x10000x128xf32, #tpu.memory_space<hbm>> -> memref<1x632x128xf32, #tpu.memory_space<hbm>>
        %dma_start3A_25 = tpu.memref_squeeze %dma_start3A_24 : memref<1x632x128xf32, #tpu.memory_space<hbm>> -> memref<632x128xf32, #tpu.memory_space<hbm>>
        %dma_start3A_26 = arith.constant 0 : i32
        %dma_start3A_27 = tpu.memref_slice %arg12[%mul3A_2, %dma_start3A_26] : memref<10000x128xf32, #tpu.memory_space<vmem_shared>> -> memref<632x128xf32, #tpu.memory_space<vmem_shared>>
        tpu.enqueue_dma source(%dma_start3A_27 : memref<632x128xf32, #tpu.memory_space<vmem_shared>>) target(%dma_start3A_25 : memref<632x128xf32, #tpu.memory_space<hbm>>) target_semaphore(%run_scoped3A : memref<!tpu.dma_semaphore, #tpu.memory_space<semaphore_mem>>)
        %dma_wait3A = arith.constant 0 : i32
        %dma_wait3A_28 = tpu.memref_slice %arg6[%arg0, %mul3A_2, %dma_wait3A] : memref<2x10000x128xf32, #tpu.memory_space<hbm>> -> memref<1x632x128xf32, #tpu.memory_space<hbm>>
        %dma_wait3A_29 = tpu.memref_squeeze %dma_wait3A_28 : memref<1x632x128xf32, #tpu.memory_space<hbm>> -> memref<632x128xf32, #tpu.memory_space<hbm>>
        %dma_wait3A_30 = arith.constant 0 : i32
        %dma_wait3A_31 = tpu.memref_slice %arg12[%mul3A_2, %dma_wait3A_30] : memref<10000x128xf32, #tpu.memory_space<vmem_shared>> -> memref<632x128xf32, #tpu.memory_space<vmem_shared>>
        tpu.wait_dma2 semaphore(%run_scoped3A : memref<!tpu.dma_semaphore, #tpu.memory_space<semaphore_mem>>) src(%dma_wait3A_31 : memref<632x128xf32, #tpu.memory_space<vmem_shared>>) dst(%dma_wait3A_29 : memref<632x128xf32, #tpu.memory_space<hbm>>)
        tpu.yield
      }) : () -> ()
    } else {
    }
    %eq3A_19 = arith.constant 15 : i32
    %eq3A_20 = arith.cmpi eq, %arg1, %eq3A_19 : i32
    %convert_element_type3A_21 = arith.extui %eq3A_20 : i1 to i32
    %cond3A_22 = arith.constant 0 : i32
    %cond3A_23 = arith.cmpi ne, %convert_element_type3A_21, %cond3A_22 : i32
    scf.if %cond3A_23 {
      "tpu.region"() ({
        %run_scoped3A = tpu.sem_alloc : memref<!tpu.dma_semaphore, #tpu.memory_space<semaphore_mem>>
        %dma_start3A = arith.constant 0 : i32
        %dma_start3A_24 = tpu.memref_slice %arg6[%arg0, %mul3A_2, %dma_start3A] : memref<2x10000x128xf32, #tpu.memory_space<hbm>> -> memref<1x520x128xf32, #tpu.memory_space<hbm>>
        %dma_start3A_25 = tpu.memref_squeeze %dma_start3A_24 : memref<1x520x128xf32, #tpu.memory_space<hbm>> -> memref<520x128xf32, #tpu.memory_space<hbm>>
        %dma_start3A_26 = arith.constant 0 : i32
        %dma_start3A_27 = tpu.memref_slice %arg12[%mul3A_2, %dma_start3A_26] : memref<10000x128xf32, #tpu.memory_space<vmem_shared>> -> memref<520x128xf32, #tpu.memory_space<vmem_shared>>
        tpu.enqueue_dma source(%dma_start3A_27 : memref<520x128xf32, #tpu.memory_space<vmem_shared>>) target(%dma_start3A_25 : memref<520x128xf32, #tpu.memory_space<hbm>>) target_semaphore(%run_scoped3A : memref<!tpu.dma_semaphore, #tpu.memory_space<semaphore_mem>>)
        %dma_wait3A = arith.constant 0 : i32
        %dma_wait3A_28 = tpu.memref_slice %arg6[%arg0, %mul3A_2, %dma_wait3A] : memref<2x10000x128xf32, #tpu.memory_space<hbm>> -> memref<1x520x128xf32, #tpu.memory_space<hbm>>
        %dma_wait3A_29 = tpu.memref_squeeze %dma_wait3A_28 : memref<1x520x128xf32, #tpu.memory_space<hbm>> -> memref<520x128xf32, #tpu.memory_space<hbm>>
        %dma_wait3A_30 = arith.constant 0 : i32
        %dma_wait3A_31 = tpu.memref_slice %arg12[%mul3A_2, %dma_wait3A_30] : memref<10000x128xf32, #tpu.memory_space<vmem_shared>> -> memref<520x128xf32, #tpu.memory_space<vmem_shared>>
        tpu.wait_dma2 semaphore(%run_scoped3A : memref<!tpu.dma_semaphore, #tpu.memory_space<semaphore_mem>>) src(%dma_wait3A_31 : memref<520x128xf32, #tpu.memory_space<vmem_shared>>) dst(%dma_wait3A_29 : memref<520x128xf32, #tpu.memory_space<hbm>>)
        tpu.yield
      }) : () -> ()
    } else {
    }
    return
  }
}

#map = affine_map<(d0, d1) -> (0, 0)>
#map1 = affine_map<(d0, d1) -> (0, 0, 0)>
module attributes {stable_mosaic.version = 14 : i64} {
  func.func @_seg_sum_body(%arg0: i32, %arg1: i32, %arg2: memref<10000x128xf32, #tpu.memory_space<hbm>>, %arg3: memref<32x80x125xi32, #tpu.memory_space<hbm>>, %arg4: memref<32x80x125xi32, #tpu.memory_space<hbm>>, %arg5: memref<10000x128xf32, #tpu.memory_space<hbm>>, %arg6: memref<2x10000x128xf32, #tpu.memory_space<hbm>>, %arg7: memref<2x10000xf32, #tpu.memory_space<hbm>>, %arg8: memref<80x125xi32, #tpu.memory_space<vmem>>, %arg9: memref<80x125xi32, #tpu.memory_space<vmem>>, %arg10: memref<125x128xf32, #tpu.memory_space<vmem>>, %arg11: memref<128xf32, #tpu.memory_space<vmem>>, %arg12: memref<10000xf32, #tpu.memory_space<vmem>>, %arg13: memref<10000x128xf32, #tpu.memory_space<vmem_shared>>, %arg14: memref<10000xf32, #tpu.memory_space<vmem_shared>>) attributes {dimension_semantics = [#tpu.dimension_semantics<core_parallel>, #tpu.dimension_semantics<subcore_parallel>], iteration_bounds = array<i64: 2, 16>, scalar_prefetch = 0 : i64, scratch_operands = 7 : i64, tpu.core_type = #tpu.core_type<sc_vector_subcore>, window_params = [{transform_indices = #map}, {transform_indices = #map1}, {transform_indices = #map1}, {transform_indices = #map}, {transform_indices = #map1}, {transform_indices = #map}]} {
    %mul3A = arith.constant 2 : i32
    %mul3A_0 = arith.muli %arg1, %mul3A : i32
    %add3A = arith.addi %mul3A_0, %arg0 : i32
    %mul3A_1 = arith.constant 632 : i32
    %mul3A_2 = arith.muli %arg1, %mul3A_1 : i32
    %lt3A = arith.constant 15 : i32
    %lt3A_3 = arith.cmpi slt, %arg1, %lt3A : i32
    %convert_element_type3A = arith.extui %lt3A_3 : i1 to i32
    %cond3A = arith.constant 0 : i32
    %cond3A_4 = arith.cmpi ne, %convert_element_type3A, %cond3A : i32
    scf.if %cond3A_4 {
      "tpu.region"() ({
        %run_scoped3A = tpu.sem_alloc : memref<!tpu.dma_semaphore, #tpu.memory_space<semaphore_mem>>
        %dma_start3A = arith.constant 0 : i32
        %dma_start3A_80 = tpu.memref_slice %arg13[%mul3A_2, %dma_start3A] : memref<10000x128xf32, #tpu.memory_space<vmem_shared>> -> memref<632x128xf32, #tpu.memory_space<vmem_shared>>
        %dma_start3A_81 = arith.constant 0 : i32
        %dma_start3A_82 = tpu.memref_slice %arg5[%mul3A_2, %dma_start3A_81] : memref<10000x128xf32, #tpu.memory_space<hbm>> -> memref<632x128xf32, #tpu.memory_space<hbm>>
        tpu.enqueue_dma source(%dma_start3A_82 : memref<632x128xf32, #tpu.memory_space<hbm>>) target(%dma_start3A_80 : memref<632x128xf32, #tpu.memory_space<vmem_shared>>) target_semaphore(%run_scoped3A : memref<!tpu.dma_semaphore, #tpu.memory_space<semaphore_mem>>)
        %dma_wait3A = arith.constant 0 : i32
        %dma_wait3A_83 = tpu.memref_slice %arg13[%mul3A_2, %dma_wait3A] : memref<10000x128xf32, #tpu.memory_space<vmem_shared>> -> memref<632x128xf32, #tpu.memory_space<vmem_shared>>
        %dma_wait3A_84 = arith.constant 0 : i32
        %dma_wait3A_85 = tpu.memref_slice %arg5[%mul3A_2, %dma_wait3A_84] : memref<10000x128xf32, #tpu.memory_space<hbm>> -> memref<632x128xf32, #tpu.memory_space<hbm>>
        tpu.wait_dma2 semaphore(%run_scoped3A : memref<!tpu.dma_semaphore, #tpu.memory_space<semaphore_mem>>) src(%dma_wait3A_85 : memref<632x128xf32, #tpu.memory_space<hbm>>) dst(%dma_wait3A_83 : memref<632x128xf32, #tpu.memory_space<vmem_shared>>)
        tpu.yield
      }) : () -> ()
    } else {
    }
    %eq3A = arith.constant 15 : i32
    %eq3A_5 = arith.cmpi eq, %arg1, %eq3A : i32
    %convert_element_type3A_6 = arith.extui %eq3A_5 : i1 to i32
    %cond3A_7 = arith.constant 0 : i32
    %cond3A_8 = arith.cmpi ne, %convert_element_type3A_6, %cond3A_7 : i32
    scf.if %cond3A_8 {
      "tpu.region"() ({
        %run_scoped3A = tpu.sem_alloc : memref<!tpu.dma_semaphore, #tpu.memory_space<semaphore_mem>>
        %dma_start3A = arith.constant 0 : i32
        %dma_start3A_80 = tpu.memref_slice %arg13[%mul3A_2, %dma_start3A] : memref<10000x128xf32, #tpu.memory_space<vmem_shared>> -> memref<520x128xf32, #tpu.memory_space<vmem_shared>>
        %dma_start3A_81 = arith.constant 0 : i32
        %dma_start3A_82 = tpu.memref_slice %arg5[%mul3A_2, %dma_start3A_81] : memref<10000x128xf32, #tpu.memory_space<hbm>> -> memref<520x128xf32, #tpu.memory_space<hbm>>
        tpu.enqueue_dma source(%dma_start3A_82 : memref<520x128xf32, #tpu.memory_space<hbm>>) target(%dma_start3A_80 : memref<520x128xf32, #tpu.memory_space<vmem_shared>>) target_semaphore(%run_scoped3A : memref<!tpu.dma_semaphore, #tpu.memory_space<semaphore_mem>>)
        %dma_wait3A = arith.constant 0 : i32
        %dma_wait3A_83 = tpu.memref_slice %arg13[%mul3A_2, %dma_wait3A] : memref<10000x128xf32, #tpu.memory_space<vmem_shared>> -> memref<520x128xf32, #tpu.memory_space<vmem_shared>>
        %dma_wait3A_84 = arith.constant 0 : i32
        %dma_wait3A_85 = tpu.memref_slice %arg5[%mul3A_2, %dma_wait3A_84] : memref<10000x128xf32, #tpu.memory_space<hbm>> -> memref<520x128xf32, #tpu.memory_space<hbm>>
        tpu.wait_dma2 semaphore(%run_scoped3A : memref<!tpu.dma_semaphore, #tpu.memory_space<semaphore_mem>>) src(%dma_wait3A_85 : memref<520x128xf32, #tpu.memory_space<hbm>>) dst(%dma_wait3A_83 : memref<520x128xf32, #tpu.memory_space<vmem_shared>>)
        tpu.yield
      }) : () -> ()
    } else {
    }
    %eq3A_9 = arith.constant 0 : i32
    %eq3A_10 = arith.cmpi eq, %arg1, %eq3A_9 : i32
    %convert_element_type3A_11 = arith.extui %eq3A_10 : i1 to i32
    %cond3A_12 = arith.constant 0 : i32
    %cond3A_13 = arith.cmpi ne, %convert_element_type3A_11, %cond3A_12 : i32
    scf.if %cond3A_13 {
      %scan3A_80 = arith.constant 0 : i32
      %scan3A_81 = arith.constant 625 : i32
      %scan3A_82 = arith.addi %scan3A_80, %scan3A_81 : i32
      %scan3A_83 = arith.constant 1 : i32
      scf.for %scan3A_85 = %scan3A_80 to %scan3A_82 step %scan3A_83  : i32 {
        %mul3A_86 = arith.constant 1 : i32
        %mul3A_87 = arith.muli %scan3A_85, %mul3A_86 : i32
        %add3A_88 = arith.constant 0 : i32
        %add3A_89 = arith.addi %add3A_88, %mul3A_87 : i32
        %broadcast_in_dim3A_90 = arith.constant 0.000000e+00 : f32
        %broadcast_in_dim3A_91 = vector.broadcast %broadcast_in_dim3A_90 : f32 to vector<16xf32>
        %mul3A_92 = arith.constant 16 : i32
        %mul3A_93 = arith.muli %add3A_89, %mul3A_92 : i32
        %swap3A_94 = arith.index_cast %mul3A_93 : i32 to index
        %swap3A_95 = tpu.vector_load %arg12[%swap3A_94] {strides = array<i32>} : memref<10000xf32, #tpu.memory_space<vmem>>, vector<16xf32>,
        %swap3A_96 = vector.shape_cast %swap3A_95 : vector<16xf32> to vector<16xf32>
        %swap3A_97 = vector.shape_cast %broadcast_in_dim3A_91 : vector<16xf32> to vector<16xf32>
        tpu.vector_store %arg12[%swap3A_94], %swap3A_97 {strides = array<i32>} : memref<10000xf32, #tpu.memory_space<vmem>>, vector<16xf32>,
      }
      %scan3A_84 = arith.constant 625 : i32
      "tpu.region"() ({
        %run_scoped3A = tpu.sem_alloc : memref<!tpu.dma_semaphore, #tpu.memory_space<semaphore_mem>>
        tpu.enqueue_dma source(%arg12 : memref<10000xf32, #tpu.memory_space<vmem>>) target(%arg14 : memref<10000xf32, #tpu.memory_space<vmem_shared>>) target_semaphore(%run_scoped3A : memref<!tpu.dma_semaphore, #tpu.memory_space<semaphore_mem>>)
        tpu.wait_dma2 semaphore(%run_scoped3A : memref<!tpu.dma_semaphore, #tpu.memory_space<semaphore_mem>>) src(%arg12 : memref<10000xf32, #tpu.memory_space<vmem>>) dst(%arg14 : memref<10000xf32, #tpu.memory_space<vmem_shared>>)
        tpu.yield
      }) : () -> ()
    } else {
    }
    %broadcast_in_dim3A = arith.constant 1.000000e+00 : f32
    %broadcast_in_dim3A_14 = vector.broadcast %broadcast_in_dim3A : f32 to vector<16xf32>
    %swap3A = arith.constant 0 : index
    %swap3A_15 = tpu.vector_load %arg11[%swap3A] {strides = array<i32>} : memref<128xf32, #tpu.memory_space<vmem>>, vector<16xf32>,
    %swap3A_16 = vector.shape_cast %swap3A_15 : vector<16xf32> to vector<16xf32>
    %swap3A_17 = vector.shape_cast %broadcast_in_dim3A_14 : vector<16xf32> to vector<16xf32>
    tpu.vector_store %arg11[%swap3A], %swap3A_17 {strides = array<i32>} : memref<128xf32, #tpu.memory_space<vmem>>, vector<16xf32>,
    %broadcast_in_dim3A_18 = arith.constant 1.000000e+00 : f32
    %broadcast_in_dim3A_19 = vector.broadcast %broadcast_in_dim3A_18 : f32 to vector<16xf32>
    %swap3A_20 = arith.constant 16 : index
    %swap3A_21 = tpu.vector_load %arg11[%swap3A_20] {strides = array<i32>} : memref<128xf32, #tpu.memory_space<vmem>>, vector<16xf32>,
    %swap3A_22 = vector.shape_cast %swap3A_21 : vector<16xf32> to vector<16xf32>
    %swap3A_23 = vector.shape_cast %broadcast_in_dim3A_19 : vector<16xf32> to vector<16xf32>
    tpu.vector_store %arg11[%swap3A_20], %swap3A_23 {strides = array<i32>} : memref<128xf32, #tpu.memory_space<vmem>>, vector<16xf32>,
    %broadcast_in_dim3A_24 = arith.constant 1.000000e+00 : f32
    %broadcast_in_dim3A_25 = vector.broadcast %broadcast_in_dim3A_24 : f32 to vector<16xf32>
    %swap3A_26 = arith.constant 32 : index
    %swap3A_27 = tpu.vector_load %arg11[%swap3A_26] {strides = array<i32>} : memref<128xf32, #tpu.memory_space<vmem>>, vector<16xf32>,
    %swap3A_28 = vector.shape_cast %swap3A_27 : vector<16xf32> to vector<16xf32>
    %swap3A_29 = vector.shape_cast %broadcast_in_dim3A_25 : vector<16xf32> to vector<16xf32>
    tpu.vector_store %arg11[%swap3A_26], %swap3A_29 {strides = array<i32>} : memref<128xf32, #tpu.memory_space<vmem>>, vector<16xf32>,
    %broadcast_in_dim3A_30 = arith.constant 1.000000e+00 : f32
    %broadcast_in_dim3A_31 = vector.broadcast %broadcast_in_dim3A_30 : f32 to vector<16xf32>
    %swap3A_32 = arith.constant 48 : index
    %swap3A_33 = tpu.vector_load %arg11[%swap3A_32] {strides = array<i32>} : memref<128xf32, #tpu.memory_space<vmem>>, vector<16xf32>,
    %swap3A_34 = vector.shape_cast %swap3A_33 : vector<16xf32> to vector<16xf32>
    %swap3A_35 = vector.shape_cast %broadcast_in_dim3A_31 : vector<16xf32> to vector<16xf32>
    tpu.vector_store %arg11[%swap3A_32], %swap3A_35 {strides = array<i32>} : memref<128xf32, #tpu.memory_space<vmem>>, vector<16xf32>,
    %broadcast_in_dim3A_36 = arith.constant 1.000000e+00 : f32
    %broadcast_in_dim3A_37 = vector.broadcast %broadcast_in_dim3A_36 : f32 to vector<16xf32>
    %swap3A_38 = arith.constant 64 : index
    %swap3A_39 = tpu.vector_load %arg11[%swap3A_38] {strides = array<i32>} : memref<128xf32, #tpu.memory_space<vmem>>, vector<16xf32>,
    %swap3A_40 = vector.shape_cast %swap3A_39 : vector<16xf32> to vector<16xf32>
    %swap3A_41 = vector.shape_cast %broadcast_in_dim3A_37 : vector<16xf32> to vector<16xf32>
    tpu.vector_store %arg11[%swap3A_38], %swap3A_41 {strides = array<i32>} : memref<128xf32, #tpu.memory_space<vmem>>, vector<16xf32>,
    %broadcast_in_dim3A_42 = arith.constant 1.000000e+00 : f32
    %broadcast_in_dim3A_43 = vector.broadcast %broadcast_in_dim3A_42 : f32 to vector<16xf32>
    %swap3A_44 = arith.constant 80 : index
    %swap3A_45 = tpu.vector_load %arg11[%swap3A_44] {strides = array<i32>} : memref<128xf32, #tpu.memory_space<vmem>>, vector<16xf32>,
    %swap3A_46 = vector.shape_cast %swap3A_45 : vector<16xf32> to vector<16xf32>
    %swap3A_47 = vector.shape_cast %broadcast_in_dim3A_43 : vector<16xf32> to vector<16xf32>
    tpu.vector_store %arg11[%swap3A_44], %swap3A_47 {strides = array<i32>} : memref<128xf32, #tpu.memory_space<vmem>>, vector<16xf32>,
    %broadcast_in_dim3A_48 = arith.constant 1.000000e+00 : f32
    %broadcast_in_dim3A_49 = vector.broadcast %broadcast_in_dim3A_48 : f32 to vector<16xf32>
    %swap3A_50 = arith.constant 96 : index
    %swap3A_51 = tpu.vector_load %arg11[%swap3A_50] {strides = array<i32>} : memref<128xf32, #tpu.memory_space<vmem>>, vector<16xf32>,
    %swap3A_52 = vector.shape_cast %swap3A_51 : vector<16xf32> to vector<16xf32>
    %swap3A_53 = vector.shape_cast %broadcast_in_dim3A_49 : vector<16xf32> to vector<16xf32>
    tpu.vector_store %arg11[%swap3A_50], %swap3A_53 {strides = array<i32>} : memref<128xf32, #tpu.memory_space<vmem>>, vector<16xf32>,
    %broadcast_in_dim3A_54 = arith.constant 1.000000e+00 : f32
    %broadcast_in_dim3A_55 = vector.broadcast %broadcast_in_dim3A_54 : f32 to vector<16xf32>
    %swap3A_56 = arith.constant 112 : index
    %swap3A_57 = tpu.vector_load %arg11[%swap3A_56] {strides = array<i32>} : memref<128xf32, #tpu.memory_space<vmem>>, vector<16xf32>,
    %swap3A_58 = vector.shape_cast %swap3A_57 : vector<16xf32> to vector<16xf32>
    %swap3A_59 = vector.shape_cast %broadcast_in_dim3A_55 : vector<16xf32> to vector<16xf32>
    tpu.vector_store %arg11[%swap3A_56], %swap3A_59 {strides = array<i32>} : memref<128xf32, #tpu.memory_space<vmem>>, vector<16xf32>,
    %barrier3A = arith.constant 0 : index
    tpu.barrier barrier_id(%barrier3A)
    "tpu.region"() ({
      %run_scoped3A = tpu.sem_alloc : memref<!tpu.dma_semaphore, #tpu.memory_space<semaphore_mem>>
      %dma_start3A = arith.constant 0 : i32
      %dma_start3A_80 = arith.constant 0 : i32
      %dma_start3A_81 = tpu.memref_slice %arg3[%add3A, %dma_start3A, %dma_start3A_80] : memref<32x80x125xi32, #tpu.memory_space<hbm>> -> memref<1x80x125xi32, #tpu.memory_space<hbm>>
      %dma_start3A_82 = tpu.memref_squeeze %dma_start3A_81 : memref<1x80x125xi32, #tpu.memory_space<hbm>> -> memref<80x125xi32, #tpu.memory_space<hbm>>
      %dma_start3A_83 = arith.constant 0 : i32
      %dma_start3A_84 = arith.constant 0 : i32
      %dma_start3A_85 = tpu.memref_slice %arg3[%add3A, %dma_start3A_83, %dma_start3A_84] : memref<32x80x125xi32, #tpu.memory_space<hbm>> -> memref<1x80x125xi32, #tpu.memory_space<hbm>>
      %dma_start3A_86 = tpu.memref_squeeze %dma_start3A_85 : memref<1x80x125xi32, #tpu.memory_space<hbm>> -> memref<80x125xi32, #tpu.memory_space<hbm>>
      tpu.enqueue_dma source(%dma_start3A_86 : memref<80x125xi32, #tpu.memory_space<hbm>>) target(%arg8 : memref<80x125xi32, #tpu.memory_space<vmem>>) target_semaphore(%run_scoped3A : memref<!tpu.dma_semaphore, #tpu.memory_space<semaphore_mem>>)
      %dma_wait3A = arith.constant 0 : i32
      %dma_wait3A_87 = arith.constant 0 : i32
      %dma_wait3A_88 = tpu.memref_slice %arg3[%add3A, %dma_wait3A, %dma_wait3A_87] : memref<32x80x125xi32, #tpu.memory_space<hbm>> -> memref<1x80x125xi32, #tpu.memory_space<hbm>>
      %dma_wait3A_89 = tpu.memref_squeeze %dma_wait3A_88 : memref<1x80x125xi32, #tpu.memory_space<hbm>> -> memref<80x125xi32, #tpu.memory_space<hbm>>
      %dma_wait3A_90 = arith.constant 0 : i32
      %dma_wait3A_91 = arith.constant 0 : i32
      %dma_wait3A_92 = tpu.memref_slice %arg3[%add3A, %dma_wait3A_90, %dma_wait3A_91] : memref<32x80x125xi32, #tpu.memory_space<hbm>> -> memref<1x80x125xi32, #tpu.memory_space<hbm>>
      %dma_wait3A_93 = tpu.memref_squeeze %dma_wait3A_92 : memref<1x80x125xi32, #tpu.memory_space<hbm>> -> memref<80x125xi32, #tpu.memory_space<hbm>>
      tpu.wait_dma2 semaphore(%run_scoped3A : memref<!tpu.dma_semaphore, #tpu.memory_space<semaphore_mem>>) src(%dma_wait3A_93 : memref<80x125xi32, #tpu.memory_space<hbm>>) dst(%arg8 : memref<80x125xi32, #tpu.memory_space<vmem>>)
      tpu.yield
    }) : () -> ()
    "tpu.region"() ({
      %run_scoped3A = tpu.sem_alloc : memref<!tpu.dma_semaphore, #tpu.memory_space<semaphore_mem>>
      %dma_start3A = arith.constant 0 : i32
      %dma_start3A_80 = arith.constant 0 : i32
      %dma_start3A_81 = tpu.memref_slice %arg4[%add3A, %dma_start3A, %dma_start3A_80] : memref<32x80x125xi32, #tpu.memory_space<hbm>> -> memref<1x80x125xi32, #tpu.memory_space<hbm>>
      %dma_start3A_82 = tpu.memref_squeeze %dma_start3A_81 : memref<1x80x125xi32, #tpu.memory_space<hbm>> -> memref<80x125xi32, #tpu.memory_space<hbm>>
      %dma_start3A_83 = arith.constant 0 : i32
      %dma_start3A_84 = arith.constant 0 : i32
      %dma_start3A_85 = tpu.memref_slice %arg4[%add3A, %dma_start3A_83, %dma_start3A_84] : memref<32x80x125xi32, #tpu.memory_space<hbm>> -> memref<1x80x125xi32, #tpu.memory_space<hbm>>
      %dma_start3A_86 = tpu.memref_squeeze %dma_start3A_85 : memref<1x80x125xi32, #tpu.memory_space<hbm>> -> memref<80x125xi32, #tpu.memory_space<hbm>>
      tpu.enqueue_dma source(%dma_start3A_86 : memref<80x125xi32, #tpu.memory_space<hbm>>) target(%arg9 : memref<80x125xi32, #tpu.memory_space<vmem>>) target_semaphore(%run_scoped3A : memref<!tpu.dma_semaphore, #tpu.memory_space<semaphore_mem>>)
      %dma_wait3A = arith.constant 0 : i32
      %dma_wait3A_87 = arith.constant 0 : i32
      %dma_wait3A_88 = tpu.memref_slice %arg4[%add3A, %dma_wait3A, %dma_wait3A_87] : memref<32x80x125xi32, #tpu.memory_space<hbm>> -> memref<1x80x125xi32, #tpu.memory_space<hbm>>
      %dma_wait3A_89 = tpu.memref_squeeze %dma_wait3A_88 : memref<1x80x125xi32, #tpu.memory_space<hbm>> -> memref<80x125xi32, #tpu.memory_space<hbm>>
      %dma_wait3A_90 = arith.constant 0 : i32
      %dma_wait3A_91 = arith.constant 0 : i32
      %dma_wait3A_92 = tpu.memref_slice %arg4[%add3A, %dma_wait3A_90, %dma_wait3A_91] : memref<32x80x125xi32, #tpu.memory_space<hbm>> -> memref<1x80x125xi32, #tpu.memory_space<hbm>>
      %dma_wait3A_93 = tpu.memref_squeeze %dma_wait3A_92 : memref<1x80x125xi32, #tpu.memory_space<hbm>> -> memref<80x125xi32, #tpu.memory_space<hbm>>
      tpu.wait_dma2 semaphore(%run_scoped3A : memref<!tpu.dma_semaphore, #tpu.memory_space<semaphore_mem>>) src(%dma_wait3A_93 : memref<80x125xi32, #tpu.memory_space<hbm>>) dst(%arg9 : memref<80x125xi32, #tpu.memory_space<vmem>>)
      tpu.yield
    }) : () -> ()
    %scan3A = arith.constant 0 : i32
    %scan3A_60 = arith.constant 80 : i32
    %scan3A_61 = arith.addi %scan3A, %scan3A_60 : i32
    %scan3A_62 = arith.constant 1 : i32
    scf.for %scan3A_80 = %scan3A to %scan3A_61 step %scan3A_62  : i32 {
      %mul3A_81 = arith.constant 1 : i32
      %mul3A_82 = arith.muli %scan3A_80, %mul3A_81 : i32
      %add3A_83 = arith.constant 0 : i32
      %add3A_84 = arith.addi %add3A_83, %mul3A_82 : i32
      "tpu.region"() ({
        %run_scoped3A = tpu.sem_alloc : memref<!tpu.dma_semaphore, #tpu.memory_space<semaphore_mem>>
        %dma_start3A = arith.constant 0 : i32
        %dma_start3A_85 = tpu.memref_slice %arg8[%add3A_84, %dma_start3A] : memref<80x125xi32, #tpu.memory_space<vmem>> -> memref<1x125xi32, #tpu.memory_space<vmem>>
        %dma_start3A_86 = tpu.memref_squeeze %dma_start3A_85 : memref<1x125xi32, #tpu.memory_space<vmem>> -> memref<125xi32, #tpu.memory_space<vmem>>
        %dma_start3A_87 = arith.constant 0 : i32
        %dma_start3A_88 = arith.constant 0 : i32
        %dma_start3A_89 = tpu.memref_slice %arg2[%dma_start3A_87, %dma_start3A_88] : memref<10000x128xf32, #tpu.memory_space<hbm>> -> memref<10000x128xf32, #tpu.memory_space<hbm>>
        tpu.enqueue_indirect_dma source(%dma_start3A_89 : memref<10000x128xf32, #tpu.memory_space<hbm>>) target(%arg10 : memref<125x128xf32, #tpu.memory_space<vmem>>) offsets(%dma_start3A_86 : memref<125xi32, #tpu.memory_space<vmem>>) semaphore(%run_scoped3A : memref<!tpu.dma_semaphore, #tpu.memory_space<semaphore_mem>>)
        %dma_wait3A = arith.constant 0 : i32
        %dma_wait3A_90 = tpu.memref_slice %arg8[%add3A_84, %dma_wait3A] : memref<80x125xi32, #tpu.memory_space<vmem>> -> memref<1x125xi32, #tpu.memory_space<vmem>>
        %dma_wait3A_91 = tpu.memref_squeeze %dma_wait3A_90 : memref<1x125xi32, #tpu.memory_space<vmem>> -> memref<125xi32, #tpu.memory_space<vmem>>
        %dma_wait3A_92 = arith.constant 0 : i32
        %dma_wait3A_93 = arith.constant 0 : i32
        %dma_wait3A_94 = tpu.memref_slice %arg2[%dma_wait3A_92, %dma_wait3A_93] : memref<10000x128xf32, #tpu.memory_space<hbm>> -> memref<10000x128xf32, #tpu.memory_space<hbm>>
        tpu.wait_indirect_dma semaphore(%run_scoped3A : memref<!tpu.dma_semaphore, #tpu.memory_space<semaphore_mem>>) src(%dma_wait3A_94 : memref<10000x128xf32, #tpu.memory_space<hbm>>) dst(%arg10 : memref<125x128xf32, #tpu.memory_space<vmem>>)
        tpu.yield
      }) : () -> ()
      "tpu.region"() ({
        %run_scoped3A = tpu.sem_alloc : memref<!tpu.dma_semaphore, #tpu.memory_space<semaphore_mem>>
        %dma_start3A = arith.constant 0 : i32
        %dma_start3A_85 = tpu.memref_slice %arg9[%add3A_84, %dma_start3A] : memref<80x125xi32, #tpu.memory_space<vmem>> -> memref<1x125xi32, #tpu.memory_space<vmem>>
        %dma_start3A_86 = tpu.memref_squeeze %dma_start3A_85 : memref<1x125xi32, #tpu.memory_space<vmem>> -> memref<125xi32, #tpu.memory_space<vmem>>
        %dma_start3A_87 = arith.constant 0 : i32
        %dma_start3A_88 = arith.constant 0 : i32
        %dma_start3A_89 = tpu.memref_slice %arg13[%dma_start3A_87, %dma_start3A_88] : memref<10000x128xf32, #tpu.memory_space<vmem_shared>> -> memref<10000x128xf32, #tpu.memory_space<vmem_shared>>
        tpu.enqueue_indirect_dma source(%arg10 : memref<125x128xf32, #tpu.memory_space<vmem>>) target(%dma_start3A_89 : memref<10000x128xf32, #tpu.memory_space<vmem_shared>>) offsets(%dma_start3A_86 : memref<125xi32, #tpu.memory_space<vmem>>) semaphore(%run_scoped3A : memref<!tpu.dma_semaphore, #tpu.memory_space<semaphore_mem>>) {add = true}
        %dma_wait3A = arith.constant 0 : i32
        %dma_wait3A_90 = tpu.memref_slice %arg9[%add3A_84, %dma_wait3A] : memref<80x125xi32, #tpu.memory_space<vmem>> -> memref<1x125xi32, #tpu.memory_space<vmem>>
        %dma_wait3A_91 = tpu.memref_squeeze %dma_wait3A_90 : memref<1x125xi32, #tpu.memory_space<vmem>> -> memref<125xi32, #tpu.memory_space<vmem>>
        %dma_wait3A_92 = arith.constant 0 : i32
        %dma_wait3A_93 = arith.constant 0 : i32
        %dma_wait3A_94 = tpu.memref_slice %arg13[%dma_wait3A_92, %dma_wait3A_93] : memref<10000x128xf32, #tpu.memory_space<vmem_shared>> -> memref<10000x128xf32, #tpu.memory_space<vmem_shared>>
        tpu.wait_indirect_dma semaphore(%run_scoped3A : memref<!tpu.dma_semaphore, #tpu.memory_space<semaphore_mem>>) src(%arg10 : memref<125x128xf32, #tpu.memory_space<vmem>>) dst(%dma_wait3A_94 : memref<10000x128xf32, #tpu.memory_space<vmem_shared>>)
        tpu.yield
      }) : () -> ()
      "tpu.region"() ({
        %run_scoped3A = tpu.sem_alloc : memref<!tpu.dma_semaphore, #tpu.memory_space<semaphore_mem>>
        %dma_start3A = arith.constant 0 : i32
        %dma_start3A_85 = tpu.memref_slice %arg11[%dma_start3A] : memref<128xf32, #tpu.memory_space<vmem>> -> memref<125xf32, #tpu.memory_space<vmem>>
        %dma_start3A_86 = arith.constant 0 : i32
        %dma_start3A_87 = tpu.memref_slice %arg9[%add3A_84, %dma_start3A_86] : memref<80x125xi32, #tpu.memory_space<vmem>> -> memref<1x125xi32, #tpu.memory_space<vmem>>
        %dma_start3A_88 = tpu.memref_squeeze %dma_start3A_87 : memref<1x125xi32, #tpu.memory_space<vmem>> -> memref<125xi32, #tpu.memory_space<vmem>>
        %dma_start3A_89 = arith.constant 0 : i32
        %dma_start3A_90 = tpu.memref_slice %arg14[%dma_start3A_89] : memref<10000xf32, #tpu.memory_space<vmem_shared>> -> memref<10000xf32, #tpu.memory_space<vmem_shared>>
        tpu.enqueue_indirect_dma source(%dma_start3A_85 : memref<125xf32, #tpu.memory_space<vmem>>) target(%dma_start3A_90 : memref<10000xf32, #tpu.memory_space<vmem_shared>>) offsets(%dma_start3A_88 : memref<125xi32, #tpu.memory_space<vmem>>) semaphore(%run_scoped3A : memref<!tpu.dma_semaphore, #tpu.memory_space<semaphore_mem>>) {add = true}
        %dma_wait3A = arith.constant 0 : i32
        %dma_wait3A_91 = tpu.memref_slice %arg11[%dma_wait3A] : memref<128xf32, #tpu.memory_space<vmem>> -> memref<125xf32, #tpu.memory_space<vmem>>
        %dma_wait3A_92 = arith.constant 0 : i32
        %dma_wait3A_93 = tpu.memref_slice %arg9[%add3A_84, %dma_wait3A_92] : memref<80x125xi32, #tpu.memory_space<vmem>> -> memref<1x125xi32, #tpu.memory_space<vmem>>
        %dma_wait3A_94 = tpu.memref_squeeze %dma_wait3A_93 : memref<1x125xi32, #tpu.memory_space<vmem>> -> memref<125xi32, #tpu.memory_space<vmem>>
        %dma_wait3A_95 = arith.constant 0 : i32
        %dma_wait3A_96 = tpu.memref_slice %arg14[%dma_wait3A_95] : memref<10000xf32, #tpu.memory_space<vmem_shared>> -> memref<10000xf32, #tpu.memory_space<vmem_shared>>
        tpu.wait_indirect_dma semaphore(%run_scoped3A : memref<!tpu.dma_semaphore, #tpu.memory_space<semaphore_mem>>) src(%dma_wait3A_91 : memref<125xf32, #tpu.memory_space<vmem>>) dst(%dma_wait3A_96 : memref<10000xf32, #tpu.memory_space<vmem_shared>>)
        tpu.yield
      }) : () -> ()
    }
    %scan3A_63 = arith.constant 80 : i32
    %barrier3A_64 = arith.constant 0 : index
    tpu.barrier barrier_id(%barrier3A_64)
    %lt3A_65 = arith.constant 15 : i32
    %lt3A_66 = arith.cmpi slt, %arg1, %lt3A_65 : i32
    %convert_element_type3A_67 = arith.extui %lt3A_66 : i1 to i32
    %cond3A_68 = arith.constant 0 : i32
    %cond3A_69 = arith.cmpi ne, %convert_element_type3A_67, %cond3A_68 : i32
    scf.if %cond3A_69 {
      "tpu.region"() ({
        %run_scoped3A = tpu.sem_alloc : memref<!tpu.dma_semaphore, #tpu.memory_space<semaphore_mem>>
        %dma_start3A = arith.constant 0 : i32
        %dma_start3A_80 = tpu.memref_slice %arg6[%arg0, %mul3A_2, %dma_start3A] : memref<2x10000x128xf32, #tpu.memory_space<hbm>> -> memref<1x632x128xf32, #tpu.memory_space<hbm>>
        %dma_start3A_81 = tpu.memref_squeeze %dma_start3A_80 : memref<1x632x128xf32, #tpu.memory_space<hbm>> -> memref<632x128xf32, #tpu.memory_space<hbm>>
        %dma_start3A_82 = arith.constant 0 : i32
        %dma_start3A_83 = tpu.memref_slice %arg13[%mul3A_2, %dma_start3A_82] : memref<10000x128xf32, #tpu.memory_space<vmem_shared>> -> memref<632x128xf32, #tpu.memory_space<vmem_shared>>
        tpu.enqueue_dma source(%dma_start3A_83 : memref<632x128xf32, #tpu.memory_space<vmem_shared>>) target(%dma_start3A_81 : memref<632x128xf32, #tpu.memory_space<hbm>>) target_semaphore(%run_scoped3A : memref<!tpu.dma_semaphore, #tpu.memory_space<semaphore_mem>>)
        %dma_wait3A = arith.constant 0 : i32
        %dma_wait3A_84 = tpu.memref_slice %arg6[%arg0, %mul3A_2, %dma_wait3A] : memref<2x10000x128xf32, #tpu.memory_space<hbm>> -> memref<1x632x128xf32, #tpu.memory_space<hbm>>
        %dma_wait3A_85 = tpu.memref_squeeze %dma_wait3A_84 : memref<1x632x128xf32, #tpu.memory_space<hbm>> -> memref<632x128xf32, #tpu.memory_space<hbm>>
        %dma_wait3A_86 = arith.constant 0 : i32
        %dma_wait3A_87 = tpu.memref_slice %arg13[%mul3A_2, %dma_wait3A_86] : memref<10000x128xf32, #tpu.memory_space<vmem_shared>> -> memref<632x128xf32, #tpu.memory_space<vmem_shared>>
        tpu.wait_dma2 semaphore(%run_scoped3A : memref<!tpu.dma_semaphore, #tpu.memory_space<semaphore_mem>>) src(%dma_wait3A_87 : memref<632x128xf32, #tpu.memory_space<vmem_shared>>) dst(%dma_wait3A_85 : memref<632x128xf32, #tpu.memory_space<hbm>>)
        tpu.yield
      }) : () -> ()
    } else {
    }
    %eq3A_70 = arith.constant 15 : i32
    %eq3A_71 = arith.cmpi eq, %arg1, %eq3A_70 : i32
    %convert_element_type3A_72 = arith.extui %eq3A_71 : i1 to i32
    %cond3A_73 = arith.constant 0 : i32
    %cond3A_74 = arith.cmpi ne, %convert_element_type3A_72, %cond3A_73 : i32
    scf.if %cond3A_74 {
      "tpu.region"() ({
        %run_scoped3A = tpu.sem_alloc : memref<!tpu.dma_semaphore, #tpu.memory_space<semaphore_mem>>
        %dma_start3A = arith.constant 0 : i32
        %dma_start3A_80 = tpu.memref_slice %arg6[%arg0, %mul3A_2, %dma_start3A] : memref<2x10000x128xf32, #tpu.memory_space<hbm>> -> memref<1x520x128xf32, #tpu.memory_space<hbm>>
        %dma_start3A_81 = tpu.memref_squeeze %dma_start3A_80 : memref<1x520x128xf32, #tpu.memory_space<hbm>> -> memref<520x128xf32, #tpu.memory_space<hbm>>
        %dma_start3A_82 = arith.constant 0 : i32
        %dma_start3A_83 = tpu.memref_slice %arg13[%mul3A_2, %dma_start3A_82] : memref<10000x128xf32, #tpu.memory_space<vmem_shared>> -> memref<520x128xf32, #tpu.memory_space<vmem_shared>>
        tpu.enqueue_dma source(%dma_start3A_83 : memref<520x128xf32, #tpu.memory_space<vmem_shared>>) target(%dma_start3A_81 : memref<520x128xf32, #tpu.memory_space<hbm>>) target_semaphore(%run_scoped3A : memref<!tpu.dma_semaphore, #tpu.memory_space<semaphore_mem>>)
        %dma_wait3A = arith.constant 0 : i32
        %dma_wait3A_84 = tpu.memref_slice %arg6[%arg0, %mul3A_2, %dma_wait3A] : memref<2x10000x128xf32, #tpu.memory_space<hbm>> -> memref<1x520x128xf32, #tpu.memory_space<hbm>>
        %dma_wait3A_85 = tpu.memref_squeeze %dma_wait3A_84 : memref<1x520x128xf32, #tpu.memory_space<hbm>> -> memref<520x128xf32, #tpu.memory_space<hbm>>
        %dma_wait3A_86 = arith.constant 0 : i32
        %dma_wait3A_87 = tpu.memref_slice %arg13[%mul3A_2, %dma_wait3A_86] : memref<10000x128xf32, #tpu.memory_space<vmem_shared>> -> memref<520x128xf32, #tpu.memory_space<vmem_shared>>
        tpu.wait_dma2 semaphore(%run_scoped3A : memref<!tpu.dma_semaphore, #tpu.memory_space<semaphore_mem>>) src(%dma_wait3A_87 : memref<520x128xf32, #tpu.memory_space<vmem_shared>>) dst(%dma_wait3A_85 : memref<520x128xf32, #tpu.memory_space<hbm>>)
        tpu.yield
      }) : () -> ()
    } else {
    }
    %eq3A_75 = arith.constant 0 : i32
    %eq3A_76 = arith.cmpi eq, %arg1, %eq3A_75 : i32
    %convert_element_type3A_77 = arith.extui %eq3A_76 : i1 to i32
    %cond3A_78 = arith.constant 0 : i32
    %cond3A_79 = arith.cmpi ne, %convert_element_type3A_77, %cond3A_78 : i32
    scf.if %cond3A_79 {
      "tpu.region"() ({
        %run_scoped3A = tpu.sem_alloc : memref<!tpu.dma_semaphore, #tpu.memory_space<semaphore_mem>>
        %dma_start3A = arith.constant 0 : i32
        %dma_start3A_80 = tpu.memref_slice %arg7[%arg0, %dma_start3A] : memref<2x10000xf32, #tpu.memory_space<hbm>> -> memref<1x10000xf32, #tpu.memory_space<hbm>>
        %dma_start3A_81 = tpu.memref_squeeze %dma_start3A_80 : memref<1x10000xf32, #tpu.memory_space<hbm>> -> memref<10000xf32, #tpu.memory_space<hbm>>
        tpu.enqueue_dma source(%arg14 : memref<10000xf32, #tpu.memory_space<vmem_shared>>) target(%dma_start3A_81 : memref<10000xf32, #tpu.memory_space<hbm>>) target_semaphore(%run_scoped3A : memref<!tpu.dma_semaphore, #tpu.memory_space<semaphore_mem>>)
        %dma_wait3A = arith.constant 0 : i32
        %dma_wait3A_82 = tpu.memref_slice %arg7[%arg0, %dma_wait3A] : memref<2x10000xf32, #tpu.memory_space<hbm>> -> memref<1x10000xf32, #tpu.memory_space<hbm>>
        %dma_wait3A_83 = tpu.memref_squeeze %dma_wait3A_82 : memref<1x10000xf32, #tpu.memory_space<hbm>> -> memref<10000xf32, #tpu.memory_space<hbm>>
        tpu.wait_dma2 semaphore(%run_scoped3A : memref<!tpu.dma_semaphore, #tpu.memory_space<semaphore_mem>>) src(%arg14 : memref<10000xf32, #tpu.memory_space<vmem_shared>>) dst(%dma_wait3A_83 : memref<10000xf32, #tpu.memory_space<hbm>>)
        tpu.yield
      }) : () -> ()
    } else {
    }
    return
  }
}

#map = affine_map<(d0, d1) -> (0, 0)>
#map1 = affine_map<(d0, d1) -> (0)>
#map2 = affine_map<(d0, d1) -> (0, 0, 0)>
module attributes {stable_mosaic.version = 14 : i64} {
  func.func @_seg_max_body(%arg0: i32, %arg1: i32, %arg2: memref<10000x128xf32, #tpu.memory_space<hbm>>, %arg3: memref<320000xi32, #tpu.memory_space<hbm>>, %arg4: memref<320000xi32, #tpu.memory_space<hbm>>, %arg5: memref<10000x128xf32, #tpu.memory_space<hbm>>, %arg6: memref<2x10000x128xf32, #tpu.memory_space<hbm>>, %arg7: memref<2000xi32, #tpu.memory_space<vmem>>, %arg8: memref<2000xi32, #tpu.memory_space<vmem>>, %arg9: memref<2256xi32, #tpu.memory_space<vmem>>, %arg10: memref<2256xi32, #tpu.memory_space<vmem>>, %arg11: memref<1x128xi32, #tpu.memory_space<vmem>>, %arg12: memref<128x128xf32, #tpu.memory_space<vmem>>, %arg13: memref<640x128xf32, #tpu.memory_space<vmem>>) attributes {dimension_semantics = [#tpu.dimension_semantics<core_parallel>, #tpu.dimension_semantics<subcore_parallel>], iteration_bounds = array<i64: 2, 16>, scalar_prefetch = 0 : i64, scratch_operands = 7 : i64, tpu.core_type = #tpu.core_type<sc_vector_subcore>, window_params = [{transform_indices = #map}, {transform_indices = #map1}, {transform_indices = #map1}, {transform_indices = #map}, {transform_indices = #map2}]} {
    %mul3A = arith.constant 632 : i32
    %mul3A_0 = arith.muli %arg1, %mul3A : i32
    %lt3A = arith.constant 15 : i32
    %lt3A_1 = arith.cmpi slt, %arg1, %lt3A : i32
    %jit3A = arith.constant 632 : i32
    %jit3A_2 = arith.constant 520 : i32
    %select_n3A = arith.select %lt3A_1, %jit3A, %jit3A_2 : i32
    %lt3A_3 = arith.constant 15 : i32
    %lt3A_4 = arith.cmpi slt, %arg1, %lt3A_3 : i32
    %convert_element_type3A = arith.extui %lt3A_4 : i1 to i32
    %cond3A = arith.constant 0 : i32
    %cond3A_5 = arith.cmpi ne, %convert_element_type3A, %cond3A : i32
    scf.if %cond3A_5 {
      "tpu.region"() ({
        %run_scoped3A = tpu.sem_alloc : memref<!tpu.dma_semaphore, #tpu.memory_space<semaphore_mem>>
        %dma_start3A = arith.constant 0 : i32
        %dma_start3A_31 = arith.constant 0 : i32
        %dma_start3A_32 = tpu.memref_slice %arg13[%dma_start3A, %dma_start3A_31] : memref<640x128xf32, #tpu.memory_space<vmem>> -> memref<632x128xf32, #tpu.memory_space<vmem>>
        %dma_start3A_33 = arith.constant 0 : i32
        %dma_start3A_34 = tpu.memref_slice %arg5[%mul3A_0, %dma_start3A_33] : memref<10000x128xf32, #tpu.memory_space<hbm>> -> memref<632x128xf32, #tpu.memory_space<hbm>>
        %dma_start3A_35 = arith.constant 0 : i32
        %dma_start3A_36 = arith.constant 0 : i32
        %dma_start3A_37 = tpu.memref_slice %arg13[%dma_start3A_35, %dma_start3A_36] : memref<640x128xf32, #tpu.memory_space<vmem>> -> memref<632x128xf32, #tpu.memory_space<vmem>>
        %dma_start3A_38 = arith.constant 0 : i32
        %dma_start3A_39 = tpu.memref_slice %arg5[%mul3A_0, %dma_start3A_38] : memref<10000x128xf32, #tpu.memory_space<hbm>> -> memref<632x128xf32, #tpu.memory_space<hbm>>
        tpu.enqueue_dma source(%dma_start3A_39 : memref<632x128xf32, #tpu.memory_space<hbm>>) target(%dma_start3A_37 : memref<632x128xf32, #tpu.memory_space<vmem>>) target_semaphore(%run_scoped3A : memref<!tpu.dma_semaphore, #tpu.memory_space<semaphore_mem>>)
        %dma_wait3A = arith.constant 0 : i32
        %dma_wait3A_40 = arith.constant 0 : i32
        %dma_wait3A_41 = tpu.memref_slice %arg13[%dma_wait3A, %dma_wait3A_40] : memref<640x128xf32, #tpu.memory_space<vmem>> -> memref<632x128xf32, #tpu.memory_space<vmem>>
        %dma_wait3A_42 = arith.constant 0 : i32
        %dma_wait3A_43 = tpu.memref_slice %arg5[%mul3A_0, %dma_wait3A_42] : memref<10000x128xf32, #tpu.memory_space<hbm>> -> memref<632x128xf32, #tpu.memory_space<hbm>>
        %dma_wait3A_44 = arith.constant 0 : i32
        %dma_wait3A_45 = arith.constant 0 : i32
        %dma_wait3A_46 = tpu.memref_slice %arg13[%dma_wait3A_44, %dma_wait3A_45] : memref<640x128xf32, #tpu.memory_space<vmem>> -> memref<632x128xf32, #tpu.memory_space<vmem>>
        %dma_wait3A_47 = arith.constant 0 : i32
        %dma_wait3A_48 = tpu.memref_slice %arg5[%mul3A_0, %dma_wait3A_47] : memref<10000x128xf32, #tpu.memory_space<hbm>> -> memref<632x128xf32, #tpu.memory_space<hbm>>
        tpu.wait_dma2 semaphore(%run_scoped3A : memref<!tpu.dma_semaphore, #tpu.memory_space<semaphore_mem>>) src(%dma_wait3A_48 : memref<632x128xf32, #tpu.memory_space<hbm>>) dst(%dma_wait3A_46 : memref<632x128xf32, #tpu.memory_space<vmem>>)
        tpu.yield
      }) : () -> ()
    } else {
    }
    %eq3A = arith.constant 15 : i32
    %eq3A_6 = arith.cmpi eq, %arg1, %eq3A : i32
    %convert_element_type3A_7 = arith.extui %eq3A_6 : i1 to i32
    %cond3A_8 = arith.constant 0 : i32
    %cond3A_9 = arith.cmpi ne, %convert_element_type3A_7, %cond3A_8 : i32
    scf.if %cond3A_9 {
      "tpu.region"() ({
        %run_scoped3A = tpu.sem_alloc : memref<!tpu.dma_semaphore, #tpu.memory_space<semaphore_mem>>
        %dma_start3A = arith.constant 0 : i32
        %dma_start3A_31 = arith.constant 0 : i32
        %dma_start3A_32 = tpu.memref_slice %arg13[%dma_start3A, %dma_start3A_31] : memref<640x128xf32, #tpu.memory_space<vmem>> -> memref<520x128xf32, #tpu.memory_space<vmem>>
        %dma_start3A_33 = arith.constant 0 : i32
        %dma_start3A_34 = tpu.memref_slice %arg5[%mul3A_0, %dma_start3A_33] : memref<10000x128xf32, #tpu.memory_space<hbm>> -> memref<520x128xf32, #tpu.memory_space<hbm>>
        %dma_start3A_35 = arith.constant 0 : i32
        %dma_start3A_36 = arith.constant 0 : i32
        %dma_start3A_37 = tpu.memref_slice %arg13[%dma_start3A_35, %dma_start3A_36] : memref<640x128xf32, #tpu.memory_space<vmem>> -> memref<520x128xf32, #tpu.memory_space<vmem>>
        %dma_start3A_38 = arith.constant 0 : i32
        %dma_start3A_39 = tpu.memref_slice %arg5[%mul3A_0, %dma_start3A_38] : memref<10000x128xf32, #tpu.memory_space<hbm>> -> memref<520x128xf32, #tpu.memory_space<hbm>>
        tpu.enqueue_dma source(%dma_start3A_39 : memref<520x128xf32, #tpu.memory_space<hbm>>) target(%dma_start3A_37 : memref<520x128xf32, #tpu.memory_space<vmem>>) target_semaphore(%run_scoped3A : memref<!tpu.dma_semaphore, #tpu.memory_space<semaphore_mem>>)
        %dma_wait3A = arith.constant 0 : i32
        %dma_wait3A_40 = arith.constant 0 : i32
        %dma_wait3A_41 = tpu.memref_slice %arg13[%dma_wait3A, %dma_wait3A_40] : memref<640x128xf32, #tpu.memory_space<vmem>> -> memref<520x128xf32, #tpu.memory_space<vmem>>
        %dma_wait3A_42 = arith.constant 0 : i32
        %dma_wait3A_43 = tpu.memref_slice %arg5[%mul3A_0, %dma_wait3A_42] : memref<10000x128xf32, #tpu.memory_space<hbm>> -> memref<520x128xf32, #tpu.memory_space<hbm>>
        %dma_wait3A_44 = arith.constant 0 : i32
        %dma_wait3A_45 = arith.constant 0 : i32
        %dma_wait3A_46 = tpu.memref_slice %arg13[%dma_wait3A_44, %dma_wait3A_45] : memref<640x128xf32, #tpu.memory_space<vmem>> -> memref<520x128xf32, #tpu.memory_space<vmem>>
        %dma_wait3A_47 = arith.constant 0 : i32
        %dma_wait3A_48 = tpu.memref_slice %arg5[%mul3A_0, %dma_wait3A_47] : memref<10000x128xf32, #tpu.memory_space<hbm>> -> memref<520x128xf32, #tpu.memory_space<hbm>>
        tpu.wait_dma2 semaphore(%run_scoped3A : memref<!tpu.dma_semaphore, #tpu.memory_space<semaphore_mem>>) src(%dma_wait3A_48 : memref<520x128xf32, #tpu.memory_space<hbm>>) dst(%dma_wait3A_46 : memref<520x128xf32, #tpu.memory_space<vmem>>)
        tpu.yield
      }) : () -> ()
    } else {
    }
    %mul3A_10 = arith.constant 160000 : i32
    %mul3A_11 = arith.muli %arg0, %mul3A_10 : i32
    %broadcast_in_dim3A = arith.constant 0 : i32
    %broadcast_in_dim3A_12 = vector.broadcast %broadcast_in_dim3A : i32 to vector<16xi32>
    %broadcast_in_dim3A_13 = arith.constant 632 : i32
    %broadcast_in_dim3A_14 = vector.broadcast %broadcast_in_dim3A_13 : i32 to vector<16xi32>
    %broadcast_in_dim3A_15 = arith.constant true
    %broadcast_in_dim3A_16 = vector.broadcast %broadcast_in_dim3A_15 : i1 to vector<16xi1>
    %scan3A = arith.constant 0 : i32
    %scan3A_17 = arith.constant 80 : i32
    %scan3A_18 = arith.addi %scan3A, %scan3A_17 : i32
    %scan3A_19 = arith.constant 1 : i32
    scf.for %scan3A_31 = %scan3A to %scan3A_18 step %scan3A_19  : i32 {
      %mul3A_32 = arith.constant 1 : i32
      %mul3A_33 = arith.muli %scan3A_31, %mul3A_32 : i32
      %add3A = arith.constant 0 : i32
      %add3A_34 = arith.addi %add3A, %mul3A_33 : i32
      %mul3A_35 = arith.constant 2000 : i32
      %mul3A_36 = arith.muli %add3A_34, %mul3A_35 : i32
      %add3A_37 = arith.addi %mul3A_11, %mul3A_36 : i32
      "tpu.region"() ({
        %run_scoped3A = tpu.sem_alloc : memref<!tpu.dma_semaphore, #tpu.memory_space<semaphore_mem>>
        %dma_start3A = arith.constant 0 : i32
        %dma_start3A_137 = tpu.memref_slice %arg7[%dma_start3A] : memref<2000xi32, #tpu.memory_space<vmem>> -> memref<2000xi32, #tpu.memory_space<vmem>>
        %dma_start3A_138 = tpu.memref_slice %arg3[%add3A_37] : memref<320000xi32, #tpu.memory_space<hbm>> -> memref<2000xi32, #tpu.memory_space<hbm>>
        %dma_start3A_139 = arith.constant 0 : i32
        %dma_start3A_140 = tpu.memref_slice %arg7[%dma_start3A_139] : memref<2000xi32, #tpu.memory_space<vmem>> -> memref<2000xi32, #tpu.memory_space<vmem>>
        %dma_start3A_141 = tpu.memref_slice %arg3[%add3A_37] : memref<320000xi32, #tpu.memory_space<hbm>> -> memref<2000xi32, #tpu.memory_space<hbm>>
        tpu.enqueue_dma source(%dma_start3A_141 : memref<2000xi32, #tpu.memory_space<hbm>>) target(%dma_start3A_140 : memref<2000xi32, #tpu.memory_space<vmem>>) target_semaphore(%run_scoped3A : memref<!tpu.dma_semaphore, #tpu.memory_space<semaphore_mem>>)
        %dma_wait3A = arith.constant 0 : i32
        %dma_wait3A_142 = tpu.memref_slice %arg7[%dma_wait3A] : memref<2000xi32, #tpu.memory_space<vmem>> -> memref<2000xi32, #tpu.memory_space<vmem>>
        %dma_wait3A_143 = tpu.memref_slice %arg3[%add3A_37] : memref<320000xi32, #tpu.memory_space<hbm>> -> memref<2000xi32, #tpu.memory_space<hbm>>
        %dma_wait3A_144 = arith.constant 0 : i32
        %dma_wait3A_145 = tpu.memref_slice %arg7[%dma_wait3A_144] : memref<2000xi32, #tpu.memory_space<vmem>> -> memref<2000xi32, #tpu.memory_space<vmem>>
        %dma_wait3A_146 = tpu.memref_slice %arg3[%add3A_37] : memref<320000xi32, #tpu.memory_space<hbm>> -> memref<2000xi32, #tpu.memory_space<hbm>>
        tpu.wait_dma2 semaphore(%run_scoped3A : memref<!tpu.dma_semaphore, #tpu.memory_space<semaphore_mem>>) src(%dma_wait3A_146 : memref<2000xi32, #tpu.memory_space<hbm>>) dst(%dma_wait3A_145 : memref<2000xi32, #tpu.memory_space<vmem>>)
        tpu.yield
      }) : () -> ()
      "tpu.region"() ({
        %run_scoped3A = tpu.sem_alloc : memref<!tpu.dma_semaphore, #tpu.memory_space<semaphore_mem>>
        %dma_start3A = arith.constant 0 : i32
        %dma_start3A_137 = tpu.memref_slice %arg8[%dma_start3A] : memref<2000xi32, #tpu.memory_space<vmem>> -> memref<2000xi32, #tpu.memory_space<vmem>>
        %dma_start3A_138 = tpu.memref_slice %arg4[%add3A_37] : memref<320000xi32, #tpu.memory_space<hbm>> -> memref<2000xi32, #tpu.memory_space<hbm>>
        %dma_start3A_139 = arith.constant 0 : i32
        %dma_start3A_140 = tpu.memref_slice %arg8[%dma_start3A_139] : memref<2000xi32, #tpu.memory_space<vmem>> -> memref<2000xi32, #tpu.memory_space<vmem>>
        %dma_start3A_141 = tpu.memref_slice %arg4[%add3A_37] : memref<320000xi32, #tpu.memory_space<hbm>> -> memref<2000xi32, #tpu.memory_space<hbm>>
        tpu.enqueue_dma source(%dma_start3A_141 : memref<2000xi32, #tpu.memory_space<hbm>>) target(%dma_start3A_140 : memref<2000xi32, #tpu.memory_space<vmem>>) target_semaphore(%run_scoped3A : memref<!tpu.dma_semaphore, #tpu.memory_space<semaphore_mem>>)
        %dma_wait3A = arith.constant 0 : i32
        %dma_wait3A_142 = tpu.memref_slice %arg8[%dma_wait3A] : memref<2000xi32, #tpu.memory_space<vmem>> -> memref<2000xi32, #tpu.memory_space<vmem>>
        %dma_wait3A_143 = tpu.memref_slice %arg4[%add3A_37] : memref<320000xi32, #tpu.memory_space<hbm>> -> memref<2000xi32, #tpu.memory_space<hbm>>
        %dma_wait3A_144 = arith.constant 0 : i32
        %dma_wait3A_145 = tpu.memref_slice %arg8[%dma_wait3A_144] : memref<2000xi32, #tpu.memory_space<vmem>> -> memref<2000xi32, #tpu.memory_space<vmem>>
        %dma_wait3A_146 = tpu.memref_slice %arg4[%add3A_37] : memref<320000xi32, #tpu.memory_space<hbm>> -> memref<2000xi32, #tpu.memory_space<hbm>>
        tpu.wait_dma2 semaphore(%run_scoped3A : memref<!tpu.dma_semaphore, #tpu.memory_space<semaphore_mem>>) src(%dma_wait3A_146 : memref<2000xi32, #tpu.memory_space<hbm>>) dst(%dma_wait3A_145 : memref<2000xi32, #tpu.memory_space<vmem>>)
        tpu.yield
      }) : () -> ()
      %scan3A_38 = arith.constant 0 : i32
      %scan3A_39 = arith.constant 0 : i32
      %scan3A_40 = arith.constant 125 : i32
      %scan3A_41 = arith.addi %scan3A_39, %scan3A_40 : i32
      %scan3A_42 = arith.constant 1 : i32
      %scan3A_43 = scf.for %scan3A_137 = %scan3A_39 to %scan3A_41 step %scan3A_42 iter_args(%scan3A_138 = %scan3A_38) -> (i32)  : i32 {
        %mul3A_139 = arith.constant 16 : i32
        %mul3A_140 = arith.muli %scan3A_137, %mul3A_139 : i32
        %get3A = arith.index_cast %mul3A_140 : i32 to index
        %get3A_141 = tpu.vector_load %arg8[%get3A] {strides = array<i32>} : memref<2000xi32, #tpu.memory_space<vmem>>, vector<16xi32>,
        %sub3A = vector.broadcast %mul3A_0 : i32 to vector<16xi32>
        %sub3A_142 = arith.subi %get3A_141, %sub3A : vector<16xi32>
        %ge3A = vector.broadcast %mul3A_0 : i32 to vector<16xi32>
        %ge3A_143 = arith.cmpi sge, %get3A_141, %ge3A : vector<16xi32>
        %lt3A_144 = vector.broadcast %select_n3A : i32 to vector<16xi32>
        %lt3A_145 = arith.cmpi slt, %sub3A_142, %lt3A_144 : vector<16xi32>
        %and3A = arith.andi %ge3A_143, %lt3A_145 : vector<16xi1>
        %mul3A_146 = arith.constant 16 : i32
        %mul3A_147 = arith.muli %scan3A_137, %mul3A_146 : i32
        %get3A_148 = arith.index_cast %mul3A_147 : i32 to index
        %get3A_149 = tpu.vector_load %arg7[%get3A_148] {strides = array<i32>} : memref<2000xi32, #tpu.memory_space<vmem>>, vector<16xi32>,
        %swap3A_150 = arith.index_cast %scan3A_138 : i32 to index
        %swap3A_151 = tpu.vector_load %arg9[%swap3A_150] masked %and3A {strides = array<i32>} : memref<2256xi32, #tpu.memory_space<vmem>>, vector<16xi32>, vector<16xi1>
        tpu.vector_store %arg9[%swap3A_150], %get3A_149 masked %and3A {strides = array<i32>} : memref<2256xi32, #tpu.memory_space<vmem>>, vector<16xi32>, vector<16xi1>
        %swap3A_152 = arith.index_cast %scan3A_138 : i32 to index
        %swap3A_153 = tpu.vector_load %arg10[%swap3A_152] masked %and3A {strides = array<i32>} : memref<2256xi32, #tpu.memory_space<vmem>>, vector<16xi32>, vector<16xi1>
        tpu.vector_store %arg10[%swap3A_152], %sub3A_142 masked %and3A {strides = array<i32>} : memref<2256xi32, #tpu.memory_space<vmem>>, vector<16xi32>, vector<16xi1>
        %all_reduce_population_count3A = tpu.all_reduce %and3A {dim = 0 : i64, kind = #tpu.reduction_kind<sum>} : vector<16xi1> -> vector<16xi32>
        %slice3A = vector.extract_strided_slice %all_reduce_population_count3A {offsets = [0], sizes = [1], strides = [1]} : vector<16xi32> to vector<1xi32>
        %squeeze3A = vector.extract %slice3A[0] : i32 from vector<1xi32>
        %add3A_154 = arith.addi %scan3A_138, %squeeze3A : i32
        scf.yield %add3A_154 : i32
      }
      %scan3A_44 = arith.constant 125 : i32
      %iota3A = tpu.iota {dimensions = array<i32: 0>} : vector<16xi32>
      %add3A_45 = arith.constant 0 : i32
      %add3A_46 = arith.addi %scan3A_43, %add3A_45 : i32
      %add3A_47 = arith.constant 0 : i32
      %add3A_48 = vector.broadcast %add3A_47 : i32 to vector<16xi32>
      %add3A_49 = arith.addi %iota3A, %add3A_48 : vector<16xi32>
      %swap3A = arith.index_cast %add3A_46 : i32 to index
      %swap3A_50 = tpu.vector_load %arg9[%swap3A] masked %broadcast_in_dim3A_16 {strides = array<i32>} : memref<2256xi32, #tpu.memory_space<vmem>>, vector<16xi32>, vector<16xi1>
      tpu.vector_store %arg9[%swap3A], %add3A_49 masked %broadcast_in_dim3A_16 {strides = array<i32>} : memref<2256xi32, #tpu.memory_space<vmem>>, vector<16xi32>, vector<16xi1>
      %add3A_51 = arith.constant 0 : i32
      %add3A_52 = arith.addi %scan3A_43, %add3A_51 : i32
      %swap3A_53 = arith.index_cast %add3A_52 : i32 to index
      %swap3A_54 = tpu.vector_load %arg10[%swap3A_53] masked %broadcast_in_dim3A_16 {strides = array<i32>} : memref<2256xi32, #tpu.memory_space<vmem>>, vector<16xi32>, vector<16xi1>
      tpu.vector_store %arg10[%swap3A_53], %broadcast_in_dim3A_14 masked %broadcast_in_dim3A_16 {strides = array<i32>} : memref<2256xi32, #tpu.memory_space<vmem>>, vector<16xi32>, vector<16xi1>
      %add3A_55 = arith.constant 16 : i32
      %add3A_56 = arith.addi %scan3A_43, %add3A_55 : i32
      %add3A_57 = arith.constant 16 : i32
      %add3A_58 = vector.broadcast %add3A_57 : i32 to vector<16xi32>
      %add3A_59 = arith.addi %iota3A, %add3A_58 : vector<16xi32>
      %swap3A_60 = arith.index_cast %add3A_56 : i32 to index
      %swap3A_61 = tpu.vector_load %arg9[%swap3A_60] masked %broadcast_in_dim3A_16 {strides = array<i32>} : memref<2256xi32, #tpu.memory_space<vmem>>, vector<16xi32>, vector<16xi1>
      tpu.vector_store %arg9[%swap3A_60], %add3A_59 masked %broadcast_in_dim3A_16 {strides = array<i32>} : memref<2256xi32, #tpu.memory_space<vmem>>, vector<16xi32>, vector<16xi1>
      %add3A_62 = arith.constant 16 : i32
      %add3A_63 = arith.addi %scan3A_43, %add3A_62 : i32
      %swap3A_64 = arith.index_cast %add3A_63 : i32 to index
      %swap3A_65 = tpu.vector_load %arg10[%swap3A_64] masked %broadcast_in_dim3A_16 {strides = array<i32>} : memref<2256xi32, #tpu.memory_space<vmem>>, vector<16xi32>, vector<16xi1>
      tpu.vector_store %arg10[%swap3A_64], %broadcast_in_dim3A_14 masked %broadcast_in_dim3A_16 {strides = array<i32>} : memref<2256xi32, #tpu.memory_space<vmem>>, vector<16xi32>, vector<16xi1>
      %add3A_66 = arith.constant 32 : i32
      %add3A_67 = arith.addi %scan3A_43, %add3A_66 : i32
      %add3A_68 = arith.constant 32 : i32
      %add3A_69 = vector.broadcast %add3A_68 : i32 to vector<16xi32>
      %add3A_70 = arith.addi %iota3A, %add3A_69 : vector<16xi32>
      %swap3A_71 = arith.index_cast %add3A_67 : i32 to index
      %swap3A_72 = tpu.vector_load %arg9[%swap3A_71] masked %broadcast_in_dim3A_16 {strides = array<i32>} : memref<2256xi32, #tpu.memory_space<vmem>>, vector<16xi32>, vector<16xi1>
      tpu.vector_store %arg9[%swap3A_71], %add3A_70 masked %broadcast_in_dim3A_16 {strides = array<i32>} : memref<2256xi32, #tpu.memory_space<vmem>>, vector<16xi32>, vector<16xi1>
      %add3A_73 = arith.constant 32 : i32
      %add3A_74 = arith.addi %scan3A_43, %add3A_73 : i32
      %swap3A_75 = arith.index_cast %add3A_74 : i32 to index
      %swap3A_76 = tpu.vector_load %arg10[%swap3A_75] masked %broadcast_in_dim3A_16 {strides = array<i32>} : memref<2256xi32, #tpu.memory_space<vmem>>, vector<16xi32>, vector<16xi1>
      tpu.vector_store %arg10[%swap3A_75], %broadcast_in_dim3A_14 masked %broadcast_in_dim3A_16 {strides = array<i32>} : memref<2256xi32, #tpu.memory_space<vmem>>, vector<16xi32>, vector<16xi1>
      %add3A_77 = arith.constant 48 : i32
      %add3A_78 = arith.addi %scan3A_43, %add3A_77 : i32
      %add3A_79 = arith.constant 48 : i32
      %add3A_80 = vector.broadcast %add3A_79 : i32 to vector<16xi32>
      %add3A_81 = arith.addi %iota3A, %add3A_80 : vector<16xi32>
      %swap3A_82 = arith.index_cast %add3A_78 : i32 to index
      %swap3A_83 = tpu.vector_load %arg9[%swap3A_82] masked %broadcast_in_dim3A_16 {strides = array<i32>} : memref<2256xi32, #tpu.memory_space<vmem>>, vector<16xi32>, vector<16xi1>
      tpu.vector_store %arg9[%swap3A_82], %add3A_81 masked %broadcast_in_dim3A_16 {strides = array<i32>} : memref<2256xi32, #tpu.memory_space<vmem>>, vector<16xi32>, vector<16xi1>
      %add3A_84 = arith.constant 48 : i32
      %add3A_85 = arith.addi %scan3A_43, %add3A_84 : i32
      %swap3A_86 = arith.index_cast %add3A_85 : i32 to index
      %swap3A_87 = tpu.vector_load %arg10[%swap3A_86] masked %broadcast_in_dim3A_16 {strides = array<i32>} : memref<2256xi32, #tpu.memory_space<vmem>>, vector<16xi32>, vector<16xi1>
      tpu.vector_store %arg10[%swap3A_86], %broadcast_in_dim3A_14 masked %broadcast_in_dim3A_16 {strides = array<i32>} : memref<2256xi32, #tpu.memory_space<vmem>>, vector<16xi32>, vector<16xi1>
      %add3A_88 = arith.constant 64 : i32
      %add3A_89 = arith.addi %scan3A_43, %add3A_88 : i32
      %add3A_90 = arith.constant 64 : i32
      %add3A_91 = vector.broadcast %add3A_90 : i32 to vector<16xi32>
      %add3A_92 = arith.addi %iota3A, %add3A_91 : vector<16xi32>
      %swap3A_93 = arith.index_cast %add3A_89 : i32 to index
      %swap3A_94 = tpu.vector_load %arg9[%swap3A_93] masked %broadcast_in_dim3A_16 {strides = array<i32>} : memref<2256xi32, #tpu.memory_space<vmem>>, vector<16xi32>, vector<16xi1>
      tpu.vector_store %arg9[%swap3A_93], %add3A_92 masked %broadcast_in_dim3A_16 {strides = array<i32>} : memref<2256xi32, #tpu.memory_space<vmem>>, vector<16xi32>, vector<16xi1>
      %add3A_95 = arith.constant 64 : i32
      %add3A_96 = arith.addi %scan3A_43, %add3A_95 : i32
      %swap3A_97 = arith.index_cast %add3A_96 : i32 to index
      %swap3A_98 = tpu.vector_load %arg10[%swap3A_97] masked %broadcast_in_dim3A_16 {strides = array<i32>} : memref<2256xi32, #tpu.memory_space<vmem>>, vector<16xi32>, vector<16xi1>
      tpu.vector_store %arg10[%swap3A_97], %broadcast_in_dim3A_14 masked %broadcast_in_dim3A_16 {strides = array<i32>} : memref<2256xi32, #tpu.memory_space<vmem>>, vector<16xi32>, vector<16xi1>
      %add3A_99 = arith.constant 80 : i32
      %add3A_100 = arith.addi %scan3A_43, %add3A_99 : i32
      %add3A_101 = arith.constant 80 : i32
      %add3A_102 = vector.broadcast %add3A_101 : i32 to vector<16xi32>
      %add3A_103 = arith.addi %iota3A, %add3A_102 : vector<16xi32>
      %swap3A_104 = arith.index_cast %add3A_100 : i32 to index
      %swap3A_105 = tpu.vector_load %arg9[%swap3A_104] masked %broadcast_in_dim3A_16 {strides = array<i32>} : memref<2256xi32, #tpu.memory_space<vmem>>, vector<16xi32>, vector<16xi1>
      tpu.vector_store %arg9[%swap3A_104], %add3A_103 masked %broadcast_in_dim3A_16 {strides = array<i32>} : memref<2256xi32, #tpu.memory_space<vmem>>, vector<16xi32>, vector<16xi1>
      %add3A_106 = arith.constant 80 : i32
      %add3A_107 = arith.addi %scan3A_43, %add3A_106 : i32
      %swap3A_108 = arith.index_cast %add3A_107 : i32 to index
      %swap3A_109 = tpu.vector_load %arg10[%swap3A_108] masked %broadcast_in_dim3A_16 {strides = array<i32>} : memref<2256xi32, #tpu.memory_space<vmem>>, vector<16xi32>, vector<16xi1>
      tpu.vector_store %arg10[%swap3A_108], %broadcast_in_dim3A_14 masked %broadcast_in_dim3A_16 {strides = array<i32>} : memref<2256xi32, #tpu.memory_space<vmem>>, vector<16xi32>, vector<16xi1>
      %add3A_110 = arith.constant 96 : i32
      %add3A_111 = arith.addi %scan3A_43, %add3A_110 : i32
      %add3A_112 = arith.constant 96 : i32
      %add3A_113 = vector.broadcast %add3A_112 : i32 to vector<16xi32>
      %add3A_114 = arith.addi %iota3A, %add3A_113 : vector<16xi32>
      %swap3A_115 = arith.index_cast %add3A_111 : i32 to index
      %swap3A_116 = tpu.vector_load %arg9[%swap3A_115] masked %broadcast_in_dim3A_16 {strides = array<i32>} : memref<2256xi32, #tpu.memory_space<vmem>>, vector<16xi32>, vector<16xi1>
      tpu.vector_store %arg9[%swap3A_115], %add3A_114 masked %broadcast_in_dim3A_16 {strides = array<i32>} : memref<2256xi32, #tpu.memory_space<vmem>>, vector<16xi32>, vector<16xi1>
      %add3A_117 = arith.constant 96 : i32
      %add3A_118 = arith.addi %scan3A_43, %add3A_117 : i32
      %swap3A_119 = arith.index_cast %add3A_118 : i32 to index
      %swap3A_120 = tpu.vector_load %arg10[%swap3A_119] masked %broadcast_in_dim3A_16 {strides = array<i32>} : memref<2256xi32, #tpu.memory_space<vmem>>, vector<16xi32>, vector<16xi1>
      tpu.vector_store %arg10[%swap3A_119], %broadcast_in_dim3A_14 masked %broadcast_in_dim3A_16 {strides = array<i32>} : memref<2256xi32, #tpu.memory_space<vmem>>, vector<16xi32>, vector<16xi1>
      %add3A_121 = arith.constant 112 : i32
      %add3A_122 = arith.addi %scan3A_43, %add3A_121 : i32
      %add3A_123 = arith.constant 112 : i32
      %add3A_124 = vector.broadcast %add3A_123 : i32 to vector<16xi32>
      %add3A_125 = arith.addi %iota3A, %add3A_124 : vector<16xi32>
      %swap3A_126 = arith.index_cast %add3A_122 : i32 to index
      %swap3A_127 = tpu.vector_load %arg9[%swap3A_126] masked %broadcast_in_dim3A_16 {strides = array<i32>} : memref<2256xi32, #tpu.memory_space<vmem>>, vector<16xi32>, vector<16xi1>
      tpu.vector_store %arg9[%swap3A_126], %add3A_125 masked %broadcast_in_dim3A_16 {strides = array<i32>} : memref<2256xi32, #tpu.memory_space<vmem>>, vector<16xi32>, vector<16xi1>
      %add3A_128 = arith.constant 112 : i32
      %add3A_129 = arith.addi %scan3A_43, %add3A_128 : i32
      %swap3A_130 = arith.index_cast %add3A_129 : i32 to index
      %swap3A_131 = tpu.vector_load %arg10[%swap3A_130] masked %broadcast_in_dim3A_16 {strides = array<i32>} : memref<2256xi32, #tpu.memory_space<vmem>>, vector<16xi32>, vector<16xi1>
      tpu.vector_store %arg10[%swap3A_130], %broadcast_in_dim3A_14 masked %broadcast_in_dim3A_16 {strides = array<i32>} : memref<2256xi32, #tpu.memory_space<vmem>>, vector<16xi32>, vector<16xi1>
      %scan3A_132 = arith.constant 0 : i32
      %scan3A_133 = arith.constant 15 : i32
      %scan3A_134 = arith.addi %scan3A_132, %scan3A_133 : i32
      %scan3A_135 = arith.constant 1 : i32
      scf.for %scan3A_137 = %scan3A_132 to %scan3A_134 step %scan3A_135  : i32 {
        %mul3A_138 = arith.constant 1 : i32
        %mul3A_139 = arith.muli %scan3A_137, %mul3A_138 : i32
        %add3A_140 = arith.constant 0 : i32
        %add3A_141 = arith.addi %add3A_140, %mul3A_139 : i32
        %mul3A_142 = arith.constant 128 : i32
        %mul3A_143 = arith.muli %add3A_141, %mul3A_142 : i32
        %lt3A_144 = arith.cmpi slt, %mul3A_143, %scan3A_43 : i32
        %convert_element_type3A_145 = arith.extui %lt3A_144 : i1 to i32
        %cond3A_146 = arith.constant 0 : i32
        %cond3A_147 = arith.cmpi ne, %convert_element_type3A_145, %cond3A_146 : i32
        scf.if %cond3A_147 {
          %mul3A_148 = arith.constant 128 : i32
          %mul3A_149 = arith.muli %add3A_141, %mul3A_148 : i32
          %multiple_of3A = tpu.assume_multiple %mul3A_149, 128 : i32
          %add3A_150 = arith.constant 0 : i32
          %add3A_151 = arith.addi %multiple_of3A, %add3A_150 : i32
          %get3A = arith.index_cast %add3A_151 : i32 to index
          %get3A_152 = tpu.vector_load %arg9[%get3A] {strides = array<i32>} : memref<2256xi32, #tpu.memory_space<vmem>>, vector<16xi32>,
          %swap3A_153 = arith.constant 0 : i32
          %swap3A_154 = arith.index_cast %swap3A_153 : i32 to index
          %swap3A_155 = arith.constant 0 : index
          %swap3A_156 = tpu.vector_load %arg11[%swap3A_154, %swap3A_155] {strides = array<i32>} : memref<1x128xi32, #tpu.memory_space<vmem>>, vector<16xi32>,
          tpu.vector_store %arg11[%swap3A_154, %swap3A_155], %get3A_152 {strides = array<i32>} : memref<1x128xi32, #tpu.memory_space<vmem>>, vector<16xi32>,
          %add3A_157 = arith.constant 16 : i32
          %add3A_158 = arith.addi %multiple_of3A, %add3A_157 : i32
          %get3A_159 = arith.index_cast %add3A_158 : i32 to index
          %get3A_160 = tpu.vector_load %arg9[%get3A_159] {strides = array<i32>} : memref<2256xi32, #tpu.memory_space<vmem>>, vector<16xi32>,
          %swap3A_161 = arith.constant 0 : i32
          %swap3A_162 = arith.index_cast %swap3A_161 : i32 to index
          %swap3A_163 = arith.constant 16 : index
          %swap3A_164 = tpu.vector_load %arg11[%swap3A_162, %swap3A_163] {strides = array<i32>} : memref<1x128xi32, #tpu.memory_space<vmem>>, vector<16xi32>,
          tpu.vector_store %arg11[%swap3A_162, %swap3A_163], %get3A_160 {strides = array<i32>} : memref<1x128xi32, #tpu.memory_space<vmem>>, vector<16xi32>,
          %add3A_165 = arith.constant 32 : i32
          %add3A_166 = arith.addi %multiple_of3A, %add3A_165 : i32
          %get3A_167 = arith.index_cast %add3A_166 : i32 to index
          %get3A_168 = tpu.vector_load %arg9[%get3A_167] {strides = array<i32>} : memref<2256xi32, #tpu.memory_space<vmem>>, vector<16xi32>,
          %swap3A_169 = arith.constant 0 : i32
          %swap3A_170 = arith.index_cast %swap3A_169 : i32 to index
          %swap3A_171 = arith.constant 32 : index
          %swap3A_172 = tpu.vector_load %arg11[%swap3A_170, %swap3A_171] {strides = array<i32>} : memref<1x128xi32, #tpu.memory_space<vmem>>, vector<16xi32>,
          tpu.vector_store %arg11[%swap3A_170, %swap3A_171], %get3A_168 {strides = array<i32>} : memref<1x128xi32, #tpu.memory_space<vmem>>, vector<16xi32>,
          %add3A_173 = arith.constant 48 : i32
          %add3A_174 = arith.addi %multiple_of3A, %add3A_173 : i32
          %get3A_175 = arith.index_cast %add3A_174 : i32 to index
          %get3A_176 = tpu.vector_load %arg9[%get3A_175] {strides = array<i32>} : memref<2256xi32, #tpu.memory_space<vmem>>, vector<16xi32>,
          %swap3A_177 = arith.constant 0 : i32
          %swap3A_178 = arith.index_cast %swap3A_177 : i32 to index
          %swap3A_179 = arith.constant 48 : index
          %swap3A_180 = tpu.vector_load %arg11[%swap3A_178, %swap3A_179] {strides = array<i32>} : memref<1x128xi32, #tpu.memory_space<vmem>>, vector<16xi32>,
          tpu.vector_store %arg11[%swap3A_178, %swap3A_179], %get3A_176 {strides = array<i32>} : memref<1x128xi32, #tpu.memory_space<vmem>>, vector<16xi32>,
          %add3A_181 = arith.constant 64 : i32
          %add3A_182 = arith.addi %multiple_of3A, %add3A_181 : i32
          %get3A_183 = arith.index_cast %add3A_182 : i32 to index
          %get3A_184 = tpu.vector_load %arg9[%get3A_183] {strides = array<i32>} : memref<2256xi32, #tpu.memory_space<vmem>>, vector<16xi32>,
          %swap3A_185 = arith.constant 0 : i32
          %swap3A_186 = arith.index_cast %swap3A_185 : i32 to index
          %swap3A_187 = arith.constant 64 : index
          %swap3A_188 = tpu.vector_load %arg11[%swap3A_186, %swap3A_187] {strides = array<i32>} : memref<1x128xi32, #tpu.memory_space<vmem>>, vector<16xi32>,
          tpu.vector_store %arg11[%swap3A_186, %swap3A_187], %get3A_184 {strides = array<i32>} : memref<1x128xi32, #tpu.memory_space<vmem>>, vector<16xi32>,
          %add3A_189 = arith.constant 80 : i32
          %add3A_190 = arith.addi %multiple_of3A, %add3A_189 : i32
          %get3A_191 = arith.index_cast %add3A_190 : i32 to index
          %get3A_192 = tpu.vector_load %arg9[%get3A_191] {strides = array<i32>} : memref<2256xi32, #tpu.memory_space<vmem>>, vector<16xi32>,
          %swap3A_193 = arith.constant 0 : i32
          %swap3A_194 = arith.index_cast %swap3A_193 : i32 to index
          %swap3A_195 = arith.constant 80 : index
          %swap3A_196 = tpu.vector_load %arg11[%swap3A_194, %swap3A_195] {strides = array<i32>} : memref<1x128xi32, #tpu.memory_space<vmem>>, vector<16xi32>,
          tpu.vector_store %arg11[%swap3A_194, %swap3A_195], %get3A_192 {strides = array<i32>} : memref<1x128xi32, #tpu.memory_space<vmem>>, vector<16xi32>,
          %add3A_197 = arith.constant 96 : i32
          %add3A_198 = arith.addi %multiple_of3A, %add3A_197 : i32
          %get3A_199 = arith.index_cast %add3A_198 : i32 to index
          %get3A_200 = tpu.vector_load %arg9[%get3A_199] {strides = array<i32>} : memref<2256xi32, #tpu.memory_space<vmem>>, vector<16xi32>,
          %swap3A_201 = arith.constant 0 : i32
          %swap3A_202 = arith.index_cast %swap3A_201 : i32 to index
          %swap3A_203 = arith.constant 96 : index
          %swap3A_204 = tpu.vector_load %arg11[%swap3A_202, %swap3A_203] {strides = array<i32>} : memref<1x128xi32, #tpu.memory_space<vmem>>, vector<16xi32>,
          tpu.vector_store %arg11[%swap3A_202, %swap3A_203], %get3A_200 {strides = array<i32>} : memref<1x128xi32, #tpu.memory_space<vmem>>, vector<16xi32>,
          %add3A_205 = arith.constant 112 : i32
          %add3A_206 = arith.addi %multiple_of3A, %add3A_205 : i32
          %get3A_207 = arith.index_cast %add3A_206 : i32 to index
          %get3A_208 = tpu.vector_load %arg9[%get3A_207] {strides = array<i32>} : memref<2256xi32, #tpu.memory_space<vmem>>, vector<16xi32>,
          %swap3A_209 = arith.constant 0 : i32
          %swap3A_210 = arith.index_cast %swap3A_209 : i32 to index
          %swap3A_211 = arith.constant 112 : index
          %swap3A_212 = tpu.vector_load %arg11[%swap3A_210, %swap3A_211] {strides = array<i32>} : memref<1x128xi32, #tpu.memory_space<vmem>>, vector<16xi32>,
          tpu.vector_store %arg11[%swap3A_210, %swap3A_211], %get3A_208 {strides = array<i32>} : memref<1x128xi32, #tpu.memory_space<vmem>>, vector<16xi32>,
          %run_scoped3A = arith.constant 0 : i32
          "tpu.region"() ({
            %run_scoped3A_220 = tpu.sem_alloc : memref<!tpu.dma_semaphore, #tpu.memory_space<semaphore_mem>>
            %dma_start3A = arith.constant 0 : i32
            %dma_start3A_221 = tpu.memref_slice %arg11[%run_scoped3A, %dma_start3A] : memref<1x128xi32, #tpu.memory_space<vmem>> -> memref<1x128xi32, #tpu.memory_space<vmem>>
            %dma_start3A_222 = tpu.memref_squeeze %dma_start3A_221 : memref<1x128xi32, #tpu.memory_space<vmem>> -> memref<128xi32, #tpu.memory_space<vmem>>
            %dma_start3A_223 = arith.constant 0 : i32
            %dma_start3A_224 = arith.constant 0 : i32
            %dma_start3A_225 = tpu.memref_slice %arg2[%dma_start3A_223, %dma_start3A_224] : memref<10000x128xf32, #tpu.memory_space<hbm>> -> memref<10000x128xf32, #tpu.memory_space<hbm>>
            tpu.enqueue_indirect_dma source(%dma_start3A_225 : memref<10000x128xf32, #tpu.memory_space<hbm>>) target(%arg12 : memref<128x128xf32, #tpu.memory_space<vmem>>) offsets(%dma_start3A_222 : memref<128xi32, #tpu.memory_space<vmem>>) semaphore(%run_scoped3A_220 : memref<!tpu.dma_semaphore, #tpu.memory_space<semaphore_mem>>)
            %dma_wait3A = arith.constant 0 : i32
            %dma_wait3A_226 = tpu.memref_slice %arg11[%run_scoped3A, %dma_wait3A] : memref<1x128xi32, #tpu.memory_space<vmem>> -> memref<1x128xi32, #tpu.memory_space<vmem>>
            %dma_wait3A_227 = tpu.memref_squeeze %dma_wait3A_226 : memref<1x128xi32, #tpu.memory_space<vmem>> -> memref<128xi32, #tpu.memory_space<vmem>>
            %dma_wait3A_228 = arith.constant 0 : i32
            %dma_wait3A_229 = arith.constant 0 : i32
            %dma_wait3A_230 = tpu.memref_slice %arg2[%dma_wait3A_228, %dma_wait3A_229] : memref<10000x128xf32, #tpu.memory_space<hbm>> -> memref<10000x128xf32, #tpu.memory_space<hbm>>
            tpu.wait_indirect_dma semaphore(%run_scoped3A_220 : memref<!tpu.dma_semaphore, #tpu.memory_space<semaphore_mem>>) src(%dma_wait3A_230 : memref<10000x128xf32, #tpu.memory_space<hbm>>) dst(%arg12 : memref<128x128xf32, #tpu.memory_space<vmem>>)
            tpu.yield
          }) : () -> ()
          %scan3A_213 = arith.constant 0 : i32
          %scan3A_214 = arith.constant 0 : i32
          %scan3A_215 = arith.constant 8 : i32
          %scan3A_216 = arith.addi %scan3A_214, %scan3A_215 : i32
          %scan3A_217 = arith.constant 1 : i32
          %scan3A_218 = scf.for %scan3A_220 = %scan3A_214 to %scan3A_216 step %scan3A_217 iter_args(%scan3A_221 = %scan3A_213) -> (i32)  : i32 {
            %mul3A_222 = arith.constant 128 : i32
            %mul3A_223 = arith.muli %add3A_141, %mul3A_222 : i32
            %mul3A_224 = arith.constant 16 : i32
            %mul3A_225 = arith.muli %scan3A_220, %mul3A_224 : i32
            %add3A_226 = arith.addi %mul3A_223, %mul3A_225 : i32
            %multiple_of3A_227 = tpu.assume_multiple %add3A_226, 16 : i32
            %get3A_228 = arith.index_cast %multiple_of3A_227 : i32 to index
            %get3A_229 = tpu.vector_load %arg10[%get3A_228] {strides = array<i32>} : memref<2256xi32, #tpu.memory_space<vmem>>, vector<16xi32>,
            %slice3A = vector.extract_strided_slice %get3A_229 {offsets = [0], sizes = [1], strides = [1]} : vector<16xi32> to vector<1xi32>
            %squeeze3A = vector.extract %slice3A[0] : i32 from vector<1xi32>
            %mul3A_230 = arith.constant 16 : i32
            %mul3A_231 = arith.muli %scan3A_220, %mul3A_230 : i32
            %add3A_232 = arith.constant 0 : i32
            %add3A_233 = arith.addi %mul3A_231, %add3A_232 : i32
            %get3A_234 = arith.index_cast %squeeze3A : i32 to index
            %get3A_235 = arith.constant 0 : index
            %get3A_236 = tpu.vector_load %arg13[%get3A_234, %get3A_235] {strides = array<i32>} : memref<640x128xf32, #tpu.memory_space<vmem>>, vector<16xf32>,
            %get3A_237 = arith.index_cast %add3A_233 : i32 to index
            %get3A_238 = arith.constant 0 : index
            %get3A_239 = tpu.vector_load %arg12[%get3A_237, %get3A_238] {strides = array<i32>} : memref<128x128xf32, #tpu.memory_space<vmem>>, vector<16xf32>,
            %max3A = arith.maximumf %get3A_236, %get3A_239 : vector<16xf32>
            %swap3A_240 = arith.index_cast %squeeze3A : i32 to index
            %swap3A_241 = arith.constant 0 : index
            %swap3A_242 = tpu.vector_load %arg13[%swap3A_240, %swap3A_241] {strides = array<i32>} : memref<640x128xf32, #tpu.memory_space<vmem>>, vector<16xf32>,
            tpu.vector_store %arg13[%swap3A_240, %swap3A_241], %max3A {strides = array<i32>} : memref<640x128xf32, #tpu.memory_space<vmem>>, vector<16xf32>,
            %get3A_243 = arith.index_cast %squeeze3A : i32 to index
            %get3A_244 = arith.constant 16 : index
            %get3A_245 = tpu.vector_load %arg13[%get3A_243, %get3A_244] {strides = array<i32>} : memref<640x128xf32, #tpu.memory_space<vmem>>, vector<16xf32>,
            %get3A_246 = arith.index_cast %add3A_233 : i32 to index
            %get3A_247 = arith.constant 16 : index
            %get3A_248 = tpu.vector_load %arg12[%get3A_246, %get3A_247] {strides = array<i32>} : memref<128x128xf32, #tpu.memory_space<vmem>>, vector<16xf32>,
            %max3A_249 = arith.maximumf %get3A_245, %get3A_248 : vector<16xf32>
            %swap3A_250 = arith.index_cast %squeeze3A : i32 to index
            %swap3A_251 = arith.constant 16 : index
            %swap3A_252 = tpu.vector_load %arg13[%swap3A_250, %swap3A_251] {strides = array<i32>} : memref<640x128xf32, #tpu.memory_space<vmem>>, vector<16xf32>,
            tpu.vector_store %arg13[%swap3A_250, %swap3A_251], %max3A_249 {strides = array<i32>} : memref<640x128xf32, #tpu.memory_space<vmem>>, vector<16xf32>,
            %get3A_253 = arith.index_cast %squeeze3A : i32 to index
            %get3A_254 = arith.constant 32 : index
            %get3A_255 = tpu.vector_load %arg13[%get3A_253, %get3A_254] {strides = array<i32>} : memref<640x128xf32, #tpu.memory_space<vmem>>, vector<16xf32>,
            %get3A_256 = arith.index_cast %add3A_233 : i32 to index
            %get3A_257 = arith.constant 32 : index
            %get3A_258 = tpu.vector_load %arg12[%get3A_256, %get3A_257] {strides = array<i32>} : memref<128x128xf32, #tpu.memory_space<vmem>>, vector<16xf32>,
            %max3A_259 = arith.maximumf %get3A_255, %get3A_258 : vector<16xf32>
            %swap3A_260 = arith.index_cast %squeeze3A : i32 to index
            %swap3A_261 = arith.constant 32 : index
            %swap3A_262 = tpu.vector_load %arg13[%swap3A_260, %swap3A_261] {strides = array<i32>} : memref<640x128xf32, #tpu.memory_space<vmem>>, vector<16xf32>,
            tpu.vector_store %arg13[%swap3A_260, %swap3A_261], %max3A_259 {strides = array<i32>} : memref<640x128xf32, #tpu.memory_space<vmem>>, vector<16xf32>,
            %get3A_263 = arith.index_cast %squeeze3A : i32 to index
            %get3A_264 = arith.constant 48 : index
            %get3A_265 = tpu.vector_load %arg13[%get3A_263, %get3A_264] {strides = array<i32>} : memref<640x128xf32, #tpu.memory_space<vmem>>, vector<16xf32>,
            %get3A_266 = arith.index_cast %add3A_233 : i32 to index
            %get3A_267 = arith.constant 48 : index
            %get3A_268 = tpu.vector_load %arg12[%get3A_266, %get3A_267] {strides = array<i32>} : memref<128x128xf32, #tpu.memory_space<vmem>>, vector<16xf32>,
            %max3A_269 = arith.maximumf %get3A_265, %get3A_268 : vector<16xf32>
            %swap3A_270 = arith.index_cast %squeeze3A : i32 to index
            %swap3A_271 = arith.constant 48 : index
            %swap3A_272 = tpu.vector_load %arg13[%swap3A_270, %swap3A_271] {strides = array<i32>} : memref<640x128xf32, #tpu.memory_space<vmem>>, vector<16xf32>,
            tpu.vector_store %arg13[%swap3A_270, %swap3A_271], %max3A_269 {strides = array<i32>} : memref<640x128xf32, #tpu.memory_space<vmem>>, vector<16xf32>,
            %get3A_273 = arith.index_cast %squeeze3A : i32 to index
            %get3A_274 = arith.constant 64 : index
            %get3A_275 = tpu.vector_load %arg13[%get3A_273, %get3A_274] {strides = array<i32>} : memref<640x128xf32, #tpu.memory_space<vmem>>, vector<16xf32>,
            %get3A_276 = arith.index_cast %add3A_233 : i32 to index
            %get3A_277 = arith.constant 64 : index
            %get3A_278 = tpu.vector_load %arg12[%get3A_276, %get3A_277] {strides = array<i32>} : memref<128x128xf32, #tpu.memory_space<vmem>>, vector<16xf32>,
            %max3A_279 = arith.maximumf %get3A_275, %get3A_278 : vector<16xf32>
            %swap3A_280 = arith.index_cast %squeeze3A : i32 to index
            %swap3A_281 = arith.constant 64 : index
            %swap3A_282 = tpu.vector_load %arg13[%swap3A_280, %swap3A_281] {strides = array<i32>} : memref<640x128xf32, #tpu.memory_space<vmem>>, vector<16xf32>,
            tpu.vector_store %arg13[%swap3A_280, %swap3A_281], %max3A_279 {strides = array<i32>} : memref<640x128xf32, #tpu.memory_space<vmem>>, vector<16xf32>,
            %get3A_283 = arith.index_cast %squeeze3A : i32 to index
            %get3A_284 = arith.constant 80 : index
            %get3A_285 = tpu.vector_load %arg13[%get3A_283, %get3A_284] {strides = array<i32>} : memref<640x128xf32, #tpu.memory_space<vmem>>, vector<16xf32>,
            %get3A_286 = arith.index_cast %add3A_233 : i32 to index
            %get3A_287 = arith.constant 80 : index
            %get3A_288 = tpu.vector_load %arg12[%get3A_286, %get3A_287] {strides = array<i32>} : memref<128x128xf32, #tpu.memory_space<vmem>>, vector<16xf32>,
            %max3A_289 = arith.maximumf %get3A_285, %get3A_288 : vector<16xf32>
            %swap3A_290 = arith.index_cast %squeeze3A : i32 to index
            %swap3A_291 = arith.constant 80 : index
            %swap3A_292 = tpu.vector_load %arg13[%swap3A_290, %swap3A_291] {strides = array<i32>} : memref<640x128xf32, #tpu.memory_space<vmem>>, vector<16xf32>,
            tpu.vector_store %arg13[%swap3A_290, %swap3A_291], %max3A_289 {strides = array<i32>} : memref<640x128xf32, #tpu.memory_space<vmem>>, vector<16xf32>,
            %get3A_293 = arith.index_cast %squeeze3A : i32 to index
            %get3A_294 = arith.constant 96 : index
            %get3A_295 = tpu.vector_load %arg13[%get3A_293, %get3A_294] {strides = array<i32>} : memref<640x128xf32, #tpu.memory_space<vmem>>, vector<16xf32>,
            %get3A_296 = arith.index_cast %add3A_233 : i32 to index
            %get3A_297 = arith.constant 96 : index
            %get3A_298 = tpu.vector_load %arg12[%get3A_296, %get3A_297] {strides = array<i32>} : memref<128x128xf32, #tpu.memory_space<vmem>>, vector<16xf32>,
            %max3A_299 = arith.maximumf %get3A_295, %get3A_298 : vector<16xf32>
            %swap3A_300 = arith.index_cast %squeeze3A : i32 to index
            %swap3A_301 = arith.constant 96 : index
            %swap3A_302 = tpu.vector_load %arg13[%swap3A_300, %swap3A_301] {strides = array<i32>} : memref<640x128xf32, #tpu.memory_space<vmem>>, vector<16xf32>,
            tpu.vector_store %arg13[%swap3A_300, %swap3A_301], %max3A_299 {strides = array<i32>} : memref<640x128xf32, #tpu.memory_space<vmem>>, vector<16xf32>,
            %get3A_303 = arith.index_cast %squeeze3A : i32 to index
            %get3A_304 = arith.constant 112 : index
            %get3A_305 = tpu.vector_load %arg13[%get3A_303, %get3A_304] {strides = array<i32>} : memref<640x128xf32, #tpu.memory_space<vmem>>, vector<16xf32>,
            %get3A_306 = arith.index_cast %add3A_233 : i32 to index
            %get3A_307 = arith.constant 112 : index
            %get3A_308 = tpu.vector_load %arg12[%get3A_306, %get3A_307] {strides = array<i32>} : memref<128x128xf32, #tpu.memory_space<vmem>>, vector<16xf32>,
            %max3A_309 = arith.maximumf %get3A_305, %get3A_308 : vector<16xf32>
            %swap3A_310 = arith.index_cast %squeeze3A : i32 to index
            %swap3A_311 = arith.constant 112 : index
            %swap3A_312 = tpu.vector_load %arg13[%swap3A_310, %swap3A_311] {strides = array<i32>} : memref<640x128xf32, #tpu.memory_space<vmem>>, vector<16xf32>,
            tpu.vector_store %arg13[%swap3A_310, %swap3A_311], %max3A_309 {strides = array<i32>} : memref<640x128xf32, #tpu.memory_space<vmem>>, vector<16xf32>,
            %slice3A_313 = vector.extract_strided_slice %get3A_229 {offsets = [1], sizes = [1], strides = [1]} : vector<16xi32> to vector<1xi32>
            %squeeze3A_314 = vector.extract %slice3A_313[0] : i32 from vector<1xi32>
            %mul3A_315 = arith.constant 16 : i32
            %mul3A_316 = arith.muli %scan3A_220, %mul3A_315 : i32
            %add3A_317 = arith.constant 1 : i32
            %add3A_318 = arith.addi %mul3A_316, %add3A_317 : i32
            %get3A_319 = arith.index_cast %squeeze3A_314 : i32 to index
            %get3A_320 = arith.constant 0 : index
            %get3A_321 = tpu.vector_load %arg13[%get3A_319, %get3A_320] {strides = array<i32>} : memref<640x128xf32, #tpu.memory_space<vmem>>, vector<16xf32>,
            %get3A_322 = arith.index_cast %add3A_318 : i32 to index
            %get3A_323 = arith.constant 0 : index
            %get3A_324 = tpu.vector_load %arg12[%get3A_322, %get3A_323] {strides = array<i32>} : memref<128x128xf32, #tpu.memory_space<vmem>>, vector<16xf32>,
            %max3A_325 = arith.maximumf %get3A_321, %get3A_324 : vector<16xf32>
            %swap3A_326 = arith.index_cast %squeeze3A_314 : i32 to index
            %swap3A_327 = arith.constant 0 : index
            %swap3A_328 = tpu.vector_load %arg13[%swap3A_326, %swap3A_327] {strides = array<i32>} : memref<640x128xf32, #tpu.memory_space<vmem>>, vector<16xf32>,
            tpu.vector_store %arg13[%swap3A_326, %swap3A_327], %max3A_325 {strides = array<i32>} : memref<640x128xf32, #tpu.memory_space<vmem>>, vector<16xf32>,
            %get3A_329 = arith.index_cast %squeeze3A_314 : i32 to index
            %get3A_330 = arith.constant 16 : index
            %get3A_331 = tpu.vector_load %arg13[%get3A_329, %get3A_330] {strides = array<i32>} : memref<640x128xf32, #tpu.memory_space<vmem>>, vector<16xf32>,
            %get3A_332 = arith.index_cast %add3A_318 : i32 to index
            %get3A_333 = arith.constant 16 : index
            %get3A_334 = tpu.vector_load %arg12[%get3A_332, %get3A_333] {strides = array<i32>} : memref<128x128xf32, #tpu.memory_space<vmem>>, vector<16xf32>,
            %max3A_335 = arith.maximumf %get3A_331, %get3A_334 : vector<16xf32>
            %swap3A_336 = arith.index_cast %squeeze3A_314 : i32 to index
            %swap3A_337 = arith.constant 16 : index
            %swap3A_338 = tpu.vector_load %arg13[%swap3A_336, %swap3A_337] {strides = array<i32>} : memref<640x128xf32, #tpu.memory_space<vmem>>, vector<16xf32>,
            tpu.vector_store %arg13[%swap3A_336, %swap3A_337], %max3A_335 {strides = array<i32>} : memref<640x128xf32, #tpu.memory_space<vmem>>, vector<16xf32>,
            %get3A_339 = arith.index_cast %squeeze3A_314 : i32 to index
            %get3A_340 = arith.constant 32 : index
            %get3A_341 = tpu.vector_load %arg13[%get3A_339, %get3A_340] {strides = array<i32>} : memref<640x128xf32, #tpu.memory_space<vmem>>, vector<16xf32>,
            %get3A_342 = arith.index_cast %add3A_318 : i32 to index
            %get3A_343 = arith.constant 32 : index
            %get3A_344 = tpu.vector_load %arg12[%get3A_342, %get3A_343] {strides = array<i32>} : memref<128x128xf32, #tpu.memory_space<vmem>>, vector<16xf32>,
            %max3A_345 = arith.maximumf %get3A_341, %get3A_344 : vector<16xf32>
            %swap3A_346 = arith.index_cast %squeeze3A_314 : i32 to index
            %swap3A_347 = arith.constant 32 : index
            %swap3A_348 = tpu.vector_load %arg13[%swap3A_346, %swap3A_347] {strides = array<i32>} : memref<640x128xf32, #tpu.memory_space<vmem>>, vector<16xf32>,
            tpu.vector_store %arg13[%swap3A_346, %swap3A_347], %max3A_345 {strides = array<i32>} : memref<640x128xf32, #tpu.memory_space<vmem>>, vector<16xf32>,
            %get3A_349 = arith.index_cast %squeeze3A_314 : i32 to index
            %get3A_350 = arith.constant 48 : index
            %get3A_351 = tpu.vector_load %arg13[%get3A_349, %get3A_350] {strides = array<i32>} : memref<640x128xf32, #tpu.memory_space<vmem>>, vector<16xf32>,
            %get3A_352 = arith.index_cast %add3A_318 : i32 to index
            %get3A_353 = arith.constant 48 : index
            %get3A_354 = tpu.vector_load %arg12[%get3A_352, %get3A_353] {strides = array<i32>} : memref<128x128xf32, #tpu.memory_space<vmem>>, vector<16xf32>,
            %max3A_355 = arith.maximumf %get3A_351, %get3A_354 : vector<16xf32>
            %swap3A_356 = arith.index_cast %squeeze3A_314 : i32 to index
            %swap3A_357 = arith.constant 48 : index
            %swap3A_358 = tpu.vector_load %arg13[%swap3A_356, %swap3A_357] {strides = array<i32>} : memref<640x128xf32, #tpu.memory_space<vmem>>, vector<16xf32>,
            tpu.vector_store %arg13[%swap3A_356, %swap3A_357], %max3A_355 {strides = array<i32>} : memref<640x128xf32, #tpu.memory_space<vmem>>, vector<16xf32>,
            %get3A_359 = arith.index_cast %squeeze3A_314 : i32 to index
            %get3A_360 = arith.constant 64 : index
            %get3A_361 = tpu.vector_load %arg13[%get3A_359, %get3A_360] {strides = array<i32>} : memref<640x128xf32, #tpu.memory_space<vmem>>, vector<16xf32>,
            %get3A_362 = arith.index_cast %add3A_318 : i32 to index
            %get3A_363 = arith.constant 64 : index
            %get3A_364 = tpu.vector_load %arg12[%get3A_362, %get3A_363] {strides = array<i32>} : memref<128x128xf32, #tpu.memory_space<vmem>>, vector<16xf32>,
            %max3A_365 = arith.maximumf %get3A_361, %get3A_364 : vector<16xf32>
            %swap3A_366 = arith.index_cast %squeeze3A_314 : i32 to index
            %swap3A_367 = arith.constant 64 : index
            %swap3A_368 = tpu.vector_load %arg13[%swap3A_366, %swap3A_367] {strides = array<i32>} : memref<640x128xf32, #tpu.memory_space<vmem>>, vector<16xf32>,
            tpu.vector_store %arg13[%swap3A_366, %swap3A_367], %max3A_365 {strides = array<i32>} : memref<640x128xf32, #tpu.memory_space<vmem>>, vector<16xf32>,
            %get3A_369 = arith.index_cast %squeeze3A_314 : i32 to index
            %get3A_370 = arith.constant 80 : index
            %get3A_371 = tpu.vector_load %arg13[%get3A_369, %get3A_370] {strides = array<i32>} : memref<640x128xf32, #tpu.memory_space<vmem>>, vector<16xf32>,
            %get3A_372 = arith.index_cast %add3A_318 : i32 to index
            %get3A_373 = arith.constant 80 : index
            %get3A_374 = tpu.vector_load %arg12[%get3A_372, %get3A_373] {strides = array<i32>} : memref<128x128xf32, #tpu.memory_space<vmem>>, vector<16xf32>,
            %max3A_375 = arith.maximumf %get3A_371, %get3A_374 : vector<16xf32>
            %swap3A_376 = arith.index_cast %squeeze3A_314 : i32 to index
            %swap3A_377 = arith.constant 80 : index
            %swap3A_378 = tpu.vector_load %arg13[%swap3A_376, %swap3A_377] {strides = array<i32>} : memref<640x128xf32, #tpu.memory_space<vmem>>, vector<16xf32>,
            tpu.vector_store %arg13[%swap3A_376, %swap3A_377], %max3A_375 {strides = array<i32>} : memref<640x128xf32, #tpu.memory_space<vmem>>, vector<16xf32>,
            %get3A_379 = arith.index_cast %squeeze3A_314 : i32 to index
            %get3A_380 = arith.constant 96 : index
            %get3A_381 = tpu.vector_load %arg13[%get3A_379, %get3A_380] {strides = array<i32>} : memref<640x128xf32, #tpu.memory_space<vmem>>, vector<16xf32>,
            %get3A_382 = arith.index_cast %add3A_318 : i32 to index
            %get3A_383 = arith.constant 96 : index
            %get3A_384 = tpu.vector_load %arg12[%get3A_382, %get3A_383] {strides = array<i32>} : memref<128x128xf32, #tpu.memory_space<vmem>>, vector<16xf32>,
            %max3A_385 = arith.maximumf %get3A_381, %get3A_384 : vector<16xf32>
            %swap3A_386 = arith.index_cast %squeeze3A_314 : i32 to index
            %swap3A_387 = arith.constant 96 : index
            %swap3A_388 = tpu.vector_load %arg13[%swap3A_386, %swap3A_387] {strides = array<i32>} : memref<640x128xf32, #tpu.memory_space<vmem>>, vector<16xf32>,
            tpu.vector_store %arg13[%swap3A_386, %swap3A_387], %max3A_385 {strides = array<i32>} : memref<640x128xf32, #tpu.memory_space<vmem>>, vector<16xf32>,
            %get3A_389 = arith.index_cast %squeeze3A_314 : i32 to index
            %get3A_390 = arith.constant 112 : index
            %get3A_391 = tpu.vector_load %arg13[%get3A_389, %get3A_390] {strides = array<i32>} : memref<640x128xf32, #tpu.memory_space<vmem>>, vector<16xf32>,
            %get3A_392 = arith.index_cast %add3A_318 : i32 to index
            %get3A_393 = arith.constant 112 : index
            %get3A_394 = tpu.vector_load %arg12[%get3A_392, %get3A_393] {strides = array<i32>} : memref<128x128xf32, #tpu.memory_space<vmem>>, vector<16xf32>,
            %max3A_395 = arith.maximumf %get3A_391, %get3A_394 : vector<16xf32>
            %swap3A_396 = arith.index_cast %squeeze3A_314 : i32 to index
            %swap3A_397 = arith.constant 112 : index
            %swap3A_398 = tpu.vector_load %arg13[%swap3A_396, %swap3A_397] {strides = array<i32>} : memref<640x128xf32, #tpu.memory_space<vmem>>, vector<16xf32>,
            tpu.vector_store %arg13[%swap3A_396, %swap3A_397], %max3A_395 {strides = array<i32>} : memref<640x128xf32, #tpu.memory_space<vmem>>, vector<16xf32>,
            %slice3A_399 = vector.extract_strided_slice %get3A_229 {offsets = [2], sizes = [1], strides = [1]} : vector<16xi32> to vector<1xi32>
            %squeeze3A_400 = vector.extract %slice3A_399[0] : i32 from vector<1xi32>
            %mul3A_401 = arith.constant 16 : i32
            %mul3A_402 = arith.muli %scan3A_220, %mul3A_401 : i32
            %add3A_403 = arith.constant 2 : i32
            %add3A_404 = arith.addi %mul3A_402, %add3A_403 : i32
            %get3A_405 = arith.index_cast %squeeze3A_400 : i32 to index
            %get3A_406 = arith.constant 0 : index
            %get3A_407 = tpu.vector_load %arg13[%get3A_405, %get3A_406] {strides = array<i32>} : memref<640x128xf32, #tpu.memory_space<vmem>>, vector<16xf32>,
            %get3A_408 = arith.index_cast %add3A_404 : i32 to index
            %get3A_409 = arith.constant 0 : index
            %get3A_410 = tpu.vector_load %arg12[%get3A_408, %get3A_409] {strides = array<i32>} : memref<128x128xf32, #tpu.memory_space<vmem>>, vector<16xf32>,
            %max3A_411 = arith.maximumf %get3A_407, %get3A_410 : vector<16xf32>
            %swap3A_412 = arith.index_cast %squeeze3A_400 : i32 to index
            %swap3A_413 = arith.constant 0 : index
            %swap3A_414 = tpu.vector_load %arg13[%swap3A_412, %swap3A_413] {strides = array<i32>} : memref<640x128xf32, #tpu.memory_space<vmem>>, vector<16xf32>,
            tpu.vector_store %arg13[%swap3A_412, %swap3A_413], %max3A_411 {strides = array<i32>} : memref<640x128xf32, #tpu.memory_space<vmem>>, vector<16xf32>,
            %get3A_415 = arith.index_cast %squeeze3A_400 : i32 to index
            %get3A_416 = arith.constant 16 : index
            %get3A_417 = tpu.vector_load %arg13[%get3A_415, %get3A_416] {strides = array<i32>} : memref<640x128xf32, #tpu.memory_space<vmem>>, vector<16xf32>,
            %get3A_418 = arith.index_cast %add3A_404 : i32 to index
            %get3A_419 = arith.constant 16 : index
            %get3A_420 = tpu.vector_load %arg12[%get3A_418, %get3A_419] {strides = array<i32>} : memref<128x128xf32, #tpu.memory_space<vmem>>, vector<16xf32>,
            %max3A_421 = arith.maximumf %get3A_417, %get3A_420 : vector<16xf32>
            %swap3A_422 = arith.index_cast %squeeze3A_400 : i32 to index
            %swap3A_423 = arith.constant 16 : index
            %swap3A_424 = tpu.vector_load %arg13[%swap3A_422, %swap3A_423] {strides = array<i32>} : memref<640x128xf32, #tpu.memory_space<vmem>>, vector<16xf32>,
            tpu.vector_store %arg13[%swap3A_422, %swap3A_423], %max3A_421 {strides = array<i32>} : memref<640x128xf32, #tpu.memory_space<vmem>>, vector<16xf32>,
            %get3A_425 = arith.index_cast %squeeze3A_400 : i32 to index
            %get3A_426 = arith.constant 32 : index
            %get3A_427 = tpu.vector_load %arg13[%get3A_425, %get3A_426] {strides = array<i32>} : memref<640x128xf32, #tpu.memory_space<vmem>>, vector<16xf32>,
            %get3A_428 = arith.index_cast %add3A_404 : i32 to index
            %get3A_429 = arith.constant 32 : index
            %get3A_430 = tpu.vector_load %arg12[%get3A_428, %get3A_429] {strides = array<i32>} : memref<128x128xf32, #tpu.memory_space<vmem>>, vector<16xf32>,
            %max3A_431 = arith.maximumf %get3A_427, %get3A_430 : vector<16xf32>
            %swap3A_432 = arith.index_cast %squeeze3A_400 : i32 to index
            %swap3A_433 = arith.constant 32 : index
            %swap3A_434 = tpu.vector_load %arg13[%swap3A_432, %swap3A_433] {strides = array<i32>} : memref<640x128xf32, #tpu.memory_space<vmem>>, vector<16xf32>,
            tpu.vector_store %arg13[%swap3A_432, %swap3A_433], %max3A_431 {strides = array<i32>} : memref<640x128xf32, #tpu.memory_space<vmem>>, vector<16xf32>,
            %get3A_435 = arith.index_cast %squeeze3A_400 : i32 to index
            %get3A_436 = arith.constant 48 : index
            %get3A_437 = tpu.vector_load %arg13[%get3A_435, %get3A_436] {strides = array<i32>} : memref<640x128xf32, #tpu.memory_space<vmem>>, vector<16xf32>,
            %get3A_438 = arith.index_cast %add3A_404 : i32 to index
            %get3A_439 = arith.constant 48 : index
            %get3A_440 = tpu.vector_load %arg12[%get3A_438, %get3A_439] {strides = array<i32>} : memref<128x128xf32, #tpu.memory_space<vmem>>, vector<16xf32>,
            %max3A_441 = arith.maximumf %get3A_437, %get3A_440 : vector<16xf32>
            %swap3A_442 = arith.index_cast %squeeze3A_400 : i32 to index
            %swap3A_443 = arith.constant 48 : index
            %swap3A_444 = tpu.vector_load %arg13[%swap3A_442, %swap3A_443] {strides = array<i32>} : memref<640x128xf32, #tpu.memory_space<vmem>>, vector<16xf32>,
            tpu.vector_store %arg13[%swap3A_442, %swap3A_443], %max3A_441 {strides = array<i32>} : memref<640x128xf32, #tpu.memory_space<vmem>>, vector<16xf32>,
            %get3A_445 = arith.index_cast %squeeze3A_400 : i32 to index
            %get3A_446 = arith.constant 64 : index
            %get3A_447 = tpu.vector_load %arg13[%get3A_445, %get3A_446] {strides = array<i32>} : memref<640x128xf32, #tpu.memory_space<vmem>>, vector<16xf32>,
            %get3A_448 = arith.index_cast %add3A_404 : i32 to index
            %get3A_449 = arith.constant 64 : index
            %get3A_450 = tpu.vector_load %arg12[%get3A_448, %get3A_449] {strides = array<i32>} : memref<128x128xf32, #tpu.memory_space<vmem>>, vector<16xf32>,
            %max3A_451 = arith.maximumf %get3A_447, %get3A_450 : vector<16xf32>
            %swap3A_452 = arith.index_cast %squeeze3A_400 : i32 to index
            %swap3A_453 = arith.constant 64 : index
            %swap3A_454 = tpu.vector_load %arg13[%swap3A_452, %swap3A_453] {strides = array<i32>} : memref<640x128xf32, #tpu.memory_space<vmem>>, vector<16xf32>,
            tpu.vector_store %arg13[%swap3A_452, %swap3A_453], %max3A_451 {strides = array<i32>} : memref<640x128xf32, #tpu.memory_space<vmem>>, vector<16xf32>,
            %get3A_455 = arith.index_cast %squeeze3A_400 : i32 to index
            %get3A_456 = arith.constant 80 : index
            %get3A_457 = tpu.vector_load %arg13[%get3A_455, %get3A_456] {strides = array<i32>} : memref<640x128xf32, #tpu.memory_space<vmem>>, vector<16xf32>,
            %get3A_458 = arith.index_cast %add3A_404 : i32 to index
            %get3A_459 = arith.constant 80 : index
            %get3A_460 = tpu.vector_load %arg12[%get3A_458, %get3A_459] {strides = array<i32>} : memref<128x128xf32, #tpu.memory_space<vmem>>, vector<16xf32>,
            %max3A_461 = arith.maximumf %get3A_457, %get3A_460 : vector<16xf32>
            %swap3A_462 = arith.index_cast %squeeze3A_400 : i32 to index
            %swap3A_463 = arith.constant 80 : index
            %swap3A_464 = tpu.vector_load %arg13[%swap3A_462, %swap3A_463] {strides = array<i32>} : memref<640x128xf32, #tpu.memory_space<vmem>>, vector<16xf32>,
            tpu.vector_store %arg13[%swap3A_462, %swap3A_463], %max3A_461 {strides = array<i32>} : memref<640x128xf32, #tpu.memory_space<vmem>>, vector<16xf32>,
            %get3A_465 = arith.index_cast %squeeze3A_400 : i32 to index
            %get3A_466 = arith.constant 96 : index
            %get3A_467 = tpu.vector_load %arg13[%get3A_465, %get3A_466] {strides = array<i32>} : memref<640x128xf32, #tpu.memory_space<vmem>>, vector<16xf32>,
            %get3A_468 = arith.index_cast %add3A_404 : i32 to index
            %get3A_469 = arith.constant 96 : index
            %get3A_470 = tpu.vector_load %arg12[%get3A_468, %get3A_469] {strides = array<i32>} : memref<128x128xf32, #tpu.memory_space<vmem>>, vector<16xf32>,
            %max3A_471 = arith.maximumf %get3A_467, %get3A_470 : vector<16xf32>
            %swap3A_472 = arith.index_cast %squeeze3A_400 : i32 to index
            %swap3A_473 = arith.constant 96 : index
            %swap3A_474 = tpu.vector_load %arg13[%swap3A_472, %swap3A_473] {strides = array<i32>} : memref<640x128xf32, #tpu.memory_space<vmem>>, vector<16xf32>,
            tpu.vector_store %arg13[%swap3A_472, %swap3A_473], %max3A_471 {strides = array<i32>} : memref<640x128xf32, #tpu.memory_space<vmem>>, vector<16xf32>,
            %get3A_475 = arith.index_cast %squeeze3A_400 : i32 to index
            %get3A_476 = arith.constant 112 : index
            %get3A_477 = tpu.vector_load %arg13[%get3A_475, %get3A_476] {strides = array<i32>} : memref<640x128xf32, #tpu.memory_space<vmem>>, vector<16xf32>,
            %get3A_478 = arith.index_cast %add3A_404 : i32 to index
            %get3A_479 = arith.constant 112 : index
            %get3A_480 = tpu.vector_load %arg12[%get3A_478, %get3A_479] {strides = array<i32>} : memref<128x128xf32, #tpu.memory_space<vmem>>, vector<16xf32>,
            %max3A_481 = arith.maximumf %get3A_477, %get3A_480 : vector<16xf32>
            %swap3A_482 = arith.index_cast %squeeze3A_400 : i32 to index
            %swap3A_483 = arith.constant 112 : index
            %swap3A_484 = tpu.vector_load %arg13[%swap3A_482, %swap3A_483] {strides = array<i32>} : memref<640x128xf32, #tpu.memory_space<vmem>>, vector<16xf32>,
            tpu.vector_store %arg13[%swap3A_482, %swap3A_483], %max3A_481 {strides = array<i32>} : memref<640x128xf32, #tpu.memory_space<vmem>>, vector<16xf32>,
            %slice3A_485 = vector.extract_strided_slice %get3A_229 {offsets = [3], sizes = [1], strides = [1]} : vector<16xi32> to vector<1xi32>
            %squeeze3A_486 = vector.extract %slice3A_485[0] : i32 from vector<1xi32>
            %mul3A_487 = arith.constant 16 : i32
            %mul3A_488 = arith.muli %scan3A_220, %mul3A_487 : i32
            %add3A_489 = arith.constant 3 : i32
            %add3A_490 = arith.addi %mul3A_488, %add3A_489 : i32
            %get3A_491 = arith.index_cast %squeeze3A_486 : i32 to index
            %get3A_492 = arith.constant 0 : index
            %get3A_493 = tpu.vector_load %arg13[%get3A_491, %get3A_492] {strides = array<i32>} : memref<640x128xf32, #tpu.memory_space<vmem>>, vector<16xf32>,
            %get3A_494 = arith.index_cast %add3A_490 : i32 to index
            %get3A_495 = arith.constant 0 : index
            %get3A_496 = tpu.vector_load %arg12[%get3A_494, %get3A_495] {strides = array<i32>} : memref<128x128xf32, #tpu.memory_space<vmem>>, vector<16xf32>,
            %max3A_497 = arith.maximumf %get3A_493, %get3A_496 : vector<16xf32>
            %swap3A_498 = arith.index_cast %squeeze3A_486 : i32 to index
            %swap3A_499 = arith.constant 0 : index
            %swap3A_500 = tpu.vector_load %arg13[%swap3A_498, %swap3A_499] {strides = array<i32>} : memref<640x128xf32, #tpu.memory_space<vmem>>, vector<16xf32>,
            tpu.vector_store %arg13[%swap3A_498, %swap3A_499], %max3A_497 {strides = array<i32>} : memref<640x128xf32, #tpu.memory_space<vmem>>, vector<16xf32>,
            %get3A_501 = arith.index_cast %squeeze3A_486 : i32 to index
            %get3A_502 = arith.constant 16 : index
            %get3A_503 = tpu.vector_load %arg13[%get3A_501, %get3A_502] {strides = array<i32>} : memref<640x128xf32, #tpu.memory_space<vmem>>, vector<16xf32>,
            %get3A_504 = arith.index_cast %add3A_490 : i32 to index
            %get3A_505 = arith.constant 16 : index
            %get3A_506 = tpu.vector_load %arg12[%get3A_504, %get3A_505] {strides = array<i32>} : memref<128x128xf32, #tpu.memory_space<vmem>>, vector<16xf32>,
            %max3A_507 = arith.maximumf %get3A_503, %get3A_506 : vector<16xf32>
            %swap3A_508 = arith.index_cast %squeeze3A_486 : i32 to index
            %swap3A_509 = arith.constant 16 : index
            %swap3A_510 = tpu.vector_load %arg13[%swap3A_508, %swap3A_509] {strides = array<i32>} : memref<640x128xf32, #tpu.memory_space<vmem>>, vector<16xf32>,
            tpu.vector_store %arg13[%swap3A_508, %swap3A_509], %max3A_507 {strides = array<i32>} : memref<640x128xf32, #tpu.memory_space<vmem>>, vector<16xf32>,
            %get3A_511 = arith.index_cast %squeeze3A_486 : i32 to index
            %get3A_512 = arith.constant 32 : index
            %get3A_513 = tpu.vector_load %arg13[%get3A_511, %get3A_512] {strides = array<i32>} : memref<640x128xf32, #tpu.memory_space<vmem>>, vector<16xf32>,
            %get3A_514 = arith.index_cast %add3A_490 : i32 to index
            %get3A_515 = arith.constant 32 : index
            %get3A_516 = tpu.vector_load %arg12[%get3A_514, %get3A_515] {strides = array<i32>} : memref<128x128xf32, #tpu.memory_space<vmem>>, vector<16xf32>,
            %max3A_517 = arith.maximumf %get3A_513, %get3A_516 : vector<16xf32>
            %swap3A_518 = arith.index_cast %squeeze3A_486 : i32 to index
            %swap3A_519 = arith.constant 32 : index
            %swap3A_520 = tpu.vector_load %arg13[%swap3A_518, %swap3A_519] {strides = array<i32>} : memref<640x128xf32, #tpu.memory_space<vmem>>, vector<16xf32>,
            tpu.vector_store %arg13[%swap3A_518, %swap3A_519], %max3A_517 {strides = array<i32>} : memref<640x128xf32, #tpu.memory_space<vmem>>, vector<16xf32>,
            %get3A_521 = arith.index_cast %squeeze3A_486 : i32 to index
            %get3A_522 = arith.constant 48 : index
            %get3A_523 = tpu.vector_load %arg13[%get3A_521, %get3A_522] {strides = array<i32>} : memref<640x128xf32, #tpu.memory_space<vmem>>, vector<16xf32>,
            %get3A_524 = arith.index_cast %add3A_490 : i32 to index
            %get3A_525 = arith.constant 48 : index
            %get3A_526 = tpu.vector_load %arg12[%get3A_524, %get3A_525] {strides = array<i32>} : memref<128x128xf32, #tpu.memory_space<vmem>>, vector<16xf32>,
            %max3A_527 = arith.maximumf %get3A_523, %get3A_526 : vector<16xf32>
            %swap3A_528 = arith.index_cast %squeeze3A_486 : i32 to index
            %swap3A_529 = arith.constant 48 : index
            %swap3A_530 = tpu.vector_load %arg13[%swap3A_528, %swap3A_529] {strides = array<i32>} : memref<640x128xf32, #tpu.memory_space<vmem>>, vector<16xf32>,
            tpu.vector_store %arg13[%swap3A_528, %swap3A_529], %max3A_527 {strides = array<i32>} : memref<640x128xf32, #tpu.memory_space<vmem>>, vector<16xf32>,
            %get3A_531 = arith.index_cast %squeeze3A_486 : i32 to index
            %get3A_532 = arith.constant 64 : index
            %get3A_533 = tpu.vector_load %arg13[%get3A_531, %get3A_532] {strides = array<i32>} : memref<640x128xf32, #tpu.memory_space<vmem>>, vector<16xf32>,
            %get3A_534 = arith.index_cast %add3A_490 : i32 to index
            %get3A_535 = arith.constant 64 : index
            %get3A_536 = tpu.vector_load %arg12[%get3A_534, %get3A_535] {strides = array<i32>} : memref<128x128xf32, #tpu.memory_space<vmem>>, vector<16xf32>,
            %max3A_537 = arith.maximumf %get3A_533, %get3A_536 : vector<16xf32>
            %swap3A_538 = arith.index_cast %squeeze3A_486 : i32 to index
            %swap3A_539 = arith.constant 64 : index
            %swap3A_540 = tpu.vector_load %arg13[%swap3A_538, %swap3A_539] {strides = array<i32>} : memref<640x128xf32, #tpu.memory_space<vmem>>, vector<16xf32>,
            tpu.vector_store %arg13[%swap3A_538, %swap3A_539], %max3A_537 {strides = array<i32>} : memref<640x128xf32, #tpu.memory_space<vmem>>, vector<16xf32>,
            %get3A_541 = arith.index_cast %squeeze3A_486 : i32 to index
            %get3A_542 = arith.constant 80 : index
            %get3A_543 = tpu.vector_load %arg13[%get3A_541, %get3A_542] {strides = array<i32>} : memref<640x128xf32, #tpu.memory_space<vmem>>, vector<16xf32>,
            %get3A_544 = arith.index_cast %add3A_490 : i32 to index
            %get3A_545 = arith.constant 80 : index
            %get3A_546 = tpu.vector_load %arg12[%get3A_544, %get3A_545] {strides = array<i32>} : memref<128x128xf32, #tpu.memory_space<vmem>>, vector<16xf32>,
            %max3A_547 = arith.maximumf %get3A_543, %get3A_546 : vector<16xf32>
            %swap3A_548 = arith.index_cast %squeeze3A_486 : i32 to index
            %swap3A_549 = arith.constant 80 : index
            %swap3A_550 = tpu.vector_load %arg13[%swap3A_548, %swap3A_549] {strides = array<i32>} : memref<640x128xf32, #tpu.memory_space<vmem>>, vector<16xf32>,
            tpu.vector_store %arg13[%swap3A_548, %swap3A_549], %max3A_547 {strides = array<i32>} : memref<640x128xf32, #tpu.memory_space<vmem>>, vector<16xf32>,
            %get3A_551 = arith.index_cast %squeeze3A_486 : i32 to index
            %get3A_552 = arith.constant 96 : index
            %get3A_553 = tpu.vector_load %arg13[%get3A_551, %get3A_552] {strides = array<i32>} : memref<640x128xf32, #tpu.memory_space<vmem>>, vector<16xf32>,
            %get3A_554 = arith.index_cast %add3A_490 : i32 to index
            %get3A_555 = arith.constant 96 : index
            %get3A_556 = tpu.vector_load %arg12[%get3A_554, %get3A_555] {strides = array<i32>} : memref<128x128xf32, #tpu.memory_space<vmem>>, vector<16xf32>,
            %max3A_557 = arith.maximumf %get3A_553, %get3A_556 : vector<16xf32>
            %swap3A_558 = arith.index_cast %squeeze3A_486 : i32 to index
            %swap3A_559 = arith.constant 96 : index
            %swap3A_560 = tpu.vector_load %arg13[%swap3A_558, %swap3A_559] {strides = array<i32>} : memref<640x128xf32, #tpu.memory_space<vmem>>, vector<16xf32>,
            tpu.vector_store %arg13[%swap3A_558, %swap3A_559], %max3A_557 {strides = array<i32>} : memref<640x128xf32, #tpu.memory_space<vmem>>, vector<16xf32>,
            %get3A_561 = arith.index_cast %squeeze3A_486 : i32 to index
            %get3A_562 = arith.constant 112 : index
            %get3A_563 = tpu.vector_load %arg13[%get3A_561, %get3A_562] {strides = array<i32>} : memref<640x128xf32, #tpu.memory_space<vmem>>, vector<16xf32>,
            %get3A_564 = arith.index_cast %add3A_490 : i32 to index
            %get3A_565 = arith.constant 112 : index
            %get3A_566 = tpu.vector_load %arg12[%get3A_564, %get3A_565] {strides = array<i32>} : memref<128x128xf32, #tpu.memory_space<vmem>>, vector<16xf32>,
            %max3A_567 = arith.maximumf %get3A_563, %get3A_566 : vector<16xf32>
            %swap3A_568 = arith.index_cast %squeeze3A_486 : i32 to index
            %swap3A_569 = arith.constant 112 : index
            %swap3A_570 = tpu.vector_load %arg13[%swap3A_568, %swap3A_569] {strides = array<i32>} : memref<640x128xf32, #tpu.memory_space<vmem>>, vector<16xf32>,
            tpu.vector_store %arg13[%swap3A_568, %swap3A_569], %max3A_567 {strides = array<i32>} : memref<640x128xf32, #tpu.memory_space<vmem>>, vector<16xf32>,
            %slice3A_571 = vector.extract_strided_slice %get3A_229 {offsets = [4], sizes = [1], strides = [1]} : vector<16xi32> to vector<1xi32>
            %squeeze3A_572 = vector.extract %slice3A_571[0] : i32 from vector<1xi32>
            %mul3A_573 = arith.constant 16 : i32
            %mul3A_574 = arith.muli %scan3A_220, %mul3A_573 : i32
            %add3A_575 = arith.constant 4 : i32
            %add3A_576 = arith.addi %mul3A_574, %add3A_575 : i32
            %get3A_577 = arith.index_cast %squeeze3A_572 : i32 to index
            %get3A_578 = arith.constant 0 : index
            %get3A_579 = tpu.vector_load %arg13[%get3A_577, %get3A_578] {strides = array<i32>} : memref<640x128xf32, #tpu.memory_space<vmem>>, vector<16xf32>,
            %get3A_580 = arith.index_cast %add3A_576 : i32 to index
            %get3A_581 = arith.constant 0 : index
            %get3A_582 = tpu.vector_load %arg12[%get3A_580, %get3A_581] {strides = array<i32>} : memref<128x128xf32, #tpu.memory_space<vmem>>, vector<16xf32>,
            %max3A_583 = arith.maximumf %get3A_579, %get3A_582 : vector<16xf32>
            %swap3A_584 = arith.index_cast %squeeze3A_572 : i32 to index
            %swap3A_585 = arith.constant 0 : index
            %swap3A_586 = tpu.vector_load %arg13[%swap3A_584, %swap3A_585] {strides = array<i32>} : memref<640x128xf32, #tpu.memory_space<vmem>>, vector<16xf32>,
            tpu.vector_store %arg13[%swap3A_584, %swap3A_585], %max3A_583 {strides = array<i32>} : memref<640x128xf32, #tpu.memory_space<vmem>>, vector<16xf32>,
            %get3A_587 = arith.index_cast %squeeze3A_572 : i32 to index
            %get3A_588 = arith.constant 16 : index
            %get3A_589 = tpu.vector_load %arg13[%get3A_587, %get3A_588] {strides = array<i32>} : memref<640x128xf32, #tpu.memory_space<vmem>>, vector<16xf32>,
            %get3A_590 = arith.index_cast %add3A_576 : i32 to index
            %get3A_591 = arith.constant 16 : index
            %get3A_592 = tpu.vector_load %arg12[%get3A_590, %get3A_591] {strides = array<i32>} : memref<128x128xf32, #tpu.memory_space<vmem>>, vector<16xf32>,
            %max3A_593 = arith.maximumf %get3A_589, %get3A_592 : vector<16xf32>
            %swap3A_594 = arith.index_cast %squeeze3A_572 : i32 to index
            %swap3A_595 = arith.constant 16 : index
            %swap3A_596 = tpu.vector_load %arg13[%swap3A_594, %swap3A_595] {strides = array<i32>} : memref<640x128xf32, #tpu.memory_space<vmem>>, vector<16xf32>,
            tpu.vector_store %arg13[%swap3A_594, %swap3A_595], %max3A_593 {strides = array<i32>} : memref<640x128xf32, #tpu.memory_space<vmem>>, vector<16xf32>,
            %get3A_597 = arith.index_cast %squeeze3A_572 : i32 to index
            %get3A_598 = arith.constant 32 : index
            %get3A_599 = tpu.vector_load %arg13[%get3A_597, %get3A_598] {strides = array<i32>} : memref<640x128xf32, #tpu.memory_space<vmem>>, vector<16xf32>,
            %get3A_600 = arith.index_cast %add3A_576 : i32 to index
            %get3A_601 = arith.constant 32 : index
            %get3A_602 = tpu.vector_load %arg12[%get3A_600, %get3A_601] {strides = array<i32>} : memref<128x128xf32, #tpu.memory_space<vmem>>, vector<16xf32>,
            %max3A_603 = arith.maximumf %get3A_599, %get3A_602 : vector<16xf32>
            %swap3A_604 = arith.index_cast %squeeze3A_572 : i32 to index
            %swap3A_605 = arith.constant 32 : index
            %swap3A_606 = tpu.vector_load %arg13[%swap3A_604, %swap3A_605] {strides = array<i32>} : memref<640x128xf32, #tpu.memory_space<vmem>>, vector<16xf32>,
            tpu.vector_store %arg13[%swap3A_604, %swap3A_605], %max3A_603 {strides = array<i32>} : memref<640x128xf32, #tpu.memory_space<vmem>>, vector<16xf32>,
            %get3A_607 = arith.index_cast %squeeze3A_572 : i32 to index
            %get3A_608 = arith.constant 48 : index
            %get3A_609 = tpu.vector_load %arg13[%get3A_607, %get3A_608] {strides = array<i32>} : memref<640x128xf32, #tpu.memory_space<vmem>>, vector<16xf32>,
            %get3A_610 = arith.index_cast %add3A_576 : i32 to index
            %get3A_611 = arith.constant 48 : index
            %get3A_612 = tpu.vector_load %arg12[%get3A_610, %get3A_611] {strides = array<i32>} : memref<128x128xf32, #tpu.memory_space<vmem>>, vector<16xf32>,
            %max3A_613 = arith.maximumf %get3A_609, %get3A_612 : vector<16xf32>
            %swap3A_614 = arith.index_cast %squeeze3A_572 : i32 to index
            %swap3A_615 = arith.constant 48 : index
            %swap3A_616 = tpu.vector_load %arg13[%swap3A_614, %swap3A_615] {strides = array<i32>} : memref<640x128xf32, #tpu.memory_space<vmem>>, vector<16xf32>,
            tpu.vector_store %arg13[%swap3A_614, %swap3A_615], %max3A_613 {strides = array<i32>} : memref<640x128xf32, #tpu.memory_space<vmem>>, vector<16xf32>,
            %get3A_617 = arith.index_cast %squeeze3A_572 : i32 to index
            %get3A_618 = arith.constant 64 : index
            %get3A_619 = tpu.vector_load %arg13[%get3A_617, %get3A_618] {strides = array<i32>} : memref<640x128xf32, #tpu.memory_space<vmem>>, vector<16xf32>,
            %get3A_620 = arith.index_cast %add3A_576 : i32 to index
            %get3A_621 = arith.constant 64 : index
            %get3A_622 = tpu.vector_load %arg12[%get3A_620, %get3A_621] {strides = array<i32>} : memref<128x128xf32, #tpu.memory_space<vmem>>, vector<16xf32>,
            %max3A_623 = arith.maximumf %get3A_619, %get3A_622 : vector<16xf32>
            %swap3A_624 = arith.index_cast %squeeze3A_572 : i32 to index
            %swap3A_625 = arith.constant 64 : index
            %swap3A_626 = tpu.vector_load %arg13[%swap3A_624, %swap3A_625] {strides = array<i32>} : memref<640x128xf32, #tpu.memory_space<vmem>>, vector<16xf32>,
            tpu.vector_store %arg13[%swap3A_624, %swap3A_625], %max3A_623 {strides = array<i32>} : memref<640x128xf32, #tpu.memory_space<vmem>>, vector<16xf32>,
            %get3A_627 = arith.index_cast %squeeze3A_572 : i32 to index
            %get3A_628 = arith.constant 80 : index
            %get3A_629 = tpu.vector_load %arg13[%get3A_627, %get3A_628] {strides = array<i32>} : memref<640x128xf32, #tpu.memory_space<vmem>>, vector<16xf32>,
            %get3A_630 = arith.index_cast %add3A_576 : i32 to index
            %get3A_631 = arith.constant 80 : index
            %get3A_632 = tpu.vector_load %arg12[%get3A_630, %get3A_631] {strides = array<i32>} : memref<128x128xf32, #tpu.memory_space<vmem>>, vector<16xf32>,
            %max3A_633 = arith.maximumf %get3A_629, %get3A_632 : vector<16xf32>
            %swap3A_634 = arith.index_cast %squeeze3A_572 : i32 to index
            %swap3A_635 = arith.constant 80 : index
            %swap3A_636 = tpu.vector_load %arg13[%swap3A_634, %swap3A_635] {strides = array<i32>} : memref<640x128xf32, #tpu.memory_space<vmem>>, vector<16xf32>,
            tpu.vector_store %arg13[%swap3A_634, %swap3A_635], %max3A_633 {strides = array<i32>} : memref<640x128xf32, #tpu.memory_space<vmem>>, vector<16xf32>,
            %get3A_637 = arith.index_cast %squeeze3A_572 : i32 to index
            %get3A_638 = arith.constant 96 : index
            %get3A_639 = tpu.vector_load %arg13[%get3A_637, %get3A_638] {strides = array<i32>} : memref<640x128xf32, #tpu.memory_space<vmem>>, vector<16xf32>,
            %get3A_640 = arith.index_cast %add3A_576 : i32 to index
            %get3A_641 = arith.constant 96 : index
            %get3A_642 = tpu.vector_load %arg12[%get3A_640, %get3A_641] {strides = array<i32>} : memref<128x128xf32, #tpu.memory_space<vmem>>, vector<16xf32>,
            %max3A_643 = arith.maximumf %get3A_639, %get3A_642 : vector<16xf32>
            %swap3A_644 = arith.index_cast %squeeze3A_572 : i32 to index
            %swap3A_645 = arith.constant 96 : index
            %swap3A_646 = tpu.vector_load %arg13[%swap3A_644, %swap3A_645] {strides = array<i32>} : memref<640x128xf32, #tpu.memory_space<vmem>>, vector<16xf32>,
            tpu.vector_store %arg13[%swap3A_644, %swap3A_645], %max3A_643 {strides = array<i32>} : memref<640x128xf32, #tpu.memory_space<vmem>>, vector<16xf32>,
            %get3A_647 = arith.index_cast %squeeze3A_572 : i32 to index
            %get3A_648 = arith.constant 112 : index
            %get3A_649 = tpu.vector_load %arg13[%get3A_647, %get3A_648] {strides = array<i32>} : memref<640x128xf32, #tpu.memory_space<vmem>>, vector<16xf32>,
            %get3A_650 = arith.index_cast %add3A_576 : i32 to index
            %get3A_651 = arith.constant 112 : index
            %get3A_652 = tpu.vector_load %arg12[%get3A_650, %get3A_651] {strides = array<i32>} : memref<128x128xf32, #tpu.memory_space<vmem>>, vector<16xf32>,
            %max3A_653 = arith.maximumf %get3A_649, %get3A_652 : vector<16xf32>
            %swap3A_654 = arith.index_cast %squeeze3A_572 : i32 to index
            %swap3A_655 = arith.constant 112 : index
            %swap3A_656 = tpu.vector_load %arg13[%swap3A_654, %swap3A_655] {strides = array<i32>} : memref<640x128xf32, #tpu.memory_space<vmem>>, vector<16xf32>,
            tpu.vector_store %arg13[%swap3A_654, %swap3A_655], %max3A_653 {strides = array<i32>} : memref<640x128xf32, #tpu.memory_space<vmem>>, vector<16xf32>,
            %slice3A_657 = vector.extract_strided_slice %get3A_229 {offsets = [5], sizes = [1], strides = [1]} : vector<16xi32> to vector<1xi32>
            %squeeze3A_658 = vector.extract %slice3A_657[0] : i32 from vector<1xi32>
            %mul3A_659 = arith.constant 16 : i32
            %mul3A_660 = arith.muli %scan3A_220, %mul3A_659 : i32
            %add3A_661 = arith.constant 5 : i32
            %add3A_662 = arith.addi %mul3A_660, %add3A_661 : i32
            %get3A_663 = arith.index_cast %squeeze3A_658 : i32 to index
            %get3A_664 = arith.constant 0 : index
            %get3A_665 = tpu.vector_load %arg13[%get3A_663, %get3A_664] {strides = array<i32>} : memref<640x128xf32, #tpu.memory_space<vmem>>, vector<16xf32>,
            %get3A_666 = arith.index_cast %add3A_662 : i32 to index
            %get3A_667 = arith.constant 0 : index
            %get3A_668 = tpu.vector_load %arg12[%get3A_666, %get3A_667] {strides = array<i32>} : memref<128x128xf32, #tpu.memory_space<vmem>>, vector<16xf32>,
            %max3A_669 = arith.maximumf %get3A_665, %get3A_668 : vector<16xf32>
            %swap3A_670 = arith.index_cast %squeeze3A_658 : i32 to index
            %swap3A_671 = arith.constant 0 : index
            %swap3A_672 = tpu.vector_load %arg13[%swap3A_670, %swap3A_671] {strides = array<i32>} : memref<640x128xf32, #tpu.memory_space<vmem>>, vector<16xf32>,
            tpu.vector_store %arg13[%swap3A_670, %swap3A_671], %max3A_669 {strides = array<i32>} : memref<640x128xf32, #tpu.memory_space<vmem>>, vector<16xf32>,
            %get3A_673 = arith.index_cast %squeeze3A_658 : i32 to index
            %get3A_674 = arith.constant 16 : index
            %get3A_675 = tpu.vector_load %arg13[%get3A_673, %get3A_674] {strides = array<i32>} : memref<640x128xf32, #tpu.memory_space<vmem>>, vector<16xf32>,
            %get3A_676 = arith.index_cast %add3A_662 : i32 to index
            %get3A_677 = arith.constant 16 : index
            %get3A_678 = tpu.vector_load %arg12[%get3A_676, %get3A_677] {strides = array<i32>} : memref<128x128xf32, #tpu.memory_space<vmem>>, vector<16xf32>,
            %max3A_679 = arith.maximumf %get3A_675, %get3A_678 : vector<16xf32>
            %swap3A_680 = arith.index_cast %squeeze3A_658 : i32 to index
            %swap3A_681 = arith.constant 16 : index
            %swap3A_682 = tpu.vector_load %arg13[%swap3A_680, %swap3A_681] {strides = array<i32>} : memref<640x128xf32, #tpu.memory_space<vmem>>, vector<16xf32>,
            tpu.vector_store %arg13[%swap3A_680, %swap3A_681], %max3A_679 {strides = array<i32>} : memref<640x128xf32, #tpu.memory_space<vmem>>, vector<16xf32>,
            %get3A_683 = arith.index_cast %squeeze3A_658 : i32 to index
            %get3A_684 = arith.constant 32 : index
            %get3A_685 = tpu.vector_load %arg13[%get3A_683, %get3A_684] {strides = array<i32>} : memref<640x128xf32, #tpu.memory_space<vmem>>, vector<16xf32>,
            %get3A_686 = arith.index_cast %add3A_662 : i32 to index
            %get3A_687 = arith.constant 32 : index
            %get3A_688 = tpu.vector_load %arg12[%get3A_686, %get3A_687] {strides = array<i32>} : memref<128x128xf32, #tpu.memory_space<vmem>>, vector<16xf32>,
            %max3A_689 = arith.maximumf %get3A_685, %get3A_688 : vector<16xf32>
            %swap3A_690 = arith.index_cast %squeeze3A_658 : i32 to index
            %swap3A_691 = arith.constant 32 : index
            %swap3A_692 = tpu.vector_load %arg13[%swap3A_690, %swap3A_691] {strides = array<i32>} : memref<640x128xf32, #tpu.memory_space<vmem>>, vector<16xf32>,
            tpu.vector_store %arg13[%swap3A_690, %swap3A_691], %max3A_689 {strides = array<i32>} : memref<640x128xf32, #tpu.memory_space<vmem>>, vector<16xf32>,
            %get3A_693 = arith.index_cast %squeeze3A_658 : i32 to index
            %get3A_694 = arith.constant 48 : index
            %get3A_695 = tpu.vector_load %arg13[%get3A_693, %get3A_694] {strides = array<i32>} : memref<640x128xf32, #tpu.memory_space<vmem>>, vector<16xf32>,
            %get3A_696 = arith.index_cast %add3A_662 : i32 to index
            %get3A_697 = arith.constant 48 : index
            %get3A_698 = tpu.vector_load %arg12[%get3A_696, %get3A_697] {strides = array<i32>} : memref<128x128xf32, #tpu.memory_space<vmem>>, vector<16xf32>,
            %max3A_699 = arith.maximumf %get3A_695, %get3A_698 : vector<16xf32>
            %swap3A_700 = arith.index_cast %squeeze3A_658 : i32 to index
            %swap3A_701 = arith.constant 48 : index
            %swap3A_702 = tpu.vector_load %arg13[%swap3A_700, %swap3A_701] {strides = array<i32>} : memref<640x128xf32, #tpu.memory_space<vmem>>, vector<16xf32>,
            tpu.vector_store %arg13[%swap3A_700, %swap3A_701], %max3A_699 {strides = array<i32>} : memref<640x128xf32, #tpu.memory_space<vmem>>, vector<16xf32>,
            %get3A_703 = arith.index_cast %squeeze3A_658 : i32 to index
            %get3A_704 = arith.constant 64 : index
            %get3A_705 = tpu.vector_load %arg13[%get3A_703, %get3A_704] {strides = array<i32>} : memref<640x128xf32, #tpu.memory_space<vmem>>, vector<16xf32>,
            %get3A_706 = arith.index_cast %add3A_662 : i32 to index
            %get3A_707 = arith.constant 64 : index
            %get3A_708 = tpu.vector_load %arg12[%get3A_706, %get3A_707] {strides = array<i32>} : memref<128x128xf32, #tpu.memory_space<vmem>>, vector<16xf32>,
            %max3A_709 = arith.maximumf %get3A_705, %get3A_708 : vector<16xf32>
            %swap3A_710 = arith.index_cast %squeeze3A_658 : i32 to index
            %swap3A_711 = arith.constant 64 : index
            %swap3A_712 = tpu.vector_load %arg13[%swap3A_710, %swap3A_711] {strides = array<i32>} : memref<640x128xf32, #tpu.memory_space<vmem>>, vector<16xf32>,
            tpu.vector_store %arg13[%swap3A_710, %swap3A_711], %max3A_709 {strides = array<i32>} : memref<640x128xf32, #tpu.memory_space<vmem>>, vector<16xf32>,
            %get3A_713 = arith.index_cast %squeeze3A_658 : i32 to index
            %get3A_714 = arith.constant 80 : index
            %get3A_715 = tpu.vector_load %arg13[%get3A_713, %get3A_714] {strides = array<i32>} : memref<640x128xf32, #tpu.memory_space<vmem>>, vector<16xf32>,
            %get3A_716 = arith.index_cast %add3A_662 : i32 to index
            %get3A_717 = arith.constant 80 : index
            %get3A_718 = tpu.vector_load %arg12[%get3A_716, %get3A_717] {strides = array<i32>} : memref<128x128xf32, #tpu.memory_space<vmem>>, vector<16xf32>,
            %max3A_719 = arith.maximumf %get3A_715, %get3A_718 : vector<16xf32>
            %swap3A_720 = arith.index_cast %squeeze3A_658 : i32 to index
            %swap3A_721 = arith.constant 80 : index
            %swap3A_722 = tpu.vector_load %arg13[%swap3A_720, %swap3A_721] {strides = array<i32>} : memref<640x128xf32, #tpu.memory_space<vmem>>, vector<16xf32>,
            tpu.vector_store %arg13[%swap3A_720, %swap3A_721], %max3A_719 {strides = array<i32>} : memref<640x128xf32, #tpu.memory_space<vmem>>, vector<16xf32>,
            %get3A_723 = arith.index_cast %squeeze3A_658 : i32 to index
            %get3A_724 = arith.constant 96 : index
            %get3A_725 = tpu.vector_load %arg13[%get3A_723, %get3A_724] {strides = array<i32>} : memref<640x128xf32, #tpu.memory_space<vmem>>, vector<16xf32>,
            %get3A_726 = arith.index_cast %add3A_662 : i32 to index
            %get3A_727 = arith.constant 96 : index
            %get3A_728 = tpu.vector_load %arg12[%get3A_726, %get3A_727] {strides = array<i32>} : memref<128x128xf32, #tpu.memory_space<vmem>>, vector<16xf32>,
            %max3A_729 = arith.maximumf %get3A_725, %get3A_728 : vector<16xf32>
            %swap3A_730 = arith.index_cast %squeeze3A_658 : i32 to index
            %swap3A_731 = arith.constant 96 : index
            %swap3A_732 = tpu.vector_load %arg13[%swap3A_730, %swap3A_731] {strides = array<i32>} : memref<640x128xf32, #tpu.memory_space<vmem>>, vector<16xf32>,
            tpu.vector_store %arg13[%swap3A_730, %swap3A_731], %max3A_729 {strides = array<i32>} : memref<640x128xf32, #tpu.memory_space<vmem>>, vector<16xf32>,
            %get3A_733 = arith.index_cast %squeeze3A_658 : i32 to index
            %get3A_734 = arith.constant 112 : index
            %get3A_735 = tpu.vector_load %arg13[%get3A_733, %get3A_734] {strides = array<i32>} : memref<640x128xf32, #tpu.memory_space<vmem>>, vector<16xf32>,
            %get3A_736 = arith.index_cast %add3A_662 : i32 to index
            %get3A_737 = arith.constant 112 : index
            %get3A_738 = tpu.vector_load %arg12[%get3A_736, %get3A_737] {strides = array<i32>} : memref<128x128xf32, #tpu.memory_space<vmem>>, vector<16xf32>,
            %max3A_739 = arith.maximumf %get3A_735, %get3A_738 : vector<16xf32>
            %swap3A_740 = arith.index_cast %squeeze3A_658 : i32 to index
            %swap3A_741 = arith.constant 112 : index
            %swap3A_742 = tpu.vector_load %arg13[%swap3A_740, %swap3A_741] {strides = array<i32>} : memref<640x128xf32, #tpu.memory_space<vmem>>, vector<16xf32>,
            tpu.vector_store %arg13[%swap3A_740, %swap3A_741], %max3A_739 {strides = array<i32>} : memref<640x128xf32, #tpu.memory_space<vmem>>, vector<16xf32>,
            %slice3A_743 = vector.extract_strided_slice %get3A_229 {offsets = [6], sizes = [1], strides = [1]} : vector<16xi32> to vector<1xi32>
            %squeeze3A_744 = vector.extract %slice3A_743[0] : i32 from vector<1xi32>
            %mul3A_745 = arith.constant 16 : i32
            %mul3A_746 = arith.muli %scan3A_220, %mul3A_745 : i32
            %add3A_747 = arith.constant 6 : i32
            %add3A_748 = arith.addi %mul3A_746, %add3A_747 : i32
            %get3A_749 = arith.index_cast %squeeze3A_744 : i32 to index
            %get3A_750 = arith.constant 0 : index
            %get3A_751 = tpu.vector_load %arg13[%get3A_749, %get3A_750] {strides = array<i32>} : memref<640x128xf32, #tpu.memory_space<vmem>>, vector<16xf32>,
            %get3A_752 = arith.index_cast %add3A_748 : i32 to index
            %get3A_753 = arith.constant 0 : index
            %get3A_754 = tpu.vector_load %arg12[%get3A_752, %get3A_753] {strides = array<i32>} : memref<128x128xf32, #tpu.memory_space<vmem>>, vector<16xf32>,
            %max3A_755 = arith.maximumf %get3A_751, %get3A_754 : vector<16xf32>
            %swap3A_756 = arith.index_cast %squeeze3A_744 : i32 to index
            %swap3A_757 = arith.constant 0 : index
            %swap3A_758 = tpu.vector_load %arg13[%swap3A_756, %swap3A_757] {strides = array<i32>} : memref<640x128xf32, #tpu.memory_space<vmem>>, vector<16xf32>,
            tpu.vector_store %arg13[%swap3A_756, %swap3A_757], %max3A_755 {strides = array<i32>} : memref<640x128xf32, #tpu.memory_space<vmem>>, vector<16xf32>,
            %get3A_759 = arith.index_cast %squeeze3A_744 : i32 to index
            %get3A_760 = arith.constant 16 : index
            %get3A_761 = tpu.vector_load %arg13[%get3A_759, %get3A_760] {strides = array<i32>} : memref<640x128xf32, #tpu.memory_space<vmem>>, vector<16xf32>,
            %get3A_762 = arith.index_cast %add3A_748 : i32 to index
            %get3A_763 = arith.constant 16 : index
            %get3A_764 = tpu.vector_load %arg12[%get3A_762, %get3A_763] {strides = array<i32>} : memref<128x128xf32, #tpu.memory_space<vmem>>, vector<16xf32>,
            %max3A_765 = arith.maximumf %get3A_761, %get3A_764 : vector<16xf32>
            %swap3A_766 = arith.index_cast %squeeze3A_744 : i32 to index
            %swap3A_767 = arith.constant 16 : index
            %swap3A_768 = tpu.vector_load %arg13[%swap3A_766, %swap3A_767] {strides = array<i32>} : memref<640x128xf32, #tpu.memory_space<vmem>>, vector<16xf32>,
            tpu.vector_store %arg13[%swap3A_766, %swap3A_767], %max3A_765 {strides = array<i32>} : memref<640x128xf32, #tpu.memory_space<vmem>>, vector<16xf32>,
            %get3A_769 = arith.index_cast %squeeze3A_744 : i32 to index
            %get3A_770 = arith.constant 32 : index
            %get3A_771 = tpu.vector_load %arg13[%get3A_769, %get3A_770] {strides = array<i32>} : memref<640x128xf32, #tpu.memory_space<vmem>>, vector<16xf32>,
            %get3A_772 = arith.index_cast %add3A_748 : i32 to index
            %get3A_773 = arith.constant 32 : index
            %get3A_774 = tpu.vector_load %arg12[%get3A_772, %get3A_773] {strides = array<i32>} : memref<128x128xf32, #tpu.memory_space<vmem>>, vector<16xf32>,
            %max3A_775 = arith.maximumf %get3A_771, %get3A_774 : vector<16xf32>
            %swap3A_776 = arith.index_cast %squeeze3A_744 : i32 to index
            %swap3A_777 = arith.constant 32 : index
            %swap3A_778 = tpu.vector_load %arg13[%swap3A_776, %swap3A_777] {strides = array<i32>} : memref<640x128xf32, #tpu.memory_space<vmem>>, vector<16xf32>,
            tpu.vector_store %arg13[%swap3A_776, %swap3A_777], %max3A_775 {strides = array<i32>} : memref<640x128xf32, #tpu.memory_space<vmem>>, vector<16xf32>,
            %get3A_779 = arith.index_cast %squeeze3A_744 : i32 to index
            %get3A_780 = arith.constant 48 : index
            %get3A_781 = tpu.vector_load %arg13[%get3A_779, %get3A_780] {strides = array<i32>} : memref<640x128xf32, #tpu.memory_space<vmem>>, vector<16xf32>,
            %get3A_782 = arith.index_cast %add3A_748 : i32 to index
            %get3A_783 = arith.constant 48 : index
            %get3A_784 = tpu.vector_load %arg12[%get3A_782, %get3A_783] {strides = array<i32>} : memref<128x128xf32, #tpu.memory_space<vmem>>, vector<16xf32>,
            %max3A_785 = arith.maximumf %get3A_781, %get3A_784 : vector<16xf32>
            %swap3A_786 = arith.index_cast %squeeze3A_744 : i32 to index
            %swap3A_787 = arith.constant 48 : index
            %swap3A_788 = tpu.vector_load %arg13[%swap3A_786, %swap3A_787] {strides = array<i32>} : memref<640x128xf32, #tpu.memory_space<vmem>>, vector<16xf32>,
            tpu.vector_store %arg13[%swap3A_786, %swap3A_787], %max3A_785 {strides = array<i32>} : memref<640x128xf32, #tpu.memory_space<vmem>>, vector<16xf32>,
            %get3A_789 = arith.index_cast %squeeze3A_744 : i32 to index
            %get3A_790 = arith.constant 64 : index
            %get3A_791 = tpu.vector_load %arg13[%get3A_789, %get3A_790] {strides = array<i32>} : memref<640x128xf32, #tpu.memory_space<vmem>>, vector<16xf32>,
            %get3A_792 = arith.index_cast %add3A_748 : i32 to index
            %get3A_793 = arith.constant 64 : index
            %get3A_794 = tpu.vector_load %arg12[%get3A_792, %get3A_793] {strides = array<i32>} : memref<128x128xf32, #tpu.memory_space<vmem>>, vector<16xf32>,
            %max3A_795 = arith.maximumf %get3A_791, %get3A_794 : vector<16xf32>
            %swap3A_796 = arith.index_cast %squeeze3A_744 : i32 to index
            %swap3A_797 = arith.constant 64 : index
            %swap3A_798 = tpu.vector_load %arg13[%swap3A_796, %swap3A_797] {strides = array<i32>} : memref<640x128xf32, #tpu.memory_space<vmem>>, vector<16xf32>,
            tpu.vector_store %arg13[%swap3A_796, %swap3A_797], %max3A_795 {strides = array<i32>} : memref<640x128xf32, #tpu.memory_space<vmem>>, vector<16xf32>,
            %get3A_799 = arith.index_cast %squeeze3A_744 : i32 to index
            %get3A_800 = arith.constant 80 : index
            %get3A_801 = tpu.vector_load %arg13[%get3A_799, %get3A_800] {strides = array<i32>} : memref<640x128xf32, #tpu.memory_space<vmem>>, vector<16xf32>,
            %get3A_802 = arith.index_cast %add3A_748 : i32 to index
            %get3A_803 = arith.constant 80 : index
            %get3A_804 = tpu.vector_load %arg12[%get3A_802, %get3A_803] {strides = array<i32>} : memref<128x128xf32, #tpu.memory_space<vmem>>, vector<16xf32>,
            %max3A_805 = arith.maximumf %get3A_801, %get3A_804 : vector<16xf32>
            %swap3A_806 = arith.index_cast %squeeze3A_744 : i32 to index
            %swap3A_807 = arith.constant 80 : index
            %swap3A_808 = tpu.vector_load %arg13[%swap3A_806, %swap3A_807] {strides = array<i32>} : memref<640x128xf32, #tpu.memory_space<vmem>>, vector<16xf32>,
            tpu.vector_store %arg13[%swap3A_806, %swap3A_807], %max3A_805 {strides = array<i32>} : memref<640x128xf32, #tpu.memory_space<vmem>>, vector<16xf32>,
            %get3A_809 = arith.index_cast %squeeze3A_744 : i32 to index
            %get3A_810 = arith.constant 96 : index
            %get3A_811 = tpu.vector_load %arg13[%get3A_809, %get3A_810] {strides = array<i32>} : memref<640x128xf32, #tpu.memory_space<vmem>>, vector<16xf32>,
            %get3A_812 = arith.index_cast %add3A_748 : i32 to index
            %get3A_813 = arith.constant 96 : index
            %get3A_814 = tpu.vector_load %arg12[%get3A_812, %get3A_813] {strides = array<i32>} : memref<128x128xf32, #tpu.memory_space<vmem>>, vector<16xf32>,
            %max3A_815 = arith.maximumf %get3A_811, %get3A_814 : vector<16xf32>
            %swap3A_816 = arith.index_cast %squeeze3A_744 : i32 to index
            %swap3A_817 = arith.constant 96 : index
            %swap3A_818 = tpu.vector_load %arg13[%swap3A_816, %swap3A_817] {strides = array<i32>} : memref<640x128xf32, #tpu.memory_space<vmem>>, vector<16xf32>,
            tpu.vector_store %arg13[%swap3A_816, %swap3A_817], %max3A_815 {strides = array<i32>} : memref<640x128xf32, #tpu.memory_space<vmem>>, vector<16xf32>,
            %get3A_819 = arith.index_cast %squeeze3A_744 : i32 to index
            %get3A_820 = arith.constant 112 : index
            %get3A_821 = tpu.vector_load %arg13[%get3A_819, %get3A_820] {strides = array<i32>} : memref<640x128xf32, #tpu.memory_space<vmem>>, vector<16xf32>,
            %get3A_822 = arith.index_cast %add3A_748 : i32 to index
            %get3A_823 = arith.constant 112 : index
            %get3A_824 = tpu.vector_load %arg12[%get3A_822, %get3A_823] {strides = array<i32>} : memref<128x128xf32, #tpu.memory_space<vmem>>, vector<16xf32>,
            %max3A_825 = arith.maximumf %get3A_821, %get3A_824 : vector<16xf32>
            %swap3A_826 = arith.index_cast %squeeze3A_744 : i32 to index
            %swap3A_827 = arith.constant 112 : index
            %swap3A_828 = tpu.vector_load %arg13[%swap3A_826, %swap3A_827] {strides = array<i32>} : memref<640x128xf32, #tpu.memory_space<vmem>>, vector<16xf32>,
            tpu.vector_store %arg13[%swap3A_826, %swap3A_827], %max3A_825 {strides = array<i32>} : memref<640x128xf32, #tpu.memory_space<vmem>>, vector<16xf32>,
            %slice3A_829 = vector.extract_strided_slice %get3A_229 {offsets = [7], sizes = [1], strides = [1]} : vector<16xi32> to vector<1xi32>
            %squeeze3A_830 = vector.extract %slice3A_829[0] : i32 from vector<1xi32>
            %mul3A_831 = arith.constant 16 : i32
            %mul3A_832 = arith.muli %scan3A_220, %mul3A_831 : i32
            %add3A_833 = arith.constant 7 : i32
            %add3A_834 = arith.addi %mul3A_832, %add3A_833 : i32
            %get3A_835 = arith.index_cast %squeeze3A_830 : i32 to index
            %get3A_836 = arith.constant 0 : index
            %get3A_837 = tpu.vector_load %arg13[%get3A_835, %get3A_836] {strides = array<i32>} : memref<640x128xf32, #tpu.memory_space<vmem>>, vector<16xf32>,
            %get3A_838 = arith.index_cast %add3A_834 : i32 to index
            %get3A_839 = arith.constant 0 : index
            %get3A_840 = tpu.vector_load %arg12[%get3A_838, %get3A_839] {strides = array<i32>} : memref<128x128xf32, #tpu.memory_space<vmem>>, vector<16xf32>,
            %max3A_841 = arith.maximumf %get3A_837, %get3A_840 : vector<16xf32>
            %swap3A_842 = arith.index_cast %squeeze3A_830 : i32 to index
            %swap3A_843 = arith.constant 0 : index
            %swap3A_844 = tpu.vector_load %arg13[%swap3A_842, %swap3A_843] {strides = array<i32>} : memref<640x128xf32, #tpu.memory_space<vmem>>, vector<16xf32>,
            tpu.vector_store %arg13[%swap3A_842, %swap3A_843], %max3A_841 {strides = array<i32>} : memref<640x128xf32, #tpu.memory_space<vmem>>, vector<16xf32>,
            %get3A_845 = arith.index_cast %squeeze3A_830 : i32 to index
            %get3A_846 = arith.constant 16 : index
            %get3A_847 = tpu.vector_load %arg13[%get3A_845, %get3A_846] {strides = array<i32>} : memref<640x128xf32, #tpu.memory_space<vmem>>, vector<16xf32>,
            %get3A_848 = arith.index_cast %add3A_834 : i32 to index
            %get3A_849 = arith.constant 16 : index
            %get3A_850 = tpu.vector_load %arg12[%get3A_848, %get3A_849] {strides = array<i32>} : memref<128x128xf32, #tpu.memory_space<vmem>>, vector<16xf32>,
            %max3A_851 = arith.maximumf %get3A_847, %get3A_850 : vector<16xf32>
            %swap3A_852 = arith.index_cast %squeeze3A_830 : i32 to index
            %swap3A_853 = arith.constant 16 : index
            %swap3A_854 = tpu.vector_load %arg13[%swap3A_852, %swap3A_853] {strides = array<i32>} : memref<640x128xf32, #tpu.memory_space<vmem>>, vector<16xf32>,
            tpu.vector_store %arg13[%swap3A_852, %swap3A_853], %max3A_851 {strides = array<i32>} : memref<640x128xf32, #tpu.memory_space<vmem>>, vector<16xf32>,
            %get3A_855 = arith.index_cast %squeeze3A_830 : i32 to index
            %get3A_856 = arith.constant 32 : index
            %get3A_857 = tpu.vector_load %arg13[%get3A_855, %get3A_856] {strides = array<i32>} : memref<640x128xf32, #tpu.memory_space<vmem>>, vector<16xf32>,
            %get3A_858 = arith.index_cast %add3A_834 : i32 to index
            %get3A_859 = arith.constant 32 : index
            %get3A_860 = tpu.vector_load %arg12[%get3A_858, %get3A_859] {strides = array<i32>} : memref<128x128xf32, #tpu.memory_space<vmem>>, vector<16xf32>,
            %max3A_861 = arith.maximumf %get3A_857, %get3A_860 : vector<16xf32>
            %swap3A_862 = arith.index_cast %squeeze3A_830 : i32 to index
            %swap3A_863 = arith.constant 32 : index
            %swap3A_864 = tpu.vector_load %arg13[%swap3A_862, %swap3A_863] {strides = array<i32>} : memref<640x128xf32, #tpu.memory_space<vmem>>, vector<16xf32>,
            tpu.vector_store %arg13[%swap3A_862, %swap3A_863], %max3A_861 {strides = array<i32>} : memref<640x128xf32, #tpu.memory_space<vmem>>, vector<16xf32>,
            %get3A_865 = arith.index_cast %squeeze3A_830 : i32 to index
            %get3A_866 = arith.constant 48 : index
            %get3A_867 = tpu.vector_load %arg13[%get3A_865, %get3A_866] {strides = array<i32>} : memref<640x128xf32, #tpu.memory_space<vmem>>, vector<16xf32>,
            %get3A_868 = arith.index_cast %add3A_834 : i32 to index
            %get3A_869 = arith.constant 48 : index
            %get3A_870 = tpu.vector_load %arg12[%get3A_868, %get3A_869] {strides = array<i32>} : memref<128x128xf32, #tpu.memory_space<vmem>>, vector<16xf32>,
            %max3A_871 = arith.maximumf %get3A_867, %get3A_870 : vector<16xf32>
            %swap3A_872 = arith.index_cast %squeeze3A_830 : i32 to index
            %swap3A_873 = arith.constant 48 : index
            %swap3A_874 = tpu.vector_load %arg13[%swap3A_872, %swap3A_873] {strides = array<i32>} : memref<640x128xf32, #tpu.memory_space<vmem>>, vector<16xf32>,
            tpu.vector_store %arg13[%swap3A_872, %swap3A_873], %max3A_871 {strides = array<i32>} : memref<640x128xf32, #tpu.memory_space<vmem>>, vector<16xf32>,
            %get3A_875 = arith.index_cast %squeeze3A_830 : i32 to index
            %get3A_876 = arith.constant 64 : index
            %get3A_877 = tpu.vector_load %arg13[%get3A_875, %get3A_876] {strides = array<i32>} : memref<640x128xf32, #tpu.memory_space<vmem>>, vector<16xf32>,
            %get3A_878 = arith.index_cast %add3A_834 : i32 to index
            %get3A_879 = arith.constant 64 : index
            %get3A_880 = tpu.vector_load %arg12[%get3A_878, %get3A_879] {strides = array<i32>} : memref<128x128xf32, #tpu.memory_space<vmem>>, vector<16xf32>,
            %max3A_881 = arith.maximumf %get3A_877, %get3A_880 : vector<16xf32>
            %swap3A_882 = arith.index_cast %squeeze3A_830 : i32 to index
            %swap3A_883 = arith.constant 64 : index
            %swap3A_884 = tpu.vector_load %arg13[%swap3A_882, %swap3A_883] {strides = array<i32>} : memref<640x128xf32, #tpu.memory_space<vmem>>, vector<16xf32>,
            tpu.vector_store %arg13[%swap3A_882, %swap3A_883], %max3A_881 {strides = array<i32>} : memref<640x128xf32, #tpu.memory_space<vmem>>, vector<16xf32>,
            %get3A_885 = arith.index_cast %squeeze3A_830 : i32 to index
            %get3A_886 = arith.constant 80 : index
            %get3A_887 = tpu.vector_load %arg13[%get3A_885, %get3A_886] {strides = array<i32>} : memref<640x128xf32, #tpu.memory_space<vmem>>, vector<16xf32>,
            %get3A_888 = arith.index_cast %add3A_834 : i32 to index
            %get3A_889 = arith.constant 80 : index
            %get3A_890 = tpu.vector_load %arg12[%get3A_888, %get3A_889] {strides = array<i32>} : memref<128x128xf32, #tpu.memory_space<vmem>>, vector<16xf32>,
            %max3A_891 = arith.maximumf %get3A_887, %get3A_890 : vector<16xf32>
            %swap3A_892 = arith.index_cast %squeeze3A_830 : i32 to index
            %swap3A_893 = arith.constant 80 : index
            %swap3A_894 = tpu.vector_load %arg13[%swap3A_892, %swap3A_893] {strides = array<i32>} : memref<640x128xf32, #tpu.memory_space<vmem>>, vector<16xf32>,
            tpu.vector_store %arg13[%swap3A_892, %swap3A_893], %max3A_891 {strides = array<i32>} : memref<640x128xf32, #tpu.memory_space<vmem>>, vector<16xf32>,
            %get3A_895 = arith.index_cast %squeeze3A_830 : i32 to index
            %get3A_896 = arith.constant 96 : index
            %get3A_897 = tpu.vector_load %arg13[%get3A_895, %get3A_896] {strides = array<i32>} : memref<640x128xf32, #tpu.memory_space<vmem>>, vector<16xf32>,
            %get3A_898 = arith.index_cast %add3A_834 : i32 to index
            %get3A_899 = arith.constant 96 : index
            %get3A_900 = tpu.vector_load %arg12[%get3A_898, %get3A_899] {strides = array<i32>} : memref<128x128xf32, #tpu.memory_space<vmem>>, vector<16xf32>,
            %max3A_901 = arith.maximumf %get3A_897, %get3A_900 : vector<16xf32>
            %swap3A_902 = arith.index_cast %squeeze3A_830 : i32 to index
            %swap3A_903 = arith.constant 96 : index
            %swap3A_904 = tpu.vector_load %arg13[%swap3A_902, %swap3A_903] {strides = array<i32>} : memref<640x128xf32, #tpu.memory_space<vmem>>, vector<16xf32>,
            tpu.vector_store %arg13[%swap3A_902, %swap3A_903], %max3A_901 {strides = array<i32>} : memref<640x128xf32, #tpu.memory_space<vmem>>, vector<16xf32>,
            %get3A_905 = arith.index_cast %squeeze3A_830 : i32 to index
            %get3A_906 = arith.constant 112 : index
            %get3A_907 = tpu.vector_load %arg13[%get3A_905, %get3A_906] {strides = array<i32>} : memref<640x128xf32, #tpu.memory_space<vmem>>, vector<16xf32>,
            %get3A_908 = arith.index_cast %add3A_834 : i32 to index
            %get3A_909 = arith.constant 112 : index
            %get3A_910 = tpu.vector_load %arg12[%get3A_908, %get3A_909] {strides = array<i32>} : memref<128x128xf32, #tpu.memory_space<vmem>>, vector<16xf32>,
            %max3A_911 = arith.maximumf %get3A_907, %get3A_910 : vector<16xf32>
            %swap3A_912 = arith.index_cast %squeeze3A_830 : i32 to index
            %swap3A_913 = arith.constant 112 : index
            %swap3A_914 = tpu.vector_load %arg13[%swap3A_912, %swap3A_913] {strides = array<i32>} : memref<640x128xf32, #tpu.memory_space<vmem>>, vector<16xf32>,
            tpu.vector_store %arg13[%swap3A_912, %swap3A_913], %max3A_911 {strides = array<i32>} : memref<640x128xf32, #tpu.memory_space<vmem>>, vector<16xf32>,
            %slice3A_915 = vector.extract_strided_slice %get3A_229 {offsets = [8], sizes = [1], strides = [1]} : vector<16xi32> to vector<1xi32>
            %squeeze3A_916 = vector.extract %slice3A_915[0] : i32 from vector<1xi32>
            %mul3A_917 = arith.constant 16 : i32
            %mul3A_918 = arith.muli %scan3A_220, %mul3A_917 : i32
            %add3A_919 = arith.constant 8 : i32
            %add3A_920 = arith.addi %mul3A_918, %add3A_919 : i32
            %get3A_921 = arith.index_cast %squeeze3A_916 : i32 to index
            %get3A_922 = arith.constant 0 : index
            %get3A_923 = tpu.vector_load %arg13[%get3A_921, %get3A_922] {strides = array<i32>} : memref<640x128xf32, #tpu.memory_space<vmem>>, vector<16xf32>,
            %get3A_924 = arith.index_cast %add3A_920 : i32 to index
            %get3A_925 = arith.constant 0 : index
            %get3A_926 = tpu.vector_load %arg12[%get3A_924, %get3A_925] {strides = array<i32>} : memref<128x128xf32, #tpu.memory_space<vmem>>, vector<16xf32>,
            %max3A_927 = arith.maximumf %get3A_923, %get3A_926 : vector<16xf32>
            %swap3A_928 = arith.index_cast %squeeze3A_916 : i32 to index
            %swap3A_929 = arith.constant 0 : index
            %swap3A_930 = tpu.vector_load %arg13[%swap3A_928, %swap3A_929] {strides = array<i32>} : memref<640x128xf32, #tpu.memory_space<vmem>>, vector<16xf32>,
            tpu.vector_store %arg13[%swap3A_928, %swap3A_929], %max3A_927 {strides = array<i32>} : memref<640x128xf32, #tpu.memory_space<vmem>>, vector<16xf32>,
            %get3A_931 = arith.index_cast %squeeze3A_916 : i32 to index
            %get3A_932 = arith.constant 16 : index
            %get3A_933 = tpu.vector_load %arg13[%get3A_931, %get3A_932] {strides = array<i32>} : memref<640x128xf32, #tpu.memory_space<vmem>>, vector<16xf32>,
            %get3A_934 = arith.index_cast %add3A_920 : i32 to index
            %get3A_935 = arith.constant 16 : index
            %get3A_936 = tpu.vector_load %arg12[%get3A_934, %get3A_935] {strides = array<i32>} : memref<128x128xf32, #tpu.memory_space<vmem>>, vector<16xf32>,
            %max3A_937 = arith.maximumf %get3A_933, %get3A_936 : vector<16xf32>
            %swap3A_938 = arith.index_cast %squeeze3A_916 : i32 to index
            %swap3A_939 = arith.constant 16 : index
            %swap3A_940 = tpu.vector_load %arg13[%swap3A_938, %swap3A_939] {strides = array<i32>} : memref<640x128xf32, #tpu.memory_space<vmem>>, vector<16xf32>,
            tpu.vector_store %arg13[%swap3A_938, %swap3A_939], %max3A_937 {strides = array<i32>} : memref<640x128xf32, #tpu.memory_space<vmem>>, vector<16xf32>,
            %get3A_941 = arith.index_cast %squeeze3A_916 : i32 to index
            %get3A_942 = arith.constant 32 : index
            %get3A_943 = tpu.vector_load %arg13[%get3A_941, %get3A_942] {strides = array<i32>} : memref<640x128xf32, #tpu.memory_space<vmem>>, vector<16xf32>,
            %get3A_944 = arith.index_cast %add3A_920 : i32 to index
            %get3A_945 = arith.constant 32 : index
            %get3A_946 = tpu.vector_load %arg12[%get3A_944, %get3A_945] {strides = array<i32>} : memref<128x128xf32, #tpu.memory_space<vmem>>, vector<16xf32>,
            %max3A_947 = arith.maximumf %get3A_943, %get3A_946 : vector<16xf32>
            %swap3A_948 = arith.index_cast %squeeze3A_916 : i32 to index
            %swap3A_949 = arith.constant 32 : index
            %swap3A_950 = tpu.vector_load %arg13[%swap3A_948, %swap3A_949] {strides = array<i32>} : memref<640x128xf32, #tpu.memory_space<vmem>>, vector<16xf32>,
            tpu.vector_store %arg13[%swap3A_948, %swap3A_949], %max3A_947 {strides = array<i32>} : memref<640x128xf32, #tpu.memory_space<vmem>>, vector<16xf32>,
            %get3A_951 = arith.index_cast %squeeze3A_916 : i32 to index
            %get3A_952 = arith.constant 48 : index
            %get3A_953 = tpu.vector_load %arg13[%get3A_951, %get3A_952] {strides = array<i32>} : memref<640x128xf32, #tpu.memory_space<vmem>>, vector<16xf32>,
            %get3A_954 = arith.index_cast %add3A_920 : i32 to index
            %get3A_955 = arith.constant 48 : index
            %get3A_956 = tpu.vector_load %arg12[%get3A_954, %get3A_955] {strides = array<i32>} : memref<128x128xf32, #tpu.memory_space<vmem>>, vector<16xf32>,
            %max3A_957 = arith.maximumf %get3A_953, %get3A_956 : vector<16xf32>
            %swap3A_958 = arith.index_cast %squeeze3A_916 : i32 to index
            %swap3A_959 = arith.constant 48 : index
            %swap3A_960 = tpu.vector_load %arg13[%swap3A_958, %swap3A_959] {strides = array<i32>} : memref<640x128xf32, #tpu.memory_space<vmem>>, vector<16xf32>,
            tpu.vector_store %arg13[%swap3A_958, %swap3A_959], %max3A_957 {strides = array<i32>} : memref<640x128xf32, #tpu.memory_space<vmem>>, vector<16xf32>,
            %get3A_961 = arith.index_cast %squeeze3A_916 : i32 to index
            %get3A_962 = arith.constant 64 : index
            %get3A_963 = tpu.vector_load %arg13[%get3A_961, %get3A_962] {strides = array<i32>} : memref<640x128xf32, #tpu.memory_space<vmem>>, vector<16xf32>,
            %get3A_964 = arith.index_cast %add3A_920 : i32 to index
            %get3A_965 = arith.constant 64 : index
            %get3A_966 = tpu.vector_load %arg12[%get3A_964, %get3A_965] {strides = array<i32>} : memref<128x128xf32, #tpu.memory_space<vmem>>, vector<16xf32>,
            %max3A_967 = arith.maximumf %get3A_963, %get3A_966 : vector<16xf32>
            %swap3A_968 = arith.index_cast %squeeze3A_916 : i32 to index
            %swap3A_969 = arith.constant 64 : index
            %swap3A_970 = tpu.vector_load %arg13[%swap3A_968, %swap3A_969] {strides = array<i32>} : memref<640x128xf32, #tpu.memory_space<vmem>>, vector<16xf32>,
            tpu.vector_store %arg13[%swap3A_968, %swap3A_969], %max3A_967 {strides = array<i32>} : memref<640x128xf32, #tpu.memory_space<vmem>>, vector<16xf32>,
            %get3A_971 = arith.index_cast %squeeze3A_916 : i32 to index
            %get3A_972 = arith.constant 80 : index
            %get3A_973 = tpu.vector_load %arg13[%get3A_971, %get3A_972] {strides = array<i32>} : memref<640x128xf32, #tpu.memory_space<vmem>>, vector<16xf32>,
            %get3A_974 = arith.index_cast %add3A_920 : i32 to index
            %get3A_975 = arith.constant 80 : index
            %get3A_976 = tpu.vector_load %arg12[%get3A_974, %get3A_975] {strides = array<i32>} : memref<128x128xf32, #tpu.memory_space<vmem>>, vector<16xf32>,
            %max3A_977 = arith.maximumf %get3A_973, %get3A_976 : vector<16xf32>
            %swap3A_978 = arith.index_cast %squeeze3A_916 : i32 to index
            %swap3A_979 = arith.constant 80 : index
            %swap3A_980 = tpu.vector_load %arg13[%swap3A_978, %swap3A_979] {strides = array<i32>} : memref<640x128xf32, #tpu.memory_space<vmem>>, vector<16xf32>,
            tpu.vector_store %arg13[%swap3A_978, %swap3A_979], %max3A_977 {strides = array<i32>} : memref<640x128xf32, #tpu.memory_space<vmem>>, vector<16xf32>,
            %get3A_981 = arith.index_cast %squeeze3A_916 : i32 to index
            %get3A_982 = arith.constant 96 : index
            %get3A_983 = tpu.vector_load %arg13[%get3A_981, %get3A_982] {strides = array<i32>} : memref<640x128xf32, #tpu.memory_space<vmem>>, vector<16xf32>,
            %get3A_984 = arith.index_cast %add3A_920 : i32 to index
            %get3A_985 = arith.constant 96 : index
            %get3A_986 = tpu.vector_load %arg12[%get3A_984, %get3A_985] {strides = array<i32>} : memref<128x128xf32, #tpu.memory_space<vmem>>, vector<16xf32>,
            %max3A_987 = arith.maximumf %get3A_983, %get3A_986 : vector<16xf32>
            %swap3A_988 = arith.index_cast %squeeze3A_916 : i32 to index
            %swap3A_989 = arith.constant 96 : index
            %swap3A_990 = tpu.vector_load %arg13[%swap3A_988, %swap3A_989] {strides = array<i32>} : memref<640x128xf32, #tpu.memory_space<vmem>>, vector<16xf32>,
            tpu.vector_store %arg13[%swap3A_988, %swap3A_989], %max3A_987 {strides = array<i32>} : memref<640x128xf32, #tpu.memory_space<vmem>>, vector<16xf32>,
            %get3A_991 = arith.index_cast %squeeze3A_916 : i32 to index
            %get3A_992 = arith.constant 112 : index
            %get3A_993 = tpu.vector_load %arg13[%get3A_991, %get3A_992] {strides = array<i32>} : memref<640x128xf32, #tpu.memory_space<vmem>>, vector<16xf32>,
            %get3A_994 = arith.index_cast %add3A_920 : i32 to index
            %get3A_995 = arith.constant 112 : index
            %get3A_996 = tpu.vector_load %arg12[%get3A_994, %get3A_995] {strides = array<i32>} : memref<128x128xf32, #tpu.memory_space<vmem>>, vector<16xf32>,
            %max3A_997 = arith.maximumf %get3A_993, %get3A_996 : vector<16xf32>
            %swap3A_998 = arith.index_cast %squeeze3A_916 : i32 to index
            %swap3A_999 = arith.constant 112 : index
            %swap3A_1000 = tpu.vector_load %arg13[%swap3A_998, %swap3A_999] {strides = array<i32>} : memref<640x128xf32, #tpu.memory_space<vmem>>, vector<16xf32>,
            tpu.vector_store %arg13[%swap3A_998, %swap3A_999], %max3A_997 {strides = array<i32>} : memref<640x128xf32, #tpu.memory_space<vmem>>, vector<16xf32>,
            %slice3A_1001 = vector.extract_strided_slice %get3A_229 {offsets = [9], sizes = [1], strides = [1]} : vector<16xi32> to vector<1xi32>
            %squeeze3A_1002 = vector.extract %slice3A_1001[0] : i32 from vector<1xi32>
            %mul3A_1003 = arith.constant 16 : i32
            %mul3A_1004 = arith.muli %scan3A_220, %mul3A_1003 : i32
            %add3A_1005 = arith.constant 9 : i32
            %add3A_1006 = arith.addi %mul3A_1004, %add3A_1005 : i32
            %get3A_1007 = arith.index_cast %squeeze3A_1002 : i32 to index
            %get3A_1008 = arith.constant 0 : index
            %get3A_1009 = tpu.vector_load %arg13[%get3A_1007, %get3A_1008] {strides = array<i32>} : memref<640x128xf32, #tpu.memory_space<vmem>>, vector<16xf32>,
            %get3A_1010 = arith.index_cast %add3A_1006 : i32 to index
            %get3A_1011 = arith.constant 0 : index
            %get3A_1012 = tpu.vector_load %arg12[%get3A_1010, %get3A_1011] {strides = array<i32>} : memref<128x128xf32, #tpu.memory_space<vmem>>, vector<16xf32>,
            %max3A_1013 = arith.maximumf %get3A_1009, %get3A_1012 : vector<16xf32>
            %swap3A_1014 = arith.index_cast %squeeze3A_1002 : i32 to index
            %swap3A_1015 = arith.constant 0 : index
            %swap3A_1016 = tpu.vector_load %arg13[%swap3A_1014, %swap3A_1015] {strides = array<i32>} : memref<640x128xf32, #tpu.memory_space<vmem>>, vector<16xf32>,
            tpu.vector_store %arg13[%swap3A_1014, %swap3A_1015], %max3A_1013 {strides = array<i32>} : memref<640x128xf32, #tpu.memory_space<vmem>>, vector<16xf32>,
            %get3A_1017 = arith.index_cast %squeeze3A_1002 : i32 to index
            %get3A_1018 = arith.constant 16 : index
            %get3A_1019 = tpu.vector_load %arg13[%get3A_1017, %get3A_1018] {strides = array<i32>} : memref<640x128xf32, #tpu.memory_space<vmem>>, vector<16xf32>,
            %get3A_1020 = arith.index_cast %add3A_1006 : i32 to index
            %get3A_1021 = arith.constant 16 : index
            %get3A_1022 = tpu.vector_load %arg12[%get3A_1020, %get3A_1021] {strides = array<i32>} : memref<128x128xf32, #tpu.memory_space<vmem>>, vector<16xf32>,
            %max3A_1023 = arith.maximumf %get3A_1019, %get3A_1022 : vector<16xf32>
            %swap3A_1024 = arith.index_cast %squeeze3A_1002 : i32 to index
            %swap3A_1025 = arith.constant 16 : index
            %swap3A_1026 = tpu.vector_load %arg13[%swap3A_1024, %swap3A_1025] {strides = array<i32>} : memref<640x128xf32, #tpu.memory_space<vmem>>, vector<16xf32>,
            tpu.vector_store %arg13[%swap3A_1024, %swap3A_1025], %max3A_1023 {strides = array<i32>} : memref<640x128xf32, #tpu.memory_space<vmem>>, vector<16xf32>,
            %get3A_1027 = arith.index_cast %squeeze3A_1002 : i32 to index
            %get3A_1028 = arith.constant 32 : index
            %get3A_1029 = tpu.vector_load %arg13[%get3A_1027, %get3A_1028] {strides = array<i32>} : memref<640x128xf32, #tpu.memory_space<vmem>>, vector<16xf32>,
            %get3A_1030 = arith.index_cast %add3A_1006 : i32 to index
            %get3A_1031 = arith.constant 32 : index
            %get3A_1032 = tpu.vector_load %arg12[%get3A_1030, %get3A_1031] {strides = array<i32>} : memref<128x128xf32, #tpu.memory_space<vmem>>, vector<16xf32>,
            %max3A_1033 = arith.maximumf %get3A_1029, %get3A_1032 : vector<16xf32>
            %swap3A_1034 = arith.index_cast %squeeze3A_1002 : i32 to index
            %swap3A_1035 = arith.constant 32 : index
            %swap3A_1036 = tpu.vector_load %arg13[%swap3A_1034, %swap3A_1035] {strides = array<i32>} : memref<640x128xf32, #tpu.memory_space<vmem>>, vector<16xf32>,
            tpu.vector_store %arg13[%swap3A_1034, %swap3A_1035], %max3A_1033 {strides = array<i32>} : memref<640x128xf32, #tpu.memory_space<vmem>>, vector<16xf32>,
            %get3A_1037 = arith.index_cast %squeeze3A_1002 : i32 to index
            %get3A_1038 = arith.constant 48 : index
            %get3A_1039 = tpu.vector_load %arg13[%get3A_1037, %get3A_1038] {strides = array<i32>} : memref<640x128xf32, #tpu.memory_space<vmem>>, vector<16xf32>,
            %get3A_1040 = arith.index_cast %add3A_1006 : i32 to index
            %get3A_1041 = arith.constant 48 : index
            %get3A_1042 = tpu.vector_load %arg12[%get3A_1040, %get3A_1041] {strides = array<i32>} : memref<128x128xf32, #tpu.memory_space<vmem>>, vector<16xf32>,
            %max3A_1043 = arith.maximumf %get3A_1039, %get3A_1042 : vector<16xf32>
            %swap3A_1044 = arith.index_cast %squeeze3A_1002 : i32 to index
            %swap3A_1045 = arith.constant 48 : index
            %swap3A_1046 = tpu.vector_load %arg13[%swap3A_1044, %swap3A_1045] {strides = array<i32>} : memref<640x128xf32, #tpu.memory_space<vmem>>, vector<16xf32>,
            tpu.vector_store %arg13[%swap3A_1044, %swap3A_1045], %max3A_1043 {strides = array<i32>} : memref<640x128xf32, #tpu.memory_space<vmem>>, vector<16xf32>,
            %get3A_1047 = arith.index_cast %squeeze3A_1002 : i32 to index
            %get3A_1048 = arith.constant 64 : index
            %get3A_1049 = tpu.vector_load %arg13[%get3A_1047, %get3A_1048] {strides = array<i32>} : memref<640x128xf32, #tpu.memory_space<vmem>>, vector<16xf32>,
            %get3A_1050 = arith.index_cast %add3A_1006 : i32 to index
            %get3A_1051 = arith.constant 64 : index
            %get3A_1052 = tpu.vector_load %arg12[%get3A_1050, %get3A_1051] {strides = array<i32>} : memref<128x128xf32, #tpu.memory_space<vmem>>, vector<16xf32>,
            %max3A_1053 = arith.maximumf %get3A_1049, %get3A_1052 : vector<16xf32>
            %swap3A_1054 = arith.index_cast %squeeze3A_1002 : i32 to index
            %swap3A_1055 = arith.constant 64 : index
            %swap3A_1056 = tpu.vector_load %arg13[%swap3A_1054, %swap3A_1055] {strides = array<i32>} : memref<640x128xf32, #tpu.memory_space<vmem>>, vector<16xf32>,
            tpu.vector_store %arg13[%swap3A_1054, %swap3A_1055], %max3A_1053 {strides = array<i32>} : memref<640x128xf32, #tpu.memory_space<vmem>>, vector<16xf32>,
            %get3A_1057 = arith.index_cast %squeeze3A_1002 : i32 to index
            %get3A_1058 = arith.constant 80 : index
            %get3A_1059 = tpu.vector_load %arg13[%get3A_1057, %get3A_1058] {strides = array<i32>} : memref<640x128xf32, #tpu.memory_space<vmem>>, vector<16xf32>,
            %get3A_1060 = arith.index_cast %add3A_1006 : i32 to index
            %get3A_1061 = arith.constant 80 : index
            %get3A_1062 = tpu.vector_load %arg12[%get3A_1060, %get3A_1061] {strides = array<i32>} : memref<128x128xf32, #tpu.memory_space<vmem>>, vector<16xf32>,
            %max3A_1063 = arith.maximumf %get3A_1059, %get3A_1062 : vector<16xf32>
            %swap3A_1064 = arith.index_cast %squeeze3A_1002 : i32 to index
            %swap3A_1065 = arith.constant 80 : index
            %swap3A_1066 = tpu.vector_load %arg13[%swap3A_1064, %swap3A_1065] {strides = array<i32>} : memref<640x128xf32, #tpu.memory_space<vmem>>, vector<16xf32>,
            tpu.vector_store %arg13[%swap3A_1064, %swap3A_1065], %max3A_1063 {strides = array<i32>} : memref<640x128xf32, #tpu.memory_space<vmem>>, vector<16xf32>,
            %get3A_1067 = arith.index_cast %squeeze3A_1002 : i32 to index
            %get3A_1068 = arith.constant 96 : index
            %get3A_1069 = tpu.vector_load %arg13[%get3A_1067, %get3A_1068] {strides = array<i32>} : memref<640x128xf32, #tpu.memory_space<vmem>>, vector<16xf32>,
            %get3A_1070 = arith.index_cast %add3A_1006 : i32 to index
            %get3A_1071 = arith.constant 96 : index
            %get3A_1072 = tpu.vector_load %arg12[%get3A_1070, %get3A_1071] {strides = array<i32>} : memref<128x128xf32, #tpu.memory_space<vmem>>, vector<16xf32>,
            %max3A_1073 = arith.maximumf %get3A_1069, %get3A_1072 : vector<16xf32>
            %swap3A_1074 = arith.index_cast %squeeze3A_1002 : i32 to index
            %swap3A_1075 = arith.constant 96 : index
            %swap3A_1076 = tpu.vector_load %arg13[%swap3A_1074, %swap3A_1075] {strides = array<i32>} : memref<640x128xf32, #tpu.memory_space<vmem>>, vector<16xf32>,
            tpu.vector_store %arg13[%swap3A_1074, %swap3A_1075], %max3A_1073 {strides = array<i32>} : memref<640x128xf32, #tpu.memory_space<vmem>>, vector<16xf32>,
            %get3A_1077 = arith.index_cast %squeeze3A_1002 : i32 to index
            %get3A_1078 = arith.constant 112 : index
            %get3A_1079 = tpu.vector_load %arg13[%get3A_1077, %get3A_1078] {strides = array<i32>} : memref<640x128xf32, #tpu.memory_space<vmem>>, vector<16xf32>,
            %get3A_1080 = arith.index_cast %add3A_1006 : i32 to index
            %get3A_1081 = arith.constant 112 : index
            %get3A_1082 = tpu.vector_load %arg12[%get3A_1080, %get3A_1081] {strides = array<i32>} : memref<128x128xf32, #tpu.memory_space<vmem>>, vector<16xf32>,
            %max3A_1083 = arith.maximumf %get3A_1079, %get3A_1082 : vector<16xf32>
            %swap3A_1084 = arith.index_cast %squeeze3A_1002 : i32 to index
            %swap3A_1085 = arith.constant 112 : index
            %swap3A_1086 = tpu.vector_load %arg13[%swap3A_1084, %swap3A_1085] {strides = array<i32>} : memref<640x128xf32, #tpu.memory_space<vmem>>, vector<16xf32>,
            tpu.vector_store %arg13[%swap3A_1084, %swap3A_1085], %max3A_1083 {strides = array<i32>} : memref<640x128xf32, #tpu.memory_space<vmem>>, vector<16xf32>,
            %slice3A_1087 = vector.extract_strided_slice %get3A_229 {offsets = [10], sizes = [1], strides = [1]} : vector<16xi32> to vector<1xi32>
            %squeeze3A_1088 = vector.extract %slice3A_1087[0] : i32 from vector<1xi32>
            %mul3A_1089 = arith.constant 16 : i32
            %mul3A_1090 = arith.muli %scan3A_220, %mul3A_1089 : i32
            %add3A_1091 = arith.constant 10 : i32
            %add3A_1092 = arith.addi %mul3A_1090, %add3A_1091 : i32
            %get3A_1093 = arith.index_cast %squeeze3A_1088 : i32 to index
            %get3A_1094 = arith.constant 0 : index
            %get3A_1095 = tpu.vector_load %arg13[%get3A_1093, %get3A_1094] {strides = array<i32>} : memref<640x128xf32, #tpu.memory_space<vmem>>, vector<16xf32>,
            %get3A_1096 = arith.index_cast %add3A_1092 : i32 to index
            %get3A_1097 = arith.constant 0 : index
            %get3A_1098 = tpu.vector_load %arg12[%get3A_1096, %get3A_1097] {strides = array<i32>} : memref<128x128xf32, #tpu.memory_space<vmem>>, vector<16xf32>,
            %max3A_1099 = arith.maximumf %get3A_1095, %get3A_1098 : vector<16xf32>
            %swap3A_1100 = arith.index_cast %squeeze3A_1088 : i32 to index
            %swap3A_1101 = arith.constant 0 : index
            %swap3A_1102 = tpu.vector_load %arg13[%swap3A_1100, %swap3A_1101] {strides = array<i32>} : memref<640x128xf32, #tpu.memory_space<vmem>>, vector<16xf32>,
            tpu.vector_store %arg13[%swap3A_1100, %swap3A_1101], %max3A_1099 {strides = array<i32>} : memref<640x128xf32, #tpu.memory_space<vmem>>, vector<16xf32>,
            %get3A_1103 = arith.index_cast %squeeze3A_1088 : i32 to index
            %get3A_1104 = arith.constant 16 : index
            %get3A_1105 = tpu.vector_load %arg13[%get3A_1103, %get3A_1104] {strides = array<i32>} : memref<640x128xf32, #tpu.memory_space<vmem>>, vector<16xf32>,
            %get3A_1106 = arith.index_cast %add3A_1092 : i32 to index
            %get3A_1107 = arith.constant 16 : index
            %get3A_1108 = tpu.vector_load %arg12[%get3A_1106, %get3A_1107] {strides = array<i32>} : memref<128x128xf32, #tpu.memory_space<vmem>>, vector<16xf32>,
            %max3A_1109 = arith.maximumf %get3A_1105, %get3A_1108 : vector<16xf32>
            %swap3A_1110 = arith.index_cast %squeeze3A_1088 : i32 to index
            %swap3A_1111 = arith.constant 16 : index
            %swap3A_1112 = tpu.vector_load %arg13[%swap3A_1110, %swap3A_1111] {strides = array<i32>} : memref<640x128xf32, #tpu.memory_space<vmem>>, vector<16xf32>,
            tpu.vector_store %arg13[%swap3A_1110, %swap3A_1111], %max3A_1109 {strides = array<i32>} : memref<640x128xf32, #tpu.memory_space<vmem>>, vector<16xf32>,
            %get3A_1113 = arith.index_cast %squeeze3A_1088 : i32 to index
            %get3A_1114 = arith.constant 32 : index
            %get3A_1115 = tpu.vector_load %arg13[%get3A_1113, %get3A_1114] {strides = array<i32>} : memref<640x128xf32, #tpu.memory_space<vmem>>, vector<16xf32>,
            %get3A_1116 = arith.index_cast %add3A_1092 : i32 to index
            %get3A_1117 = arith.constant 32 : index
            %get3A_1118 = tpu.vector_load %arg12[%get3A_1116, %get3A_1117] {strides = array<i32>} : memref<128x128xf32, #tpu.memory_space<vmem>>, vector<16xf32>,
            %max3A_1119 = arith.maximumf %get3A_1115, %get3A_1118 : vector<16xf32>
            %swap3A_1120 = arith.index_cast %squeeze3A_1088 : i32 to index
            %swap3A_1121 = arith.constant 32 : index
            %swap3A_1122 = tpu.vector_load %arg13[%swap3A_1120, %swap3A_1121] {strides = array<i32>} : memref<640x128xf32, #tpu.memory_space<vmem>>, vector<16xf32>,
            tpu.vector_store %arg13[%swap3A_1120, %swap3A_1121], %max3A_1119 {strides = array<i32>} : memref<640x128xf32, #tpu.memory_space<vmem>>, vector<16xf32>,
            %get3A_1123 = arith.index_cast %squeeze3A_1088 : i32 to index
            %get3A_1124 = arith.constant 48 : index
            %get3A_1125 = tpu.vector_load %arg13[%get3A_1123, %get3A_1124] {strides = array<i32>} : memref<640x128xf32, #tpu.memory_space<vmem>>, vector<16xf32>,
            %get3A_1126 = arith.index_cast %add3A_1092 : i32 to index
            %get3A_1127 = arith.constant 48 : index
            %get3A_1128 = tpu.vector_load %arg12[%get3A_1126, %get3A_1127] {strides = array<i32>} : memref<128x128xf32, #tpu.memory_space<vmem>>, vector<16xf32>,
            %max3A_1129 = arith.maximumf %get3A_1125, %get3A_1128 : vector<16xf32>
            %swap3A_1130 = arith.index_cast %squeeze3A_1088 : i32 to index
            %swap3A_1131 = arith.constant 48 : index
            %swap3A_1132 = tpu.vector_load %arg13[%swap3A_1130, %swap3A_1131] {strides = array<i32>} : memref<640x128xf32, #tpu.memory_space<vmem>>, vector<16xf32>,
            tpu.vector_store %arg13[%swap3A_1130, %swap3A_1131], %max3A_1129 {strides = array<i32>} : memref<640x128xf32, #tpu.memory_space<vmem>>, vector<16xf32>,
            %get3A_1133 = arith.index_cast %squeeze3A_1088 : i32 to index
            %get3A_1134 = arith.constant 64 : index
            %get3A_1135 = tpu.vector_load %arg13[%get3A_1133, %get3A_1134] {strides = array<i32>} : memref<640x128xf32, #tpu.memory_space<vmem>>, vector<16xf32>,
            %get3A_1136 = arith.index_cast %add3A_1092 : i32 to index
            %get3A_1137 = arith.constant 64 : index
            %get3A_1138 = tpu.vector_load %arg12[%get3A_1136, %get3A_1137] {strides = array<i32>} : memref<128x128xf32, #tpu.memory_space<vmem>>, vector<16xf32>,
            %max3A_1139 = arith.maximumf %get3A_1135, %get3A_1138 : vector<16xf32>
            %swap3A_1140 = arith.index_cast %squeeze3A_1088 : i32 to index
            %swap3A_1141 = arith.constant 64 : index
            %swap3A_1142 = tpu.vector_load %arg13[%swap3A_1140, %swap3A_1141] {strides = array<i32>} : memref<640x128xf32, #tpu.memory_space<vmem>>, vector<16xf32>,
            tpu.vector_store %arg13[%swap3A_1140, %swap3A_1141], %max3A_1139 {strides = array<i32>} : memref<640x128xf32, #tpu.memory_space<vmem>>, vector<16xf32>,
            %get3A_1143 = arith.index_cast %squeeze3A_1088 : i32 to index
            %get3A_1144 = arith.constant 80 : index
            %get3A_1145 = tpu.vector_load %arg13[%get3A_1143, %get3A_1144] {strides = array<i32>} : memref<640x128xf32, #tpu.memory_space<vmem>>, vector<16xf32>,
            %get3A_1146 = arith.index_cast %add3A_1092 : i32 to index
            %get3A_1147 = arith.constant 80 : index
            %get3A_1148 = tpu.vector_load %arg12[%get3A_1146, %get3A_1147] {strides = array<i32>} : memref<128x128xf32, #tpu.memory_space<vmem>>, vector<16xf32>,
            %max3A_1149 = arith.maximumf %get3A_1145, %get3A_1148 : vector<16xf32>
            %swap3A_1150 = arith.index_cast %squeeze3A_1088 : i32 to index
            %swap3A_1151 = arith.constant 80 : index
            %swap3A_1152 = tpu.vector_load %arg13[%swap3A_1150, %swap3A_1151] {strides = array<i32>} : memref<640x128xf32, #tpu.memory_space<vmem>>, vector<16xf32>,
            tpu.vector_store %arg13[%swap3A_1150, %swap3A_1151], %max3A_1149 {strides = array<i32>} : memref<640x128xf32, #tpu.memory_space<vmem>>, vector<16xf32>,
            %get3A_1153 = arith.index_cast %squeeze3A_1088 : i32 to index
            %get3A_1154 = arith.constant 96 : index
            %get3A_1155 = tpu.vector_load %arg13[%get3A_1153, %get3A_1154] {strides = array<i32>} : memref<640x128xf32, #tpu.memory_space<vmem>>, vector<16xf32>,
            %get3A_1156 = arith.index_cast %add3A_1092 : i32 to index
            %get3A_1157 = arith.constant 96 : index
            %get3A_1158 = tpu.vector_load %arg12[%get3A_1156, %get3A_1157] {strides = array<i32>} : memref<128x128xf32, #tpu.memory_space<vmem>>, vector<16xf32>,
            %max3A_1159 = arith.maximumf %get3A_1155, %get3A_1158 : vector<16xf32>
            %swap3A_1160 = arith.index_cast %squeeze3A_1088 : i32 to index
            %swap3A_1161 = arith.constant 96 : index
            %swap3A_1162 = tpu.vector_load %arg13[%swap3A_1160, %swap3A_1161] {strides = array<i32>} : memref<640x128xf32, #tpu.memory_space<vmem>>, vector<16xf32>,
            tpu.vector_store %arg13[%swap3A_1160, %swap3A_1161], %max3A_1159 {strides = array<i32>} : memref<640x128xf32, #tpu.memory_space<vmem>>, vector<16xf32>,
            %get3A_1163 = arith.index_cast %squeeze3A_1088 : i32 to index
            %get3A_1164 = arith.constant 112 : index
            %get3A_1165 = tpu.vector_load %arg13[%get3A_1163, %get3A_1164] {strides = array<i32>} : memref<640x128xf32, #tpu.memory_space<vmem>>, vector<16xf32>,
            %get3A_1166 = arith.index_cast %add3A_1092 : i32 to index
            %get3A_1167 = arith.constant 112 : index
            %get3A_1168 = tpu.vector_load %arg12[%get3A_1166, %get3A_1167] {strides = array<i32>} : memref<128x128xf32, #tpu.memory_space<vmem>>, vector<16xf32>,
            %max3A_1169 = arith.maximumf %get3A_1165, %get3A_1168 : vector<16xf32>
            %swap3A_1170 = arith.index_cast %squeeze3A_1088 : i32 to index
            %swap3A_1171 = arith.constant 112 : index
            %swap3A_1172 = tpu.vector_load %arg13[%swap3A_1170, %swap3A_1171] {strides = array<i32>} : memref<640x128xf32, #tpu.memory_space<vmem>>, vector<16xf32>,
            tpu.vector_store %arg13[%swap3A_1170, %swap3A_1171], %max3A_1169 {strides = array<i32>} : memref<640x128xf32, #tpu.memory_space<vmem>>, vector<16xf32>,
            %slice3A_1173 = vector.extract_strided_slice %get3A_229 {offsets = [11], sizes = [1], strides = [1]} : vector<16xi32> to vector<1xi32>
            %squeeze3A_1174 = vector.extract %slice3A_1173[0] : i32 from vector<1xi32>
            %mul3A_1175 = arith.constant 16 : i32
            %mul3A_1176 = arith.muli %scan3A_220, %mul3A_1175 : i32
            %add3A_1177 = arith.constant 11 : i32
            %add3A_1178 = arith.addi %mul3A_1176, %add3A_1177 : i32
            %get3A_1179 = arith.index_cast %squeeze3A_1174 : i32 to index
            %get3A_1180 = arith.constant 0 : index
            %get3A_1181 = tpu.vector_load %arg13[%get3A_1179, %get3A_1180] {strides = array<i32>} : memref<640x128xf32, #tpu.memory_space<vmem>>, vector<16xf32>,
            %get3A_1182 = arith.index_cast %add3A_1178 : i32 to index
            %get3A_1183 = arith.constant 0 : index
            %get3A_1184 = tpu.vector_load %arg12[%get3A_1182, %get3A_1183] {strides = array<i32>} : memref<128x128xf32, #tpu.memory_space<vmem>>, vector<16xf32>,
            %max3A_1185 = arith.maximumf %get3A_1181, %get3A_1184 : vector<16xf32>
            %swap3A_1186 = arith.index_cast %squeeze3A_1174 : i32 to index
            %swap3A_1187 = arith.constant 0 : index
            %swap3A_1188 = tpu.vector_load %arg13[%swap3A_1186, %swap3A_1187] {strides = array<i32>} : memref<640x128xf32, #tpu.memory_space<vmem>>, vector<16xf32>,
            tpu.vector_store %arg13[%swap3A_1186, %swap3A_1187], %max3A_1185 {strides = array<i32>} : memref<640x128xf32, #tpu.memory_space<vmem>>, vector<16xf32>,
            %get3A_1189 = arith.index_cast %squeeze3A_1174 : i32 to index
            %get3A_1190 = arith.constant 16 : index
            %get3A_1191 = tpu.vector_load %arg13[%get3A_1189, %get3A_1190] {strides = array<i32>} : memref<640x128xf32, #tpu.memory_space<vmem>>, vector<16xf32>,
            %get3A_1192 = arith.index_cast %add3A_1178 : i32 to index
            %get3A_1193 = arith.constant 16 : index
            %get3A_1194 = tpu.vector_load %arg12[%get3A_1192, %get3A_1193] {strides = array<i32>} : memref<128x128xf32, #tpu.memory_space<vmem>>, vector<16xf32>,
            %max3A_1195 = arith.maximumf %get3A_1191, %get3A_1194 : vector<16xf32>
            %swap3A_1196 = arith.index_cast %squeeze3A_1174 : i32 to index
            %swap3A_1197 = arith.constant 16 : index
            %swap3A_1198 = tpu.vector_load %arg13[%swap3A_1196, %swap3A_1197] {strides = array<i32>} : memref<640x128xf32, #tpu.memory_space<vmem>>, vector<16xf32>,
            tpu.vector_store %arg13[%swap3A_1196, %swap3A_1197], %max3A_1195 {strides = array<i32>} : memref<640x128xf32, #tpu.memory_space<vmem>>, vector<16xf32>,
            %get3A_1199 = arith.index_cast %squeeze3A_1174 : i32 to index
            %get3A_1200 = arith.constant 32 : index
            %get3A_1201 = tpu.vector_load %arg13[%get3A_1199, %get3A_1200] {strides = array<i32>} : memref<640x128xf32, #tpu.memory_space<vmem>>, vector<16xf32>,
            %get3A_1202 = arith.index_cast %add3A_1178 : i32 to index
            %get3A_1203 = arith.constant 32 : index
            %get3A_1204 = tpu.vector_load %arg12[%get3A_1202, %get3A_1203] {strides = array<i32>} : memref<128x128xf32, #tpu.memory_space<vmem>>, vector<16xf32>,
            %max3A_1205 = arith.maximumf %get3A_1201, %get3A_1204 : vector<16xf32>
            %swap3A_1206 = arith.index_cast %squeeze3A_1174 : i32 to index
            %swap3A_1207 = arith.constant 32 : index
            %swap3A_1208 = tpu.vector_load %arg13[%swap3A_1206, %swap3A_1207] {strides = array<i32>} : memref<640x128xf32, #tpu.memory_space<vmem>>, vector<16xf32>,
            tpu.vector_store %arg13[%swap3A_1206, %swap3A_1207], %max3A_1205 {strides = array<i32>} : memref<640x128xf32, #tpu.memory_space<vmem>>, vector<16xf32>,
            %get3A_1209 = arith.index_cast %squeeze3A_1174 : i32 to index
            %get3A_1210 = arith.constant 48 : index
            %get3A_1211 = tpu.vector_load %arg13[%get3A_1209, %get3A_1210] {strides = array<i32>} : memref<640x128xf32, #tpu.memory_space<vmem>>, vector<16xf32>,
            %get3A_1212 = arith.index_cast %add3A_1178 : i32 to index
            %get3A_1213 = arith.constant 48 : index
            %get3A_1214 = tpu.vector_load %arg12[%get3A_1212, %get3A_1213] {strides = array<i32>} : memref<128x128xf32, #tpu.memory_space<vmem>>, vector<16xf32>,
            %max3A_1215 = arith.maximumf %get3A_1211, %get3A_1214 : vector<16xf32>
            %swap3A_1216 = arith.index_cast %squeeze3A_1174 : i32 to index
            %swap3A_1217 = arith.constant 48 : index
            %swap3A_1218 = tpu.vector_load %arg13[%swap3A_1216, %swap3A_1217] {strides = array<i32>} : memref<640x128xf32, #tpu.memory_space<vmem>>, vector<16xf32>,
            tpu.vector_store %arg13[%swap3A_1216, %swap3A_1217], %max3A_1215 {strides = array<i32>} : memref<640x128xf32, #tpu.memory_space<vmem>>, vector<16xf32>,
            %get3A_1219 = arith.index_cast %squeeze3A_1174 : i32 to index
            %get3A_1220 = arith.constant 64 : index
            %get3A_1221 = tpu.vector_load %arg13[%get3A_1219, %get3A_1220] {strides = array<i32>} : memref<640x128xf32, #tpu.memory_space<vmem>>, vector<16xf32>,
            %get3A_1222 = arith.index_cast %add3A_1178 : i32 to index
            %get3A_1223 = arith.constant 64 : index
            %get3A_1224 = tpu.vector_load %arg12[%get3A_1222, %get3A_1223] {strides = array<i32>} : memref<128x128xf32, #tpu.memory_space<vmem>>, vector<16xf32>,
            %max3A_1225 = arith.maximumf %get3A_1221, %get3A_1224 : vector<16xf32>
            %swap3A_1226 = arith.index_cast %squeeze3A_1174 : i32 to index
            %swap3A_1227 = arith.constant 64 : index
            %swap3A_1228 = tpu.vector_load %arg13[%swap3A_1226, %swap3A_1227] {strides = array<i32>} : memref<640x128xf32, #tpu.memory_space<vmem>>, vector<16xf32>,
            tpu.vector_store %arg13[%swap3A_1226, %swap3A_1227], %max3A_1225 {strides = array<i32>} : memref<640x128xf32, #tpu.memory_space<vmem>>, vector<16xf32>,
            %get3A_1229 = arith.index_cast %squeeze3A_1174 : i32 to index
            %get3A_1230 = arith.constant 80 : index
            %get3A_1231 = tpu.vector_load %arg13[%get3A_1229, %get3A_1230] {strides = array<i32>} : memref<640x128xf32, #tpu.memory_space<vmem>>, vector<16xf32>,
            %get3A_1232 = arith.index_cast %add3A_1178 : i32 to index
            %get3A_1233 = arith.constant 80 : index
            %get3A_1234 = tpu.vector_load %arg12[%get3A_1232, %get3A_1233] {strides = array<i32>} : memref<128x128xf32, #tpu.memory_space<vmem>>, vector<16xf32>,
            %max3A_1235 = arith.maximumf %get3A_1231, %get3A_1234 : vector<16xf32>
            %swap3A_1236 = arith.index_cast %squeeze3A_1174 : i32 to index
            %swap3A_1237 = arith.constant 80 : index
            %swap3A_1238 = tpu.vector_load %arg13[%swap3A_1236, %swap3A_1237] {strides = array<i32>} : memref<640x128xf32, #tpu.memory_space<vmem>>, vector<16xf32>,
            tpu.vector_store %arg13[%swap3A_1236, %swap3A_1237], %max3A_1235 {strides = array<i32>} : memref<640x128xf32, #tpu.memory_space<vmem>>, vector<16xf32>,
            %get3A_1239 = arith.index_cast %squeeze3A_1174 : i32 to index
            %get3A_1240 = arith.constant 96 : index
            %get3A_1241 = tpu.vector_load %arg13[%get3A_1239, %get3A_1240] {strides = array<i32>} : memref<640x128xf32, #tpu.memory_space<vmem>>, vector<16xf32>,
            %get3A_1242 = arith.index_cast %add3A_1178 : i32 to index
            %get3A_1243 = arith.constant 96 : index
            %get3A_1244 = tpu.vector_load %arg12[%get3A_1242, %get3A_1243] {strides = array<i32>} : memref<128x128xf32, #tpu.memory_space<vmem>>, vector<16xf32>,
            %max3A_1245 = arith.maximumf %get3A_1241, %get3A_1244 : vector<16xf32>
            %swap3A_1246 = arith.index_cast %squeeze3A_1174 : i32 to index
            %swap3A_1247 = arith.constant 96 : index
            %swap3A_1248 = tpu.vector_load %arg13[%swap3A_1246, %swap3A_1247] {strides = array<i32>} : memref<640x128xf32, #tpu.memory_space<vmem>>, vector<16xf32>,
            tpu.vector_store %arg13[%swap3A_1246, %swap3A_1247], %max3A_1245 {strides = array<i32>} : memref<640x128xf32, #tpu.memory_space<vmem>>, vector<16xf32>,
            %get3A_1249 = arith.index_cast %squeeze3A_1174 : i32 to index
            %get3A_1250 = arith.constant 112 : index
            %get3A_1251 = tpu.vector_load %arg13[%get3A_1249, %get3A_1250] {strides = array<i32>} : memref<640x128xf32, #tpu.memory_space<vmem>>, vector<16xf32>,
            %get3A_1252 = arith.index_cast %add3A_1178 : i32 to index
            %get3A_1253 = arith.constant 112 : index
            %get3A_1254 = tpu.vector_load %arg12[%get3A_1252, %get3A_1253] {strides = array<i32>} : memref<128x128xf32, #tpu.memory_space<vmem>>, vector<16xf32>,
            %max3A_1255 = arith.maximumf %get3A_1251, %get3A_1254 : vector<16xf32>
            %swap3A_1256 = arith.index_cast %squeeze3A_1174 : i32 to index
            %swap3A_1257 = arith.constant 112 : index
            %swap3A_1258 = tpu.vector_load %arg13[%swap3A_1256, %swap3A_1257] {strides = array<i32>} : memref<640x128xf32, #tpu.memory_space<vmem>>, vector<16xf32>,
            tpu.vector_store %arg13[%swap3A_1256, %swap3A_1257], %max3A_1255 {strides = array<i32>} : memref<640x128xf32, #tpu.memory_space<vmem>>, vector<16xf32>,
            %slice3A_1259 = vector.extract_strided_slice %get3A_229 {offsets = [12], sizes = [1], strides = [1]} : vector<16xi32> to vector<1xi32>
            %squeeze3A_1260 = vector.extract %slice3A_1259[0] : i32 from vector<1xi32>
            %mul3A_1261 = arith.constant 16 : i32
            %mul3A_1262 = arith.muli %scan3A_220, %mul3A_1261 : i32
            %add3A_1263 = arith.constant 12 : i32
            %add3A_1264 = arith.addi %mul3A_1262, %add3A_1263 : i32
            %get3A_1265 = arith.index_cast %squeeze3A_1260 : i32 to index
            %get3A_1266 = arith.constant 0 : index
            %get3A_1267 = tpu.vector_load %arg13[%get3A_1265, %get3A_1266] {strides = array<i32>} : memref<640x128xf32, #tpu.memory_space<vmem>>, vector<16xf32>,
            %get3A_1268 = arith.index_cast %add3A_1264 : i32 to index
            %get3A_1269 = arith.constant 0 : index
            %get3A_1270 = tpu.vector_load %arg12[%get3A_1268, %get3A_1269] {strides = array<i32>} : memref<128x128xf32, #tpu.memory_space<vmem>>, vector<16xf32>,
            %max3A_1271 = arith.maximumf %get3A_1267, %get3A_1270 : vector<16xf32>
            %swap3A_1272 = arith.index_cast %squeeze3A_1260 : i32 to index
            %swap3A_1273 = arith.constant 0 : index
            %swap3A_1274 = tpu.vector_load %arg13[%swap3A_1272, %swap3A_1273] {strides = array<i32>} : memref<640x128xf32, #tpu.memory_space<vmem>>, vector<16xf32>,
            tpu.vector_store %arg13[%swap3A_1272, %swap3A_1273], %max3A_1271 {strides = array<i32>} : memref<640x128xf32, #tpu.memory_space<vmem>>, vector<16xf32>,
            %get3A_1275 = arith.index_cast %squeeze3A_1260 : i32 to index
            %get3A_1276 = arith.constant 16 : index
            %get3A_1277 = tpu.vector_load %arg13[%get3A_1275, %get3A_1276] {strides = array<i32>} : memref<640x128xf32, #tpu.memory_space<vmem>>, vector<16xf32>,
            %get3A_1278 = arith.index_cast %add3A_1264 : i32 to index
            %get3A_1279 = arith.constant 16 : index
            %get3A_1280 = tpu.vector_load %arg12[%get3A_1278, %get3A_1279] {strides = array<i32>} : memref<128x128xf32, #tpu.memory_space<vmem>>, vector<16xf32>,
            %max3A_1281 = arith.maximumf %get3A_1277, %get3A_1280 : vector<16xf32>
            %swap3A_1282 = arith.index_cast %squeeze3A_1260 : i32 to index
            %swap3A_1283 = arith.constant 16 : index
            %swap3A_1284 = tpu.vector_load %arg13[%swap3A_1282, %swap3A_1283] {strides = array<i32>} : memref<640x128xf32, #tpu.memory_space<vmem>>, vector<16xf32>,
            tpu.vector_store %arg13[%swap3A_1282, %swap3A_1283], %max3A_1281 {strides = array<i32>} : memref<640x128xf32, #tpu.memory_space<vmem>>, vector<16xf32>,
            %get3A_1285 = arith.index_cast %squeeze3A_1260 : i32 to index
            %get3A_1286 = arith.constant 32 : index
            %get3A_1287 = tpu.vector_load %arg13[%get3A_1285, %get3A_1286] {strides = array<i32>} : memref<640x128xf32, #tpu.memory_space<vmem>>, vector<16xf32>,
            %get3A_1288 = arith.index_cast %add3A_1264 : i32 to index
            %get3A_1289 = arith.constant 32 : index
            %get3A_1290 = tpu.vector_load %arg12[%get3A_1288, %get3A_1289] {strides = array<i32>} : memref<128x128xf32, #tpu.memory_space<vmem>>, vector<16xf32>,
            %max3A_1291 = arith.maximumf %get3A_1287, %get3A_1290 : vector<16xf32>
            %swap3A_1292 = arith.index_cast %squeeze3A_1260 : i32 to index
            %swap3A_1293 = arith.constant 32 : index
            %swap3A_1294 = tpu.vector_load %arg13[%swap3A_1292, %swap3A_1293] {strides = array<i32>} : memref<640x128xf32, #tpu.memory_space<vmem>>, vector<16xf32>,
            tpu.vector_store %arg13[%swap3A_1292, %swap3A_1293], %max3A_1291 {strides = array<i32>} : memref<640x128xf32, #tpu.memory_space<vmem>>, vector<16xf32>,
            %get3A_1295 = arith.index_cast %squeeze3A_1260 : i32 to index
            %get3A_1296 = arith.constant 48 : index
            %get3A_1297 = tpu.vector_load %arg13[%get3A_1295, %get3A_1296] {strides = array<i32>} : memref<640x128xf32, #tpu.memory_space<vmem>>, vector<16xf32>,
            %get3A_1298 = arith.index_cast %add3A_1264 : i32 to index
            %get3A_1299 = arith.constant 48 : index
            %get3A_1300 = tpu.vector_load %arg12[%get3A_1298, %get3A_1299] {strides = array<i32>} : memref<128x128xf32, #tpu.memory_space<vmem>>, vector<16xf32>,
            %max3A_1301 = arith.maximumf %get3A_1297, %get3A_1300 : vector<16xf32>
            %swap3A_1302 = arith.index_cast %squeeze3A_1260 : i32 to index
            %swap3A_1303 = arith.constant 48 : index
            %swap3A_1304 = tpu.vector_load %arg13[%swap3A_1302, %swap3A_1303] {strides = array<i32>} : memref<640x128xf32, #tpu.memory_space<vmem>>, vector<16xf32>,
            tpu.vector_store %arg13[%swap3A_1302, %swap3A_1303], %max3A_1301 {strides = array<i32>} : memref<640x128xf32, #tpu.memory_space<vmem>>, vector<16xf32>,
            %get3A_1305 = arith.index_cast %squeeze3A_1260 : i32 to index
            %get3A_1306 = arith.constant 64 : index
            %get3A_1307 = tpu.vector_load %arg13[%get3A_1305, %get3A_1306] {strides = array<i32>} : memref<640x128xf32, #tpu.memory_space<vmem>>, vector<16xf32>,
            %get3A_1308 = arith.index_cast %add3A_1264 : i32 to index
            %get3A_1309 = arith.constant 64 : index
            %get3A_1310 = tpu.vector_load %arg12[%get3A_1308, %get3A_1309] {strides = array<i32>} : memref<128x128xf32, #tpu.memory_space<vmem>>, vector<16xf32>,
            %max3A_1311 = arith.maximumf %get3A_1307, %get3A_1310 : vector<16xf32>
            %swap3A_1312 = arith.index_cast %squeeze3A_1260 : i32 to index
            %swap3A_1313 = arith.constant 64 : index
            %swap3A_1314 = tpu.vector_load %arg13[%swap3A_1312, %swap3A_1313] {strides = array<i32>} : memref<640x128xf32, #tpu.memory_space<vmem>>, vector<16xf32>,
            tpu.vector_store %arg13[%swap3A_1312, %swap3A_1313], %max3A_1311 {strides = array<i32>} : memref<640x128xf32, #tpu.memory_space<vmem>>, vector<16xf32>,
            %get3A_1315 = arith.index_cast %squeeze3A_1260 : i32 to index
            %get3A_1316 = arith.constant 80 : index
            %get3A_1317 = tpu.vector_load %arg13[%get3A_1315, %get3A_1316] {strides = array<i32>} : memref<640x128xf32, #tpu.memory_space<vmem>>, vector<16xf32>,
            %get3A_1318 = arith.index_cast %add3A_1264 : i32 to index
            %get3A_1319 = arith.constant 80 : index
            %get3A_1320 = tpu.vector_load %arg12[%get3A_1318, %get3A_1319] {strides = array<i32>} : memref<128x128xf32, #tpu.memory_space<vmem>>, vector<16xf32>,
            %max3A_1321 = arith.maximumf %get3A_1317, %get3A_1320 : vector<16xf32>
            %swap3A_1322 = arith.index_cast %squeeze3A_1260 : i32 to index
            %swap3A_1323 = arith.constant 80 : index
            %swap3A_1324 = tpu.vector_load %arg13[%swap3A_1322, %swap3A_1323] {strides = array<i32>} : memref<640x128xf32, #tpu.memory_space<vmem>>, vector<16xf32>,
            tpu.vector_store %arg13[%swap3A_1322, %swap3A_1323], %max3A_1321 {strides = array<i32>} : memref<640x128xf32, #tpu.memory_space<vmem>>, vector<16xf32>,
            %get3A_1325 = arith.index_cast %squeeze3A_1260 : i32 to index
            %get3A_1326 = arith.constant 96 : index
            %get3A_1327 = tpu.vector_load %arg13[%get3A_1325, %get3A_1326] {strides = array<i32>} : memref<640x128xf32, #tpu.memory_space<vmem>>, vector<16xf32>,
            %get3A_1328 = arith.index_cast %add3A_1264 : i32 to index
            %get3A_1329 = arith.constant 96 : index
            %get3A_1330 = tpu.vector_load %arg12[%get3A_1328, %get3A_1329] {strides = array<i32>} : memref<128x128xf32, #tpu.memory_space<vmem>>, vector<16xf32>,
            %max3A_1331 = arith.maximumf %get3A_1327, %get3A_1330 : vector<16xf32>
            %swap3A_1332 = arith.index_cast %squeeze3A_1260 : i32 to index
            %swap3A_1333 = arith.constant 96 : index
            %swap3A_1334 = tpu.vector_load %arg13[%swap3A_1332, %swap3A_1333] {strides = array<i32>} : memref<640x128xf32, #tpu.memory_space<vmem>>, vector<16xf32>,
            tpu.vector_store %arg13[%swap3A_1332, %swap3A_1333], %max3A_1331 {strides = array<i32>} : memref<640x128xf32, #tpu.memory_space<vmem>>, vector<16xf32>,
            %get3A_1335 = arith.index_cast %squeeze3A_1260 : i32 to index
            %get3A_1336 = arith.constant 112 : index
            %get3A_1337 = tpu.vector_load %arg13[%get3A_1335, %get3A_1336] {strides = array<i32>} : memref<640x128xf32, #tpu.memory_space<vmem>>, vector<16xf32>,
            %get3A_1338 = arith.index_cast %add3A_1264 : i32 to index
            %get3A_1339 = arith.constant 112 : index
            %get3A_1340 = tpu.vector_load %arg12[%get3A_1338, %get3A_1339] {strides = array<i32>} : memref<128x128xf32, #tpu.memory_space<vmem>>, vector<16xf32>,
            %max3A_1341 = arith.maximumf %get3A_1337, %get3A_1340 : vector<16xf32>
            %swap3A_1342 = arith.index_cast %squeeze3A_1260 : i32 to index
            %swap3A_1343 = arith.constant 112 : index
            %swap3A_1344 = tpu.vector_load %arg13[%swap3A_1342, %swap3A_1343] {strides = array<i32>} : memref<640x128xf32, #tpu.memory_space<vmem>>, vector<16xf32>,
            tpu.vector_store %arg13[%swap3A_1342, %swap3A_1343], %max3A_1341 {strides = array<i32>} : memref<640x128xf32, #tpu.memory_space<vmem>>, vector<16xf32>,
            %slice3A_1345 = vector.extract_strided_slice %get3A_229 {offsets = [13], sizes = [1], strides = [1]} : vector<16xi32> to vector<1xi32>
            %squeeze3A_1346 = vector.extract %slice3A_1345[0] : i32 from vector<1xi32>
            %mul3A_1347 = arith.constant 16 : i32
            %mul3A_1348 = arith.muli %scan3A_220, %mul3A_1347 : i32
            %add3A_1349 = arith.constant 13 : i32
            %add3A_1350 = arith.addi %mul3A_1348, %add3A_1349 : i32
            %get3A_1351 = arith.index_cast %squeeze3A_1346 : i32 to index
            %get3A_1352 = arith.constant 0 : index
            %get3A_1353 = tpu.vector_load %arg13[%get3A_1351, %get3A_1352] {strides = array<i32>} : memref<640x128xf32, #tpu.memory_space<vmem>>, vector<16xf32>,
            %get3A_1354 = arith.index_cast %add3A_1350 : i32 to index
            %get3A_1355 = arith.constant 0 : index
            %get3A_1356 = tpu.vector_load %arg12[%get3A_1354, %get3A_1355] {strides = array<i32>} : memref<128x128xf32, #tpu.memory_space<vmem>>, vector<16xf32>,
            %max3A_1357 = arith.maximumf %get3A_1353, %get3A_1356 : vector<16xf32>
            %swap3A_1358 = arith.index_cast %squeeze3A_1346 : i32 to index
            %swap3A_1359 = arith.constant 0 : index
            %swap3A_1360 = tpu.vector_load %arg13[%swap3A_1358, %swap3A_1359] {strides = array<i32>} : memref<640x128xf32, #tpu.memory_space<vmem>>, vector<16xf32>,
            tpu.vector_store %arg13[%swap3A_1358, %swap3A_1359], %max3A_1357 {strides = array<i32>} : memref<640x128xf32, #tpu.memory_space<vmem>>, vector<16xf32>,
            %get3A_1361 = arith.index_cast %squeeze3A_1346 : i32 to index
            %get3A_1362 = arith.constant 16 : index
            %get3A_1363 = tpu.vector_load %arg13[%get3A_1361, %get3A_1362] {strides = array<i32>} : memref<640x128xf32, #tpu.memory_space<vmem>>, vector<16xf32>,
            %get3A_1364 = arith.index_cast %add3A_1350 : i32 to index
            %get3A_1365 = arith.constant 16 : index
            %get3A_1366 = tpu.vector_load %arg12[%get3A_1364, %get3A_1365] {strides = array<i32>} : memref<128x128xf32, #tpu.memory_space<vmem>>, vector<16xf32>,
            %max3A_1367 = arith.maximumf %get3A_1363, %get3A_1366 : vector<16xf32>
            %swap3A_1368 = arith.index_cast %squeeze3A_1346 : i32 to index
            %swap3A_1369 = arith.constant 16 : index
            %swap3A_1370 = tpu.vector_load %arg13[%swap3A_1368, %swap3A_1369] {strides = array<i32>} : memref<640x128xf32, #tpu.memory_space<vmem>>, vector<16xf32>,
            tpu.vector_store %arg13[%swap3A_1368, %swap3A_1369], %max3A_1367 {strides = array<i32>} : memref<640x128xf32, #tpu.memory_space<vmem>>, vector<16xf32>,
            %get3A_1371 = arith.index_cast %squeeze3A_1346 : i32 to index
            %get3A_1372 = arith.constant 32 : index
            %get3A_1373 = tpu.vector_load %arg13[%get3A_1371, %get3A_1372] {strides = array<i32>} : memref<640x128xf32, #tpu.memory_space<vmem>>, vector<16xf32>,
            %get3A_1374 = arith.index_cast %add3A_1350 : i32 to index
            %get3A_1375 = arith.constant 32 : index
            %get3A_1376 = tpu.vector_load %arg12[%get3A_1374, %get3A_1375] {strides = array<i32>} : memref<128x128xf32, #tpu.memory_space<vmem>>, vector<16xf32>,
            %max3A_1377 = arith.maximumf %get3A_1373, %get3A_1376 : vector<16xf32>
            %swap3A_1378 = arith.index_cast %squeeze3A_1346 : i32 to index
            %swap3A_1379 = arith.constant 32 : index
            %swap3A_1380 = tpu.vector_load %arg13[%swap3A_1378, %swap3A_1379] {strides = array<i32>} : memref<640x128xf32, #tpu.memory_space<vmem>>, vector<16xf32>,
            tpu.vector_store %arg13[%swap3A_1378, %swap3A_1379], %max3A_1377 {strides = array<i32>} : memref<640x128xf32, #tpu.memory_space<vmem>>, vector<16xf32>,
            %get3A_1381 = arith.index_cast %squeeze3A_1346 : i32 to index
            %get3A_1382 = arith.constant 48 : index
            %get3A_1383 = tpu.vector_load %arg13[%get3A_1381, %get3A_1382] {strides = array<i32>} : memref<640x128xf32, #tpu.memory_space<vmem>>, vector<16xf32>,
            %get3A_1384 = arith.index_cast %add3A_1350 : i32 to index
            %get3A_1385 = arith.constant 48 : index
            %get3A_1386 = tpu.vector_load %arg12[%get3A_1384, %get3A_1385] {strides = array<i32>} : memref<128x128xf32, #tpu.memory_space<vmem>>, vector<16xf32>,
            %max3A_1387 = arith.maximumf %get3A_1383, %get3A_1386 : vector<16xf32>
            %swap3A_1388 = arith.index_cast %squeeze3A_1346 : i32 to index
            %swap3A_1389 = arith.constant 48 : index
            %swap3A_1390 = tpu.vector_load %arg13[%swap3A_1388, %swap3A_1389] {strides = array<i32>} : memref<640x128xf32, #tpu.memory_space<vmem>>, vector<16xf32>,
            tpu.vector_store %arg13[%swap3A_1388, %swap3A_1389], %max3A_1387 {strides = array<i32>} : memref<640x128xf32, #tpu.memory_space<vmem>>, vector<16xf32>,
            %get3A_1391 = arith.index_cast %squeeze3A_1346 : i32 to index
            %get3A_1392 = arith.constant 64 : index
            %get3A_1393 = tpu.vector_load %arg13[%get3A_1391, %get3A_1392] {strides = array<i32>} : memref<640x128xf32, #tpu.memory_space<vmem>>, vector<16xf32>,
            %get3A_1394 = arith.index_cast %add3A_1350 : i32 to index
            %get3A_1395 = arith.constant 64 : index
            %get3A_1396 = tpu.vector_load %arg12[%get3A_1394, %get3A_1395] {strides = array<i32>} : memref<128x128xf32, #tpu.memory_space<vmem>>, vector<16xf32>,
            %max3A_1397 = arith.maximumf %get3A_1393, %get3A_1396 : vector<16xf32>
            %swap3A_1398 = arith.index_cast %squeeze3A_1346 : i32 to index
            %swap3A_1399 = arith.constant 64 : index
            %swap3A_1400 = tpu.vector_load %arg13[%swap3A_1398, %swap3A_1399] {strides = array<i32>} : memref<640x128xf32, #tpu.memory_space<vmem>>, vector<16xf32>,
            tpu.vector_store %arg13[%swap3A_1398, %swap3A_1399], %max3A_1397 {strides = array<i32>} : memref<640x128xf32, #tpu.memory_space<vmem>>, vector<16xf32>,
            %get3A_1401 = arith.index_cast %squeeze3A_1346 : i32 to index
            %get3A_1402 = arith.constant 80 : index
            %get3A_1403 = tpu.vector_load %arg13[%get3A_1401, %get3A_1402] {strides = array<i32>} : memref<640x128xf32, #tpu.memory_space<vmem>>, vector<16xf32>,
            %get3A_1404 = arith.index_cast %add3A_1350 : i32 to index
            %get3A_1405 = arith.constant 80 : index
            %get3A_1406 = tpu.vector_load %arg12[%get3A_1404, %get3A_1405] {strides = array<i32>} : memref<128x128xf32, #tpu.memory_space<vmem>>, vector<16xf32>,
            %max3A_1407 = arith.maximumf %get3A_1403, %get3A_1406 : vector<16xf32>
            %swap3A_1408 = arith.index_cast %squeeze3A_1346 : i32 to index
            %swap3A_1409 = arith.constant 80 : index
            %swap3A_1410 = tpu.vector_load %arg13[%swap3A_1408, %swap3A_1409] {strides = array<i32>} : memref<640x128xf32, #tpu.memory_space<vmem>>, vector<16xf32>,
            tpu.vector_store %arg13[%swap3A_1408, %swap3A_1409], %max3A_1407 {strides = array<i32>} : memref<640x128xf32, #tpu.memory_space<vmem>>, vector<16xf32>,
            %get3A_1411 = arith.index_cast %squeeze3A_1346 : i32 to index
            %get3A_1412 = arith.constant 96 : index
            %get3A_1413 = tpu.vector_load %arg13[%get3A_1411, %get3A_1412] {strides = array<i32>} : memref<640x128xf32, #tpu.memory_space<vmem>>, vector<16xf32>,
            %get3A_1414 = arith.index_cast %add3A_1350 : i32 to index
            %get3A_1415 = arith.constant 96 : index
            %get3A_1416 = tpu.vector_load %arg12[%get3A_1414, %get3A_1415] {strides = array<i32>} : memref<128x128xf32, #tpu.memory_space<vmem>>, vector<16xf32>,
            %max3A_1417 = arith.maximumf %get3A_1413, %get3A_1416 : vector<16xf32>
            %swap3A_1418 = arith.index_cast %squeeze3A_1346 : i32 to index
            %swap3A_1419 = arith.constant 96 : index
            %swap3A_1420 = tpu.vector_load %arg13[%swap3A_1418, %swap3A_1419] {strides = array<i32>} : memref<640x128xf32, #tpu.memory_space<vmem>>, vector<16xf32>,
            tpu.vector_store %arg13[%swap3A_1418, %swap3A_1419], %max3A_1417 {strides = array<i32>} : memref<640x128xf32, #tpu.memory_space<vmem>>, vector<16xf32>,
            %get3A_1421 = arith.index_cast %squeeze3A_1346 : i32 to index
            %get3A_1422 = arith.constant 112 : index
            %get3A_1423 = tpu.vector_load %arg13[%get3A_1421, %get3A_1422] {strides = array<i32>} : memref<640x128xf32, #tpu.memory_space<vmem>>, vector<16xf32>,
            %get3A_1424 = arith.index_cast %add3A_1350 : i32 to index
            %get3A_1425 = arith.constant 112 : index
            %get3A_1426 = tpu.vector_load %arg12[%get3A_1424, %get3A_1425] {strides = array<i32>} : memref<128x128xf32, #tpu.memory_space<vmem>>, vector<16xf32>,
            %max3A_1427 = arith.maximumf %get3A_1423, %get3A_1426 : vector<16xf32>
            %swap3A_1428 = arith.index_cast %squeeze3A_1346 : i32 to index
            %swap3A_1429 = arith.constant 112 : index
            %swap3A_1430 = tpu.vector_load %arg13[%swap3A_1428, %swap3A_1429] {strides = array<i32>} : memref<640x128xf32, #tpu.memory_space<vmem>>, vector<16xf32>,
            tpu.vector_store %arg13[%swap3A_1428, %swap3A_1429], %max3A_1427 {strides = array<i32>} : memref<640x128xf32, #tpu.memory_space<vmem>>, vector<16xf32>,
            %slice3A_1431 = vector.extract_strided_slice %get3A_229 {offsets = [14], sizes = [1], strides = [1]} : vector<16xi32> to vector<1xi32>
            %squeeze3A_1432 = vector.extract %slice3A_1431[0] : i32 from vector<1xi32>
            %mul3A_1433 = arith.constant 16 : i32
            %mul3A_1434 = arith.muli %scan3A_220, %mul3A_1433 : i32
            %add3A_1435 = arith.constant 14 : i32
            %add3A_1436 = arith.addi %mul3A_1434, %add3A_1435 : i32
            %get3A_1437 = arith.index_cast %squeeze3A_1432 : i32 to index
            %get3A_1438 = arith.constant 0 : index
            %get3A_1439 = tpu.vector_load %arg13[%get3A_1437, %get3A_1438] {strides = array<i32>} : memref<640x128xf32, #tpu.memory_space<vmem>>, vector<16xf32>,
            %get3A_1440 = arith.index_cast %add3A_1436 : i32 to index
            %get3A_1441 = arith.constant 0 : index
            %get3A_1442 = tpu.vector_load %arg12[%get3A_1440, %get3A_1441] {strides = array<i32>} : memref<128x128xf32, #tpu.memory_space<vmem>>, vector<16xf32>,
            %max3A_1443 = arith.maximumf %get3A_1439, %get3A_1442 : vector<16xf32>
            %swap3A_1444 = arith.index_cast %squeeze3A_1432 : i32 to index
            %swap3A_1445 = arith.constant 0 : index
            %swap3A_1446 = tpu.vector_load %arg13[%swap3A_1444, %swap3A_1445] {strides = array<i32>} : memref<640x128xf32, #tpu.memory_space<vmem>>, vector<16xf32>,
            tpu.vector_store %arg13[%swap3A_1444, %swap3A_1445], %max3A_1443 {strides = array<i32>} : memref<640x128xf32, #tpu.memory_space<vmem>>, vector<16xf32>,
            %get3A_1447 = arith.index_cast %squeeze3A_1432 : i32 to index
            %get3A_1448 = arith.constant 16 : index
            %get3A_1449 = tpu.vector_load %arg13[%get3A_1447, %get3A_1448] {strides = array<i32>} : memref<640x128xf32, #tpu.memory_space<vmem>>, vector<16xf32>,
            %get3A_1450 = arith.index_cast %add3A_1436 : i32 to index
            %get3A_1451 = arith.constant 16 : index
            %get3A_1452 = tpu.vector_load %arg12[%get3A_1450, %get3A_1451] {strides = array<i32>} : memref<128x128xf32, #tpu.memory_space<vmem>>, vector<16xf32>,
            %max3A_1453 = arith.maximumf %get3A_1449, %get3A_1452 : vector<16xf32>
            %swap3A_1454 = arith.index_cast %squeeze3A_1432 : i32 to index
            %swap3A_1455 = arith.constant 16 : index
            %swap3A_1456 = tpu.vector_load %arg13[%swap3A_1454, %swap3A_1455] {strides = array<i32>} : memref<640x128xf32, #tpu.memory_space<vmem>>, vector<16xf32>,
            tpu.vector_store %arg13[%swap3A_1454, %swap3A_1455], %max3A_1453 {strides = array<i32>} : memref<640x128xf32, #tpu.memory_space<vmem>>, vector<16xf32>,
            %get3A_1457 = arith.index_cast %squeeze3A_1432 : i32 to index
            %get3A_1458 = arith.constant 32 : index
            %get3A_1459 = tpu.vector_load %arg13[%get3A_1457, %get3A_1458] {strides = array<i32>} : memref<640x128xf32, #tpu.memory_space<vmem>>, vector<16xf32>,
            %get3A_1460 = arith.index_cast %add3A_1436 : i32 to index
            %get3A_1461 = arith.constant 32 : index
            %get3A_1462 = tpu.vector_load %arg12[%get3A_1460, %get3A_1461] {strides = array<i32>} : memref<128x128xf32, #tpu.memory_space<vmem>>, vector<16xf32>,
            %max3A_1463 = arith.maximumf %get3A_1459, %get3A_1462 : vector<16xf32>
            %swap3A_1464 = arith.index_cast %squeeze3A_1432 : i32 to index
            %swap3A_1465 = arith.constant 32 : index
            %swap3A_1466 = tpu.vector_load %arg13[%swap3A_1464, %swap3A_1465] {strides = array<i32>} : memref<640x128xf32, #tpu.memory_space<vmem>>, vector<16xf32>,
            tpu.vector_store %arg13[%swap3A_1464, %swap3A_1465], %max3A_1463 {strides = array<i32>} : memref<640x128xf32, #tpu.memory_space<vmem>>, vector<16xf32>,
            %get3A_1467 = arith.index_cast %squeeze3A_1432 : i32 to index
            %get3A_1468 = arith.constant 48 : index
            %get3A_1469 = tpu.vector_load %arg13[%get3A_1467, %get3A_1468] {strides = array<i32>} : memref<640x128xf32, #tpu.memory_space<vmem>>, vector<16xf32>,
            %get3A_1470 = arith.index_cast %add3A_1436 : i32 to index
            %get3A_1471 = arith.constant 48 : index
            %get3A_1472 = tpu.vector_load %arg12[%get3A_1470, %get3A_1471] {strides = array<i32>} : memref<128x128xf32, #tpu.memory_space<vmem>>, vector<16xf32>,
            %max3A_1473 = arith.maximumf %get3A_1469, %get3A_1472 : vector<16xf32>
            %swap3A_1474 = arith.index_cast %squeeze3A_1432 : i32 to index
            %swap3A_1475 = arith.constant 48 : index
            %swap3A_1476 = tpu.vector_load %arg13[%swap3A_1474, %swap3A_1475] {strides = array<i32>} : memref<640x128xf32, #tpu.memory_space<vmem>>, vector<16xf32>,
            tpu.vector_store %arg13[%swap3A_1474, %swap3A_1475], %max3A_1473 {strides = array<i32>} : memref<640x128xf32, #tpu.memory_space<vmem>>, vector<16xf32>,
            %get3A_1477 = arith.index_cast %squeeze3A_1432 : i32 to index
            %get3A_1478 = arith.constant 64 : index
            %get3A_1479 = tpu.vector_load %arg13[%get3A_1477, %get3A_1478] {strides = array<i32>} : memref<640x128xf32, #tpu.memory_space<vmem>>, vector<16xf32>,
            %get3A_1480 = arith.index_cast %add3A_1436 : i32 to index
            %get3A_1481 = arith.constant 64 : index
            %get3A_1482 = tpu.vector_load %arg12[%get3A_1480, %get3A_1481] {strides = array<i32>} : memref<128x128xf32, #tpu.memory_space<vmem>>, vector<16xf32>,
            %max3A_1483 = arith.maximumf %get3A_1479, %get3A_1482 : vector<16xf32>
            %swap3A_1484 = arith.index_cast %squeeze3A_1432 : i32 to index
            %swap3A_1485 = arith.constant 64 : index
            %swap3A_1486 = tpu.vector_load %arg13[%swap3A_1484, %swap3A_1485] {strides = array<i32>} : memref<640x128xf32, #tpu.memory_space<vmem>>, vector<16xf32>,
            tpu.vector_store %arg13[%swap3A_1484, %swap3A_1485], %max3A_1483 {strides = array<i32>} : memref<640x128xf32, #tpu.memory_space<vmem>>, vector<16xf32>,
            %get3A_1487 = arith.index_cast %squeeze3A_1432 : i32 to index
            %get3A_1488 = arith.constant 80 : index
            %get3A_1489 = tpu.vector_load %arg13[%get3A_1487, %get3A_1488] {strides = array<i32>} : memref<640x128xf32, #tpu.memory_space<vmem>>, vector<16xf32>,
            %get3A_1490 = arith.index_cast %add3A_1436 : i32 to index
            %get3A_1491 = arith.constant 80 : index
            %get3A_1492 = tpu.vector_load %arg12[%get3A_1490, %get3A_1491] {strides = array<i32>} : memref<128x128xf32, #tpu.memory_space<vmem>>, vector<16xf32>,
            %max3A_1493 = arith.maximumf %get3A_1489, %get3A_1492 : vector<16xf32>
            %swap3A_1494 = arith.index_cast %squeeze3A_1432 : i32 to index
            %swap3A_1495 = arith.constant 80 : index
            %swap3A_1496 = tpu.vector_load %arg13[%swap3A_1494, %swap3A_1495] {strides = array<i32>} : memref<640x128xf32, #tpu.memory_space<vmem>>, vector<16xf32>,
            tpu.vector_store %arg13[%swap3A_1494, %swap3A_1495], %max3A_1493 {strides = array<i32>} : memref<640x128xf32, #tpu.memory_space<vmem>>, vector<16xf32>,
            %get3A_1497 = arith.index_cast %squeeze3A_1432 : i32 to index
            %get3A_1498 = arith.constant 96 : index
            %get3A_1499 = tpu.vector_load %arg13[%get3A_1497, %get3A_1498] {strides = array<i32>} : memref<640x128xf32, #tpu.memory_space<vmem>>, vector<16xf32>,
            %get3A_1500 = arith.index_cast %add3A_1436 : i32 to index
            %get3A_1501 = arith.constant 96 : index
            %get3A_1502 = tpu.vector_load %arg12[%get3A_1500, %get3A_1501] {strides = array<i32>} : memref<128x128xf32, #tpu.memory_space<vmem>>, vector<16xf32>,
            %max3A_1503 = arith.maximumf %get3A_1499, %get3A_1502 : vector<16xf32>
            %swap3A_1504 = arith.index_cast %squeeze3A_1432 : i32 to index
            %swap3A_1505 = arith.constant 96 : index
            %swap3A_1506 = tpu.vector_load %arg13[%swap3A_1504, %swap3A_1505] {strides = array<i32>} : memref<640x128xf32, #tpu.memory_space<vmem>>, vector<16xf32>,
            tpu.vector_store %arg13[%swap3A_1504, %swap3A_1505], %max3A_1503 {strides = array<i32>} : memref<640x128xf32, #tpu.memory_space<vmem>>, vector<16xf32>,
            %get3A_1507 = arith.index_cast %squeeze3A_1432 : i32 to index
            %get3A_1508 = arith.constant 112 : index
            %get3A_1509 = tpu.vector_load %arg13[%get3A_1507, %get3A_1508] {strides = array<i32>} : memref<640x128xf32, #tpu.memory_space<vmem>>, vector<16xf32>,
            %get3A_1510 = arith.index_cast %add3A_1436 : i32 to index
            %get3A_1511 = arith.constant 112 : index
            %get3A_1512 = tpu.vector_load %arg12[%get3A_1510, %get3A_1511] {strides = array<i32>} : memref<128x128xf32, #tpu.memory_space<vmem>>, vector<16xf32>,
            %max3A_1513 = arith.maximumf %get3A_1509, %get3A_1512 : vector<16xf32>
            %swap3A_1514 = arith.index_cast %squeeze3A_1432 : i32 to index
            %swap3A_1515 = arith.constant 112 : index
            %swap3A_1516 = tpu.vector_load %arg13[%swap3A_1514, %swap3A_1515] {strides = array<i32>} : memref<640x128xf32, #tpu.memory_space<vmem>>, vector<16xf32>,
            tpu.vector_store %arg13[%swap3A_1514, %swap3A_1515], %max3A_1513 {strides = array<i32>} : memref<640x128xf32, #tpu.memory_space<vmem>>, vector<16xf32>,
            %slice3A_1517 = vector.extract_strided_slice %get3A_229 {offsets = [15], sizes = [1], strides = [1]} : vector<16xi32> to vector<1xi32>
            %squeeze3A_1518 = vector.extract %slice3A_1517[0] : i32 from vector<1xi32>
            %mul3A_1519 = arith.constant 16 : i32
            %mul3A_1520 = arith.muli %scan3A_220, %mul3A_1519 : i32
            %add3A_1521 = arith.constant 15 : i32
            %add3A_1522 = arith.addi %mul3A_1520, %add3A_1521 : i32
            %get3A_1523 = arith.index_cast %squeeze3A_1518 : i32 to index
            %get3A_1524 = arith.constant 0 : index
            %get3A_1525 = tpu.vector_load %arg13[%get3A_1523, %get3A_1524] {strides = array<i32>} : memref<640x128xf32, #tpu.memory_space<vmem>>, vector<16xf32>,
            %get3A_1526 = arith.index_cast %add3A_1522 : i32 to index
            %get3A_1527 = arith.constant 0 : index
            %get3A_1528 = tpu.vector_load %arg12[%get3A_1526, %get3A_1527] {strides = array<i32>} : memref<128x128xf32, #tpu.memory_space<vmem>>, vector<16xf32>,
            %max3A_1529 = arith.maximumf %get3A_1525, %get3A_1528 : vector<16xf32>
            %swap3A_1530 = arith.index_cast %squeeze3A_1518 : i32 to index
            %swap3A_1531 = arith.constant 0 : index
            %swap3A_1532 = tpu.vector_load %arg13[%swap3A_1530, %swap3A_1531] {strides = array<i32>} : memref<640x128xf32, #tpu.memory_space<vmem>>, vector<16xf32>,
            tpu.vector_store %arg13[%swap3A_1530, %swap3A_1531], %max3A_1529 {strides = array<i32>} : memref<640x128xf32, #tpu.memory_space<vmem>>, vector<16xf32>,
            %get3A_1533 = arith.index_cast %squeeze3A_1518 : i32 to index
            %get3A_1534 = arith.constant 16 : index
            %get3A_1535 = tpu.vector_load %arg13[%get3A_1533, %get3A_1534] {strides = array<i32>} : memref<640x128xf32, #tpu.memory_space<vmem>>, vector<16xf32>,
            %get3A_1536 = arith.index_cast %add3A_1522 : i32 to index
            %get3A_1537 = arith.constant 16 : index
            %get3A_1538 = tpu.vector_load %arg12[%get3A_1536, %get3A_1537] {strides = array<i32>} : memref<128x128xf32, #tpu.memory_space<vmem>>, vector<16xf32>,
            %max3A_1539 = arith.maximumf %get3A_1535, %get3A_1538 : vector<16xf32>
            %swap3A_1540 = arith.index_cast %squeeze3A_1518 : i32 to index
            %swap3A_1541 = arith.constant 16 : index
            %swap3A_1542 = tpu.vector_load %arg13[%swap3A_1540, %swap3A_1541] {strides = array<i32>} : memref<640x128xf32, #tpu.memory_space<vmem>>, vector<16xf32>,
            tpu.vector_store %arg13[%swap3A_1540, %swap3A_1541], %max3A_1539 {strides = array<i32>} : memref<640x128xf32, #tpu.memory_space<vmem>>, vector<16xf32>,
            %get3A_1543 = arith.index_cast %squeeze3A_1518 : i32 to index
            %get3A_1544 = arith.constant 32 : index
            %get3A_1545 = tpu.vector_load %arg13[%get3A_1543, %get3A_1544] {strides = array<i32>} : memref<640x128xf32, #tpu.memory_space<vmem>>, vector<16xf32>,
            %get3A_1546 = arith.index_cast %add3A_1522 : i32 to index
            %get3A_1547 = arith.constant 32 : index
            %get3A_1548 = tpu.vector_load %arg12[%get3A_1546, %get3A_1547] {strides = array<i32>} : memref<128x128xf32, #tpu.memory_space<vmem>>, vector<16xf32>,
            %max3A_1549 = arith.maximumf %get3A_1545, %get3A_1548 : vector<16xf32>
            %swap3A_1550 = arith.index_cast %squeeze3A_1518 : i32 to index
            %swap3A_1551 = arith.constant 32 : index
            %swap3A_1552 = tpu.vector_load %arg13[%swap3A_1550, %swap3A_1551] {strides = array<i32>} : memref<640x128xf32, #tpu.memory_space<vmem>>, vector<16xf32>,
            tpu.vector_store %arg13[%swap3A_1550, %swap3A_1551], %max3A_1549 {strides = array<i32>} : memref<640x128xf32, #tpu.memory_space<vmem>>, vector<16xf32>,
            %get3A_1553 = arith.index_cast %squeeze3A_1518 : i32 to index
            %get3A_1554 = arith.constant 48 : index
            %get3A_1555 = tpu.vector_load %arg13[%get3A_1553, %get3A_1554] {strides = array<i32>} : memref<640x128xf32, #tpu.memory_space<vmem>>, vector<16xf32>,
            %get3A_1556 = arith.index_cast %add3A_1522 : i32 to index
            %get3A_1557 = arith.constant 48 : index
            %get3A_1558 = tpu.vector_load %arg12[%get3A_1556, %get3A_1557] {strides = array<i32>} : memref<128x128xf32, #tpu.memory_space<vmem>>, vector<16xf32>,
            %max3A_1559 = arith.maximumf %get3A_1555, %get3A_1558 : vector<16xf32>
            %swap3A_1560 = arith.index_cast %squeeze3A_1518 : i32 to index
            %swap3A_1561 = arith.constant 48 : index
            %swap3A_1562 = tpu.vector_load %arg13[%swap3A_1560, %swap3A_1561] {strides = array<i32>} : memref<640x128xf32, #tpu.memory_space<vmem>>, vector<16xf32>,
            tpu.vector_store %arg13[%swap3A_1560, %swap3A_1561], %max3A_1559 {strides = array<i32>} : memref<640x128xf32, #tpu.memory_space<vmem>>, vector<16xf32>,
            %get3A_1563 = arith.index_cast %squeeze3A_1518 : i32 to index
            %get3A_1564 = arith.constant 64 : index
            %get3A_1565 = tpu.vector_load %arg13[%get3A_1563, %get3A_1564] {strides = array<i32>} : memref<640x128xf32, #tpu.memory_space<vmem>>, vector<16xf32>,
            %get3A_1566 = arith.index_cast %add3A_1522 : i32 to index
            %get3A_1567 = arith.constant 64 : index
            %get3A_1568 = tpu.vector_load %arg12[%get3A_1566, %get3A_1567] {strides = array<i32>} : memref<128x128xf32, #tpu.memory_space<vmem>>, vector<16xf32>,
            %max3A_1569 = arith.maximumf %get3A_1565, %get3A_1568 : vector<16xf32>
            %swap3A_1570 = arith.index_cast %squeeze3A_1518 : i32 to index
            %swap3A_1571 = arith.constant 64 : index
            %swap3A_1572 = tpu.vector_load %arg13[%swap3A_1570, %swap3A_1571] {strides = array<i32>} : memref<640x128xf32, #tpu.memory_space<vmem>>, vector<16xf32>,
            tpu.vector_store %arg13[%swap3A_1570, %swap3A_1571], %max3A_1569 {strides = array<i32>} : memref<640x128xf32, #tpu.memory_space<vmem>>, vector<16xf32>,
            %get3A_1573 = arith.index_cast %squeeze3A_1518 : i32 to index
            %get3A_1574 = arith.constant 80 : index
            %get3A_1575 = tpu.vector_load %arg13[%get3A_1573, %get3A_1574] {strides = array<i32>} : memref<640x128xf32, #tpu.memory_space<vmem>>, vector<16xf32>,
            %get3A_1576 = arith.index_cast %add3A_1522 : i32 to index
            %get3A_1577 = arith.constant 80 : index
            %get3A_1578 = tpu.vector_load %arg12[%get3A_1576, %get3A_1577] {strides = array<i32>} : memref<128x128xf32, #tpu.memory_space<vmem>>, vector<16xf32>,
            %max3A_1579 = arith.maximumf %get3A_1575, %get3A_1578 : vector<16xf32>
            %swap3A_1580 = arith.index_cast %squeeze3A_1518 : i32 to index
            %swap3A_1581 = arith.constant 80 : index
            %swap3A_1582 = tpu.vector_load %arg13[%swap3A_1580, %swap3A_1581] {strides = array<i32>} : memref<640x128xf32, #tpu.memory_space<vmem>>, vector<16xf32>,
            tpu.vector_store %arg13[%swap3A_1580, %swap3A_1581], %max3A_1579 {strides = array<i32>} : memref<640x128xf32, #tpu.memory_space<vmem>>, vector<16xf32>,
            %get3A_1583 = arith.index_cast %squeeze3A_1518 : i32 to index
            %get3A_1584 = arith.constant 96 : index
            %get3A_1585 = tpu.vector_load %arg13[%get3A_1583, %get3A_1584] {strides = array<i32>} : memref<640x128xf32, #tpu.memory_space<vmem>>, vector<16xf32>,
            %get3A_1586 = arith.index_cast %add3A_1522 : i32 to index
            %get3A_1587 = arith.constant 96 : index
            %get3A_1588 = tpu.vector_load %arg12[%get3A_1586, %get3A_1587] {strides = array<i32>} : memref<128x128xf32, #tpu.memory_space<vmem>>, vector<16xf32>,
            %max3A_1589 = arith.maximumf %get3A_1585, %get3A_1588 : vector<16xf32>
            %swap3A_1590 = arith.index_cast %squeeze3A_1518 : i32 to index
            %swap3A_1591 = arith.constant 96 : index
            %swap3A_1592 = tpu.vector_load %arg13[%swap3A_1590, %swap3A_1591] {strides = array<i32>} : memref<640x128xf32, #tpu.memory_space<vmem>>, vector<16xf32>,
            tpu.vector_store %arg13[%swap3A_1590, %swap3A_1591], %max3A_1589 {strides = array<i32>} : memref<640x128xf32, #tpu.memory_space<vmem>>, vector<16xf32>,
            %get3A_1593 = arith.index_cast %squeeze3A_1518 : i32 to index
            %get3A_1594 = arith.constant 112 : index
            %get3A_1595 = tpu.vector_load %arg13[%get3A_1593, %get3A_1594] {strides = array<i32>} : memref<640x128xf32, #tpu.memory_space<vmem>>, vector<16xf32>,
            %get3A_1596 = arith.index_cast %add3A_1522 : i32 to index
            %get3A_1597 = arith.constant 112 : index
            %get3A_1598 = tpu.vector_load %arg12[%get3A_1596, %get3A_1597] {strides = array<i32>} : memref<128x128xf32, #tpu.memory_space<vmem>>, vector<16xf32>,
            %max3A_1599 = arith.maximumf %get3A_1595, %get3A_1598 : vector<16xf32>
            %swap3A_1600 = arith.index_cast %squeeze3A_1518 : i32 to index
            %swap3A_1601 = arith.constant 112 : index
            %swap3A_1602 = tpu.vector_load %arg13[%swap3A_1600, %swap3A_1601] {strides = array<i32>} : memref<640x128xf32, #tpu.memory_space<vmem>>, vector<16xf32>,
            tpu.vector_store %arg13[%swap3A_1600, %swap3A_1601], %max3A_1599 {strides = array<i32>} : memref<640x128xf32, #tpu.memory_space<vmem>>, vector<16xf32>,
            %scan3A_1603 = arith.constant 0 : i32
            scf.yield %scan3A_1603 : i32
          }
          %scan3A_219 = arith.constant 8 : i32
        } else {
        }
      }
      %scan3A_136 = arith.constant 15 : i32
    }
    %scan3A_20 = arith.constant 80 : i32
    %lt3A_21 = arith.constant 15 : i32
    %lt3A_22 = arith.cmpi slt, %arg1, %lt3A_21 : i32
    %convert_element_type3A_23 = arith.extui %lt3A_22 : i1 to i32
    %cond3A_24 = arith.constant 0 : i32
    %cond3A_25 = arith.cmpi ne, %convert_element_type3A_23, %cond3A_24 : i32
    scf.if %cond3A_25 {
      "tpu.region"() ({
        %run_scoped3A = tpu.sem_alloc : memref<!tpu.dma_semaphore, #tpu.memory_space<semaphore_mem>>
        %dma_start3A = arith.constant 0 : i32
        %dma_start3A_31 = arith.constant 0 : i32
        %dma_start3A_32 = tpu.memref_slice %arg13[%dma_start3A, %dma_start3A_31] : memref<640x128xf32, #tpu.memory_space<vmem>> -> memref<632x128xf32, #tpu.memory_space<vmem>>
        %dma_start3A_33 = arith.constant 0 : i32
        %dma_start3A_34 = tpu.memref_slice %arg6[%arg0, %mul3A_0, %dma_start3A_33] : memref<2x10000x128xf32, #tpu.memory_space<hbm>> -> memref<1x632x128xf32, #tpu.memory_space<hbm>>
        %dma_start3A_35 = tpu.memref_squeeze %dma_start3A_34 : memref<1x632x128xf32, #tpu.memory_space<hbm>> -> memref<632x128xf32, #tpu.memory_space<hbm>>
        %dma_start3A_36 = arith.constant 0 : i32
        %dma_start3A_37 = tpu.memref_slice %arg6[%arg0, %mul3A_0, %dma_start3A_36] : memref<2x10000x128xf32, #tpu.memory_space<hbm>> -> memref<1x632x128xf32, #tpu.memory_space<hbm>>
        %dma_start3A_38 = tpu.memref_squeeze %dma_start3A_37 : memref<1x632x128xf32, #tpu.memory_space<hbm>> -> memref<632x128xf32, #tpu.memory_space<hbm>>
        %dma_start3A_39 = arith.constant 0 : i32
        %dma_start3A_40 = arith.constant 0 : i32
        %dma_start3A_41 = tpu.memref_slice %arg13[%dma_start3A_39, %dma_start3A_40] : memref<640x128xf32, #tpu.memory_space<vmem>> -> memref<632x128xf32, #tpu.memory_space<vmem>>
        tpu.enqueue_dma source(%dma_start3A_41 : memref<632x128xf32, #tpu.memory_space<vmem>>) target(%dma_start3A_38 : memref<632x128xf32, #tpu.memory_space<hbm>>) target_semaphore(%run_scoped3A : memref<!tpu.dma_semaphore, #tpu.memory_space<semaphore_mem>>)
        %dma_wait3A = arith.constant 0 : i32
        %dma_wait3A_42 = arith.constant 0 : i32
        %dma_wait3A_43 = tpu.memref_slice %arg13[%dma_wait3A, %dma_wait3A_42] : memref<640x128xf32, #tpu.memory_space<vmem>> -> memref<632x128xf32, #tpu.memory_space<vmem>>
        %dma_wait3A_44 = arith.constant 0 : i32
        %dma_wait3A_45 = tpu.memref_slice %arg6[%arg0, %mul3A_0, %dma_wait3A_44] : memref<2x10000x128xf32, #tpu.memory_space<hbm>> -> memref<1x632x128xf32, #tpu.memory_space<hbm>>
        %dma_wait3A_46 = tpu.memref_squeeze %dma_wait3A_45 : memref<1x632x128xf32, #tpu.memory_space<hbm>> -> memref<632x128xf32, #tpu.memory_space<hbm>>
        %dma_wait3A_47 = arith.constant 0 : i32
        %dma_wait3A_48 = tpu.memref_slice %arg6[%arg0, %mul3A_0, %dma_wait3A_47] : memref<2x10000x128xf32, #tpu.memory_space<hbm>> -> memref<1x632x128xf32, #tpu.memory_space<hbm>>
        %dma_wait3A_49 = tpu.memref_squeeze %dma_wait3A_48 : memref<1x632x128xf32, #tpu.memory_space<hbm>> -> memref<632x128xf32, #tpu.memory_space<hbm>>
        %dma_wait3A_50 = arith.constant 0 : i32
        %dma_wait3A_51 = arith.constant 0 : i32
        %dma_wait3A_52 = tpu.memref_slice %arg13[%dma_wait3A_50, %dma_wait3A_51] : memref<640x128xf32, #tpu.memory_space<vmem>> -> memref<632x128xf32, #tpu.memory_space<vmem>>
        tpu.wait_dma2 semaphore(%run_scoped3A : memref<!tpu.dma_semaphore, #tpu.memory_space<semaphore_mem>>) src(%dma_wait3A_52 : memref<632x128xf32, #tpu.memory_space<vmem>>) dst(%dma_wait3A_49 : memref<632x128xf32, #tpu.memory_space<hbm>>)
        tpu.yield
      }) : () -> ()
    } else {
    }
    %eq3A_26 = arith.constant 15 : i32
    %eq3A_27 = arith.cmpi eq, %arg1, %eq3A_26 : i32
    %convert_element_type3A_28 = arith.extui %eq3A_27 : i1 to i32
    %cond3A_29 = arith.constant 0 : i32
    %cond3A_30 = arith.cmpi ne, %convert_element_type3A_28, %cond3A_29 : i32
    scf.if %cond3A_30 {
      "tpu.region"() ({
        %run_scoped3A = tpu.sem_alloc : memref<!tpu.dma_semaphore, #tpu.memory_space<semaphore_mem>>
        %dma_start3A = arith.constant 0 : i32
        %dma_start3A_31 = arith.constant 0 : i32
        %dma_start3A_32 = tpu.memref_slice %arg13[%dma_start3A, %dma_start3A_31] : memref<640x128xf32, #tpu.memory_space<vmem>> -> memref<520x128xf32, #tpu.memory_space<vmem>>
        %dma_start3A_33 = arith.constant 0 : i32
        %dma_start3A_34 = tpu.memref_slice %arg6[%arg0, %mul3A_0, %dma_start3A_33] : memref<2x10000x128xf32, #tpu.memory_space<hbm>> -> memref<1x520x128xf32, #tpu.memory_space<hbm>>
        %dma_start3A_35 = tpu.memref_squeeze %dma_start3A_34 : memref<1x520x128xf32, #tpu.memory_space<hbm>> -> memref<520x128xf32, #tpu.memory_space<hbm>>
        %dma_start3A_36 = arith.constant 0 : i32
        %dma_start3A_37 = tpu.memref_slice %arg6[%arg0, %mul3A_0, %dma_start3A_36] : memref<2x10000x128xf32, #tpu.memory_space<hbm>> -> memref<1x520x128xf32, #tpu.memory_space<hbm>>
        %dma_start3A_38 = tpu.memref_squeeze %dma_start3A_37 : memref<1x520x128xf32, #tpu.memory_space<hbm>> -> memref<520x128xf32, #tpu.memory_space<hbm>>
        %dma_start3A_39 = arith.constant 0 : i32
        %dma_start3A_40 = arith.constant 0 : i32
        %dma_start3A_41 = tpu.memref_slice %arg13[%dma_start3A_39, %dma_start3A_40] : memref<640x128xf32, #tpu.memory_space<vmem>> -> memref<520x128xf32, #tpu.memory_space<vmem>>
        tpu.enqueue_dma source(%dma_start3A_41 : memref<520x128xf32, #tpu.memory_space<vmem>>) target(%dma_start3A_38 : memref<520x128xf32, #tpu.memory_space<hbm>>) target_semaphore(%run_scoped3A : memref<!tpu.dma_semaphore, #tpu.memory_space<semaphore_mem>>)
        %dma_wait3A = arith.constant 0 : i32
        %dma_wait3A_42 = arith.constant 0 : i32
        %dma_wait3A_43 = tpu.memref_slice %arg13[%dma_wait3A, %dma_wait3A_42] : memref<640x128xf32, #tpu.memory_space<vmem>> -> memref<520x128xf32, #tpu.memory_space<vmem>>
        %dma_wait3A_44 = arith.constant 0 : i32
        %dma_wait3A_45 = tpu.memref_slice %arg6[%arg0, %mul3A_0, %dma_wait3A_44] : memref<2x10000x128xf32, #tpu.memory_space<hbm>> -> memref<1x520x128xf32, #tpu.memory_space<hbm>>
        %dma_wait3A_46 = tpu.memref_squeeze %dma_wait3A_45 : memref<1x520x128xf32, #tpu.memory_space<hbm>> -> memref<520x128xf32, #tpu.memory_space<hbm>>
        %dma_wait3A_47 = arith.constant 0 : i32
        %dma_wait3A_48 = tpu.memref_slice %arg6[%arg0, %mul3A_0, %dma_wait3A_47] : memref<2x10000x128xf32, #tpu.memory_space<hbm>> -> memref<1x520x128xf32, #tpu.memory_space<hbm>>
        %dma_wait3A_49 = tpu.memref_squeeze %dma_wait3A_48 : memref<1x520x128xf32, #tpu.memory_space<hbm>> -> memref<520x128xf32, #tpu.memory_space<hbm>>
        %dma_wait3A_50 = arith.constant 0 : i32
        %dma_wait3A_51 = arith.constant 0 : i32
        %dma_wait3A_52 = tpu.memref_slice %arg13[%dma_wait3A_50, %dma_wait3A_51] : memref<640x128xf32, #tpu.memory_space<vmem>> -> memref<520x128xf32, #tpu.memory_space<vmem>>
        tpu.wait_dma2 semaphore(%run_scoped3A : memref<!tpu.dma_semaphore, #tpu.memory_space<semaphore_mem>>) src(%dma_wait3A_52 : memref<520x128xf32, #tpu.memory_space<vmem>>) dst(%dma_wait3A_49 : memref<520x128xf32, #tpu.memory_space<hbm>>)
        tpu.yield
      }) : () -> ()
    } else {
    }
    return
  }
}

module attributes {stable_mosaic.version = 14 : i64} {
  func.func @_dense_a_body(%arg0: i32, %arg1: memref<1000x128xf32, #tpu.memory_space<vmem>>, %arg2: memref<128x128xf32, #tpu.memory_space<vmem>>, %arg3: memref<1x128xf32, #tpu.memory_space<vmem>>, %arg4: memref<128x128xf32, #tpu.memory_space<vmem>>, %arg5: memref<128x128xf32, #tpu.memory_space<vmem>>, %arg6: memref<1000x128xf32, #tpu.memory_space<vmem>>, %arg7: memref<1000x128xf32, #tpu.memory_space<vmem>>, %arg8: memref<1000x128xf32, #tpu.memory_space<vmem>>) attributes {dimension_semantics = [#tpu.dimension_semantics<arbitrary>], iteration_bounds = array<i64: 10>, scalar_prefetch = 0 : i64, scratch_operands = 0 : i64, tpu.core_type = #tpu.core_type<tc>, window_params = [{transform_indices = @transform_0, window_bounds = array<i64: 1000, 128>}, {pipeline_mode = #tpu.pipeline_mode<synchronous>, transform_indices = @transform_1, window_bounds = array<i64: 128, 128>}, {pipeline_mode = #tpu.pipeline_mode<synchronous>, transform_indices = @transform_2, window_bounds = array<i64: 1, 128>}, {pipeline_mode = #tpu.pipeline_mode<synchronous>, transform_indices = @transform_3, window_bounds = array<i64: 128, 128>}, {pipeline_mode = #tpu.pipeline_mode<synchronous>, transform_indices = @transform_4, window_bounds = array<i64: 128, 128>}, {transform_indices = @transform_5, window_bounds = array<i64: 1000, 128>}, {transform_indices = @transform_6, window_bounds = array<i64: 1000, 128>}, {transform_indices = @transform_7, window_bounds = array<i64: 1000, 128>}]} {
    %get3A = arith.constant 0 : index
    %get3A_0 = arith.constant 0 : index
    %get3A_1 = vector.load %arg1[%get3A, %get3A_0] : memref<1000x128xf32, #tpu.memory_space<vmem>>, vector<1000x128xf32>
    %get3A_2 = arith.constant 0 : index
    %get3A_3 = arith.constant 0 : index
    %get3A_4 = vector.load %arg2[%get3A_2, %get3A_3] : memref<128x128xf32, #tpu.memory_space<vmem>>, vector<128x128xf32>
    %dot_general3A = arith.constant dense<0.000000e+00> : vector<1000x128xf32>
    %dot_general3A_5 = tpu.matmul %get3A_1, %get3A_4, %dot_general3A {dimension_numbers = #tpu.dot_dimension_numbers<[1], [0], [0], [1], [0, 0, 1, 1], [], []>, transpose_lhs_hint = false} : vector<1000x128xf32>, vector<128x128xf32>, vector<1000x128xf32> -> vector<1000x128xf32>
    %get3A_6 = arith.constant 0 : index
    %get3A_7 = arith.constant 0 : index
    %get3A_8 = vector.load %arg3[%get3A_6, %get3A_7] : memref<1x128xf32, #tpu.memory_space<vmem>>, vector<1x128xf32>
    %add3A = vector.broadcast %get3A_8 : vector<1x128xf32> to vector<1000x128xf32>
    %add3A_9 = arith.addf %dot_general3A_5, %add3A : vector<1000x128xf32>
    %max3A = arith.constant 0.000000e+00 : f32
    %max3A_10 = vector.broadcast %max3A : f32 to vector<1000x128xf32>
    %max3A_11 = arith.maximumf %add3A_9, %max3A_10 : vector<1000x128xf32>
    %swap3A = arith.constant 0 : index
    %swap3A_12 = arith.constant 0 : index
    %swap3A_13 = vector.load %arg6[%swap3A, %swap3A_12] : memref<1000x128xf32, #tpu.memory_space<vmem>>, vector<1000x128xf32>
    tpu.vector_store %arg6[%swap3A, %swap3A_12], %max3A_11 {strides = array<i32>} : memref<1000x128xf32, #tpu.memory_space<vmem>>, vector<1000x128xf32>,
    %get3A_14 = arith.constant 0 : index
    %get3A_15 = arith.constant 0 : index
    %get3A_16 = vector.load %arg4[%get3A_14, %get3A_15] : memref<128x128xf32, #tpu.memory_space<vmem>>, vector<128x128xf32>
    %dot_general3A_17 = arith.constant dense<0.000000e+00> : vector<1000x128xf32>
    %dot_general3A_18 = tpu.matmul %get3A_1, %get3A_16, %dot_general3A_17 {dimension_numbers = #tpu.dot_dimension_numbers<[1], [0], [0], [1], [0, 0, 1, 1], [], []>, transpose_lhs_hint = false} : vector<1000x128xf32>, vector<128x128xf32>, vector<1000x128xf32> -> vector<1000x128xf32>
    %swap3A_19 = arith.constant 0 : index
    %swap3A_20 = arith.constant 0 : index
    %swap3A_21 = vector.load %arg7[%swap3A_19, %swap3A_20] : memref<1000x128xf32, #tpu.memory_space<vmem>>, vector<1000x128xf32>
    tpu.vector_store %arg7[%swap3A_19, %swap3A_20], %dot_general3A_18 {strides = array<i32>} : memref<1000x128xf32, #tpu.memory_space<vmem>>, vector<1000x128xf32>,
    %get3A_22 = arith.constant 0 : index
    %get3A_23 = arith.constant 0 : index
    %get3A_24 = vector.load %arg5[%get3A_22, %get3A_23] : memref<128x128xf32, #tpu.memory_space<vmem>>, vector<128x128xf32>
    %dot_general3A_25 = arith.constant dense<0.000000e+00> : vector<1000x128xf32>
    %dot_general3A_26 = tpu.matmul %get3A_1, %get3A_24, %dot_general3A_25 {dimension_numbers = #tpu.dot_dimension_numbers<[1], [0], [0], [1], [0, 0, 1, 1], [], []>, transpose_lhs_hint = false} : vector<1000x128xf32>, vector<128x128xf32>, vector<1000x128xf32> -> vector<1000x128xf32>
    %swap3A_27 = arith.constant 0 : index
    %swap3A_28 = arith.constant 0 : index
    %swap3A_29 = vector.load %arg8[%swap3A_27, %swap3A_28] : memref<1000x128xf32, #tpu.memory_space<vmem>>, vector<1000x128xf32>
    tpu.vector_store %arg8[%swap3A_27, %swap3A_28], %dot_general3A_26 {strides = array<i32>} : memref<1000x128xf32, #tpu.memory_space<vmem>>, vector<1000x128xf32>,
    return
  }
  func.func @transform_0(%arg0: i32) -> (i32, i32) {
    %c0_i32 = arith.constant 0 : i32
    %c0_i32_0 = arith.constant 0 : i32
    return %arg0, %c0_i32 : i32, i32
  }
  func.func @transform_1(%arg0: i32) -> (i32, i32) {
    %c0_i32 = arith.constant 0 : i32
    %c0_i32_0 = arith.constant 0 : i32
    %c0_i32_1 = arith.constant 0 : i32
    return %c0_i32, %c0_i32_0 : i32, i32
  }
  func.func @transform_2(%arg0: i32) -> (i32, i32) {
    %c0_i32 = arith.constant 0 : i32
    %c0_i32_0 = arith.constant 0 : i32
    %c0_i32_1 = arith.constant 0 : i32
    return %c0_i32, %c0_i32_0 : i32, i32
  }
  func.func @transform_3(%arg0: i32) -> (i32, i32) {
    %c0_i32 = arith.constant 0 : i32
    %c0_i32_0 = arith.constant 0 : i32
    %c0_i32_1 = arith.constant 0 : i32
    return %c0_i32, %c0_i32_0 : i32, i32
  }
  func.func @transform_4(%arg0: i32) -> (i32, i32) {
    %c0_i32 = arith.constant 0 : i32
    %c0_i32_0 = arith.constant 0 : i32
    %c0_i32_1 = arith.constant 0 : i32
    return %c0_i32, %c0_i32_0 : i32, i32
  }
  func.func @transform_5(%arg0: i32) -> (i32, i32) {
    %c0_i32 = arith.constant 0 : i32
    %c0_i32_0 = arith.constant 0 : i32
    return %arg0, %c0_i32 : i32, i32
  }
  func.func @transform_6(%arg0: i32) -> (i32, i32) {
    %c0_i32 = arith.constant 0 : i32
    %c0_i32_0 = arith.constant 0 : i32
    return %arg0, %c0_i32 : i32, i32
  }
  func.func @transform_7(%arg0: i32) -> (i32, i32) {
    %c0_i32 = arith.constant 0 : i32
    %c0_i32_0 = arith.constant 0 : i32
    return %arg0, %c0_i32 : i32, i32
  }
}

module attributes {stable_mosaic.version = 14 : i64} {
  func.func @_dense_b_body(%arg0: i32, %arg1: memref<1000x128xf32, #tpu.memory_space<vmem>>, %arg2: memref<1000x128xf32, #tpu.memory_space<vmem>>, %arg3: memref<1x1000x128xf32, #tpu.memory_space<vmem>>, %arg4: memref<1x1000x128xf32, #tpu.memory_space<vmem>>, %arg5: memref<1x1000x128xf32, #tpu.memory_space<vmem>>, %arg6: memref<1x1000x128xf32, #tpu.memory_space<vmem>>, %arg7: memref<1000x2xf32, #tpu.memory_space<vmem>>, %arg8: memref<128x128xf32, #tpu.memory_space<vmem>>, %arg9: memref<128x128xf32, #tpu.memory_space<vmem>>, %arg10: memref<1x128xf32, #tpu.memory_space<vmem>>, %arg11: memref<1x128xf32, #tpu.memory_space<vmem>>, %arg12: memref<1000x128xf32, #tpu.memory_space<vmem>>, %arg13: memref<1000x128xf32, #tpu.memory_space<vmem>>, %arg14: memref<8x128xf32, #tpu.memory_space<vmem>>, %arg15: memref<8x128xf32, #tpu.memory_space<vmem>>) attributes {dimension_semantics = [#tpu.dimension_semantics<arbitrary>], iteration_bounds = array<i64: 10>, scalar_prefetch = 0 : i64, scratch_operands = 1 : i64, tpu.core_type = #tpu.core_type<tc>, window_params = [{transform_indices = @transform_0, window_bounds = array<i64: 1000, 128>}, {transform_indices = @transform_1, window_bounds = array<i64: 1000, 128>}, {transform_indices = @transform_2, window_bounds = array<i64: 1, 1000, 128>}, {transform_indices = @transform_3, window_bounds = array<i64: 1, 1000, 128>}, {transform_indices = @transform_4, window_bounds = array<i64: 1, 1000, 128>}, {transform_indices = @transform_5, window_bounds = array<i64: 1, 1000, 128>}, {transform_indices = @transform_6, window_bounds = array<i64: 1000, 2>}, {pipeline_mode = #tpu.pipeline_mode<synchronous>, transform_indices = @transform_7, window_bounds = array<i64: 128, 128>}, {pipeline_mode = #tpu.pipeline_mode<synchronous>, transform_indices = @transform_8, window_bounds = array<i64: 128, 128>}, {pipeline_mode = #tpu.pipeline_mode<synchronous>, transform_indices = @transform_9, window_bounds = array<i64: 1, 128>}, {pipeline_mode = #tpu.pipeline_mode<synchronous>, transform_indices = @transform_10, window_bounds = array<i64: 1, 128>}, {transform_indices = @transform_11, window_bounds = array<i64: 1000, 128>}, {transform_indices = @transform_12, window_bounds = array<i64: 1000, 128>}, {pipeline_mode = #tpu.pipeline_mode<synchronous>, transform_indices = @transform_13, window_bounds = array<i64: 8, 128>}]} {
    %get3A = arith.constant 0 : index
    %get3A_0 = arith.constant 0 : index
    %get3A_1 = vector.load %arg7[%get3A, %get3A_0] : memref<1000x2xf32, #tpu.memory_space<vmem>>, vector<1000x1xf32>
    %get3A_2 = arith.constant 0 : index
    %get3A_3 = arith.constant 1 : index
    %get3A_4 = vector.load %arg7[%get3A_2, %get3A_3] : memref<1000x2xf32, #tpu.memory_space<vmem>>, vector<1000x1xf32>
    %add3A = arith.addf %get3A_1, %get3A_4 : vector<1000x1xf32>
    %max3A = arith.constant 1.000000e+00 : f32
    %max3A_5 = vector.broadcast %max3A : f32 to vector<1000x1xf32>
    %max3A_6 = arith.maximumf %add3A, %max3A_5 : vector<1000x1xf32>
    %get3A_7 = arith.constant 0 : index
    %get3A_8 = arith.constant 0 : index
    %get3A_9 = arith.constant 0 : index
    %get3A_10 = vector.load %arg3[%get3A_7, %get3A_8, %get3A_9] : memref<1x1000x128xf32, #tpu.memory_space<vmem>>, vector<1x1000x128xf32>
    %get3A_11 = vector.shape_cast %get3A_10 : vector<1x1000x128xf32> to vector<1000x128xf32>
    %get3A_12 = arith.constant 0 : index
    %get3A_13 = arith.constant 0 : index
    %get3A_14 = arith.constant 0 : index
    %get3A_15 = vector.load %arg4[%get3A_12, %get3A_13, %get3A_14] : memref<1x1000x128xf32, #tpu.memory_space<vmem>>, vector<1x1000x128xf32>
    %get3A_16 = vector.shape_cast %get3A_15 : vector<1x1000x128xf32> to vector<1000x128xf32>
    %add3A_17 = arith.addf %get3A_11, %get3A_16 : vector<1000x128xf32>
    %get3A_18 = arith.constant 0 : index
    %get3A_19 = arith.constant 0 : index
    %get3A_20 = vector.load %arg1[%get3A_18, %get3A_19] : memref<1000x128xf32, #tpu.memory_space<vmem>>, vector<1000x128xf32>
    %get3A_21 = arith.constant 0 : index
    %get3A_22 = arith.constant 0 : index
    %get3A_23 = vector.load %arg8[%get3A_21, %get3A_22] : memref<128x128xf32, #tpu.memory_space<vmem>>, vector<128x128xf32>
    %dot_general3A = arith.constant dense<0.000000e+00> : vector<1000x128xf32>
    %dot_general3A_24 = tpu.matmul %add3A_17, %get3A_23, %dot_general3A {dimension_numbers = #tpu.dot_dimension_numbers<[1], [0], [0], [1], [0, 0, 1, 1], [], []>, transpose_lhs_hint = false} : vector<1000x128xf32>, vector<128x128xf32>, vector<1000x128xf32> -> vector<1000x128xf32>
    %div3A = vector.broadcast %max3A_6 : vector<1000x1xf32> to vector<1000x128xf32>
    %div3A_25 = arith.divf %dot_general3A_24, %div3A : vector<1000x128xf32>
    %add3A_26 = arith.addf %get3A_20, %div3A_25 : vector<1000x128xf32>
    %get3A_27 = arith.constant 0 : index
    %get3A_28 = arith.constant 0 : index
    %get3A_29 = vector.load %arg10[%get3A_27, %get3A_28] : memref<1x128xf32, #tpu.memory_space<vmem>>, vector<1x128xf32>
    %add3A_30 = vector.broadcast %get3A_29 : vector<1x128xf32> to vector<1000x128xf32>
    %add3A_31 = arith.addf %add3A_26, %add3A_30 : vector<1000x128xf32>
    %max3A_32 = arith.constant 0.000000e+00 : f32
    %max3A_33 = vector.broadcast %max3A_32 : f32 to vector<1000x128xf32>
    %max3A_34 = arith.maximumf %add3A_31, %max3A_33 : vector<1000x128xf32>
    %get3A_35 = arith.constant 0 : index
    %get3A_36 = arith.constant 0 : index
    %get3A_37 = arith.constant 0 : index
    %get3A_38 = vector.load %arg5[%get3A_35, %get3A_36, %get3A_37] : memref<1x1000x128xf32, #tpu.memory_space<vmem>>, vector<1x1000x128xf32>
    %get3A_39 = vector.shape_cast %get3A_38 : vector<1x1000x128xf32> to vector<1000x128xf32>
    %get3A_40 = arith.constant 0 : index
    %get3A_41 = arith.constant 0 : index
    %get3A_42 = arith.constant 0 : index
    %get3A_43 = vector.load %arg6[%get3A_40, %get3A_41, %get3A_42] : memref<1x1000x128xf32, #tpu.memory_space<vmem>>, vector<1x1000x128xf32>
    %get3A_44 = vector.shape_cast %get3A_43 : vector<1x1000x128xf32> to vector<1000x128xf32>
    %max3A_45 = arith.maximumf %get3A_39, %get3A_44 : vector<1000x128xf32>
    %get3A_46 = arith.constant 0 : index
    %get3A_47 = arith.constant 0 : index
    %get3A_48 = vector.load %arg2[%get3A_46, %get3A_47] : memref<1000x128xf32, #tpu.memory_space<vmem>>, vector<1000x128xf32>
    %get3A_49 = arith.constant 0 : index
    %get3A_50 = arith.constant 0 : index
    %get3A_51 = vector.load %arg9[%get3A_49, %get3A_50] : memref<128x128xf32, #tpu.memory_space<vmem>>, vector<128x128xf32>
    %dot_general3A_52 = arith.constant dense<0.000000e+00> : vector<1000x128xf32>
    %dot_general3A_53 = tpu.matmul %max3A_45, %get3A_51, %dot_general3A_52 {dimension_numbers = #tpu.dot_dimension_numbers<[1], [0], [0], [1], [0, 0, 1, 1], [], []>, transpose_lhs_hint = false} : vector<1000x128xf32>, vector<128x128xf32>, vector<1000x128xf32> -> vector<1000x128xf32>
    %add3A_54 = arith.addf %get3A_48, %dot_general3A_53 : vector<1000x128xf32>
    %get3A_55 = arith.constant 0 : index
    %get3A_56 = arith.constant 0 : index
    %get3A_57 = vector.load %arg11[%get3A_55, %get3A_56] : memref<1x128xf32, #tpu.memory_space<vmem>>, vector<1x128xf32>
    %add3A_58 = vector.broadcast %get3A_57 : vector<1x128xf32> to vector<1000x128xf32>
    %add3A_59 = arith.addf %add3A_54, %add3A_58 : vector<1000x128xf32>
    %max3A_60 = arith.constant 0.000000e+00 : f32
    %max3A_61 = vector.broadcast %max3A_60 : f32 to vector<1000x128xf32>
    %max3A_62 = arith.maximumf %add3A_59, %max3A_61 : vector<1000x128xf32>
    %swap3A = arith.constant 0 : index
    %swap3A_63 = arith.constant 0 : index
    %swap3A_64 = vector.load %arg12[%swap3A, %swap3A_63] : memref<1000x128xf32, #tpu.memory_space<vmem>>, vector<1000x128xf32>
    tpu.vector_store %arg12[%swap3A, %swap3A_63], %max3A_34 {strides = array<i32>} : memref<1000x128xf32, #tpu.memory_space<vmem>>, vector<1000x128xf32>,
    %swap3A_65 = arith.constant 0 : index
    %swap3A_66 = arith.constant 0 : index
    %swap3A_67 = vector.load %arg13[%swap3A_65, %swap3A_66] : memref<1000x128xf32, #tpu.memory_space<vmem>>, vector<1000x128xf32>
    tpu.vector_store %arg13[%swap3A_65, %swap3A_66], %max3A_62 {strides = array<i32>} : memref<1000x128xf32, #tpu.memory_space<vmem>>, vector<1000x128xf32>,
    %eq3A = arith.constant 0 : i32
    %eq3A_68 = arith.cmpi eq, %arg0, %eq3A : i32
    %convert_element_type3A = arith.extui %eq3A_68 : i1 to i32
    %cond3A = arith.constant 0 : i32
    %cond3A_69 = arith.cmpi ne, %convert_element_type3A, %cond3A : i32
    scf.if %cond3A_69 {
      %broadcast_in_dim3A_114 = arith.constant 0.000000e+00 : f32
      %broadcast_in_dim3A_115 = vector.broadcast %broadcast_in_dim3A_114 : f32 to vector<8x128xf32>
      %swap3A_116 = arith.constant 0 : index
      %swap3A_117 = arith.constant 0 : index
      %swap3A_118 = vector.load %arg15[%swap3A_116, %swap3A_117] : memref<8x128xf32, #tpu.memory_space<vmem>>, vector<8x128xf32>
      tpu.vector_store %arg15[%swap3A_116, %swap3A_117], %broadcast_in_dim3A_115 {strides = array<i32>} : memref<8x128xf32, #tpu.memory_space<vmem>>, vector<8x128xf32>,
    } else {
    }
    %get3A_70 = arith.constant 0 : index
    %get3A_71 = arith.constant 0 : index
    %get3A_72 = vector.load %arg15[%get3A_70, %get3A_71] : memref<8x128xf32, #tpu.memory_space<vmem>>, vector<1x128xf32>
    %reduce_sum3A = arith.constant dense<0.000000e+00> : vector<128xf32>
    %reduce_sum3A_73 = vector.multi_reduction <add>, %max3A_34, %reduce_sum3A [0] : vector<1000x128xf32> to vector<128xf32>
    %broadcast_in_dim3A = vector.shape_cast %reduce_sum3A_73 : vector<128xf32> to vector<1x128xf32>
    %add3A_74 = arith.addf %get3A_72, %broadcast_in_dim3A : vector<1x128xf32>
    %swap3A_75 = arith.constant 0 : index
    %swap3A_76 = arith.constant 0 : index
    %swap3A_77 = vector.load %arg15[%swap3A_75, %swap3A_76] : memref<8x128xf32, #tpu.memory_space<vmem>>, vector<1x128xf32>
    tpu.vector_store %arg15[%swap3A_75, %swap3A_76], %add3A_74 {strides = array<i32>} : memref<8x128xf32, #tpu.memory_space<vmem>>, vector<1x128xf32>,
    %get3A_78 = arith.constant 1 : index
    %get3A_79 = arith.constant 0 : index
    %get3A_80 = vector.load %arg15[%get3A_78, %get3A_79] : memref<8x128xf32, #tpu.memory_space<vmem>>, vector<1x128xf32>
    %mul3A = arith.mulf %max3A_34, %max3A_34 : vector<1000x128xf32>
    %reduce_sum3A_81 = arith.constant dense<0.000000e+00> : vector<128xf32>
    %reduce_sum3A_82 = vector.multi_reduction <add>, %mul3A, %reduce_sum3A_81 [0] : vector<1000x128xf32> to vector<128xf32>
    %broadcast_in_dim3A_83 = vector.shape_cast %reduce_sum3A_82 : vector<128xf32> to vector<1x128xf32>
    %add3A_84 = arith.addf %get3A_80, %broadcast_in_dim3A_83 : vector<1x128xf32>
    %swap3A_85 = arith.constant 1 : index
    %swap3A_86 = arith.constant 0 : index
    %swap3A_87 = vector.load %arg15[%swap3A_85, %swap3A_86] : memref<8x128xf32, #tpu.memory_space<vmem>>, vector<1x128xf32>
    tpu.vector_store %arg15[%swap3A_85, %swap3A_86], %add3A_84 {strides = array<i32>} : memref<8x128xf32, #tpu.memory_space<vmem>>, vector<1x128xf32>,
    %get3A_88 = arith.constant 2 : index
    %get3A_89 = arith.constant 0 : index
    %get3A_90 = vector.load %arg15[%get3A_88, %get3A_89] : memref<8x128xf32, #tpu.memory_space<vmem>>, vector<1x128xf32>
    %reduce_sum3A_91 = arith.constant dense<0.000000e+00> : vector<128xf32>
    %reduce_sum3A_92 = vector.multi_reduction <add>, %max3A_62, %reduce_sum3A_91 [0] : vector<1000x128xf32> to vector<128xf32>
    %broadcast_in_dim3A_93 = vector.shape_cast %reduce_sum3A_92 : vector<128xf32> to vector<1x128xf32>
    %add3A_94 = arith.addf %get3A_90, %broadcast_in_dim3A_93 : vector<1x128xf32>
    %swap3A_95 = arith.constant 2 : index
    %swap3A_96 = arith.constant 0 : index
    %swap3A_97 = vector.load %arg15[%swap3A_95, %swap3A_96] : memref<8x128xf32, #tpu.memory_space<vmem>>, vector<1x128xf32>
    tpu.vector_store %arg15[%swap3A_95, %swap3A_96], %add3A_94 {strides = array<i32>} : memref<8x128xf32, #tpu.memory_space<vmem>>, vector<1x128xf32>,
    %get3A_98 = arith.constant 3 : index
    %get3A_99 = arith.constant 0 : index
    %get3A_100 = vector.load %arg15[%get3A_98, %get3A_99] : memref<8x128xf32, #tpu.memory_space<vmem>>, vector<1x128xf32>
    %mul3A_101 = arith.mulf %max3A_62, %max3A_62 : vector<1000x128xf32>
    %reduce_sum3A_102 = arith.constant dense<0.000000e+00> : vector<128xf32>
    %reduce_sum3A_103 = vector.multi_reduction <add>, %mul3A_101, %reduce_sum3A_102 [0] : vector<1000x128xf32> to vector<128xf32>
    %broadcast_in_dim3A_104 = vector.shape_cast %reduce_sum3A_103 : vector<128xf32> to vector<1x128xf32>
    %add3A_105 = arith.addf %get3A_100, %broadcast_in_dim3A_104 : vector<1x128xf32>
    %swap3A_106 = arith.constant 3 : index
    %swap3A_107 = arith.constant 0 : index
    %swap3A_108 = vector.load %arg15[%swap3A_106, %swap3A_107] : memref<8x128xf32, #tpu.memory_space<vmem>>, vector<1x128xf32>
    tpu.vector_store %arg15[%swap3A_106, %swap3A_107], %add3A_105 {strides = array<i32>} : memref<8x128xf32, #tpu.memory_space<vmem>>, vector<1x128xf32>,
    %eq3A_109 = arith.constant 9 : i32
    %eq3A_110 = arith.cmpi eq, %arg0, %eq3A_109 : i32
    %convert_element_type3A_111 = arith.extui %eq3A_110 : i1 to i32
    %cond3A_112 = arith.constant 0 : i32
    %cond3A_113 = arith.cmpi ne, %convert_element_type3A_111, %cond3A_112 : i32
    scf.if %cond3A_113 {
      %get3A_114 = arith.constant 0 : index
      %get3A_115 = arith.constant 0 : index
      %get3A_116 = vector.load %arg15[%get3A_114, %get3A_115] : memref<8x128xf32, #tpu.memory_space<vmem>>, vector<8x128xf32>
      %swap3A_117 = arith.constant 0 : index
      %swap3A_118 = arith.constant 0 : index
      %swap3A_119 = vector.load %arg14[%swap3A_117, %swap3A_118] : memref<8x128xf32, #tpu.memory_space<vmem>>, vector<8x128xf32>
      tpu.vector_store %arg14[%swap3A_117, %swap3A_118], %get3A_116 {strides = array<i32>} : memref<8x128xf32, #tpu.memory_space<vmem>>, vector<8x128xf32>,
    } else {
    }
    return
  }
  func.func @transform_0(%arg0: i32) -> (i32, i32) {
    %c0_i32 = arith.constant 0 : i32
    %c0_i32_0 = arith.constant 0 : i32
    return %arg0, %c0_i32 : i32, i32
  }
  func.func @transform_1(%arg0: i32) -> (i32, i32) {
    %c0_i32 = arith.constant 0 : i32
    %c0_i32_0 = arith.constant 0 : i32
    return %arg0, %c0_i32 : i32, i32
  }
  func.func @transform_2(%arg0: i32) -> (i32, i32, i32) {
    %c0_i32 = arith.constant 0 : i32
    %c0_i32_0 = arith.constant 0 : i32
    %c0_i32_1 = arith.constant 0 : i32
    return %c0_i32, %arg0, %c0_i32_0 : i32, i32, i32
  }
  func.func @transform_3(%arg0: i32) -> (i32, i32, i32) {
    %c1_i32 = arith.constant 1 : i32
    %c0_i32 = arith.constant 0 : i32
    %c0_i32_0 = arith.constant 0 : i32
    return %c1_i32, %arg0, %c0_i32 : i32, i32, i32
  }
  func.func @transform_4(%arg0: i32) -> (i32, i32, i32) {
    %c0_i32 = arith.constant 0 : i32
    %c0_i32_0 = arith.constant 0 : i32
    %c0_i32_1 = arith.constant 0 : i32
    return %c0_i32, %arg0, %c0_i32_0 : i32, i32, i32
  }
  func.func @transform_5(%arg0: i32) -> (i32, i32, i32) {
    %c1_i32 = arith.constant 1 : i32
    %c0_i32 = arith.constant 0 : i32
    %c0_i32_0 = arith.constant 0 : i32
    return %c1_i32, %arg0, %c0_i32 : i32, i32, i32
  }
  func.func @transform_6(%arg0: i32) -> (i32, i32) {
    %c0_i32 = arith.constant 0 : i32
    %c0_i32_0 = arith.constant 0 : i32
    return %arg0, %c0_i32 : i32, i32
  }
  func.func @transform_7(%arg0: i32) -> (i32, i32) {
    %c0_i32 = arith.constant 0 : i32
    %c0_i32_0 = arith.constant 0 : i32
    %c0_i32_1 = arith.constant 0 : i32
    return %c0_i32, %c0_i32_0 : i32, i32
  }
  func.func @transform_8(%arg0: i32) -> (i32, i32) {
    %c0_i32 = arith.constant 0 : i32
    %c0_i32_0 = arith.constant 0 : i32
    %c0_i32_1 = arith.constant 0 : i32
    return %c0_i32, %c0_i32_0 : i32, i32
  }
  func.func @transform_9(%arg0: i32) -> (i32, i32) {
    %c0_i32 = arith.constant 0 : i32
    %c0_i32_0 = arith.constant 0 : i32
    %c0_i32_1 = arith.constant 0 : i32
    return %c0_i32, %c0_i32_0 : i32, i32
  }
  func.func @transform_10(%arg0: i32) -> (i32, i32) {
    %c0_i32 = arith.constant 0 : i32
    %c0_i32_0 = arith.constant 0 : i32
    %c0_i32_1 = arith.constant 0 : i32
    return %c0_i32, %c0_i32_0 : i32, i32
  }
  func.func @transform_11(%arg0: i32) -> (i32, i32) {
    %c0_i32 = arith.constant 0 : i32
    %c0_i32_0 = arith.constant 0 : i32
    return %arg0, %c0_i32 : i32, i32
  }
  func.func @transform_12(%arg0: i32) -> (i32, i32) {
    %c0_i32 = arith.constant 0 : i32
    %c0_i32_0 = arith.constant 0 : i32
    return %arg0, %c0_i32 : i32, i32
  }
  func.func @transform_13(%arg0: i32) -> (i32, i32) {
    %c0_i32 = arith.constant 0 : i32
    %c0_i32_0 = arith.constant 0 : i32
    %c0_i32_1 = arith.constant 0 : i32
    return %c0_i32, %c0_i32_0 : i32, i32
  }
}

module attributes {stable_mosaic.version = 14 : i64} {
  func.func @_dense_c_body(%arg0: i32, %arg1: memref<1000x128xf32, #tpu.memory_space<vmem>>, %arg2: memref<1000x128xf32, #tpu.memory_space<vmem>>, %arg3: memref<8x128xf32, #tpu.memory_space<vmem>>, %arg4: memref<1x128xf32, #tpu.memory_space<vmem>>, %arg5: memref<1x128xf32, #tpu.memory_space<vmem>>, %arg6: memref<1x128xf32, #tpu.memory_space<vmem>>, %arg7: memref<1x128xf32, #tpu.memory_space<vmem>>, %arg8: memref<1000x128xf32, #tpu.memory_space<vmem>>) attributes {dimension_semantics = [#tpu.dimension_semantics<arbitrary>], iteration_bounds = array<i64: 10>, scalar_prefetch = 0 : i64, scratch_operands = 0 : i64, tpu.core_type = #tpu.core_type<tc>, window_params = [{transform_indices = @transform_0, window_bounds = array<i64: 1000, 128>}, {transform_indices = @transform_1, window_bounds = array<i64: 1000, 128>}, {pipeline_mode = #tpu.pipeline_mode<synchronous>, transform_indices = @transform_2, window_bounds = array<i64: 8, 128>}, {pipeline_mode = #tpu.pipeline_mode<synchronous>, transform_indices = @transform_3, window_bounds = array<i64: 1, 128>}, {pipeline_mode = #tpu.pipeline_mode<synchronous>, transform_indices = @transform_4, window_bounds = array<i64: 1, 128>}, {pipeline_mode = #tpu.pipeline_mode<synchronous>, transform_indices = @transform_5, window_bounds = array<i64: 1, 128>}, {pipeline_mode = #tpu.pipeline_mode<synchronous>, transform_indices = @transform_6, window_bounds = array<i64: 1, 128>}, {transform_indices = @transform_7, window_bounds = array<i64: 1000, 128>}]} {
    %get3A = arith.constant 0 : index
    %get3A_0 = arith.constant 0 : index
    %get3A_1 = vector.load %arg3[%get3A, %get3A_0] : memref<8x128xf32, #tpu.memory_space<vmem>>, vector<1x128xf32>
    %mul3A = arith.constant 9.99999974E-5 : f32
    %mul3A_2 = vector.broadcast %mul3A : f32 to vector<1x128xf32>
    %mul3A_3 = arith.mulf %get3A_1, %mul3A_2 : vector<1x128xf32>
    %get3A_4 = arith.constant 1 : index
    %get3A_5 = arith.constant 0 : index
    %get3A_6 = vector.load %arg3[%get3A_4, %get3A_5] : memref<8x128xf32, #tpu.memory_space<vmem>>, vector<1x128xf32>
    %mul3A_7 = arith.constant 9.99999974E-5 : f32
    %mul3A_8 = vector.broadcast %mul3A_7 : f32 to vector<1x128xf32>
    %mul3A_9 = arith.mulf %get3A_6, %mul3A_8 : vector<1x128xf32>
    %mul3A_10 = arith.mulf %mul3A_3, %mul3A_3 : vector<1x128xf32>
    %sub3A = arith.subf %mul3A_9, %mul3A_10 : vector<1x128xf32>
    %get3A_11 = arith.constant 2 : index
    %get3A_12 = arith.constant 0 : index
    %get3A_13 = vector.load %arg3[%get3A_11, %get3A_12] : memref<8x128xf32, #tpu.memory_space<vmem>>, vector<1x128xf32>
    %mul3A_14 = arith.constant 9.99999974E-5 : f32
    %mul3A_15 = vector.broadcast %mul3A_14 : f32 to vector<1x128xf32>
    %mul3A_16 = arith.mulf %get3A_13, %mul3A_15 : vector<1x128xf32>
    %get3A_17 = arith.constant 3 : index
    %get3A_18 = arith.constant 0 : index
    %get3A_19 = vector.load %arg3[%get3A_17, %get3A_18] : memref<8x128xf32, #tpu.memory_space<vmem>>, vector<1x128xf32>
    %mul3A_20 = arith.constant 9.99999974E-5 : f32
    %mul3A_21 = vector.broadcast %mul3A_20 : f32 to vector<1x128xf32>
    %mul3A_22 = arith.mulf %get3A_19, %mul3A_21 : vector<1x128xf32>
    %mul3A_23 = arith.mulf %mul3A_16, %mul3A_16 : vector<1x128xf32>
    %sub3A_24 = arith.subf %mul3A_22, %mul3A_23 : vector<1x128xf32>
    %get3A_25 = arith.constant 0 : index
    %get3A_26 = arith.constant 0 : index
    %get3A_27 = vector.load %arg1[%get3A_25, %get3A_26] : memref<1000x128xf32, #tpu.memory_space<vmem>>, vector<1000x128xf32>
    %sub3A_28 = vector.broadcast %mul3A_3 : vector<1x128xf32> to vector<1000x128xf32>
    %sub3A_29 = arith.subf %get3A_27, %sub3A_28 : vector<1000x128xf32>
    %add3A = arith.constant 9.99999974E-6 : f32
    %add3A_30 = vector.broadcast %add3A : f32 to vector<1x128xf32>
    %add3A_31 = arith.addf %sub3A, %add3A_30 : vector<1x128xf32>
    %rsqrt3A = math.rsqrt %add3A_31 : vector<1x128xf32>
    %mul3A_32 = vector.broadcast %rsqrt3A : vector<1x128xf32> to vector<1000x128xf32>
    %mul3A_33 = arith.mulf %sub3A_29, %mul3A_32 : vector<1000x128xf32>
    %get3A_34 = arith.constant 0 : index
    %get3A_35 = arith.constant 0 : index
    %get3A_36 = vector.load %arg4[%get3A_34, %get3A_35] : memref<1x128xf32, #tpu.memory_space<vmem>>, vector<1x128xf32>
    %mul3A_37 = vector.broadcast %get3A_36 : vector<1x128xf32> to vector<1000x128xf32>
    %mul3A_38 = arith.mulf %mul3A_33, %mul3A_37 : vector<1000x128xf32>
    %get3A_39 = arith.constant 0 : index
    %get3A_40 = arith.constant 0 : index
    %get3A_41 = vector.load %arg5[%get3A_39, %get3A_40] : memref<1x128xf32, #tpu.memory_space<vmem>>, vector<1x128xf32>
    %add3A_42 = vector.broadcast %get3A_41 : vector<1x128xf32> to vector<1000x128xf32>
    %add3A_43 = arith.addf %mul3A_38, %add3A_42 : vector<1000x128xf32>
    %get3A_44 = arith.constant 0 : index
    %get3A_45 = arith.constant 0 : index
    %get3A_46 = vector.load %arg2[%get3A_44, %get3A_45] : memref<1000x128xf32, #tpu.memory_space<vmem>>, vector<1000x128xf32>
    %sub3A_47 = vector.broadcast %mul3A_16 : vector<1x128xf32> to vector<1000x128xf32>
    %sub3A_48 = arith.subf %get3A_46, %sub3A_47 : vector<1000x128xf32>
    %add3A_49 = arith.constant 9.99999974E-6 : f32
    %add3A_50 = vector.broadcast %add3A_49 : f32 to vector<1x128xf32>
    %add3A_51 = arith.addf %sub3A_24, %add3A_50 : vector<1x128xf32>
    %rsqrt3A_52 = math.rsqrt %add3A_51 : vector<1x128xf32>
    %mul3A_53 = vector.broadcast %rsqrt3A_52 : vector<1x128xf32> to vector<1000x128xf32>
    %mul3A_54 = arith.mulf %sub3A_48, %mul3A_53 : vector<1000x128xf32>
    %get3A_55 = arith.constant 0 : index
    %get3A_56 = arith.constant 0 : index
    %get3A_57 = vector.load %arg6[%get3A_55, %get3A_56] : memref<1x128xf32, #tpu.memory_space<vmem>>, vector<1x128xf32>
    %mul3A_58 = vector.broadcast %get3A_57 : vector<1x128xf32> to vector<1000x128xf32>
    %mul3A_59 = arith.mulf %mul3A_54, %mul3A_58 : vector<1000x128xf32>
    %get3A_60 = arith.constant 0 : index
    %get3A_61 = arith.constant 0 : index
    %get3A_62 = vector.load %arg7[%get3A_60, %get3A_61] : memref<1x128xf32, #tpu.memory_space<vmem>>, vector<1x128xf32>
    %add3A_63 = vector.broadcast %get3A_62 : vector<1x128xf32> to vector<1000x128xf32>
    %add3A_64 = arith.addf %mul3A_59, %add3A_63 : vector<1000x128xf32>
    %add3A_65 = arith.addf %add3A_43, %add3A_64 : vector<1000x128xf32>
    %max3A = arith.constant 0.000000e+00 : f32
    %max3A_66 = vector.broadcast %max3A : f32 to vector<1000x128xf32>
    %max3A_67 = arith.maximumf %add3A_65, %max3A_66 : vector<1000x128xf32>
    %swap3A = arith.constant 0 : index
    %swap3A_68 = arith.constant 0 : index
    %swap3A_69 = vector.load %arg8[%swap3A, %swap3A_68] : memref<1000x128xf32, #tpu.memory_space<vmem>>, vector<1000x128xf32>
    tpu.vector_store %arg8[%swap3A, %swap3A_68], %max3A_67 {strides = array<i32>} : memref<1000x128xf32, #tpu.memory_space<vmem>>, vector<1000x128xf32>,
    return
  }
  func.func @transform_0(%arg0: i32) -> (i32, i32) {
    %c0_i32 = arith.constant 0 : i32
    %c0_i32_0 = arith.constant 0 : i32
    return %arg0, %c0_i32 : i32, i32
  }
  func.func @transform_1(%arg0: i32) -> (i32, i32) {
    %c0_i32 = arith.constant 0 : i32
    %c0_i32_0 = arith.constant 0 : i32
    return %arg0, %c0_i32 : i32, i32
  }
  func.func @transform_2(%arg0: i32) -> (i32, i32) {
    %c0_i32 = arith.constant 0 : i32
    %c0_i32_0 = arith.constant 0 : i32
    %c0_i32_1 = arith.constant 0 : i32
    return %c0_i32, %c0_i32_0 : i32, i32
  }
  func.func @transform_3(%arg0: i32) -> (i32, i32) {
    %c0_i32 = arith.constant 0 : i32
    %c0_i32_0 = arith.constant 0 : i32
    %c0_i32_1 = arith.constant 0 : i32
    return %c0_i32, %c0_i32_0 : i32, i32
  }
  func.func @transform_4(%arg0: i32) -> (i32, i32) {
    %c0_i32 = arith.constant 0 : i32
    %c0_i32_0 = arith.constant 0 : i32
    %c0_i32_1 = arith.constant 0 : i32
    return %c0_i32, %c0_i32_0 : i32, i32
  }
  func.func @transform_5(%arg0: i32) -> (i32, i32) {
    %c0_i32 = arith.constant 0 : i32
    %c0_i32_0 = arith.constant 0 : i32
    %c0_i32_1 = arith.constant 0 : i32
    return %c0_i32, %c0_i32_0 : i32, i32
  }
  func.func @transform_6(%arg0: i32) -> (i32, i32) {
    %c0_i32 = arith.constant 0 : i32
    %c0_i32_0 = arith.constant 0 : i32
    %c0_i32_1 = arith.constant 0 : i32
    return %c0_i32, %c0_i32_0 : i32, i32
  }
  func.func @transform_7(%arg0: i32) -> (i32, i32) {
    %c0_i32 = arith.constant 0 : i32
    %c0_i32_0 = arith.constant 0 : i32
    return %arg0, %c0_i32 : i32, i32
  }
}

module attributes {stable_mosaic.version = 14 : i64} {
  func.func @_dense_d_body(%arg0: i32, %arg1: memref<1000x128xf32, #tpu.memory_space<vmem>>, %arg2: memref<1x1000x128xf32, #tpu.memory_space<vmem>>, %arg3: memref<1x1000x128xf32, #tpu.memory_space<vmem>>, %arg4: memref<1000x2xf32, #tpu.memory_space<vmem>>, %arg5: memref<128x16xf32, #tpu.memory_space<vmem>>, %arg6: memref<128x16xf32, #tpu.memory_space<vmem>>, %arg7: memref<1x16xf32, #tpu.memory_space<vmem>>, %arg8: memref<1000x16xf32, #tpu.memory_space<vmem>>) attributes {dimension_semantics = [#tpu.dimension_semantics<arbitrary>], iteration_bounds = array<i64: 10>, scalar_prefetch = 0 : i64, scratch_operands = 0 : i64, tpu.core_type = #tpu.core_type<tc>, window_params = [{transform_indices = @transform_0, window_bounds = array<i64: 1000, 128>}, {transform_indices = @transform_1, window_bounds = array<i64: 1, 1000, 128>}, {transform_indices = @transform_2, window_bounds = array<i64: 1, 1000, 128>}, {transform_indices = @transform_3, window_bounds = array<i64: 1000, 2>}, {pipeline_mode = #tpu.pipeline_mode<synchronous>, transform_indices = @transform_4, window_bounds = array<i64: 128, 16>}, {pipeline_mode = #tpu.pipeline_mode<synchronous>, transform_indices = @transform_5, window_bounds = array<i64: 128, 16>}, {pipeline_mode = #tpu.pipeline_mode<synchronous>, transform_indices = @transform_6, window_bounds = array<i64: 1, 16>}, {transform_indices = @transform_7, window_bounds = array<i64: 1000, 16>}]} {
    %get3A = arith.constant 0 : index
    %get3A_0 = arith.constant 0 : index
    %get3A_1 = vector.load %arg4[%get3A, %get3A_0] : memref<1000x2xf32, #tpu.memory_space<vmem>>, vector<1000x1xf32>
    %get3A_2 = arith.constant 0 : index
    %get3A_3 = arith.constant 1 : index
    %get3A_4 = vector.load %arg4[%get3A_2, %get3A_3] : memref<1000x2xf32, #tpu.memory_space<vmem>>, vector<1000x1xf32>
    %add3A = arith.addf %get3A_1, %get3A_4 : vector<1000x1xf32>
    %max3A = arith.constant 1.000000e+00 : f32
    %max3A_5 = vector.broadcast %max3A : f32 to vector<1000x1xf32>
    %max3A_6 = arith.maximumf %add3A, %max3A_5 : vector<1000x1xf32>
    %get3A_7 = arith.constant 0 : index
    %get3A_8 = arith.constant 0 : index
    %get3A_9 = arith.constant 0 : index
    %get3A_10 = vector.load %arg2[%get3A_7, %get3A_8, %get3A_9] : memref<1x1000x128xf32, #tpu.memory_space<vmem>>, vector<1x1000x128xf32>
    %get3A_11 = vector.shape_cast %get3A_10 : vector<1x1000x128xf32> to vector<1000x128xf32>
    %get3A_12 = arith.constant 0 : index
    %get3A_13 = arith.constant 0 : index
    %get3A_14 = arith.constant 0 : index
    %get3A_15 = vector.load %arg3[%get3A_12, %get3A_13, %get3A_14] : memref<1x1000x128xf32, #tpu.memory_space<vmem>>, vector<1x1000x128xf32>
    %get3A_16 = vector.shape_cast %get3A_15 : vector<1x1000x128xf32> to vector<1000x128xf32>
    %add3A_17 = arith.addf %get3A_11, %get3A_16 : vector<1000x128xf32>
    %get3A_18 = arith.constant 0 : index
    %get3A_19 = arith.constant 0 : index
    %get3A_20 = vector.load %arg1[%get3A_18, %get3A_19] : memref<1000x128xf32, #tpu.memory_space<vmem>>, vector<1000x128xf32>
    %get3A_21 = arith.constant 0 : index
    %get3A_22 = arith.constant 0 : index
    %get3A_23 = vector.load %arg5[%get3A_21, %get3A_22] : memref<128x16xf32, #tpu.memory_space<vmem>>, vector<128x16xf32>
    %dot_general3A = arith.constant dense<0.000000e+00> : vector<1000x16xf32>
    %dot_general3A_24 = tpu.matmul %get3A_20, %get3A_23, %dot_general3A {dimension_numbers = #tpu.dot_dimension_numbers<[1], [0], [0], [1], [0, 0, 1, 1], [], []>, transpose_lhs_hint = false} : vector<1000x128xf32>, vector<128x16xf32>, vector<1000x16xf32> -> vector<1000x16xf32>
    %get3A_25 = arith.constant 0 : index
    %get3A_26 = arith.constant 0 : index
    %get3A_27 = vector.load %arg6[%get3A_25, %get3A_26] : memref<128x16xf32, #tpu.memory_space<vmem>>, vector<128x16xf32>
    %dot_general3A_28 = arith.constant dense<0.000000e+00> : vector<1000x16xf32>
    %dot_general3A_29 = tpu.matmul %add3A_17, %get3A_27, %dot_general3A_28 {dimension_numbers = #tpu.dot_dimension_numbers<[1], [0], [0], [1], [0, 0, 1, 1], [], []>, transpose_lhs_hint = false} : vector<1000x128xf32>, vector<128x16xf32>, vector<1000x16xf32> -> vector<1000x16xf32>
    %div3A = vector.broadcast %max3A_6 : vector<1000x1xf32> to vector<1000x16xf32>
    %div3A_30 = arith.divf %dot_general3A_29, %div3A : vector<1000x16xf32>
    %add3A_31 = arith.addf %dot_general3A_24, %div3A_30 : vector<1000x16xf32>
    %get3A_32 = arith.constant 0 : index
    %get3A_33 = arith.constant 0 : index
    %get3A_34 = vector.load %arg7[%get3A_32, %get3A_33] : memref<1x16xf32, #tpu.memory_space<vmem>>, vector<1x16xf32>
    %add3A_35 = vector.broadcast %get3A_34 : vector<1x16xf32> to vector<1000x16xf32>
    %add3A_36 = arith.addf %add3A_31, %add3A_35 : vector<1000x16xf32>
    %swap3A = arith.constant 0 : index
    %swap3A_37 = arith.constant 0 : index
    %swap3A_38 = vector.load %arg8[%swap3A, %swap3A_37] : memref<1000x16xf32, #tpu.memory_space<vmem>>, vector<1000x16xf32>
    tpu.vector_store %arg8[%swap3A, %swap3A_37], %add3A_36 {strides = array<i32>} : memref<1000x16xf32, #tpu.memory_space<vmem>>, vector<1000x16xf32>,
    return
  }
  func.func @transform_0(%arg0: i32) -> (i32, i32) {
    %c0_i32 = arith.constant 0 : i32
    %c0_i32_0 = arith.constant 0 : i32
    return %arg0, %c0_i32 : i32, i32
  }
  func.func @transform_1(%arg0: i32) -> (i32, i32, i32) {
    %c0_i32 = arith.constant 0 : i32
    %c0_i32_0 = arith.constant 0 : i32
    %c0_i32_1 = arith.constant 0 : i32
    return %c0_i32, %arg0, %c0_i32_0 : i32, i32, i32
  }
  func.func @transform_2(%arg0: i32) -> (i32, i32, i32) {
    %c1_i32 = arith.constant 1 : i32
    %c0_i32 = arith.constant 0 : i32
    %c0_i32_0 = arith.constant 0 : i32
    return %c1_i32, %arg0, %c0_i32 : i32, i32, i32
  }
  func.func @transform_3(%arg0: i32) -> (i32, i32) {
    %c0_i32 = arith.constant 0 : i32
    %c0_i32_0 = arith.constant 0 : i32
    return %arg0, %c0_i32 : i32, i32
  }
  func.func @transform_4(%arg0: i32) -> (i32, i32) {
    %c0_i32 = arith.constant 0 : i32
    %c0_i32_0 = arith.constant 0 : i32
    %c0_i32_1 = arith.constant 0 : i32
    return %c0_i32, %c0_i32_0 : i32, i32
  }
  func.func @transform_5(%arg0: i32) -> (i32, i32) {
    %c0_i32 = arith.constant 0 : i32
    %c0_i32_0 = arith.constant 0 : i32
    %c0_i32_1 = arith.constant 0 : i32
    return %c0_i32, %c0_i32_0 : i32, i32
  }
  func.func @transform_6(%arg0: i32) -> (i32, i32) {
    %c0_i32 = arith.constant 0 : i32
    %c0_i32_0 = arith.constant 0 : i32
    %c0_i32_1 = arith.constant 0 : i32
    return %c0_i32, %c0_i32_0 : i32, i32
  }
  func.func @transform_7(%arg0: i32) -> (i32, i32) {
    %c0_i32 = arith.constant 0 : i32
    %c0_i32_0 = arith.constant 0 : i32
    return %arg0, %c0_i32 : i32, i32
  }
}

</mosaic_0001>

<sc_bundles>
// kernel: kernel.12.cloned.1.call-start
scs
__scs_entry_jumppad:
0x0: {  	(pc) =	sbr.rel $0x88, $3  }
0x1: {  	(tag) =	ssettag $0x0;
	lr =	simm.s32 $0x1  }
0x2: {  	[smem:$0x3F90] =	sst lr;
	_ =	strace $0xD0000000  }
0x3: {  	_ = 	snop  }
0x4: {  	_ = 	snop  }
0x5: {  	_ = 	snop  }
0x6: {  	_ = 	snop  }
0x7: {  	_ = 	snop  }
__scs_overlays_trampoline_lowered:
0x8: {  	[smem:$0x3F9F] =	sst s0  }
0x9: {  	[smem:$0x3FA0] =	sst s1  }
0xa: {  	[smem:$0x3FA1] =	sst s2  }
0xb: {  	[smem:$0x3FA2] =	sst s3  }
0xc: {  	[smem:$0x3FA3] =	sst s4  }
0xd: {  	[smem:$0x3FA4] =	sst s5  }
0xe: {  	[smem:$0x3FA5] =	sst s6  }
0xf: {  	[smem:$0x3FA6] =	sst s7  }
0x10: {  	[smem:$0x3FA7] =	sst s8  }
0x11: {  	[smem:$0x3FA8] =	sst s9;
	s0 =	simm.s32 @!p0 $0x0  }
0x12: {  	s1 =	sld [smem:$0x3F8E];
	s0 =	simm.s32 @p0 $0x1  }
0x13: {  	[smem:$0x3FA9] =	sst s0;
	s0 =	simm.s32 @!p1 $0x0  }
0x14: {  	s2 =	sld [smem:$0x3F8D];
	s0 =	simm.s32 @p1 $0x1  }
0x15: {  	[smem:$0x3FAA] =	sst s0;
	s0 =	simm.s32 @!p2 $0x0  }
0x16: {  	s3 =	sld [smem:$0x3FDB];
	s0 =	simm.s32 @p2 $0x1  }
0x17: {  	s4 =	simm.s32 $0x1BF5;
	[smem:$0x3FAC] =	sst s0  }
0x18: {  	s0 =	sld [smem:$0x3F8F];
	_ =	swait.ge [sflag:s4], $0x0  }
0x19: {  	s7 =	sld [smem:$0x3F90]  }
0x1a: {  	s8 =	sadd.s32 $0xFFFFE003, lr  }
0x1b: {  	s9 =	sadd.s32 $0xFFFFFEF7, lr;
	s5 =	simm.s32 $0xFFFFFFFF;
	p2 =	slt.u32 s8, $0xFFFFF086  }
0x1c: {  	p1 =	slt.u32 s9, $0xF7A;
	s5 =	simm.s32 @!p2 $0x0  }
0x1d: {  	s5 =	simm.s32 @p1 $0x1;
	p0 =	seq.s32 s7, s2  }
0x1e: {  	s7 =	smul.u32 @!p0 $0xF7A, s2;
	p2 =	seq.s32 @!p0 s5, $0x0  }
0x1f: {  	s9 =	smul.u32 $0xF7A, s1;
	s8 =	simm.s32 @!p0 $0x1BF5;
	p2 =	por !p2, p0  }
0x20: {  	[sflag:s8] =	ssyncset.s32 @!p0 $0xFFFFF086;
	s6 =	sadd.s32 @!p0 s3, s7;
	s7 =	simm.s32 @!p0 $0x108  }
0x21: {  	s3 =	sadd.s32 s3, s9;
	s6 =	sadd.s32 @!p0 $0x88, s6;
	s7 =	simm.s32 @p2 $0x1082  }
0x22: {  	[simem:s7], [sflag:s8] =	dma.local @!p0 [hbm:s6], $0xF7A  }
0x23: {  	s9 =	sor.u32 $0xD0000000, s2;
	s6 =	simm.s32 $0x108;
	_ =	swait.ge @!p0 [sflag:s8], $0x0  }
0x24: {  	s3 =	sadd.s32 $0x88, s3;
	s6 =	simm.s32 @!p1 $0x1082;
	[sflag:s4] =	ssyncset.s32 $0xFFFFF086  }
0x25: {  	[simem:s6], [sflag:s4] =	dma.local [hbm:s3], $0xF7A  }
0x26: {  	[smem:$0x3F90] =	sst s1;
	(tag) =	ssettag s2;
	_ =	strace s9  }
0x27: {  	s1 =	sld [smem:$0x3FA0]  }
0x28: {  	s2 =	sld [smem:$0x3FA1]  }
0x29: {  	s4 =	sld [smem:$0x3FA3]  }
0x2a: {  	p0 =	seq.s32 s5, $0x0;
	s5 =	sld [smem:$0x3FA4]  }
0x2b: {  	s6 =	sld [smem:$0x3FA5]  }
0x2c: {  	s7 =	sld [smem:$0x3FA6]  }
0x2d: {  	s3 =	simm.s32 $0x108;
	s8 =	sld [smem:$0x3FA7]  }
0x2e: {  	s3 =	simm.s32 @!p0 $0x1082;
	s9 =	sld [smem:$0x3FA8]  }
0x2f: {  	lr =	sadd.s32 s0, s3;
	s0 =	sld [smem:$0x3F9F]  }
0x30: {  	s3 =	sld [smem:$0x3FA2]  }
0x31: {  	[smem:$0x3FAB] =	sst s10  }
0x32: {  	s10 =	sld [smem:$0x3FA9];
	_ =	sdelay $0x3  }
0x33: {  	p0 =	seq.s32 s10, $0x1;
	s10 =	sld [smem:$0x3FAB];
	_ =	sdelay $0x3  }
0x34: {  	[smem:$0x3FAB] =	sst s10  }
0x35: {  	s10 =	sld [smem:$0x3FAA];
	_ =	sdelay $0x3  }
0x36: {  	p1 =	seq.s32 s10, $0x1;
	s10 =	sld [smem:$0x3FAB];
	_ =	sdelay $0x3  }
0x37: {  	[smem:$0x3FAB] =	sst s10  }
0x38: {  	s10 =	sld [smem:$0x3FAC]  }
0x39: {  	_ = 	snop;
	(pc) =	sbr.ind lr, $3  }
0x3a: {  	_ = 	snop  }
0x3b: {  	_ = 	snop  }
0x3c: {  	p2 =	seq.s32 s10, $0x1;
	s10 =	sld [smem:$0x3FAB]  }
0x3d: {  	_ =	shalt  }
0x3e: {  	_ =	shalt  }
0x3f: {  	_ =	shalt  }
0x40: {  	_ =	shalt  }
0x41: {  	_ =	shalt  }
0x42: {  	_ =	shalt  }
0x43: {  	_ =	shalt  }
0x44: {  	_ =	shalt  }
0x45: {  	_ =	shalt  }
0x46: {  	_ =	shalt  }
0x47: {  	_ =	shalt  }
0x48: {  	_ =	shalt  }
0x49: {  	_ =	shalt  }
0x4a: {  	_ =	shalt  }
0x4b: {  	_ =	shalt  }
0x4c: {  	_ =	shalt  }
0x4d: {  	_ =	shalt  }
0x4e: {  	_ =	shalt  }
0x4f: {  	_ =	shalt  }
0x50: {  	_ =	shalt  }
0x51: {  	_ =	shalt  }
0x52: {  	_ =	shalt  }
0x53: {  	_ =	shalt  }
0x54: {  	_ =	shalt  }
0x55: {  	_ =	shalt  }
0x56: {  	_ =	shalt  }
0x57: {  	_ =	shalt  }
0x58: {  	_ =	shalt  }
0x59: {  	_ =	shalt  }
0x5a: {  	_ =	shalt  }
0x5b: {  	_ =	shalt  }
0x5c: {  	_ =	shalt  }
0x5d: {  	_ =	shalt  }
0x5e: {  	_ =	shalt  }
0x5f: {  	_ =	shalt  }
0x60: {  	_ =	shalt  }
0x61: {  	_ =	shalt  }
0x62: {  	_ =	shalt  }
0x63: {  	_ =	shalt  }
0x64: {  	_ =	shalt  }
0x65: {  	_ =	shalt  }
0x66: {  	_ =	shalt  }
0x67: {  	_ =	shalt  }
0x68: {  	_ =	shalt  }
0x69: {  	_ =	shalt  }
0x6a: {  	_ =	shalt  }
0x6b: {  	_ =	shalt  }
0x6c: {  	_ =	shalt  }
0x6d: {  	_ =	shalt  }
0x6e: {  	_ =	shalt  }
0x6f: {  	_ =	shalt  }
0x70: {  	_ =	shalt  }
0x71: {  	_ =	shalt  }
0x72: {  	_ =	shalt  }
0x73: {  	_ =	shalt  }
0x74: {  	_ =	shalt  }
0x75: {  	_ =	shalt  }
0x76: {  	_ =	shalt  }
0x77: {  	_ =	shalt  }
0x78: {  	_ =	shalt  }
0x79: {  	_ =	shalt  }
0x7a: {  	_ =	shalt  }
0x7b: {  	_ =	shalt  }
0x7c: {  	_ =	shalt  }
0x7d: {  	_ =	shalt  }
0x7e: {  	_ =	shalt  }
0x7f: {  	_ =	shalt  }
0x80: {  	_ =	shalt  }
0x81: {  	_ =	shalt  }
0x82: {  	_ =	shalt  }
0x83: {  	_ =	shalt  }
0x84: {  	_ =	shalt  }
0x85: {  	_ =	shalt  }
0x86: {  	_ =	shalt  }
0x87: {  	_ =	shalt  }
.Lfunc_end0:
.L_simem_size_0:
called_computation.1_lowered:
.L_overlay_start_0:
0x88: {  	s2 =	sld [smem:$0x3FD9]  }
0x89: {  	s3 =	sld [smem:$0x3FFE];
	_ =	sdelay $0x1  }
0x8a: {  	s1 =	srdreg.scid  }
0x8b: {  	s0 =	sand.u32 $0x1, s1  }
0x8c: {  	s17 =	sshll.u32 s0, $0xA;
	s2 =	sadd.s32 s3, s2  }
0x8d: {  	s2 =	sadd.s32 s2, s17  }
0x8e: {  	[smem:$0x3FB7] =	sst s2  }
0x8f: {  	_ = 	snop  }
0x90: {  	(tm) =	ssettm $0x1  }
0x91: {  	s18 =	sld [smem:$0x3FFB];
	_ =	sdelay $0x3  }
0x92: {  	_ =	strace s18  }
0x93: {  	s2 =	sld [smem:$0x3FFC];
	_ =	sdelay $0x3  }
0x94: {  	_ =	strace s2  }
0x95: {  	s2 =	sld [smem:$0x3FFD];
	_ =	sdelay $0x3  }
0x96: {  	_ =	strace s2  }
0x97: {  	_ =	strace $0x8FFFFFFF  }
0x98: {  	s19 =	sld [smem:$0x3FDB];
	_ =	sdelay $0x1  }
0x99: {  	s20 =	simm.s32 $_scs_section_size  }
0x9a: {  	s4 =	simm.s32 $_size__tile_overlayer_lowered;
	s5 =	simm.s32 $_tile_overlayer_lowered  }
0x9b: {  	s6 =	simm.s32 $0x1BFF;
	s21 =	sshll.u32 s5, $0x1;
	s3 =	sadd.s32 s20, s19  }
0x9c: {  	s22 =	simm.s32 $0x0;
	s4 =	sshll.u32 s4, $0x1;
	s5 =	sadd.s32 s21, s3  }
0x9d: {  	[timem:s22], [sflag:s6] =	dma.local [hbm:s5], s4  }
0x9e: {  	_ =	swait.ge [sflag:s6], s4  }
0x9f: {  	s4 =	ssub.s32 $0x0, s4;
	[sflag:s6] =	ssyncset.done $0x0  }
0xa0: {  	[sflag:s6] =	ssyncadd.s32 s4;
	_ =	sdelay $0x1  }
0xa1: {  	s23 =	simm.s32 $0x1B8B  }
0xa2: {  	_ =	swait.ge [sflag:s23], $0x1  }
0xa3: {  	[sflag:s23] =	ssyncset.done $0x0  }
0xa4: {  	[sflag:s23] =	ssyncadd.s32 $0xFFFFFFFF  }
0xa5: {  	s4 =	sld [smem:$0x0]  }
0xa6: {  	s5 =	sand.u32 $0xFFFFFFFE, s1  }
0xa7: {  	p0 =	sne.s32 s1, s5  }
0xa8: {  	s5 =	sshll.u32 @p0 s5, $0xE  }
0xa9: {  	s5 =	sadd.s32 @p0 $0x11B8D, s5;
	s6 =	sshll.u32 @p0 s4, $0x11  }
0xaa: {  	s5 =	sor.u32 @p0 s6, s5  }
0xab: {  	[sflag:s5] =	ssyncadd.remote.s32 @p0 $0x1;
	_ =	sdelay $0x1  }
0xac: {  	s5 =	simm.s32 @p0 $0x1B8D  }
0xad: {  	_ =	swait.eq @p0 [sflag:s5], $0x1  }
0xae: {  	[sflag:s5] =	ssyncadd.s32 @p0 $0xFFFFFFFF  }
0xaf: {  	s6 =	sshll.u32 @!p0 s1, $0xE  }
0xb0: {  	s6 =	sor.u32 @!p0 $0x4000, s6;
	s5 =	simm.s32 @!p0 $0x1B8D  }
0xb1: {  	s4 =	sshll.u32 @!p0 s4, $0x11;
	s6 =	sadd.s32 @!p0 $0x11B8D, s6;
	_ =	swait.eq @!p0 [sflag:s5], $0x1  }
0xb2: {  	s4 =	sor.u32 @!p0 s4, s6;
	[sflag:s5] =	ssyncadd.s32 @!p0 $0xFFFFFFFF  }
0xb3: {  	s25 =	simm.s32 $0x1B8E;
	s24 =	sld [smem:$0x3FFE];
	[sflag:s4] =	ssyncadd.remote.s32 @!p0 $0x1  }
0xb4: {  	s26 =	simm.s32 $execute0_lowered;
	[smem:$0x3FD2] =	sst s25  }
0xb5: {  	s5 =	sshll.u32 s26, $0x1;
	_ =	strace $0x80000049;
	[dreg:$0x1] =	wrdreg $0xFFFFFFFF  }
0xb6: {  	s28 =	simm.s32 $_size_execute0_lowered;
	s3 =	sadd.s32 s3, s5;
	[dreg:$0x0] =	wrdreg $0x0  }
0xb7: {  	s5 =	sshll.u32 s28, $0x1;
	[dreg:$0x2] =	wrdreg s3  }
0xb8: {  	[dreg:$0x3] =	wrdreg s5  }
0xb9: {  	[dreg:$0x4] =	wrdreg $0xC0  }
0xba: {  	_ =	task [dreg:s22], $0x5FFFF  }
0xbb: {  	[dreg:$0x1] =	wrdreg $0xFFFFFFFF  }
0xbc: {  	[dreg:$0x0] =	wrdreg $0x60  }
0xbd: {  	[dreg:$0x2] =	wrdreg s24  }
0xbe: {  	[dreg:$0x3] =	wrdreg $0xA  }
0xbf: {  	_ =	task.clear_ibuf [dreg:s22], $0x4FFFF;
	_ =	strace $0x90000049  }
0xc0: {  	s29 =	simm.s32 $0xA;
	_ =	strace $0x8000004B  }
0xc1: {  	_ =	swait.ge [sflag:s29], $0x1  }
0xc2: {  	[sflag:s29] =	ssyncadd.s32 $0xFFFFFFFF  }
0xc3: {  	_ =	strace $0x9000004B  }
0xc4: {  	_ =	sfence  }
0xc5: {  	s30 =	sld [smem:$0x0];
	_ =	sdelay $0x2  }
0xc6: {  	s31 =	sshll.u32 s1, $0xD;
	s1 =	sshrl.u32 s1, $0x2  }
0xc7: {  	s4 =	sand.u32 $0x4000, s31;
	s1 =	sadd.s32 s1, s30  }
0xc8: {  	s0 =	sor.u32 s4, s0;
	s1 =	sshll.u32 s1, $0x11  }
0xc9: {  	s0 =	sor.u32 s1, s0  }
0xca: {  	s0 =	sadd.s32 $0x8F2B, s0  }
0xcb: {  	[sflag:s0] =	ssyncadd.remote.s32 $0x1  }
0xcc: {  	_ =	sfence.sel $0xFFFF  }
0xcd: {  	[dreg:$0x0] =	wrdreg $0xFFFFFFFF;
	(pc) =	sbr.abs _section_cstart, $3  }
0xce: {  	[dreg:$0x1] =	wrdreg $0xFFFFFFFF  }
0xcf: {  	_ =	task.clear_ibuf [dreg:s22], $0x2FFFF;
	_ =	strace $0x9FFFFFFF  }
0xd0: {  	(tm) =	ssettm $0x7FFFFFFF  }
0xd1: {  	_ =	shalt  }
tec
execute0_lowered:
.L_overlay_start_1:
0x0: {  	(tag) =	ssettag $0x1  }
0x1: {  	s7 =	rddreg [dreg:$0x0]  }
0x2: {  	s0 =	rddreg [dreg:$0x1];
	s2 =	simm.s32 $0x0  }
0x3: {  	s1 =	stileid.u32;
	s5 =	srdreg.scid;
	s13 =	simm.s32 $0x208  }
0x4: {  	s15 =	simm.s32 $0x2200;
	s16 =	simm.s32 $0x2280;
	[smem:$0x7FF] =	sst s2  }
0x5: {  	s6 =	smul.u32 $0x2780, s1;
	s3 =	sadd.s32 $0xA1800, s7;
	s4 =	sadd.s32 $0xE600, s7  }
0x6: {  	s8 =	sand.u32 $0x1, s5;
	s5 =	sadd.s32 $0x4800, s7;
	s14 =	smul.u32 $0x13C00, s1  }
0x7: {  	s10 =	sadd.s32 $0xC8A00, s7;
	p0 =	seq.s32 s1, $0xF;
	s30 =	smul.u32 $0x278, s1  }
0x8: {  	_ =	strace $0x8000004A;
	s9 =	ssub.s32 $0x2, s8;
	s12 =	smul.u32 $0x138800, s8  }
0x9: {  	s13 =	simm.s32 @!p0 $0x278;
	s8 =	smul.u32 $0x27100, s8;
	s6 =	sadd.s32 s6, s7  }
.Ltmp0:
0xa: {  	s11 =	sshrl.u32 s9, $0x1;
	s7 =	sadd.s32 $0x51480, s7;
	(pc) =	sbr.rel .LBB2_1-.Ltmp0, $4  }
0xb: {  	v1 =	vlaneseq.u32;
	v2 =	vmov s13;
	s13 =	simm.s32 $0x800;
	s11 =	ssub.s32 s9, s11;
	s14 =	sadd.s32 s14, s12  }
0xc: {  	v3 =	vimm.s32 $0x278;
	v4 =	vor.u32 $0x10, v1;
	v5 =	vor.u32 $0x20, v1;
	s6 =	sadd.s32 $0x2C400, s6;
	s12 =	sshrl.u32 s12, $0x3;
	s31 =	sshrl.u32 s14, $0x3  }
0xd: {  	v6 =	vor.u32 $0x30, v1;
	v7 =	vor.u32 $0x40, v1;
	v8 =	vor.u32 $0x50, v1;
	s12 =	sadd.s32 s10, s12;
	s11 =	smax.u32 s11, $0x1;
	s14 =	simm.s32 $0x80  }
0xe: {  	v9 =	vor.u32 $0x60, v1;
	v10 =	vor.u32 $0x70, v1;
	v0 =	vmov s30;
	s9 =	sadd.s32 s10, s31;
	s10 =	sadd.s32 $0x25080, s12;
	s12 =	simm.s32 $0x1  }
.LBB2_10:
0xf: {  	s17 =	simm.s32 @p0 $0x0;
	s18 =	simm.s32 @p0 $0x6280  }
0x10: {  	[hbm4b:s10+s17] =	stream.linear.scatter @p0 [tilespmem:s18], [sflag:$0x1], $0x10400, $0x38;
	[tilespmem:$0x1A280] =	vst v63  }
0x11: {  	s17 =	simm.s32 @p0 $0x1  }
0x12: {  	_ =	swait.ge @p0 [sflag:s17], $0x10400  }
0x13: {  	s2 =	sadd.s32 $0x1, s2;
	s18 =	simm.s32 @!p0 $0x6280;
	[sflag:s17] =	ssyncset.done @p0 $0x0  }
0x14: {  	p1 =	sne.s32 s2, s11;
	[sflag:s17] =	ssyncadd.s32 @p0 $0xFFFEFC00;
	s17 =	simm.s32 @!p0 $0x0  }
0x15: {  	[hbm4b:s9+s17] =	stream.linear.scatter @!p0 [tilespmem:s18], [sflag:$0x1], $0x13C00, $0x38;
	[tilespmem:$0x1A280] =	vst v63  }
.Ltmp1:
0x16: {  	_ = 	snop;
	(pc) =	sbr.rel @!p1 .LBB2_11-.Ltmp1, $4  }
0x17: {  	s17 =	simm.s32 @!p0 $0x1  }
0x18: {  	_ =	swait.ge @!p0 [sflag:s17], $0x13C00  }
0x19: {  	[sflag:s17] =	ssyncset.done @!p0 $0x0  }
0x1a: {  	[sflag:s17] =	ssyncadd.s32 @!p0 $0xFFFEC400  }
.LBB2_1:
0x1b: {  	s17 =	simm.s32 @p0 $0x0;
	s18 =	simm.s32 @p0 $0x6280  }
0x1c: {  	[tilespmem:s18], [sflag:$0x1] =	stream.linear.gather @p0 [hbm4b:s7+s17], $0x10400, $0x38;
	[tilespmem:$0x1A280] =	vst v63  }
0x1d: {  	s17 =	simm.s32 @p0 $0x1  }
0x1e: {  	_ =	swait.ge @p0 [sflag:s17], $0x10400  }
0x1f: {  	[sflag:s17] =	ssyncset.done @p0 $0x0  }
0x20: {  	s18 =	simm.s32 @!p0 $0x6280;
	[sflag:s17] =	ssyncadd.s32 @p0 $0xFFFEFC00;
	s17 =	simm.s32 @!p0 $0x0  }
0x21: {  	[tilespmem:s18], [sflag:$0x1] =	stream.linear.gather @!p0 [hbm4b:s6+s17], $0x13C00, $0x38;
	[tilespmem:$0x1A280] =	vst v63  }
.Ltmp2:
0x22: {  	_ = 	snop;
	(pc) =	sbr.rel .LBB2_2-.Ltmp2, $4  }
0x23: {  	s17 =	simm.s32 @!p0 $0x1  }
0x24: {  	_ =	swait.ge @!p0 [sflag:s17], $0x13C00  }
0x25: {  	[sflag:s17] =	ssyncset.done @!p0 $0x0  }
0x26: {  	[sflag:s17] =	ssyncadd.s32 @!p0 $0xFFFEC400;
	s17 =	simm.s32 $0x0  }
.LBB2_9:
0x27: {  	s17 =	sadd.s32 $0x1, s17  }
0x28: {  	p1 =	sne.s32 s17, $0x50  }
.Ltmp3:
0x29: {  	_ = 	snop;
	(pc) =	sbr.rel @!p1 .LBB2_10-.Ltmp3, $1  }
0x2a: {  	_ =	sdelay $0x3  }
.LBB2_2:
0x2b: {  	s18 =	smul.u32 $0x7D0, s17;
	_ =	sdelay $0x1  }
0x2c: {  	s18 =	sadd.s32 s8, s18  }
0x2d: {  	s19 =	sshrl.u32 s18, $0x3  }
0x2e: {  	s18 =	simm.s32 $0x0;
	s20 =	sadd.s32 s4, s19  }
0x2f: {  	[tilespmem:s18], [sflag:$0x1] =	stream.linear.gather [hbm4b:s20+s18], $0x7D0, $0x38;
	[tilespmem:$0x1A280] =	vst v63  }
0x30: {  	_ =	swait.ge [sflag:s12], $0x7D0  }
0x31: {  	[sflag:s12] =	ssyncset.done $0x0  }
0x32: {  	s19 =	sadd.s32 s5, s19;
	[sflag:s12] =	ssyncadd.s32 $0xFFFFF830  }
0x33: {  	[tilespmem:s13], [sflag:$0x1] =	stream.linear.gather [hbm4b:s19+s18], $0x7D0, $0x38;
	[tilespmem:$0x1A280] =	vst v63  }
0x34: {  	_ =	swait.ge [sflag:s12], $0x7D0  }
0x35: {  	[sflag:s12] =	ssyncset.done $0x0  }
0x36: {  	s31 =	simm.s32 $0x0;
	[sflag:s12] =	ssyncadd.s32 $0xFFFFF830  }
0x37: {  	v11 =	vld [tilespmem:s31+$0x800];
	_ =	sdelay $0x4  }
0x38: {  	v13 =	vsub.s32 v11, v0  }
0x39: {  	vm0 =	vge.s32 v11, v0;
	vm1 =	vlt.s32 v13, v2  }
0x3a: {  	vm0 =	vmand vm0, vm1  }
0x3b: {  	v11 =	vmpcnt.ones.xlane vm0  }
0x3c: {  	v12 =	vld [tilespmem:s31+$0x0]  }
0x3d: {  	(v2sf) =	vpush v11, $0x0;
	_ =	sdelay $0x3  }
0x3e: {  	[tilespmem:s18+$0x1000] =	vst.msk vm0, v12  }
0x3f: {  	s20 =	simm.s32 $0x10;
	s19 =	simm.s32 $0x80;
	[tilespmem:s18+$0x1900] =	vst.msk vm0, v13  }
.LBB2_3:
0x40: {  	p1 =	sne.s32 s19, $0x1F00;
	v11 =	vld [tilespmem:s20+$0x800];
	_ =	sdelay $0x4  }
0x41: {  	v12 =	vsub.s32 v11, v0  }
0x42: {  	vm0 =	vge.s32 v11, v0;
	vm1 =	vlt.s32 v12, v2;
	v11 =	vld [tilespmem:s20+$0x0]  }
0x43: {  	vm0 =	vmand vm0, vm1  }
0x44: {  	v13 =	vmpcnt.ones.xlane vm0  }
0x45: {  	s20 =	spop (v2sf)  }
0x46: {  	(v2sf) =	vpush v13, $0x0;
	s18 =	sadd.s32 s18, s20  }
.Ltmp4:
0x47: {  	[tilespmem:s18+$0x1000] =	vst.msk vm0, v11;
	(pc) =	sbr.rel @p1 .LBB2_3-.Ltmp4, $2  }
0x48: {  	[tilespmem:s18+$0x1900] =	vst.msk vm0, v12;
	_ =	sdelay $0x2  }
0x49: {  	s20 =	sshra.s32 s19, $0x2;
	s19 =	sadd.s32 $0x40, s19  }
0x4a: {  	v11 =	vld [tilespmem:s20+$0x800];
	_ =	sdelay $0x4  }
0x4b: {  	v12 =	vsub.s32 v11, v0  }
0x4c: {  	vm0 =	vge.s32 v11, v0;
	vm1 =	vlt.s32 v12, v2  }
0x4d: {  	vm0 =	vmand vm0, vm1  }
0x4e: {  	v11 =	vmpcnt.ones.xlane vm0;
	_ =	sdelay $0x1  }
0x4f: {  	(v2sf) =	vpush v11, $0x0;
	_ =	sdelay $0x9  }
0x50: {  	v11 =	vld [tilespmem:s20+$0x0];
	_ =	sdelay $0x2  }
0x51: {  	s19 =	spop (v2sf)  }
0x52: {  	s18 =	sadd.s32 s18, s19  }
0x53: {  	[tilespmem:s18+$0x1000] =	vst.msk vm0, v11;
	s31 =	spop (v2sf)  }
0x54: {  	[tilespmem:s18+$0x1900] =	vst.msk vm0, v12;
	s18 =	sadd.s32 s18, s31  }
0x55: {  	[tilespmem:s18+$0x1000] =	vst v1  }
0x56: {  	[tilespmem:s18+$0x1900] =	vst v3  }
0x57: {  	[tilespmem:s18+$0x1010] =	vst v4  }
0x58: {  	[tilespmem:s18+$0x1910] =	vst v3  }
0x59: {  	[tilespmem:s18+$0x1020] =	vst v5  }
0x5a: {  	[tilespmem:s18+$0x1920] =	vst v3  }
0x5b: {  	[tilespmem:s18+$0x1030] =	vst v6  }
0x5c: {  	[tilespmem:s18+$0x1930] =	vst v3  }
0x5d: {  	[tilespmem:s18+$0x1040] =	vst v7  }
0x5e: {  	[tilespmem:s18+$0x1940] =	vst v3  }
0x5f: {  	[tilespmem:s18+$0x1050] =	vst v8  }
.Ltmp5:
0x60: {  	[tilespmem:s18+$0x1950] =	vst v3;
	(pc) =	sbr.rel .LBB2_5-.Ltmp5, $4  }
0x61: {  	[tilespmem:s18+$0x1060] =	vst v9  }
0x62: {  	[tilespmem:s18+$0x1960] =	vst v3  }
0x63: {  	[tilespmem:s18+$0x1070] =	vst v10  }
0x64: {  	s19 =	simm.s32 $0x0;
	s20 =	simm.s32 $0x1900;
	[tilespmem:s18+$0x1970] =	vst v3  }
.LBB2_8:
0x65: {  	s19 =	sadd.s32 $0x1, s19  }
0x66: {  	p1 =	sne.s32 s19, $0xF  }
.Ltmp6:
0x67: {  	_ = 	snop;
	(pc) =	sbr.rel @!p1 .LBB2_9-.Ltmp6, $2  }
0x68: {  	_ =	sdelay $0x2  }
0x69: {  	s20 =	sadd.s32 $0x80, s20  }
.LBB2_5:
0x6a: {  	s21 =	sshll.u32 s19, $0x7  }
0x6b: {  	p1 =	sge.s32 s21, s18  }
.Ltmp7:
0x6c: {  	_ = 	snop;
	(pc) =	sbr.rel @p1 .LBB2_8-.Ltmp7, $1  }
0x6d: {  	_ =	sdelay $0x3  }
0x6e: {  	s21 =	sand.u32 $0x3FFFFF80, s21  }
0x6f: {  	v11 =	vld [tilespmem:s21+$0x1000];
	_ =	sdelay $0x4  }
0x70: {  	[tilespmem:$0x2200] =	vst v11  }
0x71: {  	v11 =	vld [tilespmem:s21+$0x1010];
	_ =	sdelay $0x4  }
0x72: {  	[tilespmem:$0x2210] =	vst v11  }
0x73: {  	v11 =	vld [tilespmem:s21+$0x1020];
	_ =	sdelay $0x4  }
0x74: {  	[tilespmem:$0x2220] =	vst v11  }
0x75: {  	v11 =	vld [tilespmem:s21+$0x1030];
	_ =	sdelay $0x4  }
0x76: {  	[tilespmem:$0x2230] =	vst v11  }
0x77: {  	v11 =	vld [tilespmem:s21+$0x1040];
	_ =	sdelay $0x4  }
0x78: {  	[tilespmem:$0x2240] =	vst v11  }
0x79: {  	v11 =	vld [tilespmem:s21+$0x1050];
	_ =	sdelay $0x4  }
0x7a: {  	[tilespmem:$0x2250] =	vst v11  }
0x7b: {  	v11 =	vld [tilespmem:s21+$0x1060];
	_ =	sdelay $0x4  }
0x7c: {  	[tilespmem:$0x2260] =	vst v11  }
0x7d: {  	v11 =	vld [tilespmem:s21+$0x1070];
	_ =	sdelay $0x4  }
0x7e: {  	[tilespmem:$0x2270] =	vst v11  }
0x7f: {  	v11 =	vmov s20;
	[tilespmem:s16], [sflag:$0x1] =	stream.indirect.gather [hbm4b:s3+s14], $0x80, s15, s14, $0xb8;
	[tilespmem:$0x1A280] =	vst v63  }
0x80: {  	_ =	swait.ge [sflag:s12], $0x4000  }
0x81: {  	[sflag:s12] =	ssyncset.done $0x0  }
0x82: {  	s22 =	simm.s32 $0x2680;
	s21 =	simm.s32 $0x0;
	[sflag:s12] =	ssyncadd.s32 $0xFFFFC000  }
.LBB2_7:
0x83: {  	s23 =	sshra.s32 s21, $0x2  }
0x84: {  	v12 =	vld.idx.msk [tilespmem:v11+s23+$0x0 ss:$0x1], $0xffff;
	_ =	sdelay $0x4  }
0x85: {  	v12 =	vshll.u32 v12, $0x9  }
0x86: {  	v12 =	vshra.s32 v12, $0x2  }
0x87: {  	(v2sf) =	vpush v12, $0x0;
	_ =	sdelay $0xe  }
0x88: {  	v14 =	vld [tilespmem:s22+$0xFFFFFC00];
	s30 =	spop (v2sf)  }
0x89: {  	v13 =	vld [tilespmem:s30+$0x6280];
	_ =	sdelay $0x4  }
0x8a: {  	v13 =	vmax.f32 v13, v14  }
0x8b: {  	v18 =	vld [tilespmem:s30+$0x6290];
	[tilespmem:s30+$0x6280] =	vst v13  }
0x8c: {  	v19 =	vld [tilespmem:s22+$0xFFFFFC10];
	_ =	sdelay $0x4  }
0x8d: {  	v13 =	vmax.f32 v18, v19  }
0x8e: {  	v20 =	vld [tilespmem:s30+$0x62A0];
	[tilespmem:s30+$0x6290] =	vst v13  }
0x8f: {  	v21 =	vld [tilespmem:s22+$0xFFFFFC20];
	_ =	sdelay $0x4  }
0x90: {  	v13 =	vmax.f32 v20, v21  }
0x91: {  	v22 =	vld [tilespmem:s30+$0x62B0];
	[tilespmem:s30+$0x62A0] =	vst v13  }
0x92: {  	v23 =	vld [tilespmem:s22+$0xFFFFFC30];
	_ =	sdelay $0x4  }
0x93: {  	v13 =	vmax.f32 v22, v23  }
0x94: {  	v24 =	vld [tilespmem:s30+$0x62C0];
	[tilespmem:s30+$0x62B0] =	vst v13  }
0x95: {  	v25 =	vld [tilespmem:s22+$0xFFFFFC40];
	_ =	sdelay $0x4  }
0x96: {  	v13 =	vmax.f32 v24, v25  }
0x97: {  	v26 =	vld [tilespmem:s30+$0x62D0];
	[tilespmem:s30+$0x62C0] =	vst v13  }
0x98: {  	v27 =	vld [tilespmem:s22+$0xFFFFFC50];
	_ =	sdelay $0x4  }
0x99: {  	(v2sf) =	vpush v12, $0x1;
	v13 =	vmax.f32 v26, v27  }
0x9a: {  	v28 =	vld [tilespmem:s30+$0x62E0];
	[tilespmem:s30+$0x62D0] =	vst v13  }
0x9b: {  	v29 =	vld [tilespmem:s22+$0xFFFFFC60];
	_ =	sdelay $0x4  }
0x9c: {  	v13 =	vmax.f32 v28, v29  }
0x9d: {  	v30 =	vld [tilespmem:s30+$0x62F0];
	[tilespmem:s30+$0x62E0] =	vst v13  }
0x9e: {  	v31 =	vld [tilespmem:s22+$0xFFFFFC70];
	_ =	sdelay $0x4  }
0x9f: {  	v13 =	vmax.f32 v30, v31  }
0xa0: {  	s31 =	spop (v2sf);
	[tilespmem:s30+$0x62F0] =	vst v13  }
0xa1: {  	v13 =	vld [tilespmem:s31+$0x6280]  }
0xa2: {  	v32 =	vld [tilespmem:s22+$0xFFFFFC80];
	_ =	sdelay $0x4  }
0xa3: {  	v13 =	vmax.f32 v13, v32  }
0xa4: {  	v33 =	vld [tilespmem:s31+$0x6290];
	[tilespmem:s31+$0x6280] =	vst v13  }
0xa5: {  	v34 =	vld [tilespmem:s22+$0xFFFFFC90];
	_ =	sdelay $0x4  }
0xa6: {  	v13 =	vmax.f32 v33, v34  }
0xa7: {  	v35 =	vld [tilespmem:s31+$0x62A0];
	[tilespmem:s31+$0x6290] =	vst v13  }
0xa8: {  	v36 =	vld [tilespmem:s22+$0xFFFFFCA0];
	_ =	sdelay $0x4  }
0xa9: {  	v13 =	vmax.f32 v35, v36  }
0xaa: {  	v37 =	vld [tilespmem:s31+$0x62B0];
	[tilespmem:s31+$0x62A0] =	vst v13  }
0xab: {  	v38 =	vld [tilespmem:s22+$0xFFFFFCB0];
	_ =	sdelay $0x4  }
0xac: {  	v13 =	vmax.f32 v37, v38  }
0xad: {  	v39 =	vld [tilespmem:s31+$0x62C0];
	[tilespmem:s31+$0x62B0] =	vst v13  }
0xae: {  	v40 =	vld [tilespmem:s22+$0xFFFFFCC0];
	_ =	sdelay $0x4  }
0xaf: {  	v13 =	vmax.f32 v39, v40  }
0xb0: {  	v41 =	vld [tilespmem:s31+$0x62D0];
	[tilespmem:s31+$0x62C0] =	vst v13  }
0xb1: {  	v42 =	vld [tilespmem:s22+$0xFFFFFCD0];
	_ =	sdelay $0x4  }
0xb2: {  	(v2sf) =	vpush v12, $0x2;
	v13 =	vmax.f32 v41, v42  }
0xb3: {  	v43 =	vld [tilespmem:s31+$0x62E0];
	[tilespmem:s31+$0x62D0] =	vst v13  }
0xb4: {  	v44 =	vld [tilespmem:s22+$0xFFFFFCE0];
	_ =	sdelay $0x4  }
0xb5: {  	v13 =	vmax.f32 v43, v44  }
0xb6: {  	v45 =	vld [tilespmem:s31+$0x62F0];
	[tilespmem:s31+$0x62E0] =	vst v13  }
0xb7: {  	v46 =	vld [tilespmem:s22+$0xFFFFFCF0];
	_ =	sdelay $0x4  }
0xb8: {  	v13 =	vmax.f32 v45, v46  }
0xb9: {  	s24 =	spop (v2sf);
	[tilespmem:s31+$0x62F0] =	vst v13  }
0xba: {  	v13 =	vld [tilespmem:s24+$0x6280]  }
0xbb: {  	v47 =	vld [tilespmem:s22+$0xFFFFFD00];
	_ =	sdelay $0x4  }
0xbc: {  	v13 =	vmax.f32 v13, v47  }
0xbd: {  	v48 =	vld [tilespmem:s24+$0x6290];
	[tilespmem:s24+$0x6280] =	vst v13  }
0xbe: {  	v49 =	vld [tilespmem:s22+$0xFFFFFD10];
	_ =	sdelay $0x4  }
0xbf: {  	v13 =	vmax.f32 v48, v49  }
0xc0: {  	v50 =	vld [tilespmem:s24+$0x62A0];
	[tilespmem:s24+$0x6290] =	vst v13  }
0xc1: {  	v51 =	vld [tilespmem:s22+$0xFFFFFD20];
	_ =	sdelay $0x4  }
0xc2: {  	v13 =	vmax.f32 v50, v51  }
0xc3: {  	v52 =	vld [tilespmem:s24+$0x62B0];
	[tilespmem:s24+$0x62A0] =	vst v13  }
0xc4: {  	v53 =	vld [tilespmem:s22+$0xFFFFFD30];
	_ =	sdelay $0x4  }
0xc5: {  	v13 =	vmax.f32 v52, v53  }
0xc6: {  	v54 =	vld [tilespmem:s24+$0x62C0];
	[tilespmem:s24+$0x62B0] =	vst v13  }
0xc7: {  	v55 =	vld [tilespmem:s22+$0xFFFFFD40];
	_ =	sdelay $0x4  }
0xc8: {  	v13 =	vmax.f32 v54, v55  }
0xc9: {  	v56 =	vld [tilespmem:s24+$0x62D0];
	[tilespmem:s24+$0x62C0] =	vst v13  }
0xca: {  	v57 =	vld [tilespmem:s22+$0xFFFFFD50];
	_ =	sdelay $0x4  }
0xcb: {  	(v2sf) =	vpush v12, $0x3;
	v13 =	vmax.f32 v56, v57  }
0xcc: {  	v58 =	vld [tilespmem:s24+$0x62E0];
	[tilespmem:s24+$0x62D0] =	vst v13  }
0xcd: {  	v59 =	vld [tilespmem:s22+$0xFFFFFD60];
	_ =	sdelay $0x4  }
0xce: {  	v13 =	vmax.f32 v58, v59  }
0xcf: {  	v60 =	vld [tilespmem:s24+$0x62F0];
	[tilespmem:s24+$0x62E0] =	vst v13  }
0xd0: {  	v61 =	vld [tilespmem:s22+$0xFFFFFD70];
	_ =	sdelay $0x4  }
0xd1: {  	v13 =	vmax.f32 v60, v61  }
0xd2: {  	s25 =	spop (v2sf);
	[tilespmem:s24+$0x62F0] =	vst v13  }
0xd3: {  	v13 =	vld [tilespmem:s25+$0x6280]  }
0xd4: {  	v62 =	vld [tilespmem:s22+$0xFFFFFD80];
	_ =	sdelay $0x4  }
0xd5: {  	v13 =	vmax.f32 v13, v62  }
0xd6: {  	v63 =	vld [tilespmem:s25+$0x6290];
	[tilespmem:s25+$0x6280] =	vst v13  }
0xd7: {  	v16 =	vld [tilespmem:s22+$0xFFFFFD90];
	_ =	sdelay $0x4  }
0xd8: {  	v13 =	vmax.f32 v63, v16  }
0xd9: {  	v17 =	vld [tilespmem:s25+$0x62A0];
	[tilespmem:s25+$0x6290] =	vst v13  }
0xda: {  	v18 =	vld [tilespmem:s22+$0xFFFFFDA0];
	_ =	sdelay $0x4  }
0xdb: {  	v13 =	vmax.f32 v17, v18  }
0xdc: {  	v19 =	vld [tilespmem:s25+$0x62B0];
	[tilespmem:s25+$0x62A0] =	vst v13  }
0xdd: {  	v20 =	vld [tilespmem:s22+$0xFFFFFDB0];
	_ =	sdelay $0x4  }
0xde: {  	v13 =	vmax.f32 v19, v20  }
0xdf: {  	v21 =	vld [tilespmem:s25+$0x62C0];
	[tilespmem:s25+$0x62B0] =	vst v13  }
0xe0: {  	v22 =	vld [tilespmem:s22+$0xFFFFFDC0];
	_ =	sdelay $0x4  }
0xe1: {  	v13 =	vmax.f32 v21, v22  }
0xe2: {  	v23 =	vld [tilespmem:s25+$0x62D0];
	[tilespmem:s25+$0x62C0] =	vst v13  }
0xe3: {  	v24 =	vld [tilespmem:s22+$0xFFFFFDD0];
	_ =	sdelay $0x4  }
0xe4: {  	(v2sf) =	vpush v12, $0x4;
	v13 =	vmax.f32 v23, v24  }
0xe5: {  	v25 =	vld [tilespmem:s25+$0x62E0];
	[tilespmem:s25+$0x62D0] =	vst v13  }
0xe6: {  	v26 =	vld [tilespmem:s22+$0xFFFFFDE0];
	_ =	sdelay $0x4  }
0xe7: {  	v13 =	vmax.f32 v25, v26  }
0xe8: {  	v27 =	vld [tilespmem:s25+$0x62F0];
	[tilespmem:s25+$0x62E0] =	vst v13  }
0xe9: {  	v28 =	vld [tilespmem:s22+$0xFFFFFDF0];
	_ =	sdelay $0x4  }
0xea: {  	v13 =	vmax.f32 v27, v28  }
0xeb: {  	s26 =	spop (v2sf);
	[tilespmem:s25+$0x62F0] =	vst v13  }
0xec: {  	v13 =	vld [tilespmem:s26+$0x6280]  }
0xed: {  	v29 =	vld [tilespmem:s22+$0xFFFFFE00];
	_ =	sdelay $0x4  }
0xee: {  	v13 =	vmax.f32 v13, v29  }
0xef: {  	v30 =	vld [tilespmem:s26+$0x6290];
	[tilespmem:s26+$0x6280] =	vst v13  }
0xf0: {  	v31 =	vld [tilespmem:s22+$0xFFFFFE10];
	_ =	sdelay $0x4  }
0xf1: {  	v13 =	vmax.f32 v30, v31  }
0xf2: {  	v32 =	vld [tilespmem:s26+$0x62A0];
	[tilespmem:s26+$0x6290] =	vst v13  }
0xf3: {  	v33 =	vld [tilespmem:s22+$0xFFFFFE20];
	_ =	sdelay $0x4  }
0xf4: {  	v13 =	vmax.f32 v32, v33  }
0xf5: {  	v34 =	vld [tilespmem:s26+$0x62B0];
	[tilespmem:s26+$0x62A0] =	vst v13  }
0xf6: {  	v35 =	vld [tilespmem:s22+$0xFFFFFE30];
	_ =	sdelay $0x4  }
0xf7: {  	v13 =	vmax.f32 v34, v35  }
0xf8: {  	v36 =	vld [tilespmem:s26+$0x62C0];
	[tilespmem:s26+$0x62B0] =	vst v13  }
0xf9: {  	v37 =	vld [tilespmem:s22+$0xFFFFFE40];
	_ =	sdelay $0x4  }
0xfa: {  	v13 =	vmax.f32 v36, v37  }
0xfb: {  	v38 =	vld [tilespmem:s26+$0x62D0];
	[tilespmem:s26+$0x62C0] =	vst v13  }
0xfc: {  	v39 =	vld [tilespmem:s22+$0xFFFFFE50];
	_ =	sdelay $0x4  }
0xfd: {  	(v2sf) =	vpush v12, $0x5;
	v13 =	vmax.f32 v38, v39  }
0xfe: {  	v40 =	vld [tilespmem:s26+$0x62E0];
	[tilespmem:s26+$0x62D0] =	vst v13  }
0xff: {  	v41 =	vld [tilespmem:s22+$0xFFFFFE60];
	_ =	sdelay $0x4  }
0x100: {  	v13 =	vmax.f32 v40, v41  }
0x101: {  	v42 =	vld [tilespmem:s26+$0x62F0];
	[tilespmem:s26+$0x62E0] =	vst v13  }
0x102: {  	v43 =	vld [tilespmem:s22+$0xFFFFFE70];
	_ =	sdelay $0x4  }
0x103: {  	v13 =	vmax.f32 v42, v43  }
0x104: {  	s28 =	spop (v2sf);
	[tilespmem:s26+$0x62F0] =	vst v13  }
0x105: {  	v13 =	vld [tilespmem:s28+$0x6280]  }
0x106: {  	v44 =	vld [tilespmem:s22+$0xFFFFFE80];
	_ =	sdelay $0x4  }
0x107: {  	v13 =	vmax.f32 v13, v44  }
0x108: {  	v45 =	vld [tilespmem:s28+$0x6290];
	[tilespmem:s28+$0x6280] =	vst v13  }
0x109: {  	v46 =	vld [tilespmem:s22+$0xFFFFFE90];
	_ =	sdelay $0x4  }
0x10a: {  	v13 =	vmax.f32 v45, v46  }
0x10b: {  	v47 =	vld [tilespmem:s28+$0x62A0];
	[tilespmem:s28+$0x6290] =	vst v13  }
0x10c: {  	v48 =	vld [tilespmem:s22+$0xFFFFFEA0];
	_ =	sdelay $0x4  }
0x10d: {  	v13 =	vmax.f32 v47, v48  }
0x10e: {  	v49 =	vld [tilespmem:s28+$0x62B0];
	[tilespmem:s28+$0x62A0] =	vst v13  }
0x10f: {  	v50 =	vld [tilespmem:s22+$0xFFFFFEB0];
	_ =	sdelay $0x4  }
0x110: {  	v13 =	vmax.f32 v49, v50  }
0x111: {  	v51 =	vld [tilespmem:s28+$0x62C0];
	[tilespmem:s28+$0x62B0] =	vst v13  }
0x112: {  	v52 =	vld [tilespmem:s22+$0xFFFFFEC0];
	_ =	sdelay $0x4  }
0x113: {  	v13 =	vmax.f32 v51, v52  }
0x114: {  	v53 =	vld [tilespmem:s28+$0x62D0];
	[tilespmem:s28+$0x62C0] =	vst v13  }
0x115: {  	v54 =	vld [tilespmem:s22+$0xFFFFFED0];
	_ =	sdelay $0x4  }
0x116: {  	(v2sf) =	vpush v12, $0x6;
	v13 =	vmax.f32 v53, v54  }
0x117: {  	v55 =	vld [tilespmem:s28+$0x62E0];
	[tilespmem:s28+$0x62D0] =	vst v13  }
0x118: {  	v56 =	vld [tilespmem:s22+$0xFFFFFEE0];
	_ =	sdelay $0x4  }
0x119: {  	v13 =	vmax.f32 v55, v56  }
0x11a: {  	v57 =	vld [tilespmem:s28+$0x62F0];
	[tilespmem:s28+$0x62E0] =	vst v13  }
0x11b: {  	v58 =	vld [tilespmem:s22+$0xFFFFFEF0];
	_ =	sdelay $0x4  }
0x11c: {  	v13 =	vmax.f32 v57, v58  }
0x11d: {  	s29 =	spop (v2sf);
	[tilespmem:s28+$0x62F0] =	vst v13  }
0x11e: {  	v13 =	vld [tilespmem:s29+$0x6280]  }
0x11f: {  	v59 =	vld [tilespmem:s22+$0xFFFFFF00];
	_ =	sdelay $0x4  }
0x120: {  	v13 =	vmax.f32 v13, v59  }
0x121: {  	v60 =	vld [tilespmem:s29+$0x6290];
	[tilespmem:s29+$0x6280] =	vst v13  }
0x122: {  	v61 =	vld [tilespmem:s22+$0xFFFFFF10];
	_ =	sdelay $0x4  }
0x123: {  	v13 =	vmax.f32 v60, v61  }
0x124: {  	v62 =	vld [tilespmem:s29+$0x62A0];
	[tilespmem:s29+$0x6290] =	vst v13  }
0x125: {  	v63 =	vld [tilespmem:s22+$0xFFFFFF20];
	_ =	sdelay $0x4  }
0x126: {  	v13 =	vmax.f32 v62, v63  }
0x127: {  	v16 =	vld [tilespmem:s29+$0x62B0];
	[tilespmem:s29+$0x62A0] =	vst v13  }
0x128: {  	v17 =	vld [tilespmem:s22+$0xFFFFFF30];
	_ =	sdelay $0x4  }
0x129: {  	v13 =	vmax.f32 v16, v17  }
0x12a: {  	v18 =	vld [tilespmem:s29+$0x62C0];
	[tilespmem:s29+$0x62B0] =	vst v13  }
0x12b: {  	v19 =	vld [tilespmem:s22+$0xFFFFFF40];
	_ =	sdelay $0x4  }
0x12c: {  	v13 =	vmax.f32 v18, v19  }
0x12d: {  	v20 =	vld [tilespmem:s29+$0x62D0];
	[tilespmem:s29+$0x62C0] =	vst v13  }
0x12e: {  	v21 =	vld [tilespmem:s22+$0xFFFFFF50];
	_ =	sdelay $0x4  }
0x12f: {  	(v2sf) =	vpush v12, $0x7;
	v13 =	vmax.f32 v20, v21  }
0x130: {  	v22 =	vld [tilespmem:s29+$0x62E0];
	[tilespmem:s29+$0x62D0] =	vst v13  }
0x131: {  	v23 =	vld [tilespmem:s22+$0xFFFFFF60];
	_ =	sdelay $0x4  }
0x132: {  	v13 =	vmax.f32 v22, v23  }
0x133: {  	v24 =	vld [tilespmem:s29+$0x62F0];
	[tilespmem:s29+$0x62E0] =	vst v13  }
0x134: {  	v25 =	vld [tilespmem:s22+$0xFFFFFF70];
	_ =	sdelay $0x4  }
0x135: {  	v13 =	vmax.f32 v24, v25  }
0x136: {  	s30 =	spop (v2sf);
	[tilespmem:s29+$0x62F0] =	vst v13  }
0x137: {  	v13 =	vld [tilespmem:s30+$0x6280]  }
0x138: {  	v26 =	vld [tilespmem:s22+$0xFFFFFF80];
	_ =	sdelay $0x4  }
0x139: {  	v13 =	vmax.f32 v13, v26  }
0x13a: {  	v27 =	vld [tilespmem:s30+$0x6290];
	[tilespmem:s30+$0x6280] =	vst v13  }
0x13b: {  	v28 =	vld [tilespmem:s22+$0xFFFFFF90];
	_ =	sdelay $0x4  }
0x13c: {  	v13 =	vmax.f32 v27, v28  }
0x13d: {  	v29 =	vld [tilespmem:s30+$0x62A0];
	[tilespmem:s30+$0x6290] =	vst v13  }
0x13e: {  	v30 =	vld [tilespmem:s22+$0xFFFFFFA0];
	_ =	sdelay $0x4  }
0x13f: {  	v13 =	vmax.f32 v29, v30  }
0x140: {  	v31 =	vld [tilespmem:s30+$0x62B0];
	[tilespmem:s30+$0x62A0] =	vst v13  }
0x141: {  	v32 =	vld [tilespmem:s22+$0xFFFFFFB0];
	_ =	sdelay $0x4  }
0x142: {  	v13 =	vmax.f32 v31, v32  }
0x143: {  	v33 =	vld [tilespmem:s30+$0x62C0];
	[tilespmem:s30+$0x62B0] =	vst v13  }
0x144: {  	v34 =	vld [tilespmem:s22+$0xFFFFFFC0];
	_ =	sdelay $0x4  }
0x145: {  	v13 =	vmax.f32 v33, v34  }
0x146: {  	v35 =	vld [tilespmem:s30+$0x62D0];
	[tilespmem:s30+$0x62C0] =	vst v13  }
0x147: {  	v36 =	vld [tilespmem:s22+$0xFFFFFFD0];
	_ =	sdelay $0x4  }
0x148: {  	(v2sf) =	vpush v12, $0x8;
	v13 =	vmax.f32 v35, v36  }
0x149: {  	v37 =	vld [tilespmem:s30+$0x62E0];
	[tilespmem:s30+$0x62D0] =	vst v13  }
0x14a: {  	v38 =	vld [tilespmem:s22+$0xFFFFFFE0];
	_ =	sdelay $0x4  }
0x14b: {  	v13 =	vmax.f32 v37, v38  }
0x14c: {  	v39 =	vld [tilespmem:s30+$0x62F0];
	[tilespmem:s30+$0x62E0] =	vst v13  }
0x14d: {  	v40 =	vld [tilespmem:s22+$0xFFFFFFF0];
	_ =	sdelay $0x4  }
0x14e: {  	v13 =	vmax.f32 v39, v40  }
0x14f: {  	s31 =	spop (v2sf);
	[tilespmem:s30+$0x62F0] =	vst v13  }
0x150: {  	v13 =	vld [tilespmem:s31+$0x6280]  }
0x151: {  	v41 =	vld [tilespmem:s22+$0x0];
	_ =	sdelay $0x4  }
0x152: {  	v13 =	vmax.f32 v13, v41  }
0x153: {  	v42 =	vld [tilespmem:s31+$0x6290];
	[tilespmem:s31+$0x6280] =	vst v13  }
0x154: {  	v43 =	vld [tilespmem:s22+$0x10];
	_ =	sdelay $0x4  }
0x155: {  	v13 =	vmax.f32 v42, v43  }
0x156: {  	v44 =	vld [tilespmem:s31+$0x62A0];
	[tilespmem:s31+$0x6290] =	vst v13  }
0x157: {  	v45 =	vld [tilespmem:s22+$0x20];
	_ =	sdelay $0x4  }
0x158: {  	v13 =	vmax.f32 v44, v45  }
0x159: {  	v46 =	vld [tilespmem:s31+$0x62B0];
	[tilespmem:s31+$0x62A0] =	vst v13  }
0x15a: {  	v47 =	vld [tilespmem:s22+$0x30];
	_ =	sdelay $0x4  }
0x15b: {  	v13 =	vmax.f32 v46, v47  }
0x15c: {  	v48 =	vld [tilespmem:s31+$0x62C0];
	[tilespmem:s31+$0x62B0] =	vst v13  }
0x15d: {  	v49 =	vld [tilespmem:s22+$0x40];
	_ =	sdelay $0x4  }
0x15e: {  	v13 =	vmax.f32 v48, v49  }
0x15f: {  	v50 =	vld [tilespmem:s31+$0x62D0];
	[tilespmem:s31+$0x62C0] =	vst v13  }
0x160: {  	v51 =	vld [tilespmem:s22+$0x50];
	_ =	sdelay $0x4  }
0x161: {  	(v2sf) =	vpush v12, $0x9;
	v13 =	vmax.f32 v50, v51  }
0x162: {  	v52 =	vld [tilespmem:s31+$0x62E0];
	[tilespmem:s31+$0x62D0] =	vst v13  }
0x163: {  	v53 =	vld [tilespmem:s22+$0x60];
	_ =	sdelay $0x4  }
0x164: {  	v13 =	vmax.f32 v52, v53  }
0x165: {  	v54 =	vld [tilespmem:s31+$0x62F0];
	[tilespmem:s31+$0x62E0] =	vst v13  }
0x166: {  	v55 =	vld [tilespmem:s22+$0x70];
	_ =	sdelay $0x4  }
0x167: {  	v13 =	vmax.f32 v54, v55  }
0x168: {  	s24 =	spop (v2sf);
	[tilespmem:s31+$0x62F0] =	vst v13  }
0x169: {  	v13 =	vld [tilespmem:s24+$0x6280]  }
0x16a: {  	v56 =	vld [tilespmem:s22+$0x80];
	_ =	sdelay $0x4  }
0x16b: {  	v13 =	vmax.f32 v13, v56  }
0x16c: {  	v57 =	vld [tilespmem:s24+$0x6290];
	[tilespmem:s24+$0x6280] =	vst v13  }
0x16d: {  	v58 =	vld [tilespmem:s22+$0x90];
	_ =	sdelay $0x4  }
0x16e: {  	v13 =	vmax.f32 v57, v58  }
0x16f: {  	v59 =	vld [tilespmem:s24+$0x62A0];
	[tilespmem:s24+$0x6290] =	vst v13  }
0x170: {  	v60 =	vld [tilespmem:s22+$0xA0];
	_ =	sdelay $0x4  }
0x171: {  	v13 =	vmax.f32 v59, v60  }
0x172: {  	v61 =	vld [tilespmem:s24+$0x62B0];
	[tilespmem:s24+$0x62A0] =	vst v13  }
0x173: {  	v62 =	vld [tilespmem:s22+$0xB0];
	_ =	sdelay $0x4  }
0x174: {  	v13 =	vmax.f32 v61, v62  }
0x175: {  	v63 =	vld [tilespmem:s24+$0x62C0];
	[tilespmem:s24+$0x62B0] =	vst v13  }
0x176: {  	v16 =	vld [tilespmem:s22+$0xC0];
	_ =	sdelay $0x4  }
0x177: {  	v13 =	vmax.f32 v63, v16  }
0x178: {  	v17 =	vld [tilespmem:s24+$0x62D0];
	[tilespmem:s24+$0x62C0] =	vst v13  }
0x179: {  	v18 =	vld [tilespmem:s22+$0xD0];
	_ =	sdelay $0x4  }
0x17a: {  	(v2sf) =	vpush v12, $0xA;
	v13 =	vmax.f32 v17, v18  }
0x17b: {  	v19 =	vld [tilespmem:s24+$0x62E0];
	[tilespmem:s24+$0x62D0] =	vst v13  }
0x17c: {  	v20 =	vld [tilespmem:s22+$0xE0];
	_ =	sdelay $0x4  }
0x17d: {  	v13 =	vmax.f32 v19, v20  }
0x17e: {  	v21 =	vld [tilespmem:s24+$0x62F0];
	[tilespmem:s24+$0x62E0] =	vst v13  }
0x17f: {  	v22 =	vld [tilespmem:s22+$0xF0];
	_ =	sdelay $0x4  }
0x180: {  	v13 =	vmax.f32 v21, v22  }
0x181: {  	s25 =	spop (v2sf);
	[tilespmem:s24+$0x62F0] =	vst v13  }
0x182: {  	v13 =	vld [tilespmem:s25+$0x6280]  }
0x183: {  	v23 =	vld [tilespmem:s22+$0x100];
	_ =	sdelay $0x4  }
0x184: {  	v13 =	vmax.f32 v13, v23  }
0x185: {  	v24 =	vld [tilespmem:s25+$0x6290];
	[tilespmem:s25+$0x6280] =	vst v13  }
0x186: {  	v25 =	vld [tilespmem:s22+$0x110];
	_ =	sdelay $0x4  }
0x187: {  	v13 =	vmax.f32 v24, v25  }
0x188: {  	v26 =	vld [tilespmem:s25+$0x62A0];
	[tilespmem:s25+$0x6290] =	vst v13  }
0x189: {  	v27 =	vld [tilespmem:s22+$0x120];
	_ =	sdelay $0x4  }
0x18a: {  	v13 =	vmax.f32 v26, v27  }
0x18b: {  	v28 =	vld [tilespmem:s25+$0x62B0];
	[tilespmem:s25+$0x62A0] =	vst v13  }
0x18c: {  	v29 =	vld [tilespmem:s22+$0x130];
	_ =	sdelay $0x4  }
0x18d: {  	v13 =	vmax.f32 v28, v29  }
0x18e: {  	v30 =	vld [tilespmem:s25+$0x62C0];
	[tilespmem:s25+$0x62B0] =	vst v13  }
0x18f: {  	v31 =	vld [tilespmem:s22+$0x140];
	_ =	sdelay $0x4  }
0x190: {  	v13 =	vmax.f32 v30, v31  }
0x191: {  	v32 =	vld [tilespmem:s25+$0x62D0];
	[tilespmem:s25+$0x62C0] =	vst v13  }
0x192: {  	v33 =	vld [tilespmem:s22+$0x150];
	_ =	sdelay $0x4  }
0x193: {  	(v2sf) =	vpush v12, $0xB;
	v13 =	vmax.f32 v32, v33  }
0x194: {  	v34 =	vld [tilespmem:s25+$0x62E0];
	[tilespmem:s25+$0x62D0] =	vst v13  }
0x195: {  	v35 =	vld [tilespmem:s22+$0x160];
	_ =	sdelay $0x4  }
0x196: {  	v13 =	vmax.f32 v34, v35  }
0x197: {  	v36 =	vld [tilespmem:s25+$0x62F0];
	[tilespmem:s25+$0x62E0] =	vst v13  }
0x198: {  	v37 =	vld [tilespmem:s22+$0x170];
	_ =	sdelay $0x4  }
0x199: {  	v13 =	vmax.f32 v36, v37  }
0x19a: {  	s26 =	spop (v2sf);
	[tilespmem:s25+$0x62F0] =	vst v13  }
0x19b: {  	v13 =	vld [tilespmem:s26+$0x6280]  }
0x19c: {  	v38 =	vld [tilespmem:s22+$0x180];
	_ =	sdelay $0x4  }
0x19d: {  	v13 =	vmax.f32 v13, v38  }
0x19e: {  	v39 =	vld [tilespmem:s26+$0x6290];
	[tilespmem:s26+$0x6280] =	vst v13  }
0x19f: {  	v40 =	vld [tilespmem:s22+$0x190];
	_ =	sdelay $0x4  }
0x1a0: {  	v13 =	vmax.f32 v39, v40  }
0x1a1: {  	v41 =	vld [tilespmem:s26+$0x62A0];
	[tilespmem:s26+$0x6290] =	vst v13  }
0x1a2: {  	v42 =	vld [tilespmem:s22+$0x1A0];
	_ =	sdelay $0x4  }
0x1a3: {  	v13 =	vmax.f32 v41, v42  }
0x1a4: {  	v43 =	vld [tilespmem:s26+$0x62B0];
	[tilespmem:s26+$0x62A0] =	vst v13  }
0x1a5: {  	v44 =	vld [tilespmem:s22+$0x1B0];
	_ =	sdelay $0x4  }
0x1a6: {  	v13 =	vmax.f32 v43, v44  }
0x1a7: {  	v45 =	vld [tilespmem:s26+$0x62C0];
	[tilespmem:s26+$0x62B0] =	vst v13  }
0x1a8: {  	v46 =	vld [tilespmem:s22+$0x1C0];
	_ =	sdelay $0x4  }
0x1a9: {  	v13 =	vmax.f32 v45, v46  }
0x1aa: {  	v47 =	vld [tilespmem:s26+$0x62D0];
	[tilespmem:s26+$0x62C0] =	vst v13  }
0x1ab: {  	v48 =	vld [tilespmem:s22+$0x1D0];
	_ =	sdelay $0x4  }
0x1ac: {  	(v2sf) =	vpush v12, $0xC;
	v13 =	vmax.f32 v47, v48  }
0x1ad: {  	v49 =	vld [tilespmem:s26+$0x62E0];
	[tilespmem:s26+$0x62D0] =	vst v13  }
0x1ae: {  	v50 =	vld [tilespmem:s22+$0x1E0];
	_ =	sdelay $0x4  }
0x1af: {  	v13 =	vmax.f32 v49, v50  }
0x1b0: {  	v51 =	vld [tilespmem:s26+$0x62F0];
	[tilespmem:s26+$0x62E0] =	vst v13  }
0x1b1: {  	v52 =	vld [tilespmem:s22+$0x1F0];
	_ =	sdelay $0x4  }
0x1b2: {  	v13 =	vmax.f32 v51, v52  }
0x1b3: {  	s28 =	spop (v2sf);
	[tilespmem:s26+$0x62F0] =	vst v13  }
0x1b4: {  	v13 =	vld [tilespmem:s28+$0x6280]  }
0x1b5: {  	v53 =	vld [tilespmem:s22+$0x200];
	_ =	sdelay $0x4  }
0x1b6: {  	v13 =	vmax.f32 v13, v53  }
0x1b7: {  	v54 =	vld [tilespmem:s28+$0x6290];
	[tilespmem:s28+$0x6280] =	vst v13  }
0x1b8: {  	v55 =	vld [tilespmem:s22+$0x210];
	_ =	sdelay $0x4  }
0x1b9: {  	v13 =	vmax.f32 v54, v55  }
0x1ba: {  	v56 =	vld [tilespmem:s28+$0x62A0];
	[tilespmem:s28+$0x6290] =	vst v13  }
0x1bb: {  	v57 =	vld [tilespmem:s22+$0x220];
	_ =	sdelay $0x4  }
0x1bc: {  	v13 =	vmax.f32 v56, v57  }
0x1bd: {  	v58 =	vld [tilespmem:s28+$0x62B0];
	[tilespmem:s28+$0x62A0] =	vst v13  }
0x1be: {  	v59 =	vld [tilespmem:s22+$0x230];
	_ =	sdelay $0x4  }
0x1bf: {  	v13 =	vmax.f32 v58, v59  }
0x1c0: {  	v60 =	vld [tilespmem:s28+$0x62C0];
	[tilespmem:s28+$0x62B0] =	vst v13  }
0x1c1: {  	v61 =	vld [tilespmem:s22+$0x240];
	_ =	sdelay $0x4  }
0x1c2: {  	v13 =	vmax.f32 v60, v61  }
0x1c3: {  	v62 =	vld [tilespmem:s28+$0x62D0];
	[tilespmem:s28+$0x62C0] =	vst v13  }
0x1c4: {  	v63 =	vld [tilespmem:s22+$0x250];
	_ =	sdelay $0x4  }
0x1c5: {  	(v2sf) =	vpush v12, $0xD;
	v13 =	vmax.f32 v62, v63  }
0x1c6: {  	v16 =	vld [tilespmem:s28+$0x62E0];
	[tilespmem:s28+$0x62D0] =	vst v13  }
0x1c7: {  	v17 =	vld [tilespmem:s22+$0x260];
	_ =	sdelay $0x4  }
0x1c8: {  	v13 =	vmax.f32 v16, v17  }
0x1c9: {  	v18 =	vld [tilespmem:s28+$0x62F0];
	[tilespmem:s28+$0x62E0] =	vst v13  }
0x1ca: {  	v19 =	vld [tilespmem:s22+$0x270];
	_ =	sdelay $0x4  }
0x1cb: {  	v13 =	vmax.f32 v18, v19  }
0x1cc: {  	s29 =	spop (v2sf);
	[tilespmem:s28+$0x62F0] =	vst v13  }
0x1cd: {  	v13 =	vld [tilespmem:s29+$0x6280]  }
0x1ce: {  	v20 =	vld [tilespmem:s22+$0x280];
	_ =	sdelay $0x4  }
0x1cf: {  	v13 =	vmax.f32 v13, v20  }
0x1d0: {  	v21 =	vld [tilespmem:s29+$0x6290];
	[tilespmem:s29+$0x6280] =	vst v13  }
0x1d1: {  	v22 =	vld [tilespmem:s22+$0x290];
	_ =	sdelay $0x4  }
0x1d2: {  	v13 =	vmax.f32 v21, v22  }
0x1d3: {  	v23 =	vld [tilespmem:s29+$0x62A0];
	[tilespmem:s29+$0x6290] =	vst v13  }
0x1d4: {  	v24 =	vld [tilespmem:s22+$0x2A0];
	_ =	sdelay $0x4  }
0x1d5: {  	v13 =	vmax.f32 v23, v24  }
0x1d6: {  	v25 =	vld [tilespmem:s29+$0x62B0];
	[tilespmem:s29+$0x62A0] =	vst v13  }
0x1d7: {  	v26 =	vld [tilespmem:s22+$0x2B0];
	_ =	sdelay $0x4  }
0x1d8: {  	v13 =	vmax.f32 v25, v26  }
0x1d9: {  	v27 =	vld [tilespmem:s29+$0x62C0];
	[tilespmem:s29+$0x62B0] =	vst v13  }
0x1da: {  	v28 =	vld [tilespmem:s22+$0x2C0];
	_ =	sdelay $0x4  }
0x1db: {  	v13 =	vmax.f32 v27, v28  }
0x1dc: {  	v29 =	vld [tilespmem:s29+$0x62D0];
	[tilespmem:s29+$0x62C0] =	vst v13  }
0x1dd: {  	v30 =	vld [tilespmem:s22+$0x2D0];
	_ =	sdelay $0x4  }
0x1de: {  	(v2sf) =	vpush v12, $0xE;
	v13 =	vmax.f32 v29, v30  }
0x1df: {  	v31 =	vld [tilespmem:s29+$0x62E0];
	[tilespmem:s29+$0x62D0] =	vst v13  }
0x1e0: {  	v32 =	vld [tilespmem:s22+$0x2E0];
	_ =	sdelay $0x4  }
0x1e1: {  	v13 =	vmax.f32 v31, v32  }
0x1e2: {  	v33 =	vld [tilespmem:s29+$0x62F0];
	[tilespmem:s29+$0x62E0] =	vst v13  }
0x1e3: {  	v34 =	vld [tilespmem:s22+$0x2F0];
	_ =	sdelay $0x4  }
0x1e4: {  	v13 =	vmax.f32 v33, v34  }
0x1e5: {  	s30 =	spop (v2sf);
	[tilespmem:s29+$0x62F0] =	vst v13  }
0x1e6: {  	v13 =	vld [tilespmem:s30+$0x6280]  }
0x1e7: {  	v35 =	vld [tilespmem:s22+$0x300];
	_ =	sdelay $0x4  }
0x1e8: {  	v13 =	vmax.f32 v13, v35  }
0x1e9: {  	v36 =	vld [tilespmem:s30+$0x6290];
	[tilespmem:s30+$0x6280] =	vst v13  }
0x1ea: {  	v37 =	vld [tilespmem:s22+$0x310];
	_ =	sdelay $0x4  }
0x1eb: {  	v13 =	vmax.f32 v36, v37  }
0x1ec: {  	v38 =	vld [tilespmem:s30+$0x62A0];
	[tilespmem:s30+$0x6290] =	vst v13  }
0x1ed: {  	v39 =	vld [tilespmem:s22+$0x320];
	_ =	sdelay $0x4  }
0x1ee: {  	v13 =	vmax.f32 v38, v39  }
0x1ef: {  	v40 =	vld [tilespmem:s30+$0x62B0];
	[tilespmem:s30+$0x62A0] =	vst v13  }
0x1f0: {  	v41 =	vld [tilespmem:s22+$0x330];
	_ =	sdelay $0x4  }
0x1f1: {  	v13 =	vmax.f32 v40, v41  }
0x1f2: {  	v42 =	vld [tilespmem:s30+$0x62C0];
	[tilespmem:s30+$0x62B0] =	vst v13  }
0x1f3: {  	v43 =	vld [tilespmem:s22+$0x340];
	_ =	sdelay $0x4  }
0x1f4: {  	v13 =	vmax.f32 v42, v43  }
0x1f5: {  	v44 =	vld [tilespmem:s30+$0x62D0];
	[tilespmem:s30+$0x62C0] =	vst v13  }
0x1f6: {  	v45 =	vld [tilespmem:s22+$0x350];
	_ =	sdelay $0x4  }
0x1f7: {  	(v2sf) =	vpush v12, $0xF;
	v13 =	vmax.f32 v44, v45  }
0x1f8: {  	v46 =	vld [tilespmem:s30+$0x62E0];
	[tilespmem:s30+$0x62D0] =	vst v13  }
0x1f9: {  	v13 =	vld [tilespmem:s22+$0x360];
	_ =	sdelay $0x4  }
0x1fa: {  	v12 =	vmax.f32 v46, v13  }
0x1fb: {  	v47 =	vld [tilespmem:s30+$0x62F0];
	[tilespmem:s30+$0x62E0] =	vst v12  }
0x1fc: {  	v48 =	vld [tilespmem:s22+$0x370];
	_ =	sdelay $0x4  }
0x1fd: {  	v12 =	vmax.f32 v47, v48  }
0x1fe: {  	s31 =	spop (v2sf);
	[tilespmem:s30+$0x62F0] =	vst v12  }
0x1ff: {  	v12 =	vld [tilespmem:s31+$0x6280]  }
0x200: {  	v49 =	vld [tilespmem:s22+$0x380];
	_ =	sdelay $0x4  }
0x201: {  	v12 =	vmax.f32 v12, v49  }
0x202: {  	v50 =	vld [tilespmem:s31+$0x6290];
	[tilespmem:s31+$0x6280] =	vst v12  }
0x203: {  	v51 =	vld [tilespmem:s22+$0x390];
	_ =	sdelay $0x4  }
0x204: {  	v12 =	vmax.f32 v50, v51  }
0x205: {  	v52 =	vld [tilespmem:s31+$0x62A0];
	[tilespmem:s31+$0x6290] =	vst v12  }
0x206: {  	v53 =	vld [tilespmem:s22+$0x3A0];
	_ =	sdelay $0x4  }
0x207: {  	v12 =	vmax.f32 v52, v53  }
0x208: {  	v54 =	vld [tilespmem:s31+$0x62B0];
	[tilespmem:s31+$0x62A0] =	vst v12  }
0x209: {  	v55 =	vld [tilespmem:s22+$0x3B0];
	_ =	sdelay $0x4  }
0x20a: {  	v12 =	vmax.f32 v54, v55  }
0x20b: {  	v56 =	vld [tilespmem:s31+$0x62C0];
	[tilespmem:s31+$0x62B0] =	vst v12  }
0x20c: {  	v57 =	vld [tilespmem:s22+$0x3C0];
	_ =	sdelay $0x4  }
0x20d: {  	v12 =	vmax.f32 v56, v57  }
0x20e: {  	v58 =	vld [tilespmem:s31+$0x62D0];
	[tilespmem:s31+$0x62C0] =	vst v12  }
0x20f: {  	v59 =	vld [tilespmem:s22+$0x3D0];
	_ =	sdelay $0x4  }
0x210: {  	v12 =	vmax.f32 v58, v59  }
0x211: {  	v60 =	vld [tilespmem:s31+$0x62E0];
	[tilespmem:s31+$0x62D0] =	vst v12  }
0x212: {  	v61 =	vld [tilespmem:s22+$0x3E0];
	_ =	sdelay $0x4  }
0x213: {  	v12 =	vmax.f32 v60, v61  }
0x214: {  	v62 =	vld [tilespmem:s31+$0x62F0];
	[tilespmem:s31+$0x62E0] =	vst v12  }
0x215: {  	v63 =	vld [tilespmem:s22+$0x3F0]  }
0x216: {  	p1 =	sne.s32 s21, $0x1C0  }
.Ltmp8:
0x217: {  	_ = 	snop;
	(pc) =	sbr.rel @p1 .LBB2_7-.Ltmp8, $3  }
0x218: {  	_ =	sdelay $0x1  }
0x219: {  	v12 =	vmax.f32 v62, v63  }
0x21a: {  	s21 =	sadd.s32 $0x40, s21;
	s22 =	sadd.s32 $0x800, s22;
	[tilespmem:s31+$0x62F0] =	vst v12  }
.Ltmp9:
0x21b: {  	_ = 	snop;
	(pc) =	sbr.rel .LBB2_8-.Ltmp9, $1  }
0x21c: {  	_ =	sdelay $0x3  }
.LBB2_11:
0x21d: {  	_ =	sfence.sel $0x180000  }
0x21e: {  	[bflag:$0x0] =	sbarrier.arrive $0xFFFF  }
0x21f: {  	p0 =	sne.s32 s1, $0x0;
	_ =	strace $0x9000004A  }
0x220: {  	s0 =	sadd.s32 @!p0 $0x100000, s0;
	[bflag:$0x2] =	sbarrier.arrive $0xFFFF  }
0x221: {  	[sflag:s0] =	ssyncadd.tile.s32 @!p0 $0x1;
	_ =	shalt  }
.Lfunc_end2:
_tile_overlayer_lowered:
.L_overlay_start_2:
0x222: {  	(tag) =	ssettag $0x2  }
0x223: {  	s0 =	rddreg [dreg:$0x0];
	s2 =	stileid.u32  }
0x224: {  	s1 =	rddreg [dreg:$0x1];
	p0 =	sne.s32 s2, $0x0  }
0x225: {  	s3 =	rddreg [dreg:$0x2];
	[bflag:$0x3] =	sbarrier.arrive $0xFFFF;
	s2 =	simm.s32 @!p0 $0x1C01  }
0x226: {  	[timem:s3], [sflag:s2] =	dma.local @!p0 [hbm:s0], s1  }
0x227: {  	s0 =	simm.s32 @!p0 $0x1  }
0x228: {  	_ =	swait.ge @!p0 [sflag:s0], s1  }
0x229: {  	s1 =	ssub.s32 @!p0 $0x0, s1;
	[sflag:s0] =	ssyncset.done @!p0 $0x0  }
0x22a: {  	[sflag:s0] =	ssyncadd.s32 @!p0 s1  }
0x22b: {  	[bflag:$0x3] =	sbarrier.arrive $0xFFFF  }
0x22c: {  	_ =	shalt  }

// kernel: kernel.15.cloned.1.call-start
scs
__scs_entry_jumppad:
0x0: {  	(pc) =	sbr.rel $0x88, $3  }
0x1: {  	(tag) =	ssettag $0x0;
	lr =	simm.s32 $0x1  }
0x2: {  	[smem:$0x3F90] =	sst lr;
	_ =	strace $0xD0000000  }
0x3: {  	_ = 	snop  }
0x4: {  	_ = 	snop  }
0x5: {  	_ = 	snop  }
0x6: {  	_ = 	snop  }
0x7: {  	_ = 	snop  }
__scs_overlays_trampoline_lowered:
0x8: {  	[smem:$0x3F9F] =	sst s0  }
0x9: {  	[smem:$0x3FA0] =	sst s1  }
0xa: {  	[smem:$0x3FA1] =	sst s2  }
0xb: {  	[smem:$0x3FA2] =	sst s3  }
0xc: {  	[smem:$0x3FA3] =	sst s4  }
0xd: {  	[smem:$0x3FA4] =	sst s5  }
0xe: {  	[smem:$0x3FA5] =	sst s6  }
0xf: {  	[smem:$0x3FA6] =	sst s7  }
0x10: {  	[smem:$0x3FA7] =	sst s8  }
0x11: {  	[smem:$0x3FA8] =	sst s9;
	s0 =	simm.s32 @!p0 $0x0  }
0x12: {  	s1 =	sld [smem:$0x3F8E];
	s0 =	simm.s32 @p0 $0x1  }
0x13: {  	[smem:$0x3FA9] =	sst s0;
	s0 =	simm.s32 @!p1 $0x0  }
0x14: {  	s2 =	sld [smem:$0x3F8D];
	s0 =	simm.s32 @p1 $0x1  }
0x15: {  	[smem:$0x3FAA] =	sst s0;
	s0 =	simm.s32 @!p2 $0x0  }
0x16: {  	s3 =	sld [smem:$0x3FDB];
	s0 =	simm.s32 @p2 $0x1  }
0x17: {  	s4 =	simm.s32 $0x1BF5;
	[smem:$0x3FAC] =	sst s0  }
0x18: {  	s0 =	sld [smem:$0x3F8F];
	_ =	swait.ge [sflag:s4], $0x0  }
0x19: {  	s7 =	sld [smem:$0x3F90]  }
0x1a: {  	s8 =	sadd.s32 $0xFFFFE003, lr  }
0x1b: {  	s9 =	sadd.s32 $0xFFFFFEF7, lr;
	s5 =	simm.s32 $0xFFFFFFFF;
	p2 =	slt.u32 s8, $0xFFFFF086  }
0x1c: {  	p1 =	slt.u32 s9, $0xF7A;
	s5 =	simm.s32 @!p2 $0x0  }
0x1d: {  	s5 =	simm.s32 @p1 $0x1;
	p0 =	seq.s32 s7, s2  }
0x1e: {  	s7 =	smul.u32 @!p0 $0xF7A, s2;
	p2 =	seq.s32 @!p0 s5, $0x0  }
0x1f: {  	s9 =	smul.u32 $0xF7A, s1;
	s8 =	simm.s32 @!p0 $0x1BF5;
	p2 =	por !p2, p0  }
0x20: {  	[sflag:s8] =	ssyncset.s32 @!p0 $0xFFFFF086;
	s6 =	sadd.s32 @!p0 s3, s7;
	s7 =	simm.s32 @!p0 $0x108  }
0x21: {  	s3 =	sadd.s32 s3, s9;
	s6 =	sadd.s32 @!p0 $0x88, s6;
	s7 =	simm.s32 @p2 $0x1082  }
0x22: {  	[simem:s7], [sflag:s8] =	dma.local @!p0 [hbm:s6], $0xF7A  }
0x23: {  	s9 =	sor.u32 $0xD0000000, s2;
	s6 =	simm.s32 $0x108;
	_ =	swait.ge @!p0 [sflag:s8], $0x0  }
0x24: {  	s3 =	sadd.s32 $0x88, s3;
	s6 =	simm.s32 @!p1 $0x1082;
	[sflag:s4] =	ssyncset.s32 $0xFFFFF086  }
0x25: {  	[simem:s6], [sflag:s4] =	dma.local [hbm:s3], $0xF7A  }
0x26: {  	[smem:$0x3F90] =	sst s1;
	(tag) =	ssettag s2;
	_ =	strace s9  }
0x27: {  	s1 =	sld [smem:$0x3FA0]  }
0x28: {  	s2 =	sld [smem:$0x3FA1]  }
0x29: {  	s4 =	sld [smem:$0x3FA3]  }
0x2a: {  	p0 =	seq.s32 s5, $0x0;
	s5 =	sld [smem:$0x3FA4]  }
0x2b: {  	s6 =	sld [smem:$0x3FA5]  }
0x2c: {  	s7 =	sld [smem:$0x3FA6]  }
0x2d: {  	s3 =	simm.s32 $0x108;
	s8 =	sld [smem:$0x3FA7]  }
0x2e: {  	s3 =	simm.s32 @!p0 $0x1082;
	s9 =	sld [smem:$0x3FA8]  }
0x2f: {  	lr =	sadd.s32 s0, s3;
	s0 =	sld [smem:$0x3F9F]  }
0x30: {  	s3 =	sld [smem:$0x3FA2]  }
0x31: {  	[smem:$0x3FAB] =	sst s10  }
0x32: {  	s10 =	sld [smem:$0x3FA9];
	_ =	sdelay $0x3  }
0x33: {  	p0 =	seq.s32 s10, $0x1;
	s10 =	sld [smem:$0x3FAB];
	_ =	sdelay $0x3  }
0x34: {  	[smem:$0x3FAB] =	sst s10  }
0x35: {  	s10 =	sld [smem:$0x3FAA];
	_ =	sdelay $0x3  }
0x36: {  	p1 =	seq.s32 s10, $0x1;
	s10 =	sld [smem:$0x3FAB];
	_ =	sdelay $0x3  }
0x37: {  	[smem:$0x3FAB] =	sst s10  }
0x38: {  	s10 =	sld [smem:$0x3FAC]  }
0x39: {  	_ = 	snop;
	(pc) =	sbr.ind lr, $3  }
0x3a: {  	_ = 	snop  }
0x3b: {  	_ = 	snop  }
0x3c: {  	p2 =	seq.s32 s10, $0x1;
	s10 =	sld [smem:$0x3FAB]  }
0x3d: {  	_ =	shalt  }
0x3e: {  	_ =	shalt  }
0x3f: {  	_ =	shalt  }
0x40: {  	_ =	shalt  }
0x41: {  	_ =	shalt  }
0x42: {  	_ =	shalt  }
0x43: {  	_ =	shalt  }
0x44: {  	_ =	shalt  }
0x45: {  	_ =	shalt  }
0x46: {  	_ =	shalt  }
0x47: {  	_ =	shalt  }
0x48: {  	_ =	shalt  }
0x49: {  	_ =	shalt  }
0x4a: {  	_ =	shalt  }
0x4b: {  	_ =	shalt  }
0x4c: {  	_ =	shalt  }
0x4d: {  	_ =	shalt  }
0x4e: {  	_ =	shalt  }
0x4f: {  	_ =	shalt  }
0x50: {  	_ =	shalt  }
0x51: {  	_ =	shalt  }
0x52: {  	_ =	shalt  }
0x53: {  	_ =	shalt  }
0x54: {  	_ =	shalt  }
0x55: {  	_ =	shalt  }
0x56: {  	_ =	shalt  }
0x57: {  	_ =	shalt  }
0x58: {  	_ =	shalt  }
0x59: {  	_ =	shalt  }
0x5a: {  	_ =	shalt  }
0x5b: {  	_ =	shalt  }
0x5c: {  	_ =	shalt  }
0x5d: {  	_ =	shalt  }
0x5e: {  	_ =	shalt  }
0x5f: {  	_ =	shalt  }
0x60: {  	_ =	shalt  }
0x61: {  	_ =	shalt  }
0x62: {  	_ =	shalt  }
0x63: {  	_ =	shalt  }
0x64: {  	_ =	shalt  }
0x65: {  	_ =	shalt  }
0x66: {  	_ =	shalt  }
0x67: {  	_ =	shalt  }
0x68: {  	_ =	shalt  }
0x69: {  	_ =	shalt  }
0x6a: {  	_ =	shalt  }
0x6b: {  	_ =	shalt  }
0x6c: {  	_ =	shalt  }
0x6d: {  	_ =	shalt  }
0x6e: {  	_ =	shalt  }
0x6f: {  	_ =	shalt  }
0x70: {  	_ =	shalt  }
0x71: {  	_ =	shalt  }
0x72: {  	_ =	shalt  }
0x73: {  	_ =	shalt  }
0x74: {  	_ =	shalt  }
0x75: {  	_ =	shalt  }
0x76: {  	_ =	shalt  }
0x77: {  	_ =	shalt  }
0x78: {  	_ =	shalt  }
0x79: {  	_ =	shalt  }
0x7a: {  	_ =	shalt  }
0x7b: {  	_ =	shalt  }
0x7c: {  	_ =	shalt  }
0x7d: {  	_ =	shalt  }
0x7e: {  	_ =	shalt  }
0x7f: {  	_ =	shalt  }
0x80: {  	_ =	shalt  }
0x81: {  	_ =	shalt  }
0x82: {  	_ =	shalt  }
0x83: {  	_ =	shalt  }
0x84: {  	_ =	shalt  }
0x85: {  	_ =	shalt  }
0x86: {  	_ =	shalt  }
0x87: {  	_ =	shalt  }
.Lfunc_end0:
.L_simem_size_0:
called_computation.2_lowered:
.L_overlay_start_0:
0x88: {  	s2 =	sld [smem:$0x3FD9]  }
0x89: {  	s3 =	sld [smem:$0x3FFE];
	_ =	sdelay $0x1  }
0x8a: {  	s1 =	srdreg.scid  }
0x8b: {  	s0 =	sand.u32 $0x1, s1  }
0x8c: {  	s16 =	sshll.u32 s0, $0xA;
	s2 =	sadd.s32 s3, s2  }
0x8d: {  	s2 =	sadd.s32 s2, s16  }
0x8e: {  	[smem:$0x3FB7] =	sst s2  }
0x8f: {  	_ = 	snop  }
0x90: {  	(tm) =	ssettm $0x1  }
0x91: {  	s17 =	sld [smem:$0x3FFB];
	_ =	sdelay $0x3  }
0x92: {  	_ =	strace s17  }
0x93: {  	s2 =	sld [smem:$0x3FFC];
	_ =	sdelay $0x3  }
0x94: {  	_ =	strace s2  }
0x95: {  	s2 =	sld [smem:$0x3FFD];
	_ =	sdelay $0x3  }
0x96: {  	_ =	strace s2  }
0x97: {  	_ =	strace $0x8FFFFFFF  }
0x98: {  	s18 =	sld [smem:$0x3FDB];
	_ =	sdelay $0x1  }
0x99: {  	s19 =	simm.s32 $_scs_section_size  }
0x9a: {  	s4 =	simm.s32 $_size__tile_overlayer_lowered;
	s5 =	simm.s32 $_tile_overlayer_lowered  }
0x9b: {  	s22 =	simm.s32 $0x1BFF;
	s21 =	sshll.u32 s5, $0x1;
	s2 =	sadd.s32 s19, s18  }
0x9c: {  	s6 =	simm.s32 $0x0;
	s20 =	sshll.u32 s4, $0x1;
	s4 =	sadd.s32 s21, s2  }
0x9d: {  	[timem:s6], [sflag:s22] =	dma.local [hbm:s4], s20  }
0x9e: {  	_ =	swait.ge [sflag:s22], s20  }
0x9f: {  	s3 =	ssub.s32 $0x0, s20;
	[sflag:s22] =	ssyncset.done $0x0  }
0xa0: {  	[sflag:s22] =	ssyncadd.s32 s3;
	_ =	sdelay $0x1  }
0xa1: {  	s23 =	simm.s32 $0x1B8B  }
0xa2: {  	_ =	swait.ge [sflag:s23], $0x1  }
0xa3: {  	[sflag:s23] =	ssyncset.done $0x0  }
0xa4: {  	s25 =	simm.s32 $0x1B8E;
	s24 =	sld [smem:$0x3FFE];
	[sflag:s23] =	ssyncadd.s32 $0xFFFFFFFF  }
0xa5: {  	s26 =	simm.s32 $execute0_lowered;
	[smem:$0x3FD2] =	sst s25  }
0xa6: {  	s4 =	sshll.u32 s26, $0x1;
	_ =	strace $0x8000004C;
	[dreg:$0x1] =	wrdreg $0xFFFFFFFF  }
0xa7: {  	s28 =	simm.s32 $_size_execute0_lowered;
	s2 =	sadd.s32 s2, s4;
	[dreg:$0x0] =	wrdreg $0x0  }
0xa8: {  	s4 =	sshll.u32 s28, $0x1;
	[dreg:$0x2] =	wrdreg s2  }
0xa9: {  	[dreg:$0x3] =	wrdreg s4  }
0xaa: {  	[dreg:$0x4] =	wrdreg $0xC0  }
0xab: {  	_ =	task [dreg:s6], $0x5FFFF  }
0xac: {  	[dreg:$0x1] =	wrdreg $0xFFFFFFFF  }
0xad: {  	[dreg:$0x0] =	wrdreg $0x60  }
0xae: {  	[dreg:$0x2] =	wrdreg s24  }
0xaf: {  	[dreg:$0x3] =	wrdreg $0x90000  }
0xb0: {  	[dreg:$0x4] =	wrdreg $0x9  }
0xb1: {  	_ =	task.clear_ibuf [dreg:s6], $0x5FFFF;
	_ =	strace $0x9000004C  }
0xb2: {  	s29 =	simm.s32 $0x9;
	_ =	strace $0x8000004E  }
0xb3: {  	_ =	swait.ge [sflag:s29], $0x1  }
0xb4: {  	[sflag:s29] =	ssyncadd.s32 $0xFFFFFFFF  }
0xb5: {  	_ =	strace $0x9000004E  }
0xb6: {  	_ =	sfence  }
0xb7: {  	s30 =	sld [smem:$0x0];
	_ =	sdelay $0x2  }
0xb8: {  	s31 =	sshll.u32 s1, $0xD;
	s1 =	sshrl.u32 s1, $0x2  }
0xb9: {  	s3 =	sand.u32 $0x4000, s31;
	s1 =	sadd.s32 s1, s30  }
0xba: {  	s0 =	sor.u32 s3, s0;
	s1 =	sshll.u32 s1, $0x11  }
0xbb: {  	s0 =	sor.u32 s1, s0  }
0xbc: {  	s0 =	sadd.s32 $0x8F2B, s0  }
0xbd: {  	[sflag:s0] =	ssyncadd.remote.s32 $0x1  }
0xbe: {  	_ =	sfence.sel $0xFFFF  }
0xbf: {  	[dreg:$0x0] =	wrdreg $0xFFFFFFFF;
	(pc) =	sbr.abs _section_cstart, $3  }
0xc0: {  	[dreg:$0x1] =	wrdreg $0xFFFFFFFF  }
0xc1: {  	_ =	task.clear_ibuf [dreg:s6], $0x2FFFF;
	_ =	strace $0x9FFFFFFF  }
0xc2: {  	(tm) =	ssettm $0x7FFFFFFF  }
0xc3: {  	_ =	shalt  }
tec
execute0_lowered:
.L_overlay_start_1:
0x0: {  	(tag) =	ssettag $0x1  }
0x1: {  	s6 =	rddreg [dreg:$0x0];
	s1 =	srdreg.scid  }
0x2: {  	s0 =	stileid.u32;
	s2 =	rddreg [dreg:$0x1];
	s3 =	simm.s32 $0x0  }
0x3: {  	s16 =	simm.s32 $0x2800;
	s17 =	simm.s32 $0x7D;
	s18 =	simm.s32 $0x5000  }
0x4: {  	s19 =	simm.s32 $0x0;
	s5 =	sand.u32 $0x1, s1;
	s8 =	smul.u32 $0x2780, s0  }
0x5: {  	s4 =	sshll.u32 s0, $0x1;
	s1 =	rddreg [dreg:$0x2];
	s10 =	smul.u32 $0x4F000, s0  }
0x6: {  	[smem:$0x7FF] =	sst s3;
	s11 =	sadd.s32 $0x7A800, s6;
	s13 =	smul.u32 $0x13C00, s0  }
0x7: {  	s15 =	sadd.s32 $0x128400, s2;
	p0 =	seq.s32 s0, $0xF;
	s4 =	sor.u32 s5, s4  }
0x8: {  	_ =	strace $0x8000004D;
	s28 =	ssub.s32 $0x2, s5;
	s30 =	smul.u32 $0x138800, s5  }
0x9: {  	s7 =	smul.u32 $0x500, s4;
	s4 =	sadd.s32 $0x53600, s6;
	s12 =	sshrl.u32 s28, $0x1  }
0xa: {  	s8 =	sadd.s32 s8, s6;
	s29 =	sshrl.u32 s10, $0x2;
	s12 =	ssub.s32 s28, s12  }
0xb: {  	s14 =	sadd.s32 s29, s2;
	s5 =	sadd.s32 $0x2C400, s8;
	s31 =	sadd.s32 s13, s30  }
0xc: {  	s10 =	sshrl.u32 s30, $0x3;
	s13 =	sshll.u32 @!p0 s0, $0x6;
	s9 =	sadd.s32 s7, s6  }
0xd: {  	s6 =	sadd.s32 $0x51480, s6;
	s10 =	sadd.s32 s11, s10;
	s13 =	sor.u32 @!p0 $0x1C01, s13  }
0xe: {  	s7 =	sadd.s32 $0x18400, s9;
	s8 =	sadd.s32 $0x22400, s9;
	s9 =	sshrl.u32 s31, $0x3  }
0xf: {  	s14 =	sshrl.u32 @!p0 s14, $0x3;
	s10 =	sadd.s32 $0x25080, s10;
	s9 =	sadd.s32 s11, s9  }
0x10: {  	s11 =	smax.u32 s12, $0x1;
	s12 =	sshrl.u32 @p0 s15, $0x3;
	s15 =	simm.s32 $0x1  }
.LBB2_1:
0x11: {  	s20 =	simm.s32 @p0 $0x1FC1  }
0x12: {  	[spmem:s12], [sflag:s20] =	dma.local @p0 [hbm:s6], $0x2080  }
0x13: {  	s20 =	simm.s32 @p0 $0x1  }
0x14: {  	_ =	swait.ge @p0 [sflag:s20], $0x2080  }
0x15: {  	[sflag:s20] =	ssyncset.done @p0 $0x0  }
0x16: {  	[sflag:s20] =	ssyncadd.s32 @p0 $0xFFFFDF80;
	s20 =	simm.s32 @!p0 $0x1  }
0x17: {  	[spmem:s14], [sflag:s13] =	dma.local @!p0 [hbm:s5], $0x2780  }
0x18: {  	_ =	swait.ge @!p0 [sflag:s20], $0x2780  }
0x19: {  	[sflag:s20] =	ssyncset.done @!p0 $0x0  }
0x1a: {  	[sflag:s20] =	ssyncadd.s32 @!p0 $0xFFFFD880  }
0x1b: {  	[bflag:$0x0] =	sbarrier.arrive $0xFFFF  }
0x1c: {  	[tilespmem:s3], [sflag:$0x1] =	stream.linear.gather [hbm4b:s7+s3], $0x2800, $0x38;
	[tilespmem:$0x1C880] =	vst v63  }
0x1d: {  	_ =	swait.ge [sflag:s15], $0x2800  }
0x1e: {  	[sflag:s15] =	ssyncset.done $0x0  }
0x1f: {  	[sflag:s15] =	ssyncadd.s32 $0xFFFFD800  }
0x20: {  	[tilespmem:s16], [sflag:$0x1] =	stream.linear.gather [hbm4b:s8+s3], $0x2800, $0x38;
	[tilespmem:$0x1C880] =	vst v63  }
0x21: {  	_ =	swait.ge [sflag:s15], $0x2800  }
0x22: {  	[sflag:s15] =	ssyncset.done $0x0  }
0x23: {  	s30 =	simm.s32 $0x0;
	[sflag:s15] =	ssyncadd.s32 $0xFFFFD800  }
0x24: {  	[tilespmem:s18], [sflag:$0x1] =	stream.indirect.gather [hbm4b:s4+s17], $0x80, s30, s17, $0xb8;
	[tilespmem:$0x1C880] =	vst v63  }
0x25: {  	_ =	swait.ge [sflag:s15], $0x3E80  }
0x26: {  	[sflag:s15] =	ssyncset.done $0x0  }
0x27: {  	s31 =	simm.s32 $0x2800;
	[sflag:s15] =	ssyncadd.s32 $0xFFFFC180  }
0x28: {  	[spmem:s2] =	stream.indirect.scatter.add.f32 [tilespmem:s18], [sflag:$0x1], $0x80, s31, s17, $0xb8;
	[tilespmem:$0x1C880] =	vst v63  }
0x29: {  	_ =	swait.ge [sflag:s15], $0x3E80  }
0x2a: {  	s21 =	simm.s32 $0x400;
	s20 =	simm.s32 $0x200;
	[sflag:s15] =	ssyncset.done $0x0  }
.LBB2_2:
0x2b: {  	s22 =	sshra.s32 s20, $0x2  }
0x2c: {  	[sflag:s15] =	ssyncadd.s32 $0xFFFFC180;
	s20 =	smov.u32 s21;
	s23 =	sadd.s32 $0x200, s21  }
0x2d: {  	[tilespmem:s18], [sflag:$0x1] =	stream.indirect.gather [hbm4b:s4+s17], $0x80, s22, s17, $0xb8;
	[tilespmem:$0x1C880] =	vst v63  }
0x2e: {  	p1 =	sne.s32 s21, $0x9E00;
	_ =	swait.ge [sflag:s15], $0x3E80  }
.Ltmp0:
0x2f: {  	[sflag:s15] =	ssyncset.done $0x0;
	(pc) =	sbr.rel @p1 .LBB2_2-.Ltmp0, $4  }
0x30: {  	s21 =	sadd.s32 $0x2800, s22;
	[sflag:s15] =	ssyncadd.s32 $0xFFFFC180  }
0x31: {  	[spmem:s2] =	stream.indirect.scatter.add.f32 [tilespmem:s18], [sflag:$0x1], $0x80, s21, s17, $0xb8;
	[tilespmem:$0x1C880] =	vst v63  }
0x32: {  	_ =	swait.ge [sflag:s15], $0x3E80  }
0x33: {  	s21 =	smov.u32 s23;
	[sflag:s15] =	ssyncset.done $0x0  }
0x34: {  	s20 =	sshra.s32 s20, $0x2;
	[sflag:s15] =	ssyncadd.s32 $0xFFFFC180  }
0x35: {  	[tilespmem:s18], [sflag:$0x1] =	stream.indirect.gather [hbm4b:s4+s17], $0x80, s20, s17, $0xb8;
	[tilespmem:$0x1C880] =	vst v63  }
0x36: {  	_ =	swait.ge [sflag:s15], $0x3E80  }
0x37: {  	[sflag:s15] =	ssyncset.done $0x0  }
0x38: {  	s20 =	sadd.s32 $0x2800, s20;
	[sflag:s15] =	ssyncadd.s32 $0xFFFFC180  }
0x39: {  	[spmem:s2] =	stream.indirect.scatter.add.f32 [tilespmem:s18], [sflag:$0x1], $0x80, s20, s17, $0xb8;
	[tilespmem:$0x1C880] =	vst v63  }
0x3a: {  	_ =	swait.ge [sflag:s15], $0x3E80  }
0x3b: {  	[sflag:s15] =	ssyncset.done $0x0  }
0x3c: {  	[sflag:s15] =	ssyncadd.s32 $0xFFFFC180  }
0x3d: {  	s20 =	simm.s32 @p0 $0x1FC1;
	[bflag:$0x0] =	sbarrier.arrive $0xFFFF  }
0x3e: {  	[hbm:s10], [sflag:s20] =	dma.local @p0 [spmem:s12], $0x2080  }
0x3f: {  	s20 =	simm.s32 @p0 $0x1  }
0x40: {  	s19 =	sadd.s32 $0x1, s19;
	_ =	swait.ge @p0 [sflag:s20], $0x2080  }
0x41: {  	p1 =	sne.s32 s19, s11;
	[sflag:s20] =	ssyncset.done @p0 $0x0  }
.Ltmp1:
0x42: {  	[sflag:s20] =	ssyncadd.s32 @p0 $0xFFFFDF80;
	s20 =	simm.s32 @!p0 $0x1;
	(pc) =	sbr.rel @p1 .LBB2_1-.Ltmp1, $4  }
0x43: {  	[hbm:s9], [sflag:s13] =	dma.local @!p0 [spmem:s14], $0x2780  }
0x44: {  	_ =	swait.ge @!p0 [sflag:s20], $0x2780  }
0x45: {  	[sflag:s20] =	ssyncset.done @!p0 $0x0  }
0x46: {  	[sflag:s20] =	ssyncadd.s32 @!p0 $0xFFFFD880  }
0x47: {  	_ =	sfence.sel $0x180000  }
0x48: {  	[bflag:$0x0] =	sbarrier.arrive $0xFFFF  }
0x49: {  	p0 =	sne.s32 s0, $0x0;
	_ =	strace $0x9000004D  }
0x4a: {  	s0 =	sadd.s32 @!p0 $0x100000, s1;
	[bflag:$0x2] =	sbarrier.arrive $0xFFFF  }
0x4b: {  	[sflag:s0] =	ssyncadd.tile.s32 @!p0 $0x1;
	_ =	shalt  }
.Lfunc_end2:
_tile_overlayer_lowered:
.L_overlay_start_2:
0x4c: {  	(tag) =	ssettag $0x2  }
0x4d: {  	s0 =	rddreg [dreg:$0x0];
	s2 =	stileid.u32  }
0x4e: {  	s1 =	rddreg [dreg:$0x1];
	p0 =	sne.s32 s2, $0x0  }
0x4f: {  	s3 =	rddreg [dreg:$0x2];
	[bflag:$0x3] =	sbarrier.arrive $0xFFFF;
	s2 =	simm.s32 @!p0 $0x1C01  }
0x50: {  	[timem:s3], [sflag:s2] =	dma.local @!p0 [hbm:s0], s1  }
0x51: {  	s0 =	simm.s32 @!p0 $0x1  }
0x52: {  	_ =	swait.ge @!p0 [sflag:s0], s1  }
0x53: {  	s1 =	ssub.s32 @!p0 $0x0, s1;
	[sflag:s0] =	ssyncset.done @!p0 $0x0  }
0x54: {  	[sflag:s0] =	ssyncadd.s32 @!p0 s1  }
0x55: {  	[bflag:$0x3] =	sbarrier.arrive $0xFFFF  }
0x56: {  	_ =	shalt  }

// kernel: kernel.9.cloned.1.call-start
scs
__scs_entry_jumppad:
0x0: {  	(pc) =	sbr.rel $0x88, $3  }
0x1: {  	(tag) =	ssettag $0x0;
	lr =	simm.s32 $0x1  }
0x2: {  	[smem:$0x3F90] =	sst lr;
	_ =	strace $0xD0000000  }
0x3: {  	_ = 	snop  }
0x4: {  	_ = 	snop  }
0x5: {  	_ = 	snop  }
0x6: {  	_ = 	snop  }
0x7: {  	_ = 	snop  }
__scs_overlays_trampoline_lowered:
0x8: {  	[smem:$0x3F9F] =	sst s0  }
0x9: {  	[smem:$0x3FA0] =	sst s1  }
0xa: {  	[smem:$0x3FA1] =	sst s2  }
0xb: {  	[smem:$0x3FA2] =	sst s3  }
0xc: {  	[smem:$0x3FA3] =	sst s4  }
0xd: {  	[smem:$0x3FA4] =	sst s5  }
0xe: {  	[smem:$0x3FA5] =	sst s6  }
0xf: {  	[smem:$0x3FA6] =	sst s7  }
0x10: {  	[smem:$0x3FA7] =	sst s8  }
0x11: {  	[smem:$0x3FA8] =	sst s9;
	s0 =	simm.s32 @!p0 $0x0  }
0x12: {  	s1 =	sld [smem:$0x3F8E];
	s0 =	simm.s32 @p0 $0x1  }
0x13: {  	[smem:$0x3FA9] =	sst s0;
	s0 =	simm.s32 @!p1 $0x0  }
0x14: {  	s2 =	sld [smem:$0x3F8D];
	s0 =	simm.s32 @p1 $0x1  }
0x15: {  	[smem:$0x3FAA] =	sst s0;
	s0 =	simm.s32 @!p2 $0x0  }
0x16: {  	s3 =	sld [smem:$0x3FDB];
	s0 =	simm.s32 @p2 $0x1  }
0x17: {  	s4 =	simm.s32 $0x1BF5;
	[smem:$0x3FAC] =	sst s0  }
0x18: {  	s0 =	sld [smem:$0x3F8F];
	_ =	swait.ge [sflag:s4], $0x0  }
0x19: {  	s7 =	sld [smem:$0x3F90]  }
0x1a: {  	s8 =	sadd.s32 $0xFFFFE003, lr  }
0x1b: {  	s9 =	sadd.s32 $0xFFFFFEF7, lr;
	s5 =	simm.s32 $0xFFFFFFFF;
	p2 =	slt.u32 s8, $0xFFFFF086  }
0x1c: {  	p1 =	slt.u32 s9, $0xF7A;
	s5 =	simm.s32 @!p2 $0x0  }
0x1d: {  	s5 =	simm.s32 @p1 $0x1;
	p0 =	seq.s32 s7, s2  }
0x1e: {  	s7 =	smul.u32 @!p0 $0xF7A, s2;
	p2 =	seq.s32 @!p0 s5, $0x0  }
0x1f: {  	s9 =	smul.u32 $0xF7A, s1;
	s8 =	simm.s32 @!p0 $0x1BF5;
	p2 =	por !p2, p0  }
0x20: {  	[sflag:s8] =	ssyncset.s32 @!p0 $0xFFFFF086;
	s6 =	sadd.s32 @!p0 s3, s7;
	s7 =	simm.s32 @!p0 $0x108  }
0x21: {  	s3 =	sadd.s32 s3, s9;
	s6 =	sadd.s32 @!p0 $0x88, s6;
	s7 =	simm.s32 @p2 $0x1082  }
0x22: {  	[simem:s7], [sflag:s8] =	dma.local @!p0 [hbm:s6], $0xF7A  }
0x23: {  	s9 =	sor.u32 $0xD0000000, s2;
	s6 =	simm.s32 $0x108;
	_ =	swait.ge @!p0 [sflag:s8], $0x0  }
0x24: {  	s3 =	sadd.s32 $0x88, s3;
	s6 =	simm.s32 @!p1 $0x1082;
	[sflag:s4] =	ssyncset.s32 $0xFFFFF086  }
0x25: {  	[simem:s6], [sflag:s4] =	dma.local [hbm:s3], $0xF7A  }
0x26: {  	[smem:$0x3F90] =	sst s1;
	(tag) =	ssettag s2;
	_ =	strace s9  }
0x27: {  	s1 =	sld [smem:$0x3FA0]  }
0x28: {  	s2 =	sld [smem:$0x3FA1]  }
0x29: {  	s4 =	sld [smem:$0x3FA3]  }
0x2a: {  	p0 =	seq.s32 s5, $0x0;
	s5 =	sld [smem:$0x3FA4]  }
0x2b: {  	s6 =	sld [smem:$0x3FA5]  }
0x2c: {  	s7 =	sld [smem:$0x3FA6]  }
0x2d: {  	s3 =	simm.s32 $0x108;
	s8 =	sld [smem:$0x3FA7]  }
0x2e: {  	s3 =	simm.s32 @!p0 $0x1082;
	s9 =	sld [smem:$0x3FA8]  }
0x2f: {  	lr =	sadd.s32 s0, s3;
	s0 =	sld [smem:$0x3F9F]  }
0x30: {  	s3 =	sld [smem:$0x3FA2]  }
0x31: {  	[smem:$0x3FAB] =	sst s10  }
0x32: {  	s10 =	sld [smem:$0x3FA9];
	_ =	sdelay $0x3  }
0x33: {  	p0 =	seq.s32 s10, $0x1;
	s10 =	sld [smem:$0x3FAB];
	_ =	sdelay $0x3  }
0x34: {  	[smem:$0x3FAB] =	sst s10  }
0x35: {  	s10 =	sld [smem:$0x3FAA];
	_ =	sdelay $0x3  }
0x36: {  	p1 =	seq.s32 s10, $0x1;
	s10 =	sld [smem:$0x3FAB];
	_ =	sdelay $0x3  }
0x37: {  	[smem:$0x3FAB] =	sst s10  }
0x38: {  	s10 =	sld [smem:$0x3FAC]  }
0x39: {  	_ = 	snop;
	(pc) =	sbr.ind lr, $3  }
0x3a: {  	_ = 	snop  }
0x3b: {  	_ = 	snop  }
0x3c: {  	p2 =	seq.s32 s10, $0x1;
	s10 =	sld [smem:$0x3FAB]  }
0x3d: {  	_ =	shalt  }
0x3e: {  	_ =	shalt  }
0x3f: {  	_ =	shalt  }
0x40: {  	_ =	shalt  }
0x41: {  	_ =	shalt  }
0x42: {  	_ =	shalt  }
0x43: {  	_ =	shalt  }
0x44: {  	_ =	shalt  }
0x45: {  	_ =	shalt  }
0x46: {  	_ =	shalt  }
0x47: {  	_ =	shalt  }
0x48: {  	_ =	shalt  }
0x49: {  	_ =	shalt  }
0x4a: {  	_ =	shalt  }
0x4b: {  	_ =	shalt  }
0x4c: {  	_ =	shalt  }
0x4d: {  	_ =	shalt  }
0x4e: {  	_ =	shalt  }
0x4f: {  	_ =	shalt  }
0x50: {  	_ =	shalt  }
0x51: {  	_ =	shalt  }
0x52: {  	_ =	shalt  }
0x53: {  	_ =	shalt  }
0x54: {  	_ =	shalt  }
0x55: {  	_ =	shalt  }
0x56: {  	_ =	shalt  }
0x57: {  	_ =	shalt  }
0x58: {  	_ =	shalt  }
0x59: {  	_ =	shalt  }
0x5a: {  	_ =	shalt  }
0x5b: {  	_ =	shalt  }
0x5c: {  	_ =	shalt  }
0x5d: {  	_ =	shalt  }
0x5e: {  	_ =	shalt  }
0x5f: {  	_ =	shalt  }
0x60: {  	_ =	shalt  }
0x61: {  	_ =	shalt  }
0x62: {  	_ =	shalt  }
0x63: {  	_ =	shalt  }
0x64: {  	_ =	shalt  }
0x65: {  	_ =	shalt  }
0x66: {  	_ =	shalt  }
0x67: {  	_ =	shalt  }
0x68: {  	_ =	shalt  }
0x69: {  	_ =	shalt  }
0x6a: {  	_ =	shalt  }
0x6b: {  	_ =	shalt  }
0x6c: {  	_ =	shalt  }
0x6d: {  	_ =	shalt  }
0x6e: {  	_ =	shalt  }
0x6f: {  	_ =	shalt  }
0x70: {  	_ =	shalt  }
0x71: {  	_ =	shalt  }
0x72: {  	_ =	shalt  }
0x73: {  	_ =	shalt  }
0x74: {  	_ =	shalt  }
0x75: {  	_ =	shalt  }
0x76: {  	_ =	shalt  }
0x77: {  	_ =	shalt  }
0x78: {  	_ =	shalt  }
0x79: {  	_ =	shalt  }
0x7a: {  	_ =	shalt  }
0x7b: {  	_ =	shalt  }
0x7c: {  	_ =	shalt  }
0x7d: {  	_ =	shalt  }
0x7e: {  	_ =	shalt  }
0x7f: {  	_ =	shalt  }
0x80: {  	_ =	shalt  }
0x81: {  	_ =	shalt  }
0x82: {  	_ =	shalt  }
0x83: {  	_ =	shalt  }
0x84: {  	_ =	shalt  }
0x85: {  	_ =	shalt  }
0x86: {  	_ =	shalt  }
0x87: {  	_ =	shalt  }
.Lfunc_end0:
.L_simem_size_0:
called_computation_lowered:
.L_overlay_start_0:
0x88: {  	s2 =	sld [smem:$0x3FD9]  }
0x89: {  	s3 =	sld [smem:$0x3FFE];
	_ =	sdelay $0x1  }
0x8a: {  	s1 =	srdreg.scid  }
0x8b: {  	s0 =	sand.u32 $0x1, s1  }
0x8c: {  	s17 =	sshll.u32 s0, $0xA;
	s2 =	sadd.s32 s3, s2  }
0x8d: {  	s2 =	sadd.s32 s2, s17  }
0x8e: {  	[smem:$0x3FB7] =	sst s2  }
0x8f: {  	_ = 	snop  }
0x90: {  	s2 =	sld [smem:$0x3FC9]  }
0x91: {  	s18 =	sld [smem:$0x3FD0];
	(tm) =	ssettm $0x1  }
0x92: {  	s4 =	sld [smem:$0x3FFB];
	_ =	sdelay $0x3  }
0x93: {  	_ =	strace s4  }
0x94: {  	s4 =	sld [smem:$0x3FFC];
	_ =	sdelay $0x3  }
0x95: {  	_ =	strace s4  }
0x96: {  	s4 =	sld [smem:$0x3FFD];
	_ =	sdelay $0x3  }
0x97: {  	_ =	strace s4  }
0x98: {  	_ =	strace $0x8FFFFFFF  }
0x99: {  	s19 =	sld [smem:$0x3FDB];
	_ =	sdelay $0x1  }
0x9a: {  	s5 =	simm.s32 $_scs_section_size  }
0x9b: {  	s6 =	simm.s32 $_size__tile_overlayer_lowered;
	s7 =	simm.s32 $_tile_overlayer_lowered  }
0x9c: {  	s22 =	simm.s32 $0x1BFF;
	s21 =	sshll.u32 s7, $0x1;
	s4 =	sadd.s32 s5, s19  }
0x9d: {  	s8 =	simm.s32 $0x0;
	s20 =	sshll.u32 s6, $0x1;
	s6 =	sadd.s32 s21, s4  }
0x9e: {  	[timem:s8], [sflag:s22] =	dma.local [hbm:s6], s20  }
0x9f: {  	_ =	swait.ge [sflag:s22], s20  }
0xa0: {  	s5 =	ssub.s32 $0x0, s20;
	[sflag:s22] =	ssyncset.done $0x0  }
0xa1: {  	[sflag:s22] =	ssyncadd.s32 s5;
	_ =	sdelay $0x1  }
0xa2: {  	s23 =	simm.s32 $0x1B8B  }
0xa3: {  	_ =	swait.ge [sflag:s23], $0x1  }
0xa4: {  	[sflag:s23] =	ssyncset.done $0x0  }
0xa5: {  	s25 =	simm.s32 $0x1B8E;
	s24 =	sld [smem:$0x3FFE];
	[sflag:s23] =	ssyncadd.s32 $0xFFFFFFFF  }
0xa6: {  	s26 =	simm.s32 $execute0_lowered;
	[smem:$0x3FD2] =	sst s25  }
0xa7: {  	s6 =	sshll.u32 s26, $0x1;
	_ =	strace $0x80000046;
	[dreg:$0x1] =	wrdreg $0xFFFFFFFF  }
0xa8: {  	s28 =	simm.s32 $_size_execute0_lowered;
	s4 =	sadd.s32 s4, s6;
	[dreg:$0x0] =	wrdreg $0x0  }
0xa9: {  	s6 =	sshll.u32 s28, $0x1;
	[dreg:$0x2] =	wrdreg s4  }
0xaa: {  	[dreg:$0x3] =	wrdreg s6  }
0xab: {  	[dreg:$0x4] =	wrdreg $0xC0  }
0xac: {  	_ =	task [dreg:s8], $0x5FFFF  }
0xad: {  	[dreg:$0x1] =	wrdreg $0xFFFFFFFF  }
0xae: {  	[dreg:$0x0] =	wrdreg $0x60  }
0xaf: {  	[dreg:$0x2] =	wrdreg s2  }
0xb0: {  	[dreg:$0x3] =	wrdreg s24  }
0xb1: {  	[dreg:$0x4] =	wrdreg s18  }
0xb2: {  	[dreg:$0x5] =	wrdreg $0xB8000  }
0xb3: {  	[dreg:$0x6] =	wrdreg $0x1F0800  }
0xb4: {  	[dreg:$0x7] =	wrdreg $0x9  }
0xb5: {  	_ =	task.clear_ibuf [dreg:s8], $0x8FFFF;
	_ =	strace $0x90000046  }
0xb6: {  	s29 =	simm.s32 $0x9;
	_ =	strace $0x80000048  }
0xb7: {  	_ =	swait.ge [sflag:s29], $0x1  }
0xb8: {  	[sflag:s29] =	ssyncadd.s32 $0xFFFFFFFF  }
0xb9: {  	_ =	strace $0x90000048  }
0xba: {  	_ =	sfence  }
0xbb: {  	s30 =	sld [smem:$0x0];
	_ =	sdelay $0x2  }
0xbc: {  	s31 =	sshll.u32 s1, $0xD;
	s1 =	sshrl.u32 s1, $0x2  }
0xbd: {  	s3 =	sand.u32 $0x4000, s31;
	s1 =	sadd.s32 s1, s30  }
0xbe: {  	s0 =	sor.u32 s3, s0;
	s1 =	sshll.u32 s1, $0x11  }
0xbf: {  	s0 =	sor.u32 s1, s0  }
0xc0: {  	s0 =	sadd.s32 $0x8F2B, s0  }
0xc1: {  	[sflag:s0] =	ssyncadd.remote.s32 $0x1  }
0xc2: {  	_ =	sfence.sel $0xFFFF  }
0xc3: {  	[dreg:$0x0] =	wrdreg $0xFFFFFFFF;
	(pc) =	sbr.abs _section_cstart, $3  }
0xc4: {  	[dreg:$0x1] =	wrdreg $0xFFFFFFFF  }
0xc5: {  	_ =	task.clear_ibuf [dreg:s8], $0x2FFFF;
	_ =	strace $0x9FFFFFFF  }
0xc6: {  	(tm) =	ssettm $0x7FFFFFFF  }
0xc7: {  	_ =	shalt  }
tec
execute0_lowered:
.L_overlay_start_1:
0x0: {  	(tag) =	ssettag $0x1  }
0x1: {  	s0 =	rddreg [dreg:$0x0]  }
0x2: {  	s8 =	rddreg [dreg:$0x1]  }
0x3: {  	s13 =	rddreg [dreg:$0x2]  }
0x4: {  	s1 =	rddreg [dreg:$0x3];
	s2 =	srdreg.scid  }
0x5: {  	s3 =	stileid.u32;
	s4 =	rddreg [dreg:$0x4]  }
0x6: {  	s5 =	simm.s32 $0x0;
	s18 =	simm.s32 $0x2800;
	s19 =	simm.s32 $0x7D  }
0x7: {  	s20 =	simm.s32 $0x5000;
	s21 =	simm.s32 $0x9000;
	s24 =	simm.s32 $0x9080  }
0x8: {  	s11 =	sand.u32 $0x1, s2;
	s2 =	rddreg [dreg:$0x5];
	s7 =	smul.u32 $0x2780, s3  }
0x9: {  	s6 =	sshll.u32 s3, $0x1;
	[smem:$0x7FF] =	sst s5;
	s9 =	smul.u32 $0x4F000, s3  }
0xa: {  	s12 =	sadd.s32 $0x53600, s8;
	s16 =	smul.u32 $0x13C00, s3;
	s22 =	sadd.s32 $0x128400, s1  }
0xb: {  	p0 =	sne.s32 s3, $0xF;
	p2 =	seq.s32 s3, $0xF;
	p1 =	sne.s32 s3, $0x0  }
0xc: {  	s6 =	sor.u32 s11, s6;
	_ =	strace $0x80000047;
	s30 =	ssub.s32 $0x2, s11  }
0xd: {  	s15 =	smul.u32 $0x138800, s11;
	s17 =	sshll.u32 s11, $0x4;
	s23 =	sshll.u32 @!p2 s3, $0x6  }
0xe: {  	s6 =	smul.u32 $0x500, s6;
	s7 =	sadd.s32 s7, s8;
	s14 =	sshrl.u32 s30, $0x1  }
0xf: {  	s31 =	sshrl.u32 s9, $0x2;
	s13 =	sadd.s32 s13, s17;
	s17 =	simm.s32 $0x1  }
0x10: {  	s23 =	sor.u32 @!p2 $0x1C01, s23;
	s14 =	ssub.s32 s30, s14;
	s7 =	sadd.s32 $0x2C400, s7  }
0x11: {  	s16 =	sadd.s32 s16, s15;
	s15 =	sshrl.u32 s15, $0x3;
	s10 =	sadd.s32 s6, s8  }
0x12: {  	s6 =	sadd.s32 s31, s1;
	s8 =	sadd.s32 $0x51480, s8;
	s16 =	sshrl.u32 s16, $0x3  }
0x13: {  	s15 =	sadd.s32 s12, s15;
	s14 =	smax.u32 s14, $0x1;
	s9 =	sadd.s32 $0x18400, s10  }
0x14: {  	s10 =	sadd.s32 $0x22400, s10;
	s11 =	sadd.s32 s12, s16;
	s12 =	sadd.s32 $0x25080, s15  }
0x15: {  	v0 =	vimm.f32 $1.000000000e+00;
	v1 =	vimm.f32 $0.0e+00;
	s15 =	sshrl.u32 s22, $0x3;
	s16 =	simm.s32 $0x1FC1;
	s22 =	sshrl.u32 @p2 s22, $0x3  }
.LBB2_1:
.Ltmp0:
0x16: {  	(pc) =	sbr.rel @p0 .LBB2_3-.Ltmp0, $1  }
0x17: {  	_ =	sdelay $0x3  }
.Ltmp1:
0x18: {  	(pc) =	sbr.rel .LBB2_7-.Ltmp1, $4  }
0x19: {  	[spmem:s15], [sflag:s16] =	dma.local [hbm:s8], $0x2080  }
0x1a: {  	_ =	swait.ge [sflag:s17], $0x2080  }
0x1b: {  	[sflag:s17] =	ssyncset.done $0x0  }
0x1c: {  	p3 =	por $0x0, $0x0;
	[sflag:s17] =	ssyncadd.s32 $0xFFFFDF80  }
.LBB2_3:
0x1d: {  	s25 =	sshll.u32 s3, $0x6  }
.Ltmp2:
0x1e: {  	s26 =	sshrl.u32 s6, $0x3;
	s25 =	sor.u32 $0x1C01, s25;
	(pc) =	sbr.rel @p1 .LBB2_7-.Ltmp2, $4  }
0x1f: {  	[spmem:s26], [sflag:s25] =	dma.local [hbm:s7], $0x2780  }
0x20: {  	_ =	swait.ge [sflag:s17], $0x2780  }
0x21: {  	[sflag:s17] =	ssyncset.done $0x0  }
0x22: {  	p3 =	por $0x0, $0x0;
	[sflag:s17] =	ssyncadd.s32 $0xFFFFD880  }
0x23: {  	s25 =	simm.s32 $0x40;
	s26 =	simm.s32 $0x0  }
.LBB2_5:
0x24: {  	p3 =	sne.s32 s25, $0x9C00;
	[tilespmem:s26+$0x9080] =	vst v1;
	s26 =	smov.u32 s25;
	s25 =	sadd.s32 $0x40, s25  }
.Ltmp3:
0x25: {  	(pc) =	sbr.rel @p3 .LBB2_5-.Ltmp3, $2  }
0x26: {  	_ =	sdelay $0x2  }
0x27: {  	s26 =	sshra.s32 s26, $0x2  }
0x28: {  	[tilespmem:s26+$0x9080] =	vst v1  }
0x29: {  	[spmem:s4] =	stream.linear.scatter [tilespmem:s24], [sflag:$0x1], $0x2780, $0x38;
	[tilespmem:$0x1F2F8] =	vst v63  }
0x2a: {  	_ =	swait.ge [sflag:s17], $0x2780  }
0x2b: {  	[sflag:s17] =	ssyncset.done $0x0  }
0x2c: {  	p3 =	por $0x1, $0x1;
	[sflag:s17] =	ssyncadd.s32 $0xFFFFD880  }
.LBB2_7:
0x2d: {  	[tilespmem:$0x9000] =	vst v0  }
0x2e: {  	[tilespmem:$0x9010] =	vst v0  }
0x2f: {  	[tilespmem:$0x9020] =	vst v0  }
0x30: {  	[tilespmem:$0x9030] =	vst v0  }
0x31: {  	[tilespmem:$0x9040] =	vst v0  }
0x32: {  	[tilespmem:$0x9050] =	vst v0  }
0x33: {  	[tilespmem:$0x9060] =	vst v0  }
0x34: {  	[tilespmem:$0x9070] =	vst v0  }
0x35: {  	s25 =	simm.s32 $0x0;
	[bflag:$0x0] =	sbarrier.arrive $0xFFFF  }
0x36: {  	[tilespmem:s25], [sflag:$0x1] =	stream.linear.gather [hbm4b:s9+s25], $0x2800, $0x38;
	[tilespmem:$0x1F2F8] =	vst v63  }
0x37: {  	_ =	swait.ge [sflag:s17], $0x2800  }
0x38: {  	[sflag:s17] =	ssyncset.done $0x0  }
0x39: {  	[sflag:s17] =	ssyncadd.s32 $0xFFFFD800  }
0x3a: {  	[tilespmem:s18], [sflag:$0x1] =	stream.linear.gather [hbm4b:s10+s25], $0x2800, $0x38;
	[tilespmem:$0x1F2F8] =	vst v63  }
0x3b: {  	_ =	swait.ge [sflag:s17], $0x2800  }
0x3c: {  	[sflag:s17] =	ssyncset.done $0x0  }
0x3d: {  	s30 =	simm.s32 $0x0;
	[sflag:s17] =	ssyncadd.s32 $0xFFFFD800  }
0x3e: {  	[tilespmem:s20], [sflag:$0x1] =	stream.indirect.gather [hbm4b:s0+s19], $0x80, s30, s19, $0xb8;
	[tilespmem:$0x1F2F8] =	vst v63  }
0x3f: {  	_ =	swait.ge [sflag:s17], $0x3E80  }
0x40: {  	[sflag:s17] =	ssyncset.done $0x0  }
0x41: {  	s31 =	simm.s32 $0x2800;
	[sflag:s17] =	ssyncadd.s32 $0xFFFFC180  }
0x42: {  	[spmem:s1] =	stream.indirect.scatter.add.f32 [tilespmem:s20], [sflag:$0x1], $0x80, s31, s19, $0xb8;
	[tilespmem:$0x1F2F8] =	vst v63  }
0x43: {  	_ =	swait.ge [sflag:s17], $0x3E80  }
0x44: {  	[sflag:s17] =	ssyncset.done $0x0  }
0x45: {  	[sflag:s17] =	ssyncadd.s32 $0xFFFFC180  }
0x46: {  	[spmem:s4] =	stream.indirect.scatter.add.f32 [tilespmem:s21], [sflag:$0x1], $0x1, s31, s19, $0xb8;
	[tilespmem:$0x1F2F8] =	vst v63  }
0x47: {  	_ =	swait.ge [sflag:s17], $0x7D  }
0x48: {  	s26 =	simm.s32 $0x400;
	s25 =	simm.s32 $0x200;
	[sflag:s17] =	ssyncset.done $0x0  }
.LBB2_8:
0x49: {  	s28 =	sshra.s32 s25, $0x2  }
0x4a: {  	[sflag:s17] =	ssyncadd.s32 $0xFFFFFF83;
	s25 =	smov.u32 s26;
	s29 =	sadd.s32 $0x200, s26  }
0x4b: {  	[tilespmem:s20], [sflag:$0x1] =	stream.indirect.gather [hbm4b:s0+s19], $0x80, s28, s19, $0xb8;
	[tilespmem:$0x1F2F8] =	vst v63  }
0x4c: {  	p4 =	sne.s32 s26, $0x9E00;
	_ =	swait.ge [sflag:s17], $0x3E80  }
0x4d: {  	[sflag:s17] =	ssyncset.done $0x0  }
0x4e: {  	s26 =	sadd.s32 $0x2800, s28;
	[sflag:s17] =	ssyncadd.s32 $0xFFFFC180  }
0x4f: {  	[spmem:s1] =	stream.indirect.scatter.add.f32 [tilespmem:s20], [sflag:$0x1], $0x80, s26, s19, $0xb8;
	[tilespmem:$0x1F2F8] =	vst v63  }
0x50: {  	_ =	swait.ge [sflag:s17], $0x3E80  }
.Ltmp4:
0x51: {  	[sflag:s17] =	ssyncset.done $0x0;
	(pc) =	sbr.rel @p4 .LBB2_8-.Ltmp4, $4  }
0x52: {  	[sflag:s17] =	ssyncadd.s32 $0xFFFFC180  }
0x53: {  	[spmem:s4] =	stream.indirect.scatter.add.f32 [tilespmem:s21], [sflag:$0x1], $0x1, s26, s19, $0xb8;
	[tilespmem:$0x1F2F8] =	vst v63  }
0x54: {  	_ =	swait.ge [sflag:s17], $0x7D  }
0x55: {  	s26 =	smov.u32 s29;
	[sflag:s17] =	ssyncset.done $0x0  }
0x56: {  	s25 =	sshra.s32 s25, $0x2;
	[sflag:s17] =	ssyncadd.s32 $0xFFFFFF83  }
0x57: {  	[tilespmem:s20], [sflag:$0x1] =	stream.indirect.gather [hbm4b:s0+s19], $0x80, s25, s19, $0xb8;
	[tilespmem:$0x1F2F8] =	vst v63  }
0x58: {  	_ =	swait.ge [sflag:s17], $0x3E80  }
0x59: {  	[sflag:s17] =	ssyncset.done $0x0  }
0x5a: {  	s25 =	sadd.s32 $0x2800, s25;
	[sflag:s17] =	ssyncadd.s32 $0xFFFFC180  }
0x5b: {  	[spmem:s1] =	stream.indirect.scatter.add.f32 [tilespmem:s20], [sflag:$0x1], $0x80, s25, s19, $0xb8;
	[tilespmem:$0x1F2F8] =	vst v63  }
0x5c: {  	_ =	swait.ge [sflag:s17], $0x3E80  }
0x5d: {  	[sflag:s17] =	ssyncset.done $0x0  }
0x5e: {  	[sflag:s17] =	ssyncadd.s32 $0xFFFFC180  }
0x5f: {  	[spmem:s4] =	stream.indirect.scatter.add.f32 [tilespmem:s21], [sflag:$0x1], $0x1, s25, s19, $0xb8;
	[tilespmem:$0x1F2F8] =	vst v63  }
0x60: {  	_ =	swait.ge [sflag:s17], $0x7D  }
0x61: {  	[sflag:s17] =	ssyncset.done $0x0  }
0x62: {  	[sflag:s17] =	ssyncadd.s32 $0xFFFFFF83  }
0x63: {  	s25 =	simm.s32 @p2 $0x1FC1;
	[bflag:$0x0] =	sbarrier.arrive $0xFFFF  }
0x64: {  	[hbm:s12], [sflag:s25] =	dma.local @p2 [spmem:s22], $0x2080  }
0x65: {  	s25 =	simm.s32 @p2 $0x1  }
0x66: {  	_ =	swait.ge @p2 [sflag:s25], $0x2080  }
0x67: {  	[sflag:s25] =	ssyncset.done @p2 $0x0  }
0x68: {  	[sflag:s25] =	ssyncadd.s32 @p2 $0xFFFFDF80;
	s25 =	sshrl.u32 @!p2 s6, $0x3  }
0x69: {  	[hbm:s11], [sflag:s23] =	dma.local @!p2 [spmem:s25], $0x2780  }
0x6a: {  	s25 =	simm.s32 @!p2 $0x1  }
0x6b: {  	s26 =	sshll.u32 @p3 s3, $0x6;
	s28 =	simm.s32 @p3 $0x1;
	_ =	swait.ge @!p2 [sflag:s25], $0x2780  }
0x6c: {  	s29 =	simm.s32 @p3 $0x20;
	s5 =	sadd.s32 $0x1, s5;
	[sflag:s25] =	ssyncset.done @!p2 $0x0  }
0x6d: {  	s30 =	simm.s32 @p3 $0x10;
	p4 =	sne.s32 s5, s14;
	[sflag:s25] =	ssyncadd.s32 @!p2 $0xFFFFD880  }
.Ltmp5:
0x6e: {  	s25 =	sor.u32 @p3 $0x1C01, s26;
	s26 =	sshrl.u32 @p3 s4, $0x3;
	(pc) =	sbr.rel @p4 .LBB2_1-.Ltmp5, $4  }
0x6f: {  	[hbm:s13@s29], [sflag:s25] =	dma.strided @p3 [spmem:s26@s30], $0x4F0, s28, $0x10   }
0x70: {  	_ =	swait.ge @p3 [sflag:s28], $0x4F0  }
0x71: {  	[sflag:s28] =	ssyncset.done @p3 $0x0  }
0x72: {  	[sflag:s28] =	ssyncadd.s32 @p3 $0xFFFFFB10  }
0x73: {  	_ =	sfence.sel $0x180000  }
0x74: {  	[bflag:$0x0] =	sbarrier.arrive $0xFFFF  }
0x75: {  	_ =	strace $0x90000047  }
0x76: {  	s0 =	sadd.s32 @!p1 $0x100000, s2;
	[bflag:$0x2] =	sbarrier.arrive $0xFFFF  }
0x77: {  	[sflag:s0] =	ssyncadd.tile.s32 @!p1 $0x1;
	_ =	shalt  }
.Lfunc_end2:
_tile_overlayer_lowered:
.L_overlay_start_2:
0x78: {  	(tag) =	ssettag $0x2  }
0x79: {  	s0 =	rddreg [dreg:$0x0];
	s2 =	stileid.u32  }
0x7a: {  	s1 =	rddreg [dreg:$0x1];
	p0 =	sne.s32 s2, $0x0  }
0x7b: {  	s3 =	rddreg [dreg:$0x2];
	[bflag:$0x3] =	sbarrier.arrive $0xFFFF;
	s2 =	simm.s32 @!p0 $0x1C01  }
0x7c: {  	[timem:s3], [sflag:s2] =	dma.local @!p0 [hbm:s0], s1  }
0x7d: {  	s0 =	simm.s32 @!p0 $0x1  }
0x7e: {  	_ =	swait.ge @!p0 [sflag:s0], s1  }
0x7f: {  	s1 =	ssub.s32 @!p0 $0x0, s1;
	[sflag:s0] =	ssyncset.done @!p0 $0x0  }
0x80: {  	[sflag:s0] =	ssyncadd.s32 @!p0 s1  }
0x81: {  	[bflag:$0x3] =	sbarrier.arrive $0xFFFF  }
0x82: {  	_ =	shalt  }

</sc_bundles>
